<compile_context>
chip_gen: v7x
topology: tpu7x:2x2x1
jax: 0.10.2.dev20260603
libtpu: 0.0.44.dev20260713+nightly
codegen_flags: <defaults>
</compile_context>

<pallas_src>
import functools

import jax
import jax.numpy as jnp
from jax import lax
from jax.experimental import pallas as pl
from jax.experimental.pallas import tpu as pltpu
from jax.experimental.pallas import tpu_sc as plsc

_N = 10000
_E = 320000
_D = 128
_H = 128
_B = 64

_NP = 10240

_NC = 2
_NS = 16
_NW = _NC * _NS
_EW = _E // _NW
_CH = 80
_NCHUNK = _EW // _CH
_WC = 80
_NWC = _N // _WC
_NWK = -(-_NWC // _NS)

def _sc_agg_body(node_hbm, src_hbm, dst_hbm, out_hbm, sidx_v, didx_v, rows_v, zero_v, acc_sh, isem, gsem):
    cid = lax.axis_index("c")
    sid = lax.axis_index("s")

    def zrow(r, carry):
        for j in range(_D // 16):
            zero_v[r, pl.ds(j * 16, 16)] = jnp.zeros((16,), jnp.float32)
        return carry

    lax.fori_loop(0, _WC, zrow, 0)

    def zbody(k, carry):
        q = k * _NS + sid

        @pl.when(q < _NWC)
        def _zc():
            pltpu.sync_copy(zero_v, acc_sh.at[pl.ds(q * _WC, _WC)])

        return carry

    lax.fori_loop(0, _NWK, zbody, 0)
    plsc.subcore_barrier()

    wid = sid * _NC + cid
    ebase = wid * _EW

    def load_idx_async(j, slot):
        off = ebase + j * _CH
        pltpu.async_copy(src_hbm.at[pl.ds(off, _CH)], sidx_v.at[slot], isem.at[slot])
        pltpu.async_copy(dst_hbm.at[pl.ds(off, _CH)], didx_v.at[slot], isem.at[slot])

    def wait_idx(j, slot):
        off = ebase + j * _CH
        pltpu.make_async_copy(src_hbm.at[pl.ds(off, _CH)], sidx_v.at[slot], isem.at[slot]).wait()
        pltpu.make_async_copy(dst_hbm.at[pl.ds(off, _CH)], didx_v.at[slot], isem.at[slot]).wait()

    def fire_gather(slot):
        pltpu.async_copy(node_hbm.at[sidx_v.at[slot]], rows_v.at[slot], gsem.at[slot])

    def drain_gather(slot):
        pltpu.make_async_copy(node_hbm.at[sidx_v.at[slot]], rows_v.at[slot], gsem.at[slot]).wait()

    load_idx_async(0, 0)
    wait_idx(0, 0)
    fire_gather(0)
    load_idx_async(1, 1)

    def ebody(j, carry):
        def iteration(p, pn):
            drain_gather(p)

            @pl.when(j + 1 < _NCHUNK)
            def _next_gather():
                wait_idx(j + 1, pn)
                fire_gather(pn)

            pltpu.sync_copy(rows_v.at[p], acc_sh.at[didx_v.at[p]], add=True)

            @pl.when(j + 2 < _NCHUNK)
            def _prefetch_idx():
                load_idx_async(j + 2, p)

        @pl.when(lax.rem(j, 2) == 0)
        def _even():
            iteration(0, 1)

        @pl.when(lax.rem(j, 2) == 1)
        def _odd():
            iteration(1, 0)

        return carry

    lax.fori_loop(0, _NCHUNK, ebody, 0)
    plsc.subcore_barrier()

    def obody(k, carry):
        q = k * _NS + sid

        @pl.when(q < _NWC)
        def _oc():
            pltpu.sync_copy(
                acc_sh.at[pl.ds(q * _WC, _WC)],
                out_hbm.at[cid].at[pl.ds(q * _WC, _WC)],
            )

        return carry

    lax.fori_loop(0, _NWK, obody, 0)


def _sc_agg(node, src, dst):
    mesh = plsc.VectorSubcoreMesh(
        core_axis_name="c", subcore_axis_name="s",
        num_cores=_NC, num_subcores=_NS,
    )
    run = pl.kernel(
        _sc_agg_body,
        out_type=jax.ShapeDtypeStruct((_NC, _N, _D), jnp.float32),
        mesh=mesh,
        scratch_types=[
            pltpu.VMEM((2, _CH), jnp.int32),
            pltpu.VMEM((2, _CH), jnp.int32),
            pltpu.VMEM((2, _CH, _D), jnp.float32),
            pltpu.VMEM((_WC, _D), jnp.float32),
            pltpu.VMEM_SHARED((_N, _D), jnp.float32),
            pltpu.SemaphoreType.DMA((2,)),
            pltpu.SemaphoreType.DMA((2,)),
        ],
    )
    return run(node, src, dst)


_RT = 400
_NT = _N // _RT


def _gnn_body(node_r, p0_r, p1_r, w1_r, w2_r, b_r, x_r):
    agg = p0_r[...] + p1_r[...]
    acc = jnp.dot(node_r[...], w1_r[...], preferred_element_type=jnp.float32)
    acc = acc + jnp.dot(agg, w2_r[...], preferred_element_type=jnp.float32)
    x_r[...] = jnp.maximum(acc + b_r[...], 0.0)


def _gnn(node, p0, p1, w1, w2, b2d):
    return pl.pallas_call(
        _gnn_body,
        grid=(_NT,),
        in_specs=[
            pl.BlockSpec((_RT, _D), lambda i: (i, 0)),
            pl.BlockSpec((_RT, _D), lambda i: (i, 0)),
            pl.BlockSpec((_RT, _D), lambda i: (i, 0)),
            pl.BlockSpec((_D, _D), lambda i: (0, 0)),
            pl.BlockSpec((_D, _D), lambda i: (0, 0)),
            pl.BlockSpec((1, _D), lambda i: (0, 0)),
        ],
        out_specs=pl.BlockSpec((_RT, _D), lambda i: (i, 0)),
        out_shape=jax.ShapeDtypeStruct((_N, _D), jnp.float32),
    )(node, p0, p1, w1, w2, b2d)


def _lstm_attn_body(
    starts_s, counts_s, tmax_s,
    x_r, wi_r, wh_r, bl_r, wa_r, va_r,
    out_r, aw_r,
    h_r, c_r, xt_r, nl_r, sc_r,
):
    h_r[...] = jnp.zeros((_B, _H), jnp.float32)
    c_r[...] = jnp.zeros((_B, _H), jnp.float32)

    def step(t, carry):
        for b in range(_B):
            idx = jnp.minimum(starts_s[b] + t, _N - 1)
            xt_r[pl.ds(b, 1), :] = x_r[pl.ds(idx, 1), :]
        gates = (
            jnp.dot(xt_r[...], wi_r[...], preferred_element_type=jnp.float32)
            + jnp.dot(h_r[...], wh_r[...], preferred_element_type=jnp.float32)
            + bl_r[...]
        )
        i_g = jax.nn.sigmoid(gates[:, 0:_H])
        f_g = jax.nn.sigmoid(gates[:, _H:2 * _H])
        g_g = jnp.tanh(gates[:, 2 * _H:3 * _H])
        o_g = jax.nn.sigmoid(gates[:, 3 * _H:4 * _H])
        c_new = f_g * c_r[...] + i_g * g_g
        h_new = o_g * jnp.tanh(c_new)
        h_r[...] = h_new
        c_r[...] = c_new
        for b in range(_B):
            dst_row = jnp.where(t < counts_s[b], starts_s[b] + t, _NP - 1)
            nl_r[pl.ds(dst_row, 1), :] = h_new[b:b + 1, :]
        return carry

    lax.fori_loop(0, tmax_s[0], step, 0)

    def score_tile(j, carry):
        rows = pl.ds(j * _RT, _RT)
        tt = jnp.tanh(jnp.dot(nl_r[rows, :], wa_r[...], preferred_element_type=jnp.float32))
        sc_r[rows, :] = jnp.sum(tt * va_r[...], axis=1, keepdims=True)
        return carry

    lax.fori_loop(0, _NT, score_tile, 0)

    iota = lax.broadcasted_iota(jnp.int32, (128, 1), 0)
    neg_inf11 = jnp.full((1, 1), -jnp.inf, jnp.float32)
    neg_inf1h = jnp.full((1, _H), -jnp.inf, jnp.float32)

    def graph_body(b, carry):
        s0 = starts_s[b]
        cnt = counts_s[b]

        @pl.when(cnt > 0)
        def _nonempty():
            ktiles = (cnt + 127) // 128

            def max_tile(k, m):
                tile = sc_r[pl.ds(s0 + k * 128, 128), :]
                msk = iota < (cnt - k * 128)
                return jnp.maximum(m, jnp.max(jnp.where(msk, tile, -jnp.inf), axis=0, keepdims=True))

            m = lax.fori_loop(0, ktiles, max_tile, neg_inf11)

            def sum_tile(k, acc):
                tile = sc_r[pl.ds(s0 + k * 128, 128), :]
                msk = iota < (cnt - k * 128)
                return acc + jnp.sum(jnp.where(msk, jnp.exp(tile - m), 0.0), axis=0, keepdims=True)

            den = lax.fori_loop(0, ktiles, sum_tile, jnp.zeros((1, 1), jnp.float32))
            inv = 1.0 / den

            def pool_tile(k, acc):
                rows = pl.ds(s0 + k * 128, 128)
                w = jnp.exp(sc_r[rows, :] - m) * inv
                aw_r[rows, :] = w
                na = nl_r[rows, :] * w
                msk = iota < (cnt - k * 128)
                na = jnp.where(msk, na, -jnp.inf)
                return jnp.maximum(acc, jnp.max(na, axis=0, keepdims=True))

            pooled = lax.fori_loop(0, ktiles, pool_tile, neg_inf1h)
            out_r[pl.ds(b, 1), :] = pooled

        @pl.when(cnt == 0)
        def _empty():
            out_r[pl.ds(b, 1), :] = jnp.zeros((1, _H), jnp.float32)

        return carry

    lax.fori_loop(0, _B, graph_body, 0)


def _lstm_attn(starts, counts, tmax, x, wi, wh, bl2d, wa, va2d):
    return pl.pallas_call(
        _lstm_attn_body,
        in_specs=[
            pl.BlockSpec(memory_space=pltpu.SMEM),
            pl.BlockSpec(memory_space=pltpu.SMEM),
            pl.BlockSpec(memory_space=pltpu.SMEM),
            pl.BlockSpec(memory_space=pltpu.VMEM),
            pl.BlockSpec(memory_space=pltpu.VMEM),
            pl.BlockSpec(memory_space=pltpu.VMEM),
            pl.BlockSpec(memory_space=pltpu.VMEM),
            pl.BlockSpec(memory_space=pltpu.VMEM),
            pl.BlockSpec(memory_space=pltpu.VMEM),
        ],
        out_specs=[
            pl.BlockSpec(memory_space=pltpu.VMEM),
            pl.BlockSpec(memory_space=pltpu.VMEM),
        ],
        out_shape=[
            jax.ShapeDtypeStruct((_B, _H), jnp.float32),
            jax.ShapeDtypeStruct((_NP, 1), jnp.float32),
        ],
        scratch_shapes=[
            pltpu.VMEM((_B, _H), jnp.float32),
            pltpu.VMEM((_B, _H), jnp.float32),
            pltpu.VMEM((_B, _D), jnp.float32),
            pltpu.VMEM((_NP, _H), jnp.float32),
            pltpu.VMEM((_NP, 1), jnp.float32),
        ],
    )(starts, counts, tmax, x, wi, wh, bl2d, wa, va2d)


def kernel(node, edge_index, batch, W1, W2, b_gnn, Wi, Wh, b_lstm, Wa, va):
    src = edge_index[0]
    dst = edge_index[1]

    ids = jnp.arange(_B, dtype=batch.dtype)
    starts = jnp.searchsorted(batch, ids, side="left").astype(jnp.int32)
    ends = jnp.searchsorted(batch, ids, side="right").astype(jnp.int32)
    counts = ends - starts
    tmax = jnp.max(counts).reshape(1)

    parts = _sc_agg(node, src, dst)
    x = _gnn(node, parts[0], parts[1], W1, W2, b_gnn.reshape(1, _D))
    out, aw = _lstm_attn(
        starts, counts, tmax, x,
        Wi, Wh, b_lstm.reshape(1, 4 * _H),
        Wa, va.reshape(1, _H),
    )
    return out, aw[:_N, 0]

# --- scband reference (transcript-rebuilt; emitter-appended) ---
"""Pipeline reference for scband-sub-forward-14482629722561 (READ-ONLY COPY).

The authoritative reference and input builder live on the scoring server;
editing this copy changes nothing except your own understanding.
"""

import jax, jax.numpy as jnp
import numpy as np

N = 10000
E = 320000
D = 128
H = 128
B = 64


def setup_inputs(seed: int = 0) -> dict:
    key = jax.random.key(seed)
    ks = jax.random.split(key, 12)
    node = jax.random.normal(ks[0], (N, D), dtype=jnp.float32)
    edge_index = jax.random.randint(ks[1], (2, E), 0, N, dtype=jnp.int32)
    batch = jnp.sort(jax.random.randint(ks[2], (N,), 0, B, dtype=jnp.int32))
    s = 1.0 / np.sqrt(D)
    W1 = jax.random.normal(ks[3], (D, D), dtype=jnp.float32) * s
    W2 = jax.random.normal(ks[4], (D, D), dtype=jnp.float32) * s
    b_gnn = jnp.zeros((D,), dtype=jnp.float32)
    Wi = jax.random.normal(ks[5], (D, 4 * H), dtype=jnp.float32) * s
    Wh = jax.random.normal(ks[6], (H, 4 * H), dtype=jnp.float32) * (1.0 / np.sqrt(H))
    b_lstm = jnp.zeros((4 * H,), dtype=jnp.float32)
    Wa = jax.random.normal(ks[7], (H, H), dtype=jnp.float32) * (1.0 / np.sqrt(H))
    va = jax.random.normal(ks[8], (H,), dtype=jnp.float32) * (1.0 / np.sqrt(H))
    return {"node": node, "edge_index": edge_index, "batch": batch,
            "W1": W1, "W2": W2, "b_gnn": b_gnn,
            "Wi": Wi, "Wh": Wh, "b_lstm": b_lstm,
            "Wa": Wa, "va": va}


def reference(node, edge_index, batch, W1, W2, b_gnn, Wi, Wh, b_lstm, Wa, va):
    # --- GNN layer (GraphConv: W1*x + W2*sum_{j in N(i)} x_j + b) ---
    src = edge_index[0]
    dst = edge_index[1]
    msgs = jnp.take(node, src, axis=0)                       # gather  [E, D]
    agg = jax.ops.segment_sum(msgs, dst, num_segments=N)     # scatter-add [N, D]
    x = jax.nn.relu(node @ W1 + agg @ W2 + b_gnn)

    # --- pack nodes per-graph into padded sequences (pack_padded_sequence analog) ---
    counts = jnp.bincount(batch, length=B)
    starts = jnp.concatenate([jnp.zeros((1,), counts.dtype), jnp.cumsum(counts)[:-1]])
    pos = jnp.arange(N, dtype=counts.dtype) - starts[batch]
    Lmax = node.shape[0]
    padded = jnp.zeros((B, Lmax, D), x.dtype).at[batch, pos].set(x)
    mask = (jnp.arange(Lmax)[:, None] < counts[None, :])[..., None]  # [Lmax, B, 1]
    xs = jnp.transpose(padded, (1, 0, 2))                             # [Lmax, B, D]

    # --- single-layer LSTM over each graph's node sequence ---
    def step(carry, inp):
        h, c = carry
        xt, mt = inp
        gates = xt @ Wi + h @ Wh + b_lstm
        i, f, g, o = jnp.split(gates, 4, axis=-1)
        i = jax.nn.sigmoid(i)
        f = jax.nn.sigmoid(f)
        g = jnp.tanh(g)
        o = jax.nn.sigmoid(o)
        c_new = f * c + i * g
        h_new = o * jnp.tanh(c_new)
        h = jnp.where(mt, h_new, h)
        c = jnp.where(mt, c_new, c)
        return (h, c), h

    init = (jnp.zeros((B, H), x.dtype), jnp.zeros((B, H), x.dtype))
    (_, _), hs = jax.lax.scan(step, init, (xs, mask))         # hs [Lmax, B, H]
    node_l = hs[pos, batch]                                   # back to flat [N, H]

    # --- per-graph soft self-attention ---
    scores = jnp.tanh(node_l @ Wa) @ va                       # [N]
    m = jax.ops.segment_max(scores, batch, num_segments=B)
    m = jnp.where(jnp.isfinite(m), m, 0.0)
    ex = jnp.exp(scores - m[batch])
    denom = jax.ops.segment_sum(ex, batch, num_segments=B)
    attn_w = ex / denom[batch]
    node_a = node_l * attn_w[:, None]

    # --- global max pool over each graph ---
    out = jax.ops.segment_max(node_a, batch, num_segments=B)
    out = jnp.where(jnp.isfinite(out), out, 0.0)
    return (out, attn_w)

if __name__ == "__main__":
    import jax
    _d = setup_inputs()
    print(jax.jit(kernel)(*tuple(_d.values())))

</pallas_src>

<mosaic_0001>
#map = affine_map<(d0, d1) -> (0, 0)>
#map1 = affine_map<(d0, d1) -> (0)>
#map2 = affine_map<(d0, d1) -> (0, 0, 0)>
module attributes {stable_mosaic.version = 14 : i64} {
  func.func @_sc_agg_body(%arg0: i32, %arg1: i32, %arg2: memref<10000x128xf32, #tpu.memory_space<hbm>>, %arg3: memref<320000xi32, #tpu.memory_space<hbm>>, %arg4: memref<320000xi32, #tpu.memory_space<hbm>>, %arg5: memref<2x10000x128xf32, #tpu.memory_space<hbm>>, %arg6: memref<2x80xi32, #tpu.memory_space<vmem>>, %arg7: memref<2x80xi32, #tpu.memory_space<vmem>>, %arg8: memref<2x80x128xf32, #tpu.memory_space<vmem>>, %arg9: memref<80x128xf32, #tpu.memory_space<vmem>>, %arg10: memref<10000x128xf32, #tpu.memory_space<vmem_shared>>, %arg11: memref<2x!tpu.dma_semaphore, #tpu.memory_space<semaphore_mem>>, %arg12: memref<2x!tpu.dma_semaphore, #tpu.memory_space<semaphore_mem>>) attributes {dimension_semantics = [#tpu.dimension_semantics<core_parallel>, #tpu.dimension_semantics<subcore_parallel>], iteration_bounds = array<i64: 2, 16>, scalar_prefetch = 0 : i64, scratch_operands = 7 : i64, tpu.core_type = #tpu.core_type<sc_vector_subcore>, window_params = [{transform_indices = #map}, {transform_indices = #map1}, {transform_indices = #map1}, {transform_indices = #map2}]} {
    %scan3A = arith.constant 0 : i32
    %scan3A_0 = arith.constant 0 : i32
    %scan3A_1 = arith.constant 80 : i32
    %scan3A_2 = arith.addi %scan3A_0, %scan3A_1 : i32
    %scan3A_3 = arith.constant 1 : i32
    scf.for %scan3A_118 = %scan3A_0 to %scan3A_2 step %scan3A_3  : i32 {
      %broadcast_in_dim3A = arith.constant 0.000000e+00 : f32
      %broadcast_in_dim3A_119 = vector.broadcast %broadcast_in_dim3A : f32 to vector<16xf32>
      %swap3A = arith.index_cast %scan3A_118 : i32 to index
      %swap3A_120 = arith.constant 0 : index
      %swap3A_121 = tpu.vector_load %arg9[%swap3A, %swap3A_120] {strides = array<i32>} : memref<80x128xf32, #tpu.memory_space<vmem>>, vector<1x16xf32>,
      %swap3A_122 = vector.shape_cast %swap3A_121 : vector<1x16xf32> to vector<16xf32>
      %swap3A_123 = vector.shape_cast %broadcast_in_dim3A_119 : vector<16xf32> to vector<1x16xf32>
      tpu.vector_store %arg9[%swap3A, %swap3A_120], %swap3A_123 {strides = array<i32>} : memref<80x128xf32, #tpu.memory_space<vmem>>, vector<1x16xf32>,
      %broadcast_in_dim3A_124 = arith.constant 0.000000e+00 : f32
      %broadcast_in_dim3A_125 = vector.broadcast %broadcast_in_dim3A_124 : f32 to vector<16xf32>
      %swap3A_126 = arith.index_cast %scan3A_118 : i32 to index
      %swap3A_127 = arith.constant 16 : index
      %swap3A_128 = tpu.vector_load %arg9[%swap3A_126, %swap3A_127] {strides = array<i32>} : memref<80x128xf32, #tpu.memory_space<vmem>>, vector<1x16xf32>,
      %swap3A_129 = vector.shape_cast %swap3A_128 : vector<1x16xf32> to vector<16xf32>
      %swap3A_130 = vector.shape_cast %broadcast_in_dim3A_125 : vector<16xf32> to vector<1x16xf32>
      tpu.vector_store %arg9[%swap3A_126, %swap3A_127], %swap3A_130 {strides = array<i32>} : memref<80x128xf32, #tpu.memory_space<vmem>>, vector<1x16xf32>,
      %broadcast_in_dim3A_131 = arith.constant 0.000000e+00 : f32
      %broadcast_in_dim3A_132 = vector.broadcast %broadcast_in_dim3A_131 : f32 to vector<16xf32>
      %swap3A_133 = arith.index_cast %scan3A_118 : i32 to index
      %swap3A_134 = arith.constant 32 : index
      %swap3A_135 = tpu.vector_load %arg9[%swap3A_133, %swap3A_134] {strides = array<i32>} : memref<80x128xf32, #tpu.memory_space<vmem>>, vector<1x16xf32>,
      %swap3A_136 = vector.shape_cast %swap3A_135 : vector<1x16xf32> to vector<16xf32>
      %swap3A_137 = vector.shape_cast %broadcast_in_dim3A_132 : vector<16xf32> to vector<1x16xf32>
      tpu.vector_store %arg9[%swap3A_133, %swap3A_134], %swap3A_137 {strides = array<i32>} : memref<80x128xf32, #tpu.memory_space<vmem>>, vector<1x16xf32>,
      %broadcast_in_dim3A_138 = arith.constant 0.000000e+00 : f32
      %broadcast_in_dim3A_139 = vector.broadcast %broadcast_in_dim3A_138 : f32 to vector<16xf32>
      %swap3A_140 = arith.index_cast %scan3A_118 : i32 to index
      %swap3A_141 = arith.constant 48 : index
      %swap3A_142 = tpu.vector_load %arg9[%swap3A_140, %swap3A_141] {strides = array<i32>} : memref<80x128xf32, #tpu.memory_space<vmem>>, vector<1x16xf32>,
      %swap3A_143 = vector.shape_cast %swap3A_142 : vector<1x16xf32> to vector<16xf32>
      %swap3A_144 = vector.shape_cast %broadcast_in_dim3A_139 : vector<16xf32> to vector<1x16xf32>
      tpu.vector_store %arg9[%swap3A_140, %swap3A_141], %swap3A_144 {strides = array<i32>} : memref<80x128xf32, #tpu.memory_space<vmem>>, vector<1x16xf32>,
      %broadcast_in_dim3A_145 = arith.constant 0.000000e+00 : f32
      %broadcast_in_dim3A_146 = vector.broadcast %broadcast_in_dim3A_145 : f32 to vector<16xf32>
      %swap3A_147 = arith.index_cast %scan3A_118 : i32 to index
      %swap3A_148 = arith.constant 64 : index
      %swap3A_149 = tpu.vector_load %arg9[%swap3A_147, %swap3A_148] {strides = array<i32>} : memref<80x128xf32, #tpu.memory_space<vmem>>, vector<1x16xf32>,
      %swap3A_150 = vector.shape_cast %swap3A_149 : vector<1x16xf32> to vector<16xf32>
      %swap3A_151 = vector.shape_cast %broadcast_in_dim3A_146 : vector<16xf32> to vector<1x16xf32>
      tpu.vector_store %arg9[%swap3A_147, %swap3A_148], %swap3A_151 {strides = array<i32>} : memref<80x128xf32, #tpu.memory_space<vmem>>, vector<1x16xf32>,
      %broadcast_in_dim3A_152 = arith.constant 0.000000e+00 : f32
      %broadcast_in_dim3A_153 = vector.broadcast %broadcast_in_dim3A_152 : f32 to vector<16xf32>
      %swap3A_154 = arith.index_cast %scan3A_118 : i32 to index
      %swap3A_155 = arith.constant 80 : index
      %swap3A_156 = tpu.vector_load %arg9[%swap3A_154, %swap3A_155] {strides = array<i32>} : memref<80x128xf32, #tpu.memory_space<vmem>>, vector<1x16xf32>,
      %swap3A_157 = vector.shape_cast %swap3A_156 : vector<1x16xf32> to vector<16xf32>
      %swap3A_158 = vector.shape_cast %broadcast_in_dim3A_153 : vector<16xf32> to vector<1x16xf32>
      tpu.vector_store %arg9[%swap3A_154, %swap3A_155], %swap3A_158 {strides = array<i32>} : memref<80x128xf32, #tpu.memory_space<vmem>>, vector<1x16xf32>,
      %broadcast_in_dim3A_159 = arith.constant 0.000000e+00 : f32
      %broadcast_in_dim3A_160 = vector.broadcast %broadcast_in_dim3A_159 : f32 to vector<16xf32>
      %swap3A_161 = arith.index_cast %scan3A_118 : i32 to index
      %swap3A_162 = arith.constant 96 : index
      %swap3A_163 = tpu.vector_load %arg9[%swap3A_161, %swap3A_162] {strides = array<i32>} : memref<80x128xf32, #tpu.memory_space<vmem>>, vector<1x16xf32>,
      %swap3A_164 = vector.shape_cast %swap3A_163 : vector<1x16xf32> to vector<16xf32>
      %swap3A_165 = vector.shape_cast %broadcast_in_dim3A_160 : vector<16xf32> to vector<1x16xf32>
      tpu.vector_store %arg9[%swap3A_161, %swap3A_162], %swap3A_165 {strides = array<i32>} : memref<80x128xf32, #tpu.memory_space<vmem>>, vector<1x16xf32>,
      %broadcast_in_dim3A_166 = arith.constant 0.000000e+00 : f32
      %broadcast_in_dim3A_167 = vector.broadcast %broadcast_in_dim3A_166 : f32 to vector<16xf32>
      %swap3A_168 = arith.index_cast %scan3A_118 : i32 to index
      %swap3A_169 = arith.constant 112 : index
      %swap3A_170 = tpu.vector_load %arg9[%swap3A_168, %swap3A_169] {strides = array<i32>} : memref<80x128xf32, #tpu.memory_space<vmem>>, vector<1x16xf32>,
      %swap3A_171 = vector.shape_cast %swap3A_170 : vector<1x16xf32> to vector<16xf32>
      %swap3A_172 = vector.shape_cast %broadcast_in_dim3A_167 : vector<16xf32> to vector<1x16xf32>
      tpu.vector_store %arg9[%swap3A_168, %swap3A_169], %swap3A_172 {strides = array<i32>} : memref<80x128xf32, #tpu.memory_space<vmem>>, vector<1x16xf32>,
    }
    %scan3A_4 = arith.constant 80 : i32
    %scan3A_5 = arith.constant 0 : i32
    %scan3A_6 = arith.constant 0 : i32
    %scan3A_7 = arith.constant 8 : i32
    %scan3A_8 = arith.addi %scan3A_6, %scan3A_7 : i32
    %scan3A_9 = arith.constant 1 : i32
    scf.for %scan3A_118 = %scan3A_6 to %scan3A_8 step %scan3A_9  : i32 {
      %mul3A_119 = arith.constant 16 : i32
      %mul3A_120 = arith.muli %scan3A_118, %mul3A_119 : i32
      %add3A_121 = arith.addi %mul3A_120, %arg1 : i32
      %lt3A = arith.constant 125 : i32
      %lt3A_122 = arith.cmpi slt, %add3A_121, %lt3A : i32
      %convert_element_type3A = arith.extui %lt3A_122 : i1 to i32
      %cond3A = arith.constant 0 : i32
      %cond3A_123 = arith.cmpi ne, %convert_element_type3A, %cond3A : i32
      scf.if %cond3A_123 {
        %mul3A_124 = arith.constant 80 : i32
        %mul3A_125 = arith.muli %add3A_121, %mul3A_124 : i32
        "tpu.region"() ({
          %run_scoped3A = tpu.sem_alloc : memref<!tpu.dma_semaphore, #tpu.memory_space<semaphore_mem>>
          %dma_start3A_126 = arith.constant 0 : i32
          %dma_start3A_127 = tpu.memref_slice %arg10[%mul3A_125, %dma_start3A_126] : memref<10000x128xf32, #tpu.memory_space<vmem_shared>> -> memref<80x128xf32, #tpu.memory_space<vmem_shared>>
          %dma_start3A_128 = arith.constant 0 : i32
          %dma_start3A_129 = tpu.memref_slice %arg10[%mul3A_125, %dma_start3A_128] : memref<10000x128xf32, #tpu.memory_space<vmem_shared>> -> memref<80x128xf32, #tpu.memory_space<vmem_shared>>
          tpu.enqueue_dma source(%arg9 : memref<80x128xf32, #tpu.memory_space<vmem>>) target(%dma_start3A_129 : memref<80x128xf32, #tpu.memory_space<vmem_shared>>) target_semaphore(%run_scoped3A : memref<!tpu.dma_semaphore, #tpu.memory_space<semaphore_mem>>)
          %dma_wait3A_130 = arith.constant 0 : i32
          %dma_wait3A_131 = tpu.memref_slice %arg10[%mul3A_125, %dma_wait3A_130] : memref<10000x128xf32, #tpu.memory_space<vmem_shared>> -> memref<80x128xf32, #tpu.memory_space<vmem_shared>>
          %dma_wait3A_132 = arith.constant 0 : i32
          %dma_wait3A_133 = tpu.memref_slice %arg10[%mul3A_125, %dma_wait3A_132] : memref<10000x128xf32, #tpu.memory_space<vmem_shared>> -> memref<80x128xf32, #tpu.memory_space<vmem_shared>>
          tpu.wait_dma2 semaphore(%run_scoped3A : memref<!tpu.dma_semaphore, #tpu.memory_space<semaphore_mem>>) src(%arg9 : memref<80x128xf32, #tpu.memory_space<vmem>>) dst(%dma_wait3A_133 : memref<80x128xf32, #tpu.memory_space<vmem_shared>>)
          tpu.yield
        }) : () -> ()
      } else {
      }
    }
    %scan3A_10 = arith.constant 8 : i32
    %barrier3A = arith.constant 0 : index
    tpu.barrier barrier_id(%barrier3A)
    %mul3A = arith.constant 2 : i32
    %mul3A_11 = arith.muli %arg1, %mul3A : i32
    %add3A = arith.addi %mul3A_11, %arg0 : i32
    %mul3A_12 = arith.constant 10000 : i32
    %mul3A_13 = arith.muli %add3A, %mul3A_12 : i32
    %add3A_14 = arith.constant 0 : i32
    %add3A_15 = arith.addi %mul3A_13, %add3A_14 : i32
    %dma_start3A = arith.constant 0 : i32
    %dma_start3A_16 = arith.constant 0 : i32
    %dma_start3A_17 = arith.constant 0 : i32
    %dma_start3A_18 = tpu.memref_slice %arg6[%dma_start3A, %dma_start3A_17] : memref<2x80xi32, #tpu.memory_space<vmem>> -> memref<1x80xi32, #tpu.memory_space<vmem>>
    %dma_start3A_19 = tpu.memref_squeeze %dma_start3A_18 : memref<1x80xi32, #tpu.memory_space<vmem>> -> memref<80xi32, #tpu.memory_space<vmem>>
    %dma_start3A_20 = tpu.memref_slice %arg3[%add3A_15] : memref<320000xi32, #tpu.memory_space<hbm>> -> memref<80xi32, #tpu.memory_space<hbm>>
    %dma_start3A_21 = tpu.memref_slice %arg11[%dma_start3A_16] : memref<2x!tpu.dma_semaphore, #tpu.memory_space<semaphore_mem>> -> memref<1x!tpu.dma_semaphore, #tpu.memory_space<semaphore_mem>>
    %dma_start3A_22 = tpu.memref_squeeze %dma_start3A_21 : memref<1x!tpu.dma_semaphore, #tpu.memory_space<semaphore_mem>> -> memref<!tpu.dma_semaphore, #tpu.memory_space<semaphore_mem>>
    %dma_start3A_23 = arith.constant 0 : i32
    %dma_start3A_24 = tpu.memref_slice %arg6[%dma_start3A, %dma_start3A_23] : memref<2x80xi32, #tpu.memory_space<vmem>> -> memref<1x80xi32, #tpu.memory_space<vmem>>
    %dma_start3A_25 = tpu.memref_squeeze %dma_start3A_24 : memref<1x80xi32, #tpu.memory_space<vmem>> -> memref<80xi32, #tpu.memory_space<vmem>>
    %dma_start3A_26 = tpu.memref_slice %arg3[%add3A_15] : memref<320000xi32, #tpu.memory_space<hbm>> -> memref<80xi32, #tpu.memory_space<hbm>>
    tpu.enqueue_dma source(%dma_start3A_26 : memref<80xi32, #tpu.memory_space<hbm>>) target(%dma_start3A_25 : memref<80xi32, #tpu.memory_space<vmem>>) target_semaphore(%dma_start3A_22 : memref<!tpu.dma_semaphore, #tpu.memory_space<semaphore_mem>>)
    %dma_start3A_27 = arith.constant 0 : i32
    %dma_start3A_28 = arith.constant 0 : i32
    %dma_start3A_29 = arith.constant 0 : i32
    %dma_start3A_30 = tpu.memref_slice %arg7[%dma_start3A_27, %dma_start3A_29] : memref<2x80xi32, #tpu.memory_space<vmem>> -> memref<1x80xi32, #tpu.memory_space<vmem>>
    %dma_start3A_31 = tpu.memref_squeeze %dma_start3A_30 : memref<1x80xi32, #tpu.memory_space<vmem>> -> memref<80xi32, #tpu.memory_space<vmem>>
    %dma_start3A_32 = tpu.memref_slice %arg4[%add3A_15] : memref<320000xi32, #tpu.memory_space<hbm>> -> memref<80xi32, #tpu.memory_space<hbm>>
    %dma_start3A_33 = tpu.memref_slice %arg11[%dma_start3A_28] : memref<2x!tpu.dma_semaphore, #tpu.memory_space<semaphore_mem>> -> memref<1x!tpu.dma_semaphore, #tpu.memory_space<semaphore_mem>>
    %dma_start3A_34 = tpu.memref_squeeze %dma_start3A_33 : memref<1x!tpu.dma_semaphore, #tpu.memory_space<semaphore_mem>> -> memref<!tpu.dma_semaphore, #tpu.memory_space<semaphore_mem>>
    %dma_start3A_35 = arith.constant 0 : i32
    %dma_start3A_36 = tpu.memref_slice %arg7[%dma_start3A_27, %dma_start3A_35] : memref<2x80xi32, #tpu.memory_space<vmem>> -> memref<1x80xi32, #tpu.memory_space<vmem>>
    %dma_start3A_37 = tpu.memref_squeeze %dma_start3A_36 : memref<1x80xi32, #tpu.memory_space<vmem>> -> memref<80xi32, #tpu.memory_space<vmem>>
    %dma_start3A_38 = tpu.memref_slice %arg4[%add3A_15] : memref<320000xi32, #tpu.memory_space<hbm>> -> memref<80xi32, #tpu.memory_space<hbm>>
    tpu.enqueue_dma source(%dma_start3A_38 : memref<80xi32, #tpu.memory_space<hbm>>) target(%dma_start3A_37 : memref<80xi32, #tpu.memory_space<vmem>>) target_semaphore(%dma_start3A_34 : memref<!tpu.dma_semaphore, #tpu.memory_space<semaphore_mem>>)
    %add3A_39 = arith.constant 0 : i32
    %add3A_40 = arith.addi %mul3A_13, %add3A_39 : i32
    %dma_wait3A = arith.constant 0 : i32
    %dma_wait3A_41 = arith.constant 0 : i32
    %dma_wait3A_42 = arith.constant 0 : i32
    %dma_wait3A_43 = tpu.memref_slice %arg6[%dma_wait3A, %dma_wait3A_42] : memref<2x80xi32, #tpu.memory_space<vmem>> -> memref<1x80xi32, #tpu.memory_space<vmem>>
    %dma_wait3A_44 = tpu.memref_squeeze %dma_wait3A_43 : memref<1x80xi32, #tpu.memory_space<vmem>> -> memref<80xi32, #tpu.memory_space<vmem>>
    %dma_wait3A_45 = tpu.memref_slice %arg3[%add3A_40] : memref<320000xi32, #tpu.memory_space<hbm>> -> memref<80xi32, #tpu.memory_space<hbm>>
    %dma_wait3A_46 = tpu.memref_slice %arg11[%dma_wait3A_41] : memref<2x!tpu.dma_semaphore, #tpu.memory_space<semaphore_mem>> -> memref<1x!tpu.dma_semaphore, #tpu.memory_space<semaphore_mem>>
    %dma_wait3A_47 = tpu.memref_squeeze %dma_wait3A_46 : memref<1x!tpu.dma_semaphore, #tpu.memory_space<semaphore_mem>> -> memref<!tpu.dma_semaphore, #tpu.memory_space<semaphore_mem>>
    %dma_wait3A_48 = arith.constant 0 : i32
    %dma_wait3A_49 = tpu.memref_slice %arg6[%dma_wait3A, %dma_wait3A_48] : memref<2x80xi32, #tpu.memory_space<vmem>> -> memref<1x80xi32, #tpu.memory_space<vmem>>
    %dma_wait3A_50 = tpu.memref_squeeze %dma_wait3A_49 : memref<1x80xi32, #tpu.memory_space<vmem>> -> memref<80xi32, #tpu.memory_space<vmem>>
    %dma_wait3A_51 = tpu.memref_slice %arg3[%add3A_40] : memref<320000xi32, #tpu.memory_space<hbm>> -> memref<80xi32, #tpu.memory_space<hbm>>
    tpu.wait_dma2 semaphore(%dma_wait3A_47 : memref<!tpu.dma_semaphore, #tpu.memory_space<semaphore_mem>>) src(%dma_wait3A_51 : memref<80xi32, #tpu.memory_space<hbm>>) dst(%dma_wait3A_50 : memref<80xi32, #tpu.memory_space<vmem>>)
    %dma_wait3A_52 = arith.constant 0 : i32
    %dma_wait3A_53 = arith.constant 0 : i32
    %dma_wait3A_54 = arith.constant 0 : i32
    %dma_wait3A_55 = tpu.memref_slice %arg7[%dma_wait3A_52, %dma_wait3A_54] : memref<2x80xi32, #tpu.memory_space<vmem>> -> memref<1x80xi32, #tpu.memory_space<vmem>>
    %dma_wait3A_56 = tpu.memref_squeeze %dma_wait3A_55 : memref<1x80xi32, #tpu.memory_space<vmem>> -> memref<80xi32, #tpu.memory_space<vmem>>
    %dma_wait3A_57 = tpu.memref_slice %arg4[%add3A_40] : memref<320000xi32, #tpu.memory_space<hbm>> -> memref<80xi32, #tpu.memory_space<hbm>>
    %dma_wait3A_58 = tpu.memref_slice %arg11[%dma_wait3A_53] : memref<2x!tpu.dma_semaphore, #tpu.memory_space<semaphore_mem>> -> memref<1x!tpu.dma_semaphore, #tpu.memory_space<semaphore_mem>>
    %dma_wait3A_59 = tpu.memref_squeeze %dma_wait3A_58 : memref<1x!tpu.dma_semaphore, #tpu.memory_space<semaphore_mem>> -> memref<!tpu.dma_semaphore, #tpu.memory_space<semaphore_mem>>
    %dma_wait3A_60 = arith.constant 0 : i32
    %dma_wait3A_61 = tpu.memref_slice %arg7[%dma_wait3A_52, %dma_wait3A_60] : memref<2x80xi32, #tpu.memory_space<vmem>> -> memref<1x80xi32, #tpu.memory_space<vmem>>
    %dma_wait3A_62 = tpu.memref_squeeze %dma_wait3A_61 : memref<1x80xi32, #tpu.memory_space<vmem>> -> memref<80xi32, #tpu.memory_space<vmem>>
    %dma_wait3A_63 = tpu.memref_slice %arg4[%add3A_40] : memref<320000xi32, #tpu.memory_space<hbm>> -> memref<80xi32, #tpu.memory_space<hbm>>
    tpu.wait_dma2 semaphore(%dma_wait3A_59 : memref<!tpu.dma_semaphore, #tpu.memory_space<semaphore_mem>>) src(%dma_wait3A_63 : memref<80xi32, #tpu.memory_space<hbm>>) dst(%dma_wait3A_62 : memref<80xi32, #tpu.memory_space<vmem>>)
    %dma_start3A_64 = arith.constant 0 : i32
    %dma_start3A_65 = arith.constant 0 : i32
    %dma_start3A_66 = arith.constant 0 : i32
    %dma_start3A_67 = arith.constant 0 : i32
    %dma_start3A_68 = arith.constant 0 : i32
    %dma_start3A_69 = tpu.memref_slice %arg8[%dma_start3A_65, %dma_start3A_67, %dma_start3A_68] : memref<2x80x128xf32, #tpu.memory_space<vmem>> -> memref<1x80x128xf32, #tpu.memory_space<vmem>>
    %dma_start3A_70 = tpu.memref_squeeze %dma_start3A_69 : memref<1x80x128xf32, #tpu.memory_space<vmem>> -> memref<80x128xf32, #tpu.memory_space<vmem>>
    %dma_start3A_71 = arith.constant 0 : i32
    %dma_start3A_72 = tpu.memref_slice %arg6[%dma_start3A_64, %dma_start3A_71] : memref<2x80xi32, #tpu.memory_space<vmem>> -> memref<1x80xi32, #tpu.memory_space<vmem>>
    %dma_start3A_73 = tpu.memref_squeeze %dma_start3A_72 : memref<1x80xi32, #tpu.memory_space<vmem>> -> memref<80xi32, #tpu.memory_space<vmem>>
    %dma_start3A_74 = arith.constant 0 : i32
    %dma_start3A_75 = arith.constant 0 : i32
    %dma_start3A_76 = tpu.memref_slice %arg2[%dma_start3A_74, %dma_start3A_75] : memref<10000x128xf32, #tpu.memory_space<hbm>> -> memref<10000x128xf32, #tpu.memory_space<hbm>>
    %dma_start3A_77 = tpu.memref_slice %arg12[%dma_start3A_66] : memref<2x!tpu.dma_semaphore, #tpu.memory_space<semaphore_mem>> -> memref<1x!tpu.dma_semaphore, #tpu.memory_space<semaphore_mem>>
    %dma_start3A_78 = tpu.memref_squeeze %dma_start3A_77 : memref<1x!tpu.dma_semaphore, #tpu.memory_space<semaphore_mem>> -> memref<!tpu.dma_semaphore, #tpu.memory_space<semaphore_mem>>
    tpu.enqueue_indirect_dma source(%dma_start3A_76 : memref<10000x128xf32, #tpu.memory_space<hbm>>) target(%dma_start3A_70 : memref<80x128xf32, #tpu.memory_space<vmem>>) offsets(%dma_start3A_73 : memref<80xi32, #tpu.memory_space<vmem>>) semaphore(%dma_start3A_78 : memref<!tpu.dma_semaphore, #tpu.memory_space<semaphore_mem>>)
    %add3A_79 = arith.constant 80 : i32
    %add3A_80 = arith.addi %mul3A_13, %add3A_79 : i32
    %dma_start3A_81 = arith.constant 1 : i32
    %dma_start3A_82 = arith.constant 1 : i32
    %dma_start3A_83 = arith.constant 0 : i32
    %dma_start3A_84 = tpu.memref_slice %arg6[%dma_start3A_81, %dma_start3A_83] : memref<2x80xi32, #tpu.memory_space<vmem>> -> memref<1x80xi32, #tpu.memory_space<vmem>>
    %dma_start3A_85 = tpu.memref_squeeze %dma_start3A_84 : memref<1x80xi32, #tpu.memory_space<vmem>> -> memref<80xi32, #tpu.memory_space<vmem>>
    %dma_start3A_86 = tpu.memref_slice %arg3[%add3A_80] : memref<320000xi32, #tpu.memory_space<hbm>> -> memref<80xi32, #tpu.memory_space<hbm>>
    %dma_start3A_87 = tpu.memref_slice %arg11[%dma_start3A_82] : memref<2x!tpu.dma_semaphore, #tpu.memory_space<semaphore_mem>> -> memref<1x!tpu.dma_semaphore, #tpu.memory_space<semaphore_mem>>
    %dma_start3A_88 = tpu.memref_squeeze %dma_start3A_87 : memref<1x!tpu.dma_semaphore, #tpu.memory_space<semaphore_mem>> -> memref<!tpu.dma_semaphore, #tpu.memory_space<semaphore_mem>>
    %dma_start3A_89 = arith.constant 0 : i32
    %dma_start3A_90 = tpu.memref_slice %arg6[%dma_start3A_81, %dma_start3A_89] : memref<2x80xi32, #tpu.memory_space<vmem>> -> memref<1x80xi32, #tpu.memory_space<vmem>>
    %dma_start3A_91 = tpu.memref_squeeze %dma_start3A_90 : memref<1x80xi32, #tpu.memory_space<vmem>> -> memref<80xi32, #tpu.memory_space<vmem>>
    %dma_start3A_92 = tpu.memref_slice %arg3[%add3A_80] : memref<320000xi32, #tpu.memory_space<hbm>> -> memref<80xi32, #tpu.memory_space<hbm>>
    tpu.enqueue_dma source(%dma_start3A_92 : memref<80xi32, #tpu.memory_space<hbm>>) target(%dma_start3A_91 : memref<80xi32, #tpu.memory_space<vmem>>) target_semaphore(%dma_start3A_88 : memref<!tpu.dma_semaphore, #tpu.memory_space<semaphore_mem>>)
    %dma_start3A_93 = arith.constant 1 : i32
    %dma_start3A_94 = arith.constant 1 : i32
    %dma_start3A_95 = arith.constant 0 : i32
    %dma_start3A_96 = tpu.memref_slice %arg7[%dma_start3A_93, %dma_start3A_95] : memref<2x80xi32, #tpu.memory_space<vmem>> -> memref<1x80xi32, #tpu.memory_space<vmem>>
    %dma_start3A_97 = tpu.memref_squeeze %dma_start3A_96 : memref<1x80xi32, #tpu.memory_space<vmem>> -> memref<80xi32, #tpu.memory_space<vmem>>
    %dma_start3A_98 = tpu.memref_slice %arg4[%add3A_80] : memref<320000xi32, #tpu.memory_space<hbm>> -> memref<80xi32, #tpu.memory_space<hbm>>
    %dma_start3A_99 = tpu.memref_slice %arg11[%dma_start3A_94] : memref<2x!tpu.dma_semaphore, #tpu.memory_space<semaphore_mem>> -> memref<1x!tpu.dma_semaphore, #tpu.memory_space<semaphore_mem>>
    %dma_start3A_100 = tpu.memref_squeeze %dma_start3A_99 : memref<1x!tpu.dma_semaphore, #tpu.memory_space<semaphore_mem>> -> memref<!tpu.dma_semaphore, #tpu.memory_space<semaphore_mem>>
    %dma_start3A_101 = arith.constant 0 : i32
    %dma_start3A_102 = tpu.memref_slice %arg7[%dma_start3A_93, %dma_start3A_101] : memref<2x80xi32, #tpu.memory_space<vmem>> -> memref<1x80xi32, #tpu.memory_space<vmem>>
    %dma_start3A_103 = tpu.memref_squeeze %dma_start3A_102 : memref<1x80xi32, #tpu.memory_space<vmem>> -> memref<80xi32, #tpu.memory_space<vmem>>
    %dma_start3A_104 = tpu.memref_slice %arg4[%add3A_80] : memref<320000xi32, #tpu.memory_space<hbm>> -> memref<80xi32, #tpu.memory_space<hbm>>
    tpu.enqueue_dma source(%dma_start3A_104 : memref<80xi32, #tpu.memory_space<hbm>>) target(%dma_start3A_103 : memref<80xi32, #tpu.memory_space<vmem>>) target_semaphore(%dma_start3A_100 : memref<!tpu.dma_semaphore, #tpu.memory_space<semaphore_mem>>)
    %scan3A_105 = arith.constant 0 : i32
    %scan3A_106 = arith.constant 0 : i32
    %scan3A_107 = arith.constant 125 : i32
    %scan3A_108 = arith.addi %scan3A_106, %scan3A_107 : i32
    %scan3A_109 = arith.constant 1 : i32
    scf.for %scan3A_118 = %scan3A_106 to %scan3A_108 step %scan3A_109  : i32 {
      %rem3A = arith.constant 2 : i32
      %rem3A_119 = arith.remsi %scan3A_118, %rem3A : i32
      %eq3A = arith.constant 0 : i32
      %eq3A_120 = arith.cmpi eq, %rem3A_119, %eq3A : i32
      %convert_element_type3A = arith.extui %eq3A_120 : i1 to i32
      %cond3A = arith.constant 0 : i32
      %cond3A_121 = arith.cmpi ne, %convert_element_type3A, %cond3A : i32
      scf.if %cond3A_121 {
        %dma_wait3A_129 = arith.constant 0 : i32
        %dma_wait3A_130 = arith.constant 0 : i32
        %dma_wait3A_131 = arith.constant 0 : i32
        %dma_wait3A_132 = arith.constant 0 : i32
        %dma_wait3A_133 = arith.constant 0 : i32
        %dma_wait3A_134 = tpu.memref_slice %arg8[%dma_wait3A_130, %dma_wait3A_132, %dma_wait3A_133] : memref<2x80x128xf32, #tpu.memory_space<vmem>> -> memref<1x80x128xf32, #tpu.memory_space<vmem>>
        %dma_wait3A_135 = tpu.memref_squeeze %dma_wait3A_134 : memref<1x80x128xf32, #tpu.memory_space<vmem>> -> memref<80x128xf32, #tpu.memory_space<vmem>>
        %dma_wait3A_136 = arith.constant 0 : i32
        %dma_wait3A_137 = tpu.memref_slice %arg6[%dma_wait3A_129, %dma_wait3A_136] : memref<2x80xi32, #tpu.memory_space<vmem>> -> memref<1x80xi32, #tpu.memory_space<vmem>>
        %dma_wait3A_138 = tpu.memref_squeeze %dma_wait3A_137 : memref<1x80xi32, #tpu.memory_space<vmem>> -> memref<80xi32, #tpu.memory_space<vmem>>
        %dma_wait3A_139 = arith.constant 0 : i32
        %dma_wait3A_140 = arith.constant 0 : i32
        %dma_wait3A_141 = tpu.memref_slice %arg2[%dma_wait3A_139, %dma_wait3A_140] : memref<10000x128xf32, #tpu.memory_space<hbm>> -> memref<10000x128xf32, #tpu.memory_space<hbm>>
        %dma_wait3A_142 = tpu.memref_slice %arg12[%dma_wait3A_131] : memref<2x!tpu.dma_semaphore, #tpu.memory_space<semaphore_mem>> -> memref<1x!tpu.dma_semaphore, #tpu.memory_space<semaphore_mem>>
        %dma_wait3A_143 = tpu.memref_squeeze %dma_wait3A_142 : memref<1x!tpu.dma_semaphore, #tpu.memory_space<semaphore_mem>> -> memref<!tpu.dma_semaphore, #tpu.memory_space<semaphore_mem>>
        tpu.wait_indirect_dma semaphore(%dma_wait3A_143 : memref<!tpu.dma_semaphore, #tpu.memory_space<semaphore_mem>>) src(%dma_wait3A_141 : memref<10000x128xf32, #tpu.memory_space<hbm>>) dst(%dma_wait3A_135 : memref<80x128xf32, #tpu.memory_space<vmem>>)
        %add3A_144 = arith.constant 1 : i32
        %add3A_145 = arith.addi %scan3A_118, %add3A_144 : i32
        %lt3A = arith.constant 125 : i32
        %lt3A_146 = arith.cmpi slt, %add3A_145, %lt3A : i32
        %convert_element_type3A_147 = arith.extui %lt3A_146 : i1 to i32
        %cond3A_148 = arith.constant 0 : i32
        %cond3A_149 = arith.cmpi ne, %convert_element_type3A_147, %cond3A_148 : i32
        scf.if %cond3A_149 {
          %add3A_158 = arith.constant 1 : i32
          %add3A_159 = arith.addi %scan3A_118, %add3A_158 : i32
          %mul3A_160 = arith.constant 80 : i32
          %mul3A_161 = arith.muli %add3A_159, %mul3A_160 : i32
          %add3A_162 = arith.addi %mul3A_13, %mul3A_161 : i32
          %dma_wait3A_163 = arith.constant 1 : i32
          %dma_wait3A_164 = arith.constant 1 : i32
          %dma_wait3A_165 = arith.constant 0 : i32
          %dma_wait3A_166 = tpu.memref_slice %arg6[%dma_wait3A_163, %dma_wait3A_165] : memref<2x80xi32, #tpu.memory_space<vmem>> -> memref<1x80xi32, #tpu.memory_space<vmem>>
          %dma_wait3A_167 = tpu.memref_squeeze %dma_wait3A_166 : memref<1x80xi32, #tpu.memory_space<vmem>> -> memref<80xi32, #tpu.memory_space<vmem>>
          %dma_wait3A_168 = tpu.memref_slice %arg3[%add3A_162] : memref<320000xi32, #tpu.memory_space<hbm>> -> memref<80xi32, #tpu.memory_space<hbm>>
          %dma_wait3A_169 = tpu.memref_slice %arg11[%dma_wait3A_164] : memref<2x!tpu.dma_semaphore, #tpu.memory_space<semaphore_mem>> -> memref<1x!tpu.dma_semaphore, #tpu.memory_space<semaphore_mem>>
          %dma_wait3A_170 = tpu.memref_squeeze %dma_wait3A_169 : memref<1x!tpu.dma_semaphore, #tpu.memory_space<semaphore_mem>> -> memref<!tpu.dma_semaphore, #tpu.memory_space<semaphore_mem>>
          %dma_wait3A_171 = arith.constant 0 : i32
          %dma_wait3A_172 = tpu.memref_slice %arg6[%dma_wait3A_163, %dma_wait3A_171] : memref<2x80xi32, #tpu.memory_space<vmem>> -> memref<1x80xi32, #tpu.memory_space<vmem>>
          %dma_wait3A_173 = tpu.memref_squeeze %dma_wait3A_172 : memref<1x80xi32, #tpu.memory_space<vmem>> -> memref<80xi32, #tpu.memory_space<vmem>>
          %dma_wait3A_174 = tpu.memref_slice %arg3[%add3A_162] : memref<320000xi32, #tpu.memory_space<hbm>> -> memref<80xi32, #tpu.memory_space<hbm>>
          tpu.wait_dma2 semaphore(%dma_wait3A_170 : memref<!tpu.dma_semaphore, #tpu.memory_space<semaphore_mem>>) src(%dma_wait3A_174 : memref<80xi32, #tpu.memory_space<hbm>>) dst(%dma_wait3A_173 : memref<80xi32, #tpu.memory_space<vmem>>)
          %dma_wait3A_175 = arith.constant 1 : i32
          %dma_wait3A_176 = arith.constant 1 : i32
          %dma_wait3A_177 = arith.constant 0 : i32
          %dma_wait3A_178 = tpu.memref_slice %arg7[%dma_wait3A_175, %dma_wait3A_177] : memref<2x80xi32, #tpu.memory_space<vmem>> -> memref<1x80xi32, #tpu.memory_space<vmem>>
          %dma_wait3A_179 = tpu.memref_squeeze %dma_wait3A_178 : memref<1x80xi32, #tpu.memory_space<vmem>> -> memref<80xi32, #tpu.memory_space<vmem>>
          %dma_wait3A_180 = tpu.memref_slice %arg4[%add3A_162] : memref<320000xi32, #tpu.memory_space<hbm>> -> memref<80xi32, #tpu.memory_space<hbm>>
          %dma_wait3A_181 = tpu.memref_slice %arg11[%dma_wait3A_176] : memref<2x!tpu.dma_semaphore, #tpu.memory_space<semaphore_mem>> -> memref<1x!tpu.dma_semaphore, #tpu.memory_space<semaphore_mem>>
          %dma_wait3A_182 = tpu.memref_squeeze %dma_wait3A_181 : memref<1x!tpu.dma_semaphore, #tpu.memory_space<semaphore_mem>> -> memref<!tpu.dma_semaphore, #tpu.memory_space<semaphore_mem>>
          %dma_wait3A_183 = arith.constant 0 : i32
          %dma_wait3A_184 = tpu.memref_slice %arg7[%dma_wait3A_175, %dma_wait3A_183] : memref<2x80xi32, #tpu.memory_space<vmem>> -> memref<1x80xi32, #tpu.memory_space<vmem>>
          %dma_wait3A_185 = tpu.memref_squeeze %dma_wait3A_184 : memref<1x80xi32, #tpu.memory_space<vmem>> -> memref<80xi32, #tpu.memory_space<vmem>>
          %dma_wait3A_186 = tpu.memref_slice %arg4[%add3A_162] : memref<320000xi32, #tpu.memory_space<hbm>> -> memref<80xi32, #tpu.memory_space<hbm>>
          tpu.wait_dma2 semaphore(%dma_wait3A_182 : memref<!tpu.dma_semaphore, #tpu.memory_space<semaphore_mem>>) src(%dma_wait3A_186 : memref<80xi32, #tpu.memory_space<hbm>>) dst(%dma_wait3A_185 : memref<80xi32, #tpu.memory_space<vmem>>)
          %dma_start3A_187 = arith.constant 1 : i32
          %dma_start3A_188 = arith.constant 1 : i32
          %dma_start3A_189 = arith.constant 1 : i32
          %dma_start3A_190 = arith.constant 0 : i32
          %dma_start3A_191 = arith.constant 0 : i32
          %dma_start3A_192 = tpu.memref_slice %arg8[%dma_start3A_188, %dma_start3A_190, %dma_start3A_191] : memref<2x80x128xf32, #tpu.memory_space<vmem>> -> memref<1x80x128xf32, #tpu.memory_space<vmem>>
          %dma_start3A_193 = tpu.memref_squeeze %dma_start3A_192 : memref<1x80x128xf32, #tpu.memory_space<vmem>> -> memref<80x128xf32, #tpu.memory_space<vmem>>
          %dma_start3A_194 = arith.constant 0 : i32
          %dma_start3A_195 = tpu.memref_slice %arg6[%dma_start3A_187, %dma_start3A_194] : memref<2x80xi32, #tpu.memory_space<vmem>> -> memref<1x80xi32, #tpu.memory_space<vmem>>
          %dma_start3A_196 = tpu.memref_squeeze %dma_start3A_195 : memref<1x80xi32, #tpu.memory_space<vmem>> -> memref<80xi32, #tpu.memory_space<vmem>>
          %dma_start3A_197 = arith.constant 0 : i32
          %dma_start3A_198 = arith.constant 0 : i32
          %dma_start3A_199 = tpu.memref_slice %arg2[%dma_start3A_197, %dma_start3A_198] : memref<10000x128xf32, #tpu.memory_space<hbm>> -> memref<10000x128xf32, #tpu.memory_space<hbm>>
          %dma_start3A_200 = tpu.memref_slice %arg12[%dma_start3A_189] : memref<2x!tpu.dma_semaphore, #tpu.memory_space<semaphore_mem>> -> memref<1x!tpu.dma_semaphore, #tpu.memory_space<semaphore_mem>>
          %dma_start3A_201 = tpu.memref_squeeze %dma_start3A_200 : memref<1x!tpu.dma_semaphore, #tpu.memory_space<semaphore_mem>> -> memref<!tpu.dma_semaphore, #tpu.memory_space<semaphore_mem>>
          tpu.enqueue_indirect_dma source(%dma_start3A_199 : memref<10000x128xf32, #tpu.memory_space<hbm>>) target(%dma_start3A_193 : memref<80x128xf32, #tpu.memory_space<vmem>>) offsets(%dma_start3A_196 : memref<80xi32, #tpu.memory_space<vmem>>) semaphore(%dma_start3A_201 : memref<!tpu.dma_semaphore, #tpu.memory_space<semaphore_mem>>)
        } else {
        }
        %run_scoped3A = arith.constant 0 : i32
        %run_scoped3A_150 = arith.constant 0 : i32
        "tpu.region"() ({
          %run_scoped3A_158 = tpu.sem_alloc : memref<!tpu.dma_semaphore, #tpu.memory_space<semaphore_mem>>
          %dma_start3A_159 = arith.constant 0 : i32
          %dma_start3A_160 = arith.constant 0 : i32
          %dma_start3A_161 = tpu.memref_slice %arg8[%run_scoped3A, %dma_start3A_159, %dma_start3A_160] : memref<2x80x128xf32, #tpu.memory_space<vmem>> -> memref<1x80x128xf32, #tpu.memory_space<vmem>>
          %dma_start3A_162 = tpu.memref_squeeze %dma_start3A_161 : memref<1x80x128xf32, #tpu.memory_space<vmem>> -> memref<80x128xf32, #tpu.memory_space<vmem>>
          %dma_start3A_163 = arith.constant 0 : i32
          %dma_start3A_164 = tpu.memref_slice %arg7[%run_scoped3A_150, %dma_start3A_163] : memref<2x80xi32, #tpu.memory_space<vmem>> -> memref<1x80xi32, #tpu.memory_space<vmem>>
          %dma_start3A_165 = tpu.memref_squeeze %dma_start3A_164 : memref<1x80xi32, #tpu.memory_space<vmem>> -> memref<80xi32, #tpu.memory_space<vmem>>
          %dma_start3A_166 = arith.constant 0 : i32
          %dma_start3A_167 = arith.constant 0 : i32
          %dma_start3A_168 = tpu.memref_slice %arg10[%dma_start3A_166, %dma_start3A_167] : memref<10000x128xf32, #tpu.memory_space<vmem_shared>> -> memref<10000x128xf32, #tpu.memory_space<vmem_shared>>
          tpu.enqueue_indirect_dma source(%dma_start3A_162 : memref<80x128xf32, #tpu.memory_space<vmem>>) target(%dma_start3A_168 : memref<10000x128xf32, #tpu.memory_space<vmem_shared>>) offsets(%dma_start3A_165 : memref<80xi32, #tpu.memory_space<vmem>>) semaphore(%run_scoped3A_158 : memref<!tpu.dma_semaphore, #tpu.memory_space<semaphore_mem>>) {add = true}
          %dma_wait3A_169 = arith.constant 0 : i32
          %dma_wait3A_170 = arith.constant 0 : i32
          %dma_wait3A_171 = tpu.memref_slice %arg8[%run_scoped3A, %dma_wait3A_169, %dma_wait3A_170] : memref<2x80x128xf32, #tpu.memory_space<vmem>> -> memref<1x80x128xf32, #tpu.memory_space<vmem>>
          %dma_wait3A_172 = tpu.memref_squeeze %dma_wait3A_171 : memref<1x80x128xf32, #tpu.memory_space<vmem>> -> memref<80x128xf32, #tpu.memory_space<vmem>>
          %dma_wait3A_173 = arith.constant 0 : i32
          %dma_wait3A_174 = tpu.memref_slice %arg7[%run_scoped3A_150, %dma_wait3A_173] : memref<2x80xi32, #tpu.memory_space<vmem>> -> memref<1x80xi32, #tpu.memory_space<vmem>>
          %dma_wait3A_175 = tpu.memref_squeeze %dma_wait3A_174 : memref<1x80xi32, #tpu.memory_space<vmem>> -> memref<80xi32, #tpu.memory_space<vmem>>
          %dma_wait3A_176 = arith.constant 0 : i32
          %dma_wait3A_177 = arith.constant 0 : i32
          %dma_wait3A_178 = tpu.memref_slice %arg10[%dma_wait3A_176, %dma_wait3A_177] : memref<10000x128xf32, #tpu.memory_space<vmem_shared>> -> memref<10000x128xf32, #tpu.memory_space<vmem_shared>>
          tpu.wait_indirect_dma semaphore(%run_scoped3A_158 : memref<!tpu.dma_semaphore, #tpu.memory_space<semaphore_mem>>) src(%dma_wait3A_172 : memref<80x128xf32, #tpu.memory_space<vmem>>) dst(%dma_wait3A_178 : memref<10000x128xf32, #tpu.memory_space<vmem_shared>>)
          tpu.yield
        }) : () -> ()
        %add3A_151 = arith.constant 2 : i32
        %add3A_152 = arith.addi %scan3A_118, %add3A_151 : i32
        %lt3A_153 = arith.constant 125 : i32
        %lt3A_154 = arith.cmpi slt, %add3A_152, %lt3A_153 : i32
        %convert_element_type3A_155 = arith.extui %lt3A_154 : i1 to i32
        %cond3A_156 = arith.constant 0 : i32
        %cond3A_157 = arith.cmpi ne, %convert_element_type3A_155, %cond3A_156 : i32
        scf.if %cond3A_157 {
          %add3A_158 = arith.constant 2 : i32
          %add3A_159 = arith.addi %scan3A_118, %add3A_158 : i32
          %mul3A_160 = arith.constant 80 : i32
          %mul3A_161 = arith.muli %add3A_159, %mul3A_160 : i32
          %add3A_162 = arith.addi %mul3A_13, %mul3A_161 : i32
          %dma_start3A_163 = arith.constant 0 : i32
          %dma_start3A_164 = arith.constant 0 : i32
          %dma_start3A_165 = arith.constant 0 : i32
          %dma_start3A_166 = tpu.memref_slice %arg6[%dma_start3A_163, %dma_start3A_165] : memref<2x80xi32, #tpu.memory_space<vmem>> -> memref<1x80xi32, #tpu.memory_space<vmem>>
          %dma_start3A_167 = tpu.memref_squeeze %dma_start3A_166 : memref<1x80xi32, #tpu.memory_space<vmem>> -> memref<80xi32, #tpu.memory_space<vmem>>
          %dma_start3A_168 = tpu.memref_slice %arg3[%add3A_162] : memref<320000xi32, #tpu.memory_space<hbm>> -> memref<80xi32, #tpu.memory_space<hbm>>
          %dma_start3A_169 = tpu.memref_slice %arg11[%dma_start3A_164] : memref<2x!tpu.dma_semaphore, #tpu.memory_space<semaphore_mem>> -> memref<1x!tpu.dma_semaphore, #tpu.memory_space<semaphore_mem>>
          %dma_start3A_170 = tpu.memref_squeeze %dma_start3A_169 : memref<1x!tpu.dma_semaphore, #tpu.memory_space<semaphore_mem>> -> memref<!tpu.dma_semaphore, #tpu.memory_space<semaphore_mem>>
          %dma_start3A_171 = arith.constant 0 : i32
          %dma_start3A_172 = tpu.memref_slice %arg6[%dma_start3A_163, %dma_start3A_171] : memref<2x80xi32, #tpu.memory_space<vmem>> -> memref<1x80xi32, #tpu.memory_space<vmem>>
          %dma_start3A_173 = tpu.memref_squeeze %dma_start3A_172 : memref<1x80xi32, #tpu.memory_space<vmem>> -> memref<80xi32, #tpu.memory_space<vmem>>
          %dma_start3A_174 = tpu.memref_slice %arg3[%add3A_162] : memref<320000xi32, #tpu.memory_space<hbm>> -> memref<80xi32, #tpu.memory_space<hbm>>
          tpu.enqueue_dma source(%dma_start3A_174 : memref<80xi32, #tpu.memory_space<hbm>>) target(%dma_start3A_173 : memref<80xi32, #tpu.memory_space<vmem>>) target_semaphore(%dma_start3A_170 : memref<!tpu.dma_semaphore, #tpu.memory_space<semaphore_mem>>)
          %dma_start3A_175 = arith.constant 0 : i32
          %dma_start3A_176 = arith.constant 0 : i32
          %dma_start3A_177 = arith.constant 0 : i32
          %dma_start3A_178 = tpu.memref_slice %arg7[%dma_start3A_175, %dma_start3A_177] : memref<2x80xi32, #tpu.memory_space<vmem>> -> memref<1x80xi32, #tpu.memory_space<vmem>>
          %dma_start3A_179 = tpu.memref_squeeze %dma_start3A_178 : memref<1x80xi32, #tpu.memory_space<vmem>> -> memref<80xi32, #tpu.memory_space<vmem>>
          %dma_start3A_180 = tpu.memref_slice %arg4[%add3A_162] : memref<320000xi32, #tpu.memory_space<hbm>> -> memref<80xi32, #tpu.memory_space<hbm>>
          %dma_start3A_181 = tpu.memref_slice %arg11[%dma_start3A_176] : memref<2x!tpu.dma_semaphore, #tpu.memory_space<semaphore_mem>> -> memref<1x!tpu.dma_semaphore, #tpu.memory_space<semaphore_mem>>
          %dma_start3A_182 = tpu.memref_squeeze %dma_start3A_181 : memref<1x!tpu.dma_semaphore, #tpu.memory_space<semaphore_mem>> -> memref<!tpu.dma_semaphore, #tpu.memory_space<semaphore_mem>>
          %dma_start3A_183 = arith.constant 0 : i32
          %dma_start3A_184 = tpu.memref_slice %arg7[%dma_start3A_175, %dma_start3A_183] : memref<2x80xi32, #tpu.memory_space<vmem>> -> memref<1x80xi32, #tpu.memory_space<vmem>>
          %dma_start3A_185 = tpu.memref_squeeze %dma_start3A_184 : memref<1x80xi32, #tpu.memory_space<vmem>> -> memref<80xi32, #tpu.memory_space<vmem>>
          %dma_start3A_186 = tpu.memref_slice %arg4[%add3A_162] : memref<320000xi32, #tpu.memory_space<hbm>> -> memref<80xi32, #tpu.memory_space<hbm>>
          tpu.enqueue_dma source(%dma_start3A_186 : memref<80xi32, #tpu.memory_space<hbm>>) target(%dma_start3A_185 : memref<80xi32, #tpu.memory_space<vmem>>) target_semaphore(%dma_start3A_182 : memref<!tpu.dma_semaphore, #tpu.memory_space<semaphore_mem>>)
        } else {
        }
      } else {
      }
      %rem3A_122 = arith.constant 2 : i32
      %rem3A_123 = arith.remsi %scan3A_118, %rem3A_122 : i32
      %eq3A_124 = arith.constant 1 : i32
      %eq3A_125 = arith.cmpi eq, %rem3A_123, %eq3A_124 : i32
      %convert_element_type3A_126 = arith.extui %eq3A_125 : i1 to i32
      %cond3A_127 = arith.constant 0 : i32
      %cond3A_128 = arith.cmpi ne, %convert_element_type3A_126, %cond3A_127 : i32
      scf.if %cond3A_128 {
        %dma_wait3A_129 = arith.constant 1 : i32
        %dma_wait3A_130 = arith.constant 1 : i32
        %dma_wait3A_131 = arith.constant 1 : i32
        %dma_wait3A_132 = arith.constant 0 : i32
        %dma_wait3A_133 = arith.constant 0 : i32
        %dma_wait3A_134 = tpu.memref_slice %arg8[%dma_wait3A_130, %dma_wait3A_132, %dma_wait3A_133] : memref<2x80x128xf32, #tpu.memory_space<vmem>> -> memref<1x80x128xf32, #tpu.memory_space<vmem>>
        %dma_wait3A_135 = tpu.memref_squeeze %dma_wait3A_134 : memref<1x80x128xf32, #tpu.memory_space<vmem>> -> memref<80x128xf32, #tpu.memory_space<vmem>>
        %dma_wait3A_136 = arith.constant 0 : i32
        %dma_wait3A_137 = tpu.memref_slice %arg6[%dma_wait3A_129, %dma_wait3A_136] : memref<2x80xi32, #tpu.memory_space<vmem>> -> memref<1x80xi32, #tpu.memory_space<vmem>>
        %dma_wait3A_138 = tpu.memref_squeeze %dma_wait3A_137 : memref<1x80xi32, #tpu.memory_space<vmem>> -> memref<80xi32, #tpu.memory_space<vmem>>
        %dma_wait3A_139 = arith.constant 0 : i32
        %dma_wait3A_140 = arith.constant 0 : i32
        %dma_wait3A_141 = tpu.memref_slice %arg2[%dma_wait3A_139, %dma_wait3A_140] : memref<10000x128xf32, #tpu.memory_space<hbm>> -> memref<10000x128xf32, #tpu.memory_space<hbm>>
        %dma_wait3A_142 = tpu.memref_slice %arg12[%dma_wait3A_131] : memref<2x!tpu.dma_semaphore, #tpu.memory_space<semaphore_mem>> -> memref<1x!tpu.dma_semaphore, #tpu.memory_space<semaphore_mem>>
        %dma_wait3A_143 = tpu.memref_squeeze %dma_wait3A_142 : memref<1x!tpu.dma_semaphore, #tpu.memory_space<semaphore_mem>> -> memref<!tpu.dma_semaphore, #tpu.memory_space<semaphore_mem>>
        tpu.wait_indirect_dma semaphore(%dma_wait3A_143 : memref<!tpu.dma_semaphore, #tpu.memory_space<semaphore_mem>>) src(%dma_wait3A_141 : memref<10000x128xf32, #tpu.memory_space<hbm>>) dst(%dma_wait3A_135 : memref<80x128xf32, #tpu.memory_space<vmem>>)
        %add3A_144 = arith.constant 1 : i32
        %add3A_145 = arith.addi %scan3A_118, %add3A_144 : i32
        %lt3A = arith.constant 125 : i32
        %lt3A_146 = arith.cmpi slt, %add3A_145, %lt3A : i32
        %convert_element_type3A_147 = arith.extui %lt3A_146 : i1 to i32
        %cond3A_148 = arith.constant 0 : i32
        %cond3A_149 = arith.cmpi ne, %convert_element_type3A_147, %cond3A_148 : i32
        scf.if %cond3A_149 {
          %add3A_158 = arith.constant 1 : i32
          %add3A_159 = arith.addi %scan3A_118, %add3A_158 : i32
          %mul3A_160 = arith.constant 80 : i32
          %mul3A_161 = arith.muli %add3A_159, %mul3A_160 : i32
          %add3A_162 = arith.addi %mul3A_13, %mul3A_161 : i32
          %dma_wait3A_163 = arith.constant 0 : i32
          %dma_wait3A_164 = arith.constant 0 : i32
          %dma_wait3A_165 = arith.constant 0 : i32
          %dma_wait3A_166 = tpu.memref_slice %arg6[%dma_wait3A_163, %dma_wait3A_165] : memref<2x80xi32, #tpu.memory_space<vmem>> -> memref<1x80xi32, #tpu.memory_space<vmem>>
          %dma_wait3A_167 = tpu.memref_squeeze %dma_wait3A_166 : memref<1x80xi32, #tpu.memory_space<vmem>> -> memref<80xi32, #tpu.memory_space<vmem>>
          %dma_wait3A_168 = tpu.memref_slice %arg3[%add3A_162] : memref<320000xi32, #tpu.memory_space<hbm>> -> memref<80xi32, #tpu.memory_space<hbm>>
          %dma_wait3A_169 = tpu.memref_slice %arg11[%dma_wait3A_164] : memref<2x!tpu.dma_semaphore, #tpu.memory_space<semaphore_mem>> -> memref<1x!tpu.dma_semaphore, #tpu.memory_space<semaphore_mem>>
          %dma_wait3A_170 = tpu.memref_squeeze %dma_wait3A_169 : memref<1x!tpu.dma_semaphore, #tpu.memory_space<semaphore_mem>> -> memref<!tpu.dma_semaphore, #tpu.memory_space<semaphore_mem>>
          %dma_wait3A_171 = arith.constant 0 : i32
          %dma_wait3A_172 = tpu.memref_slice %arg6[%dma_wait3A_163, %dma_wait3A_171] : memref<2x80xi32, #tpu.memory_space<vmem>> -> memref<1x80xi32, #tpu.memory_space<vmem>>
          %dma_wait3A_173 = tpu.memref_squeeze %dma_wait3A_172 : memref<1x80xi32, #tpu.memory_space<vmem>> -> memref<80xi32, #tpu.memory_space<vmem>>
          %dma_wait3A_174 = tpu.memref_slice %arg3[%add3A_162] : memref<320000xi32, #tpu.memory_space<hbm>> -> memref<80xi32, #tpu.memory_space<hbm>>
          tpu.wait_dma2 semaphore(%dma_wait3A_170 : memref<!tpu.dma_semaphore, #tpu.memory_space<semaphore_mem>>) src(%dma_wait3A_174 : memref<80xi32, #tpu.memory_space<hbm>>) dst(%dma_wait3A_173 : memref<80xi32, #tpu.memory_space<vmem>>)
          %dma_wait3A_175 = arith.constant 0 : i32
          %dma_wait3A_176 = arith.constant 0 : i32
          %dma_wait3A_177 = arith.constant 0 : i32
          %dma_wait3A_178 = tpu.memref_slice %arg7[%dma_wait3A_175, %dma_wait3A_177] : memref<2x80xi32, #tpu.memory_space<vmem>> -> memref<1x80xi32, #tpu.memory_space<vmem>>
          %dma_wait3A_179 = tpu.memref_squeeze %dma_wait3A_178 : memref<1x80xi32, #tpu.memory_space<vmem>> -> memref<80xi32, #tpu.memory_space<vmem>>
          %dma_wait3A_180 = tpu.memref_slice %arg4[%add3A_162] : memref<320000xi32, #tpu.memory_space<hbm>> -> memref<80xi32, #tpu.memory_space<hbm>>
          %dma_wait3A_181 = tpu.memref_slice %arg11[%dma_wait3A_176] : memref<2x!tpu.dma_semaphore, #tpu.memory_space<semaphore_mem>> -> memref<1x!tpu.dma_semaphore, #tpu.memory_space<semaphore_mem>>
          %dma_wait3A_182 = tpu.memref_squeeze %dma_wait3A_181 : memref<1x!tpu.dma_semaphore, #tpu.memory_space<semaphore_mem>> -> memref<!tpu.dma_semaphore, #tpu.memory_space<semaphore_mem>>
          %dma_wait3A_183 = arith.constant 0 : i32
          %dma_wait3A_184 = tpu.memref_slice %arg7[%dma_wait3A_175, %dma_wait3A_183] : memref<2x80xi32, #tpu.memory_space<vmem>> -> memref<1x80xi32, #tpu.memory_space<vmem>>
          %dma_wait3A_185 = tpu.memref_squeeze %dma_wait3A_184 : memref<1x80xi32, #tpu.memory_space<vmem>> -> memref<80xi32, #tpu.memory_space<vmem>>
          %dma_wait3A_186 = tpu.memref_slice %arg4[%add3A_162] : memref<320000xi32, #tpu.memory_space<hbm>> -> memref<80xi32, #tpu.memory_space<hbm>>
          tpu.wait_dma2 semaphore(%dma_wait3A_182 : memref<!tpu.dma_semaphore, #tpu.memory_space<semaphore_mem>>) src(%dma_wait3A_186 : memref<80xi32, #tpu.memory_space<hbm>>) dst(%dma_wait3A_185 : memref<80xi32, #tpu.memory_space<vmem>>)
          %dma_start3A_187 = arith.constant 0 : i32
          %dma_start3A_188 = arith.constant 0 : i32
          %dma_start3A_189 = arith.constant 0 : i32
          %dma_start3A_190 = arith.constant 0 : i32
          %dma_start3A_191 = arith.constant 0 : i32
          %dma_start3A_192 = tpu.memref_slice %arg8[%dma_start3A_188, %dma_start3A_190, %dma_start3A_191] : memref<2x80x128xf32, #tpu.memory_space<vmem>> -> memref<1x80x128xf32, #tpu.memory_space<vmem>>
          %dma_start3A_193 = tpu.memref_squeeze %dma_start3A_192 : memref<1x80x128xf32, #tpu.memory_space<vmem>> -> memref<80x128xf32, #tpu.memory_space<vmem>>
          %dma_start3A_194 = arith.constant 0 : i32
          %dma_start3A_195 = tpu.memref_slice %arg6[%dma_start3A_187, %dma_start3A_194] : memref<2x80xi32, #tpu.memory_space<vmem>> -> memref<1x80xi32, #tpu.memory_space<vmem>>
          %dma_start3A_196 = tpu.memref_squeeze %dma_start3A_195 : memref<1x80xi32, #tpu.memory_space<vmem>> -> memref<80xi32, #tpu.memory_space<vmem>>
          %dma_start3A_197 = arith.constant 0 : i32
          %dma_start3A_198 = arith.constant 0 : i32
          %dma_start3A_199 = tpu.memref_slice %arg2[%dma_start3A_197, %dma_start3A_198] : memref<10000x128xf32, #tpu.memory_space<hbm>> -> memref<10000x128xf32, #tpu.memory_space<hbm>>
          %dma_start3A_200 = tpu.memref_slice %arg12[%dma_start3A_189] : memref<2x!tpu.dma_semaphore, #tpu.memory_space<semaphore_mem>> -> memref<1x!tpu.dma_semaphore, #tpu.memory_space<semaphore_mem>>
          %dma_start3A_201 = tpu.memref_squeeze %dma_start3A_200 : memref<1x!tpu.dma_semaphore, #tpu.memory_space<semaphore_mem>> -> memref<!tpu.dma_semaphore, #tpu.memory_space<semaphore_mem>>
          tpu.enqueue_indirect_dma source(%dma_start3A_199 : memref<10000x128xf32, #tpu.memory_space<hbm>>) target(%dma_start3A_193 : memref<80x128xf32, #tpu.memory_space<vmem>>) offsets(%dma_start3A_196 : memref<80xi32, #tpu.memory_space<vmem>>) semaphore(%dma_start3A_201 : memref<!tpu.dma_semaphore, #tpu.memory_space<semaphore_mem>>)
        } else {
        }
        %run_scoped3A = arith.constant 1 : i32
        %run_scoped3A_150 = arith.constant 1 : i32
        "tpu.region"() ({
          %run_scoped3A_158 = tpu.sem_alloc : memref<!tpu.dma_semaphore, #tpu.memory_space<semaphore_mem>>
          %dma_start3A_159 = arith.constant 0 : i32
          %dma_start3A_160 = arith.constant 0 : i32
          %dma_start3A_161 = tpu.memref_slice %arg8[%run_scoped3A, %dma_start3A_159, %dma_start3A_160] : memref<2x80x128xf32, #tpu.memory_space<vmem>> -> memref<1x80x128xf32, #tpu.memory_space<vmem>>
          %dma_start3A_162 = tpu.memref_squeeze %dma_start3A_161 : memref<1x80x128xf32, #tpu.memory_space<vmem>> -> memref<80x128xf32, #tpu.memory_space<vmem>>
          %dma_start3A_163 = arith.constant 0 : i32
          %dma_start3A_164 = tpu.memref_slice %arg7[%run_scoped3A_150, %dma_start3A_163] : memref<2x80xi32, #tpu.memory_space<vmem>> -> memref<1x80xi32, #tpu.memory_space<vmem>>
          %dma_start3A_165 = tpu.memref_squeeze %dma_start3A_164 : memref<1x80xi32, #tpu.memory_space<vmem>> -> memref<80xi32, #tpu.memory_space<vmem>>
          %dma_start3A_166 = arith.constant 0 : i32
          %dma_start3A_167 = arith.constant 0 : i32
          %dma_start3A_168 = tpu.memref_slice %arg10[%dma_start3A_166, %dma_start3A_167] : memref<10000x128xf32, #tpu.memory_space<vmem_shared>> -> memref<10000x128xf32, #tpu.memory_space<vmem_shared>>
          tpu.enqueue_indirect_dma source(%dma_start3A_162 : memref<80x128xf32, #tpu.memory_space<vmem>>) target(%dma_start3A_168 : memref<10000x128xf32, #tpu.memory_space<vmem_shared>>) offsets(%dma_start3A_165 : memref<80xi32, #tpu.memory_space<vmem>>) semaphore(%run_scoped3A_158 : memref<!tpu.dma_semaphore, #tpu.memory_space<semaphore_mem>>) {add = true}
          %dma_wait3A_169 = arith.constant 0 : i32
          %dma_wait3A_170 = arith.constant 0 : i32
          %dma_wait3A_171 = tpu.memref_slice %arg8[%run_scoped3A, %dma_wait3A_169, %dma_wait3A_170] : memref<2x80x128xf32, #tpu.memory_space<vmem>> -> memref<1x80x128xf32, #tpu.memory_space<vmem>>
          %dma_wait3A_172 = tpu.memref_squeeze %dma_wait3A_171 : memref<1x80x128xf32, #tpu.memory_space<vmem>> -> memref<80x128xf32, #tpu.memory_space<vmem>>
          %dma_wait3A_173 = arith.constant 0 : i32
          %dma_wait3A_174 = tpu.memref_slice %arg7[%run_scoped3A_150, %dma_wait3A_173] : memref<2x80xi32, #tpu.memory_space<vmem>> -> memref<1x80xi32, #tpu.memory_space<vmem>>
          %dma_wait3A_175 = tpu.memref_squeeze %dma_wait3A_174 : memref<1x80xi32, #tpu.memory_space<vmem>> -> memref<80xi32, #tpu.memory_space<vmem>>
          %dma_wait3A_176 = arith.constant 0 : i32
          %dma_wait3A_177 = arith.constant 0 : i32
          %dma_wait3A_178 = tpu.memref_slice %arg10[%dma_wait3A_176, %dma_wait3A_177] : memref<10000x128xf32, #tpu.memory_space<vmem_shared>> -> memref<10000x128xf32, #tpu.memory_space<vmem_shared>>
          tpu.wait_indirect_dma semaphore(%run_scoped3A_158 : memref<!tpu.dma_semaphore, #tpu.memory_space<semaphore_mem>>) src(%dma_wait3A_172 : memref<80x128xf32, #tpu.memory_space<vmem>>) dst(%dma_wait3A_178 : memref<10000x128xf32, #tpu.memory_space<vmem_shared>>)
          tpu.yield
        }) : () -> ()
        %add3A_151 = arith.constant 2 : i32
        %add3A_152 = arith.addi %scan3A_118, %add3A_151 : i32
        %lt3A_153 = arith.constant 125 : i32
        %lt3A_154 = arith.cmpi slt, %add3A_152, %lt3A_153 : i32
        %convert_element_type3A_155 = arith.extui %lt3A_154 : i1 to i32
        %cond3A_156 = arith.constant 0 : i32
        %cond3A_157 = arith.cmpi ne, %convert_element_type3A_155, %cond3A_156 : i32
        scf.if %cond3A_157 {
          %add3A_158 = arith.constant 2 : i32
          %add3A_159 = arith.addi %scan3A_118, %add3A_158 : i32
          %mul3A_160 = arith.constant 80 : i32
          %mul3A_161 = arith.muli %add3A_159, %mul3A_160 : i32
          %add3A_162 = arith.addi %mul3A_13, %mul3A_161 : i32
          %dma_start3A_163 = arith.constant 1 : i32
          %dma_start3A_164 = arith.constant 1 : i32
          %dma_start3A_165 = arith.constant 0 : i32
          %dma_start3A_166 = tpu.memref_slice %arg6[%dma_start3A_163, %dma_start3A_165] : memref<2x80xi32, #tpu.memory_space<vmem>> -> memref<1x80xi32, #tpu.memory_space<vmem>>
          %dma_start3A_167 = tpu.memref_squeeze %dma_start3A_166 : memref<1x80xi32, #tpu.memory_space<vmem>> -> memref<80xi32, #tpu.memory_space<vmem>>
          %dma_start3A_168 = tpu.memref_slice %arg3[%add3A_162] : memref<320000xi32, #tpu.memory_space<hbm>> -> memref<80xi32, #tpu.memory_space<hbm>>
          %dma_start3A_169 = tpu.memref_slice %arg11[%dma_start3A_164] : memref<2x!tpu.dma_semaphore, #tpu.memory_space<semaphore_mem>> -> memref<1x!tpu.dma_semaphore, #tpu.memory_space<semaphore_mem>>
          %dma_start3A_170 = tpu.memref_squeeze %dma_start3A_169 : memref<1x!tpu.dma_semaphore, #tpu.memory_space<semaphore_mem>> -> memref<!tpu.dma_semaphore, #tpu.memory_space<semaphore_mem>>
          %dma_start3A_171 = arith.constant 0 : i32
          %dma_start3A_172 = tpu.memref_slice %arg6[%dma_start3A_163, %dma_start3A_171] : memref<2x80xi32, #tpu.memory_space<vmem>> -> memref<1x80xi32, #tpu.memory_space<vmem>>
          %dma_start3A_173 = tpu.memref_squeeze %dma_start3A_172 : memref<1x80xi32, #tpu.memory_space<vmem>> -> memref<80xi32, #tpu.memory_space<vmem>>
          %dma_start3A_174 = tpu.memref_slice %arg3[%add3A_162] : memref<320000xi32, #tpu.memory_space<hbm>> -> memref<80xi32, #tpu.memory_space<hbm>>
          tpu.enqueue_dma source(%dma_start3A_174 : memref<80xi32, #tpu.memory_space<hbm>>) target(%dma_start3A_173 : memref<80xi32, #tpu.memory_space<vmem>>) target_semaphore(%dma_start3A_170 : memref<!tpu.dma_semaphore, #tpu.memory_space<semaphore_mem>>)
          %dma_start3A_175 = arith.constant 1 : i32
          %dma_start3A_176 = arith.constant 1 : i32
          %dma_start3A_177 = arith.constant 0 : i32
          %dma_start3A_178 = tpu.memref_slice %arg7[%dma_start3A_175, %dma_start3A_177] : memref<2x80xi32, #tpu.memory_space<vmem>> -> memref<1x80xi32, #tpu.memory_space<vmem>>
          %dma_start3A_179 = tpu.memref_squeeze %dma_start3A_178 : memref<1x80xi32, #tpu.memory_space<vmem>> -> memref<80xi32, #tpu.memory_space<vmem>>
          %dma_start3A_180 = tpu.memref_slice %arg4[%add3A_162] : memref<320000xi32, #tpu.memory_space<hbm>> -> memref<80xi32, #tpu.memory_space<hbm>>
          %dma_start3A_181 = tpu.memref_slice %arg11[%dma_start3A_176] : memref<2x!tpu.dma_semaphore, #tpu.memory_space<semaphore_mem>> -> memref<1x!tpu.dma_semaphore, #tpu.memory_space<semaphore_mem>>
          %dma_start3A_182 = tpu.memref_squeeze %dma_start3A_181 : memref<1x!tpu.dma_semaphore, #tpu.memory_space<semaphore_mem>> -> memref<!tpu.dma_semaphore, #tpu.memory_space<semaphore_mem>>
          %dma_start3A_183 = arith.constant 0 : i32
          %dma_start3A_184 = tpu.memref_slice %arg7[%dma_start3A_175, %dma_start3A_183] : memref<2x80xi32, #tpu.memory_space<vmem>> -> memref<1x80xi32, #tpu.memory_space<vmem>>
          %dma_start3A_185 = tpu.memref_squeeze %dma_start3A_184 : memref<1x80xi32, #tpu.memory_space<vmem>> -> memref<80xi32, #tpu.memory_space<vmem>>
          %dma_start3A_186 = tpu.memref_slice %arg4[%add3A_162] : memref<320000xi32, #tpu.memory_space<hbm>> -> memref<80xi32, #tpu.memory_space<hbm>>
          tpu.enqueue_dma source(%dma_start3A_186 : memref<80xi32, #tpu.memory_space<hbm>>) target(%dma_start3A_185 : memref<80xi32, #tpu.memory_space<vmem>>) target_semaphore(%dma_start3A_182 : memref<!tpu.dma_semaphore, #tpu.memory_space<semaphore_mem>>)
        } else {
        }
      } else {
      }
    }
    %scan3A_110 = arith.constant 125 : i32
    %barrier3A_111 = arith.constant 0 : index
    tpu.barrier barrier_id(%barrier3A_111)
    %scan3A_112 = arith.constant 0 : i32
    %scan3A_113 = arith.constant 0 : i32
    %scan3A_114 = arith.constant 8 : i32
    %scan3A_115 = arith.addi %scan3A_113, %scan3A_114 : i32
    %scan3A_116 = arith.constant 1 : i32
    scf.for %scan3A_118 = %scan3A_113 to %scan3A_115 step %scan3A_116  : i32 {
      %mul3A_119 = arith.constant 16 : i32
      %mul3A_120 = arith.muli %scan3A_118, %mul3A_119 : i32
      %add3A_121 = arith.addi %mul3A_120, %arg1 : i32
      %lt3A = arith.constant 125 : i32
      %lt3A_122 = arith.cmpi slt, %add3A_121, %lt3A : i32
      %convert_element_type3A = arith.extui %lt3A_122 : i1 to i32
      %cond3A = arith.constant 0 : i32
      %cond3A_123 = arith.cmpi ne, %convert_element_type3A, %cond3A : i32
      scf.if %cond3A_123 {
        %mul3A_124 = arith.constant 80 : i32
        %mul3A_125 = arith.muli %add3A_121, %mul3A_124 : i32
        %mul3A_126 = arith.constant 80 : i32
        %mul3A_127 = arith.muli %add3A_121, %mul3A_126 : i32
        "tpu.region"() ({
          %run_scoped3A = tpu.sem_alloc : memref<!tpu.dma_semaphore, #tpu.memory_space<semaphore_mem>>
          %dma_start3A_128 = arith.constant 0 : i32
          %dma_start3A_129 = arith.constant 0 : i32
          %dma_start3A_130 = tpu.memref_slice %arg5[%arg0, %dma_start3A_128, %dma_start3A_129] : memref<2x10000x128xf32, #tpu.memory_space<hbm>> -> memref<1x10000x128xf32, #tpu.memory_space<hbm>>
          %dma_start3A_131 = tpu.memref_squeeze %dma_start3A_130 : memref<1x10000x128xf32, #tpu.memory_space<hbm>> -> memref<10000x128xf32, #tpu.memory_space<hbm>>
          %dma_start3A_132 = arith.constant 0 : i32
          %dma_start3A_133 = tpu.memref_slice %dma_start3A_131[%mul3A_127, %dma_start3A_132] : memref<10000x128xf32, #tpu.memory_space<hbm>> -> memref<80x128xf32, #tpu.memory_space<hbm>>
          %dma_start3A_134 = arith.constant 0 : i32
          %dma_start3A_135 = tpu.memref_slice %arg10[%mul3A_125, %dma_start3A_134] : memref<10000x128xf32, #tpu.memory_space<vmem_shared>> -> memref<80x128xf32, #tpu.memory_space<vmem_shared>>
          tpu.enqueue_dma source(%dma_start3A_135 : memref<80x128xf32, #tpu.memory_space<vmem_shared>>) target(%dma_start3A_133 : memref<80x128xf32, #tpu.memory_space<hbm>>) target_semaphore(%run_scoped3A : memref<!tpu.dma_semaphore, #tpu.memory_space<semaphore_mem>>)
          %dma_wait3A_136 = arith.constant 0 : i32
          %dma_wait3A_137 = arith.constant 0 : i32
          %dma_wait3A_138 = tpu.memref_slice %arg5[%arg0, %dma_wait3A_136, %dma_wait3A_137] : memref<2x10000x128xf32, #tpu.memory_space<hbm>> -> memref<1x10000x128xf32, #tpu.memory_space<hbm>>
          %dma_wait3A_139 = tpu.memref_squeeze %dma_wait3A_138 : memref<1x10000x128xf32, #tpu.memory_space<hbm>> -> memref<10000x128xf32, #tpu.memory_space<hbm>>
          %dma_wait3A_140 = arith.constant 0 : i32
          %dma_wait3A_141 = tpu.memref_slice %dma_wait3A_139[%mul3A_127, %dma_wait3A_140] : memref<10000x128xf32, #tpu.memory_space<hbm>> -> memref<80x128xf32, #tpu.memory_space<hbm>>
          %dma_wait3A_142 = arith.constant 0 : i32
          %dma_wait3A_143 = tpu.memref_slice %arg10[%mul3A_125, %dma_wait3A_142] : memref<10000x128xf32, #tpu.memory_space<vmem_shared>> -> memref<80x128xf32, #tpu.memory_space<vmem_shared>>
          tpu.wait_dma2 semaphore(%run_scoped3A : memref<!tpu.dma_semaphore, #tpu.memory_space<semaphore_mem>>) src(%dma_wait3A_143 : memref<80x128xf32, #tpu.memory_space<vmem_shared>>) dst(%dma_wait3A_141 : memref<80x128xf32, #tpu.memory_space<hbm>>)
          tpu.yield
        }) : () -> ()
      } else {
      }
    }
    %scan3A_117 = arith.constant 8 : i32
    return
  }
}

module attributes {stable_mosaic.version = 14 : i64} {
  func.func @_gnn_body(%arg0: i32, %arg1: memref<400x128xf32, #tpu.memory_space<vmem>>, %arg2: memref<400x128xf32, #tpu.memory_space<vmem>>, %arg3: memref<400x128xf32, #tpu.memory_space<vmem>>, %arg4: memref<128x128xf32, #tpu.memory_space<vmem>>, %arg5: memref<128x128xf32, #tpu.memory_space<vmem>>, %arg6: memref<1x128xf32, #tpu.memory_space<vmem>>, %arg7: memref<400x128xf32, #tpu.memory_space<vmem>>) attributes {dimension_semantics = [#tpu.dimension_semantics<arbitrary>], iteration_bounds = array<i64: 25>, scalar_prefetch = 0 : i64, scratch_operands = 0 : i64, tpu.core_type = #tpu.core_type<tc>, window_params = [{transform_indices = @transform_0, window_bounds = array<i64: 400, 128>}, {transform_indices = @transform_1, window_bounds = array<i64: 400, 128>}, {transform_indices = @transform_2, window_bounds = array<i64: 400, 128>}, {pipeline_mode = #tpu.pipeline_mode<synchronous>, transform_indices = @transform_3, window_bounds = array<i64: 128, 128>}, {pipeline_mode = #tpu.pipeline_mode<synchronous>, transform_indices = @transform_4, window_bounds = array<i64: 128, 128>}, {pipeline_mode = #tpu.pipeline_mode<synchronous>, transform_indices = @transform_5, window_bounds = array<i64: 1, 128>}, {transform_indices = @transform_6, window_bounds = array<i64: 400, 128>}]} {
    %get3A = arith.constant 0 : index
    %get3A_0 = arith.constant 0 : index
    %get3A_1 = vector.load %arg2[%get3A, %get3A_0] : memref<400x128xf32, #tpu.memory_space<vmem>>, vector<400x128xf32>
    %get3A_2 = arith.constant 0 : index
    %get3A_3 = arith.constant 0 : index
    %get3A_4 = vector.load %arg3[%get3A_2, %get3A_3] : memref<400x128xf32, #tpu.memory_space<vmem>>, vector<400x128xf32>
    %add3A = arith.addf %get3A_1, %get3A_4 : vector<400x128xf32>
    %get3A_5 = arith.constant 0 : index
    %get3A_6 = arith.constant 0 : index
    %get3A_7 = vector.load %arg1[%get3A_5, %get3A_6] : memref<400x128xf32, #tpu.memory_space<vmem>>, vector<400x128xf32>
    %get3A_8 = arith.constant 0 : index
    %get3A_9 = arith.constant 0 : index
    %get3A_10 = vector.load %arg4[%get3A_8, %get3A_9] : memref<128x128xf32, #tpu.memory_space<vmem>>, vector<128x128xf32>
    %dot_general3A = arith.constant dense<0.000000e+00> : vector<400x128xf32>
    %dot_general3A_11 = tpu.matmul %get3A_7, %get3A_10, %dot_general3A {dimension_numbers = #tpu.dot_dimension_numbers<[1], [0], [0], [1], [0, 0, 1, 1], [], []>, transpose_lhs_hint = false} : vector<400x128xf32>, vector<128x128xf32>, vector<400x128xf32> -> vector<400x128xf32>
    %get3A_12 = arith.constant 0 : index
    %get3A_13 = arith.constant 0 : index
    %get3A_14 = vector.load %arg5[%get3A_12, %get3A_13] : memref<128x128xf32, #tpu.memory_space<vmem>>, vector<128x128xf32>
    %dot_general3A_15 = arith.constant dense<0.000000e+00> : vector<400x128xf32>
    %dot_general3A_16 = tpu.matmul %add3A, %get3A_14, %dot_general3A_15 {dimension_numbers = #tpu.dot_dimension_numbers<[1], [0], [0], [1], [0, 0, 1, 1], [], []>, transpose_lhs_hint = false} : vector<400x128xf32>, vector<128x128xf32>, vector<400x128xf32> -> vector<400x128xf32>
    %add3A_17 = arith.addf %dot_general3A_11, %dot_general3A_16 : vector<400x128xf32>
    %get3A_18 = arith.constant 0 : index
    %get3A_19 = arith.constant 0 : index
    %get3A_20 = vector.load %arg6[%get3A_18, %get3A_19] : memref<1x128xf32, #tpu.memory_space<vmem>>, vector<1x128xf32>
    %add3A_21 = vector.broadcast %get3A_20 : vector<1x128xf32> to vector<400x128xf32>
    %add3A_22 = arith.addf %add3A_17, %add3A_21 : vector<400x128xf32>
    %max3A = arith.constant 0.000000e+00 : f32
    %max3A_23 = vector.broadcast %max3A : f32 to vector<400x128xf32>
    %max3A_24 = arith.maximumf %add3A_22, %max3A_23 : vector<400x128xf32>
    %swap3A = arith.constant 0 : index
    %swap3A_25 = arith.constant 0 : index
    %swap3A_26 = vector.load %arg7[%swap3A, %swap3A_25] : memref<400x128xf32, #tpu.memory_space<vmem>>, vector<400x128xf32>
    tpu.vector_store %arg7[%swap3A, %swap3A_25], %max3A_24 {strides = array<i32>} : memref<400x128xf32, #tpu.memory_space<vmem>>, vector<400x128xf32>,
    return
  }
  func.func @transform_0(%arg0: i32) -> (i32, i32) {
    %c0_i32 = arith.constant 0 : i32
    %c0_i32_0 = arith.constant 0 : i32
    return %arg0, %c0_i32 : i32, i32
  }
  func.func @transform_1(%arg0: i32) -> (i32, i32) {
    %c0_i32 = arith.constant 0 : i32
    %c0_i32_0 = arith.constant 0 : i32
    return %arg0, %c0_i32 : i32, i32
  }
  func.func @transform_2(%arg0: i32) -> (i32, i32) {
    %c0_i32 = arith.constant 0 : i32
    %c0_i32_0 = arith.constant 0 : i32
    return %arg0, %c0_i32 : i32, i32
  }
  func.func @transform_3(%arg0: i32) -> (i32, i32) {
    %c0_i32 = arith.constant 0 : i32
    %c0_i32_0 = arith.constant 0 : i32
    %c0_i32_1 = arith.constant 0 : i32
    return %c0_i32, %c0_i32_0 : i32, i32
  }
  func.func @transform_4(%arg0: i32) -> (i32, i32) {
    %c0_i32 = arith.constant 0 : i32
    %c0_i32_0 = arith.constant 0 : i32
    %c0_i32_1 = arith.constant 0 : i32
    return %c0_i32, %c0_i32_0 : i32, i32
  }
  func.func @transform_5(%arg0: i32) -> (i32, i32) {
    %c0_i32 = arith.constant 0 : i32
    %c0_i32_0 = arith.constant 0 : i32
    %c0_i32_1 = arith.constant 0 : i32
    return %c0_i32, %c0_i32_0 : i32, i32
  }
  func.func @transform_6(%arg0: i32) -> (i32, i32) {
    %c0_i32 = arith.constant 0 : i32
    %c0_i32_0 = arith.constant 0 : i32
    return %arg0, %c0_i32 : i32, i32
  }
}

module attributes {stable_mosaic.version = 14 : i64} {
  func.func @_lstm_attn_body(%arg0: memref<64xi32, #tpu.memory_space<smem>>, %arg1: memref<64xi32, #tpu.memory_space<smem>>, %arg2: memref<1xi32, #tpu.memory_space<smem>>, %arg3: memref<10000x128xf32, #tpu.memory_space<vmem>>, %arg4: memref<128x512xf32, #tpu.memory_space<vmem>>, %arg5: memref<128x512xf32, #tpu.memory_space<vmem>>, %arg6: memref<1x512xf32, #tpu.memory_space<vmem>>, %arg7: memref<128x128xf32, #tpu.memory_space<vmem>>, %arg8: memref<1x128xf32, #tpu.memory_space<vmem>>, %arg9: memref<64x128xf32, #tpu.memory_space<vmem>>, %arg10: memref<10240x1xf32, #tpu.memory_space<vmem>>, %arg11: memref<64x128xf32, #tpu.memory_space<vmem>>, %arg12: memref<64x128xf32, #tpu.memory_space<vmem>>, %arg13: memref<64x128xf32, #tpu.memory_space<vmem>>, %arg14: memref<10240x128xf32, #tpu.memory_space<vmem>>, %arg15: memref<10240x1xf32, #tpu.memory_space<vmem>>) attributes {dimension_semantics = [], scalar_prefetch = 0 : i64, scratch_operands = 5 : i64, tpu.core_type = #tpu.core_type<tc>} {
    %broadcast_in_dim3A = arith.constant 0.000000e+00 : f32
    %broadcast_in_dim3A_0 = vector.broadcast %broadcast_in_dim3A : f32 to vector<64x128xf32>
    %swap3A = arith.constant 0 : index
    %swap3A_1 = arith.constant 0 : index
    %swap3A_2 = vector.load %arg11[%swap3A, %swap3A_1] : memref<64x128xf32, #tpu.memory_space<vmem>>, vector<64x128xf32>
    tpu.vector_store %arg11[%swap3A, %swap3A_1], %broadcast_in_dim3A_0 {strides = array<i32>} : memref<64x128xf32, #tpu.memory_space<vmem>>, vector<64x128xf32>,
    %broadcast_in_dim3A_3 = arith.constant 0.000000e+00 : f32
    %broadcast_in_dim3A_4 = vector.broadcast %broadcast_in_dim3A_3 : f32 to vector<64x128xf32>
    %swap3A_5 = arith.constant 0 : index
    %swap3A_6 = arith.constant 0 : index
    %swap3A_7 = vector.load %arg12[%swap3A_5, %swap3A_6] : memref<64x128xf32, #tpu.memory_space<vmem>>, vector<64x128xf32>
    tpu.vector_store %arg12[%swap3A_5, %swap3A_6], %broadcast_in_dim3A_4 {strides = array<i32>} : memref<64x128xf32, #tpu.memory_space<vmem>>, vector<64x128xf32>,
    %get3A = arith.constant 0 : index
    %get3A_8 = memref.load %arg2[%get3A] : memref<1xi32, #tpu.memory_space<smem>>
    %while3A = arith.constant 0 : i32
    %while3A_9 = arith.constant 0 : i32
    %while3A_10 = arith.subi %get3A_8, %while3A_9 : i32
    %while3A_11 = arith.addi %while3A_9, %while3A_10 : i32
    %while3A_12 = arith.constant 1 : i32
    %while3A_13 = arith.divsi %while3A_10, %while3A_12 : i32
    %while3A_14 = arith.muli %while3A_13, %while3A_12 : i32
    %while3A_15 = arith.addi %while3A_9, %while3A_14 : i32
    %while3A_16 = arith.constant 1 : i32
    scf.for %while3A_31 = %while3A_9 to %while3A_15 step %while3A_16  : i32 {
      %get3A_32 = arith.constant 0 : index
      %get3A_33 = memref.load %arg0[%get3A_32] : memref<64xi32, #tpu.memory_space<smem>>
      %add3A = arith.addi %get3A_33, %while3A_31 : i32
      %min3A = arith.constant 9999 : i32
      %min3A_34 = arith.minsi %add3A, %min3A : i32
      %get3A_35 = arith.index_cast %min3A_34 : i32 to index
      %get3A_36 = arith.constant 0 : index
      %get3A_37 = vector.load %arg3[%get3A_35, %get3A_36] : memref<10000x128xf32, #tpu.memory_space<vmem>>, vector<1x128xf32>
      %swap3A_38 = arith.constant 0 : index
      %swap3A_39 = arith.constant 0 : index
      %swap3A_40 = vector.load %arg13[%swap3A_38, %swap3A_39] : memref<64x128xf32, #tpu.memory_space<vmem>>, vector<1x128xf32>
      tpu.vector_store %arg13[%swap3A_38, %swap3A_39], %get3A_37 {strides = array<i32>} : memref<64x128xf32, #tpu.memory_space<vmem>>, vector<1x128xf32>,
      %get3A_41 = arith.constant 1 : index
      %get3A_42 = memref.load %arg0[%get3A_41] : memref<64xi32, #tpu.memory_space<smem>>
      %add3A_43 = arith.addi %get3A_42, %while3A_31 : i32
      %min3A_44 = arith.constant 9999 : i32
      %min3A_45 = arith.minsi %add3A_43, %min3A_44 : i32
      %get3A_46 = arith.index_cast %min3A_45 : i32 to index
      %get3A_47 = arith.constant 0 : index
      %get3A_48 = vector.load %arg3[%get3A_46, %get3A_47] : memref<10000x128xf32, #tpu.memory_space<vmem>>, vector<1x128xf32>
      %swap3A_49 = arith.constant 1 : index
      %swap3A_50 = arith.constant 0 : index
      %swap3A_51 = vector.load %arg13[%swap3A_49, %swap3A_50] : memref<64x128xf32, #tpu.memory_space<vmem>>, vector<1x128xf32>
      tpu.vector_store %arg13[%swap3A_49, %swap3A_50], %get3A_48 {strides = array<i32>} : memref<64x128xf32, #tpu.memory_space<vmem>>, vector<1x128xf32>,
      %get3A_52 = arith.constant 2 : index
      %get3A_53 = memref.load %arg0[%get3A_52] : memref<64xi32, #tpu.memory_space<smem>>
      %add3A_54 = arith.addi %get3A_53, %while3A_31 : i32
      %min3A_55 = arith.constant 9999 : i32
      %min3A_56 = arith.minsi %add3A_54, %min3A_55 : i32
      %get3A_57 = arith.index_cast %min3A_56 : i32 to index
      %get3A_58 = arith.constant 0 : index
      %get3A_59 = vector.load %arg3[%get3A_57, %get3A_58] : memref<10000x128xf32, #tpu.memory_space<vmem>>, vector<1x128xf32>
      %swap3A_60 = arith.constant 2 : index
      %swap3A_61 = arith.constant 0 : index
      %swap3A_62 = vector.load %arg13[%swap3A_60, %swap3A_61] : memref<64x128xf32, #tpu.memory_space<vmem>>, vector<1x128xf32>
      tpu.vector_store %arg13[%swap3A_60, %swap3A_61], %get3A_59 {strides = array<i32>} : memref<64x128xf32, #tpu.memory_space<vmem>>, vector<1x128xf32>,
      %get3A_63 = arith.constant 3 : index
      %get3A_64 = memref.load %arg0[%get3A_63] : memref<64xi32, #tpu.memory_space<smem>>
      %add3A_65 = arith.addi %get3A_64, %while3A_31 : i32
      %min3A_66 = arith.constant 9999 : i32
      %min3A_67 = arith.minsi %add3A_65, %min3A_66 : i32
      %get3A_68 = arith.index_cast %min3A_67 : i32 to index
      %get3A_69 = arith.constant 0 : index
      %get3A_70 = vector.load %arg3[%get3A_68, %get3A_69] : memref<10000x128xf32, #tpu.memory_space<vmem>>, vector<1x128xf32>
      %swap3A_71 = arith.constant 3 : index
      %swap3A_72 = arith.constant 0 : index
      %swap3A_73 = vector.load %arg13[%swap3A_71, %swap3A_72] : memref<64x128xf32, #tpu.memory_space<vmem>>, vector<1x128xf32>
      tpu.vector_store %arg13[%swap3A_71, %swap3A_72], %get3A_70 {strides = array<i32>} : memref<64x128xf32, #tpu.memory_space<vmem>>, vector<1x128xf32>,
      %get3A_74 = arith.constant 4 : index
      %get3A_75 = memref.load %arg0[%get3A_74] : memref<64xi32, #tpu.memory_space<smem>>
      %add3A_76 = arith.addi %get3A_75, %while3A_31 : i32
      %min3A_77 = arith.constant 9999 : i32
      %min3A_78 = arith.minsi %add3A_76, %min3A_77 : i32
      %get3A_79 = arith.index_cast %min3A_78 : i32 to index
      %get3A_80 = arith.constant 0 : index
      %get3A_81 = vector.load %arg3[%get3A_79, %get3A_80] : memref<10000x128xf32, #tpu.memory_space<vmem>>, vector<1x128xf32>
      %swap3A_82 = arith.constant 4 : index
      %swap3A_83 = arith.constant 0 : index
      %swap3A_84 = vector.load %arg13[%swap3A_82, %swap3A_83] : memref<64x128xf32, #tpu.memory_space<vmem>>, vector<1x128xf32>
      tpu.vector_store %arg13[%swap3A_82, %swap3A_83], %get3A_81 {strides = array<i32>} : memref<64x128xf32, #tpu.memory_space<vmem>>, vector<1x128xf32>,
      %get3A_85 = arith.constant 5 : index
      %get3A_86 = memref.load %arg0[%get3A_85] : memref<64xi32, #tpu.memory_space<smem>>
      %add3A_87 = arith.addi %get3A_86, %while3A_31 : i32
      %min3A_88 = arith.constant 9999 : i32
      %min3A_89 = arith.minsi %add3A_87, %min3A_88 : i32
      %get3A_90 = arith.index_cast %min3A_89 : i32 to index
      %get3A_91 = arith.constant 0 : index
      %get3A_92 = vector.load %arg3[%get3A_90, %get3A_91] : memref<10000x128xf32, #tpu.memory_space<vmem>>, vector<1x128xf32>
      %swap3A_93 = arith.constant 5 : index
      %swap3A_94 = arith.constant 0 : index
      %swap3A_95 = vector.load %arg13[%swap3A_93, %swap3A_94] : memref<64x128xf32, #tpu.memory_space<vmem>>, vector<1x128xf32>
      tpu.vector_store %arg13[%swap3A_93, %swap3A_94], %get3A_92 {strides = array<i32>} : memref<64x128xf32, #tpu.memory_space<vmem>>, vector<1x128xf32>,
      %get3A_96 = arith.constant 6 : index
      %get3A_97 = memref.load %arg0[%get3A_96] : memref<64xi32, #tpu.memory_space<smem>>
      %add3A_98 = arith.addi %get3A_97, %while3A_31 : i32
      %min3A_99 = arith.constant 9999 : i32
      %min3A_100 = arith.minsi %add3A_98, %min3A_99 : i32
      %get3A_101 = arith.index_cast %min3A_100 : i32 to index
      %get3A_102 = arith.constant 0 : index
      %get3A_103 = vector.load %arg3[%get3A_101, %get3A_102] : memref<10000x128xf32, #tpu.memory_space<vmem>>, vector<1x128xf32>
      %swap3A_104 = arith.constant 6 : index
      %swap3A_105 = arith.constant 0 : index
      %swap3A_106 = vector.load %arg13[%swap3A_104, %swap3A_105] : memref<64x128xf32, #tpu.memory_space<vmem>>, vector<1x128xf32>
      tpu.vector_store %arg13[%swap3A_104, %swap3A_105], %get3A_103 {strides = array<i32>} : memref<64x128xf32, #tpu.memory_space<vmem>>, vector<1x128xf32>,
      %get3A_107 = arith.constant 7 : index
      %get3A_108 = memref.load %arg0[%get3A_107] : memref<64xi32, #tpu.memory_space<smem>>
      %add3A_109 = arith.addi %get3A_108, %while3A_31 : i32
      %min3A_110 = arith.constant 9999 : i32
      %min3A_111 = arith.minsi %add3A_109, %min3A_110 : i32
      %get3A_112 = arith.index_cast %min3A_111 : i32 to index
      %get3A_113 = arith.constant 0 : index
      %get3A_114 = vector.load %arg3[%get3A_112, %get3A_113] : memref<10000x128xf32, #tpu.memory_space<vmem>>, vector<1x128xf32>
      %swap3A_115 = arith.constant 7 : index
      %swap3A_116 = arith.constant 0 : index
      %swap3A_117 = vector.load %arg13[%swap3A_115, %swap3A_116] : memref<64x128xf32, #tpu.memory_space<vmem>>, vector<1x128xf32>
      tpu.vector_store %arg13[%swap3A_115, %swap3A_116], %get3A_114 {strides = array<i32>} : memref<64x128xf32, #tpu.memory_space<vmem>>, vector<1x128xf32>,
      %get3A_118 = arith.constant 8 : index
      %get3A_119 = memref.load %arg0[%get3A_118] : memref<64xi32, #tpu.memory_space<smem>>
      %add3A_120 = arith.addi %get3A_119, %while3A_31 : i32
      %min3A_121 = arith.constant 9999 : i32
      %min3A_122 = arith.minsi %add3A_120, %min3A_121 : i32
      %get3A_123 = arith.index_cast %min3A_122 : i32 to index
      %get3A_124 = arith.constant 0 : index
      %get3A_125 = vector.load %arg3[%get3A_123, %get3A_124] : memref<10000x128xf32, #tpu.memory_space<vmem>>, vector<1x128xf32>
      %swap3A_126 = arith.constant 8 : index
      %swap3A_127 = arith.constant 0 : index
      %swap3A_128 = vector.load %arg13[%swap3A_126, %swap3A_127] : memref<64x128xf32, #tpu.memory_space<vmem>>, vector<1x128xf32>
      tpu.vector_store %arg13[%swap3A_126, %swap3A_127], %get3A_125 {strides = array<i32>} : memref<64x128xf32, #tpu.memory_space<vmem>>, vector<1x128xf32>,
      %get3A_129 = arith.constant 9 : index
      %get3A_130 = memref.load %arg0[%get3A_129] : memref<64xi32, #tpu.memory_space<smem>>
      %add3A_131 = arith.addi %get3A_130, %while3A_31 : i32
      %min3A_132 = arith.constant 9999 : i32
      %min3A_133 = arith.minsi %add3A_131, %min3A_132 : i32
      %get3A_134 = arith.index_cast %min3A_133 : i32 to index
      %get3A_135 = arith.constant 0 : index
      %get3A_136 = vector.load %arg3[%get3A_134, %get3A_135] : memref<10000x128xf32, #tpu.memory_space<vmem>>, vector<1x128xf32>
      %swap3A_137 = arith.constant 9 : index
      %swap3A_138 = arith.constant 0 : index
      %swap3A_139 = vector.load %arg13[%swap3A_137, %swap3A_138] : memref<64x128xf32, #tpu.memory_space<vmem>>, vector<1x128xf32>
      tpu.vector_store %arg13[%swap3A_137, %swap3A_138], %get3A_136 {strides = array<i32>} : memref<64x128xf32, #tpu.memory_space<vmem>>, vector<1x128xf32>,
      %get3A_140 = arith.constant 10 : index
      %get3A_141 = memref.load %arg0[%get3A_140] : memref<64xi32, #tpu.memory_space<smem>>
      %add3A_142 = arith.addi %get3A_141, %while3A_31 : i32
      %min3A_143 = arith.constant 9999 : i32
      %min3A_144 = arith.minsi %add3A_142, %min3A_143 : i32
      %get3A_145 = arith.index_cast %min3A_144 : i32 to index
      %get3A_146 = arith.constant 0 : index
      %get3A_147 = vector.load %arg3[%get3A_145, %get3A_146] : memref<10000x128xf32, #tpu.memory_space<vmem>>, vector<1x128xf32>
      %swap3A_148 = arith.constant 10 : index
      %swap3A_149 = arith.constant 0 : index
      %swap3A_150 = vector.load %arg13[%swap3A_148, %swap3A_149] : memref<64x128xf32, #tpu.memory_space<vmem>>, vector<1x128xf32>
      tpu.vector_store %arg13[%swap3A_148, %swap3A_149], %get3A_147 {strides = array<i32>} : memref<64x128xf32, #tpu.memory_space<vmem>>, vector<1x128xf32>,
      %get3A_151 = arith.constant 11 : index
      %get3A_152 = memref.load %arg0[%get3A_151] : memref<64xi32, #tpu.memory_space<smem>>
      %add3A_153 = arith.addi %get3A_152, %while3A_31 : i32
      %min3A_154 = arith.constant 9999 : i32
      %min3A_155 = arith.minsi %add3A_153, %min3A_154 : i32
      %get3A_156 = arith.index_cast %min3A_155 : i32 to index
      %get3A_157 = arith.constant 0 : index
      %get3A_158 = vector.load %arg3[%get3A_156, %get3A_157] : memref<10000x128xf32, #tpu.memory_space<vmem>>, vector<1x128xf32>
      %swap3A_159 = arith.constant 11 : index
      %swap3A_160 = arith.constant 0 : index
      %swap3A_161 = vector.load %arg13[%swap3A_159, %swap3A_160] : memref<64x128xf32, #tpu.memory_space<vmem>>, vector<1x128xf32>
      tpu.vector_store %arg13[%swap3A_159, %swap3A_160], %get3A_158 {strides = array<i32>} : memref<64x128xf32, #tpu.memory_space<vmem>>, vector<1x128xf32>,
      %get3A_162 = arith.constant 12 : index
      %get3A_163 = memref.load %arg0[%get3A_162] : memref<64xi32, #tpu.memory_space<smem>>
      %add3A_164 = arith.addi %get3A_163, %while3A_31 : i32
      %min3A_165 = arith.constant 9999 : i32
      %min3A_166 = arith.minsi %add3A_164, %min3A_165 : i32
      %get3A_167 = arith.index_cast %min3A_166 : i32 to index
      %get3A_168 = arith.constant 0 : index
      %get3A_169 = vector.load %arg3[%get3A_167, %get3A_168] : memref<10000x128xf32, #tpu.memory_space<vmem>>, vector<1x128xf32>
      %swap3A_170 = arith.constant 12 : index
      %swap3A_171 = arith.constant 0 : index
      %swap3A_172 = vector.load %arg13[%swap3A_170, %swap3A_171] : memref<64x128xf32, #tpu.memory_space<vmem>>, vector<1x128xf32>
      tpu.vector_store %arg13[%swap3A_170, %swap3A_171], %get3A_169 {strides = array<i32>} : memref<64x128xf32, #tpu.memory_space<vmem>>, vector<1x128xf32>,
      %get3A_173 = arith.constant 13 : index
      %get3A_174 = memref.load %arg0[%get3A_173] : memref<64xi32, #tpu.memory_space<smem>>
      %add3A_175 = arith.addi %get3A_174, %while3A_31 : i32
      %min3A_176 = arith.constant 9999 : i32
      %min3A_177 = arith.minsi %add3A_175, %min3A_176 : i32
      %get3A_178 = arith.index_cast %min3A_177 : i32 to index
      %get3A_179 = arith.constant 0 : index
      %get3A_180 = vector.load %arg3[%get3A_178, %get3A_179] : memref<10000x128xf32, #tpu.memory_space<vmem>>, vector<1x128xf32>
      %swap3A_181 = arith.constant 13 : index
      %swap3A_182 = arith.constant 0 : index
      %swap3A_183 = vector.load %arg13[%swap3A_181, %swap3A_182] : memref<64x128xf32, #tpu.memory_space<vmem>>, vector<1x128xf32>
      tpu.vector_store %arg13[%swap3A_181, %swap3A_182], %get3A_180 {strides = array<i32>} : memref<64x128xf32, #tpu.memory_space<vmem>>, vector<1x128xf32>,
      %get3A_184 = arith.constant 14 : index
      %get3A_185 = memref.load %arg0[%get3A_184] : memref<64xi32, #tpu.memory_space<smem>>
      %add3A_186 = arith.addi %get3A_185, %while3A_31 : i32
      %min3A_187 = arith.constant 9999 : i32
      %min3A_188 = arith.minsi %add3A_186, %min3A_187 : i32
      %get3A_189 = arith.index_cast %min3A_188 : i32 to index
      %get3A_190 = arith.constant 0 : index
      %get3A_191 = vector.load %arg3[%get3A_189, %get3A_190] : memref<10000x128xf32, #tpu.memory_space<vmem>>, vector<1x128xf32>
      %swap3A_192 = arith.constant 14 : index
      %swap3A_193 = arith.constant 0 : index
      %swap3A_194 = vector.load %arg13[%swap3A_192, %swap3A_193] : memref<64x128xf32, #tpu.memory_space<vmem>>, vector<1x128xf32>
      tpu.vector_store %arg13[%swap3A_192, %swap3A_193], %get3A_191 {strides = array<i32>} : memref<64x128xf32, #tpu.memory_space<vmem>>, vector<1x128xf32>,
      %get3A_195 = arith.constant 15 : index
      %get3A_196 = memref.load %arg0[%get3A_195] : memref<64xi32, #tpu.memory_space<smem>>
      %add3A_197 = arith.addi %get3A_196, %while3A_31 : i32
      %min3A_198 = arith.constant 9999 : i32
      %min3A_199 = arith.minsi %add3A_197, %min3A_198 : i32
      %get3A_200 = arith.index_cast %min3A_199 : i32 to index
      %get3A_201 = arith.constant 0 : index
      %get3A_202 = vector.load %arg3[%get3A_200, %get3A_201] : memref<10000x128xf32, #tpu.memory_space<vmem>>, vector<1x128xf32>
      %swap3A_203 = arith.constant 15 : index
      %swap3A_204 = arith.constant 0 : index
      %swap3A_205 = vector.load %arg13[%swap3A_203, %swap3A_204] : memref<64x128xf32, #tpu.memory_space<vmem>>, vector<1x128xf32>
      tpu.vector_store %arg13[%swap3A_203, %swap3A_204], %get3A_202 {strides = array<i32>} : memref<64x128xf32, #tpu.memory_space<vmem>>, vector<1x128xf32>,
      %get3A_206 = arith.constant 16 : index
      %get3A_207 = memref.load %arg0[%get3A_206] : memref<64xi32, #tpu.memory_space<smem>>
      %add3A_208 = arith.addi %get3A_207, %while3A_31 : i32
      %min3A_209 = arith.constant 9999 : i32
      %min3A_210 = arith.minsi %add3A_208, %min3A_209 : i32
      %get3A_211 = arith.index_cast %min3A_210 : i32 to index
      %get3A_212 = arith.constant 0 : index
      %get3A_213 = vector.load %arg3[%get3A_211, %get3A_212] : memref<10000x128xf32, #tpu.memory_space<vmem>>, vector<1x128xf32>
      %swap3A_214 = arith.constant 16 : index
      %swap3A_215 = arith.constant 0 : index
      %swap3A_216 = vector.load %arg13[%swap3A_214, %swap3A_215] : memref<64x128xf32, #tpu.memory_space<vmem>>, vector<1x128xf32>
      tpu.vector_store %arg13[%swap3A_214, %swap3A_215], %get3A_213 {strides = array<i32>} : memref<64x128xf32, #tpu.memory_space<vmem>>, vector<1x128xf32>,
      %get3A_217 = arith.constant 17 : index
      %get3A_218 = memref.load %arg0[%get3A_217] : memref<64xi32, #tpu.memory_space<smem>>
      %add3A_219 = arith.addi %get3A_218, %while3A_31 : i32
      %min3A_220 = arith.constant 9999 : i32
      %min3A_221 = arith.minsi %add3A_219, %min3A_220 : i32
      %get3A_222 = arith.index_cast %min3A_221 : i32 to index
      %get3A_223 = arith.constant 0 : index
      %get3A_224 = vector.load %arg3[%get3A_222, %get3A_223] : memref<10000x128xf32, #tpu.memory_space<vmem>>, vector<1x128xf32>
      %swap3A_225 = arith.constant 17 : index
      %swap3A_226 = arith.constant 0 : index
      %swap3A_227 = vector.load %arg13[%swap3A_225, %swap3A_226] : memref<64x128xf32, #tpu.memory_space<vmem>>, vector<1x128xf32>
      tpu.vector_store %arg13[%swap3A_225, %swap3A_226], %get3A_224 {strides = array<i32>} : memref<64x128xf32, #tpu.memory_space<vmem>>, vector<1x128xf32>,
      %get3A_228 = arith.constant 18 : index
      %get3A_229 = memref.load %arg0[%get3A_228] : memref<64xi32, #tpu.memory_space<smem>>
      %add3A_230 = arith.addi %get3A_229, %while3A_31 : i32
      %min3A_231 = arith.constant 9999 : i32
      %min3A_232 = arith.minsi %add3A_230, %min3A_231 : i32
      %get3A_233 = arith.index_cast %min3A_232 : i32 to index
      %get3A_234 = arith.constant 0 : index
      %get3A_235 = vector.load %arg3[%get3A_233, %get3A_234] : memref<10000x128xf32, #tpu.memory_space<vmem>>, vector<1x128xf32>
      %swap3A_236 = arith.constant 18 : index
      %swap3A_237 = arith.constant 0 : index
      %swap3A_238 = vector.load %arg13[%swap3A_236, %swap3A_237] : memref<64x128xf32, #tpu.memory_space<vmem>>, vector<1x128xf32>
      tpu.vector_store %arg13[%swap3A_236, %swap3A_237], %get3A_235 {strides = array<i32>} : memref<64x128xf32, #tpu.memory_space<vmem>>, vector<1x128xf32>,
      %get3A_239 = arith.constant 19 : index
      %get3A_240 = memref.load %arg0[%get3A_239] : memref<64xi32, #tpu.memory_space<smem>>
      %add3A_241 = arith.addi %get3A_240, %while3A_31 : i32
      %min3A_242 = arith.constant 9999 : i32
      %min3A_243 = arith.minsi %add3A_241, %min3A_242 : i32
      %get3A_244 = arith.index_cast %min3A_243 : i32 to index
      %get3A_245 = arith.constant 0 : index
      %get3A_246 = vector.load %arg3[%get3A_244, %get3A_245] : memref<10000x128xf32, #tpu.memory_space<vmem>>, vector<1x128xf32>
      %swap3A_247 = arith.constant 19 : index
      %swap3A_248 = arith.constant 0 : index
      %swap3A_249 = vector.load %arg13[%swap3A_247, %swap3A_248] : memref<64x128xf32, #tpu.memory_space<vmem>>, vector<1x128xf32>
      tpu.vector_store %arg13[%swap3A_247, %swap3A_248], %get3A_246 {strides = array<i32>} : memref<64x128xf32, #tpu.memory_space<vmem>>, vector<1x128xf32>,
      %get3A_250 = arith.constant 20 : index
      %get3A_251 = memref.load %arg0[%get3A_250] : memref<64xi32, #tpu.memory_space<smem>>
      %add3A_252 = arith.addi %get3A_251, %while3A_31 : i32
      %min3A_253 = arith.constant 9999 : i32
      %min3A_254 = arith.minsi %add3A_252, %min3A_253 : i32
      %get3A_255 = arith.index_cast %min3A_254 : i32 to index
      %get3A_256 = arith.constant 0 : index
      %get3A_257 = vector.load %arg3[%get3A_255, %get3A_256] : memref<10000x128xf32, #tpu.memory_space<vmem>>, vector<1x128xf32>
      %swap3A_258 = arith.constant 20 : index
      %swap3A_259 = arith.constant 0 : index
      %swap3A_260 = vector.load %arg13[%swap3A_258, %swap3A_259] : memref<64x128xf32, #tpu.memory_space<vmem>>, vector<1x128xf32>
      tpu.vector_store %arg13[%swap3A_258, %swap3A_259], %get3A_257 {strides = array<i32>} : memref<64x128xf32, #tpu.memory_space<vmem>>, vector<1x128xf32>,
      %get3A_261 = arith.constant 21 : index
      %get3A_262 = memref.load %arg0[%get3A_261] : memref<64xi32, #tpu.memory_space<smem>>
      %add3A_263 = arith.addi %get3A_262, %while3A_31 : i32
      %min3A_264 = arith.constant 9999 : i32
      %min3A_265 = arith.minsi %add3A_263, %min3A_264 : i32
      %get3A_266 = arith.index_cast %min3A_265 : i32 to index
      %get3A_267 = arith.constant 0 : index
      %get3A_268 = vector.load %arg3[%get3A_266, %get3A_267] : memref<10000x128xf32, #tpu.memory_space<vmem>>, vector<1x128xf32>
      %swap3A_269 = arith.constant 21 : index
      %swap3A_270 = arith.constant 0 : index
      %swap3A_271 = vector.load %arg13[%swap3A_269, %swap3A_270] : memref<64x128xf32, #tpu.memory_space<vmem>>, vector<1x128xf32>
      tpu.vector_store %arg13[%swap3A_269, %swap3A_270], %get3A_268 {strides = array<i32>} : memref<64x128xf32, #tpu.memory_space<vmem>>, vector<1x128xf32>,
      %get3A_272 = arith.constant 22 : index
      %get3A_273 = memref.load %arg0[%get3A_272] : memref<64xi32, #tpu.memory_space<smem>>
      %add3A_274 = arith.addi %get3A_273, %while3A_31 : i32
      %min3A_275 = arith.constant 9999 : i32
      %min3A_276 = arith.minsi %add3A_274, %min3A_275 : i32
      %get3A_277 = arith.index_cast %min3A_276 : i32 to index
      %get3A_278 = arith.constant 0 : index
      %get3A_279 = vector.load %arg3[%get3A_277, %get3A_278] : memref<10000x128xf32, #tpu.memory_space<vmem>>, vector<1x128xf32>
      %swap3A_280 = arith.constant 22 : index
      %swap3A_281 = arith.constant 0 : index
      %swap3A_282 = vector.load %arg13[%swap3A_280, %swap3A_281] : memref<64x128xf32, #tpu.memory_space<vmem>>, vector<1x128xf32>
      tpu.vector_store %arg13[%swap3A_280, %swap3A_281], %get3A_279 {strides = array<i32>} : memref<64x128xf32, #tpu.memory_space<vmem>>, vector<1x128xf32>,
      %get3A_283 = arith.constant 23 : index
      %get3A_284 = memref.load %arg0[%get3A_283] : memref<64xi32, #tpu.memory_space<smem>>
      %add3A_285 = arith.addi %get3A_284, %while3A_31 : i32
      %min3A_286 = arith.constant 9999 : i32
      %min3A_287 = arith.minsi %add3A_285, %min3A_286 : i32
      %get3A_288 = arith.index_cast %min3A_287 : i32 to index
      %get3A_289 = arith.constant 0 : index
      %get3A_290 = vector.load %arg3[%get3A_288, %get3A_289] : memref<10000x128xf32, #tpu.memory_space<vmem>>, vector<1x128xf32>
      %swap3A_291 = arith.constant 23 : index
      %swap3A_292 = arith.constant 0 : index
      %swap3A_293 = vector.load %arg13[%swap3A_291, %swap3A_292] : memref<64x128xf32, #tpu.memory_space<vmem>>, vector<1x128xf32>
      tpu.vector_store %arg13[%swap3A_291, %swap3A_292], %get3A_290 {strides = array<i32>} : memref<64x128xf32, #tpu.memory_space<vmem>>, vector<1x128xf32>,
      %get3A_294 = arith.constant 24 : index
      %get3A_295 = memref.load %arg0[%get3A_294] : memref<64xi32, #tpu.memory_space<smem>>
      %add3A_296 = arith.addi %get3A_295, %while3A_31 : i32
      %min3A_297 = arith.constant 9999 : i32
      %min3A_298 = arith.minsi %add3A_296, %min3A_297 : i32
      %get3A_299 = arith.index_cast %min3A_298 : i32 to index
      %get3A_300 = arith.constant 0 : index
      %get3A_301 = vector.load %arg3[%get3A_299, %get3A_300] : memref<10000x128xf32, #tpu.memory_space<vmem>>, vector<1x128xf32>
      %swap3A_302 = arith.constant 24 : index
      %swap3A_303 = arith.constant 0 : index
      %swap3A_304 = vector.load %arg13[%swap3A_302, %swap3A_303] : memref<64x128xf32, #tpu.memory_space<vmem>>, vector<1x128xf32>
      tpu.vector_store %arg13[%swap3A_302, %swap3A_303], %get3A_301 {strides = array<i32>} : memref<64x128xf32, #tpu.memory_space<vmem>>, vector<1x128xf32>,
      %get3A_305 = arith.constant 25 : index
      %get3A_306 = memref.load %arg0[%get3A_305] : memref<64xi32, #tpu.memory_space<smem>>
      %add3A_307 = arith.addi %get3A_306, %while3A_31 : i32
      %min3A_308 = arith.constant 9999 : i32
      %min3A_309 = arith.minsi %add3A_307, %min3A_308 : i32
      %get3A_310 = arith.index_cast %min3A_309 : i32 to index
      %get3A_311 = arith.constant 0 : index
      %get3A_312 = vector.load %arg3[%get3A_310, %get3A_311] : memref<10000x128xf32, #tpu.memory_space<vmem>>, vector<1x128xf32>
      %swap3A_313 = arith.constant 25 : index
      %swap3A_314 = arith.constant 0 : index
      %swap3A_315 = vector.load %arg13[%swap3A_313, %swap3A_314] : memref<64x128xf32, #tpu.memory_space<vmem>>, vector<1x128xf32>
      tpu.vector_store %arg13[%swap3A_313, %swap3A_314], %get3A_312 {strides = array<i32>} : memref<64x128xf32, #tpu.memory_space<vmem>>, vector<1x128xf32>,
      %get3A_316 = arith.constant 26 : index
      %get3A_317 = memref.load %arg0[%get3A_316] : memref<64xi32, #tpu.memory_space<smem>>
      %add3A_318 = arith.addi %get3A_317, %while3A_31 : i32
      %min3A_319 = arith.constant 9999 : i32
      %min3A_320 = arith.minsi %add3A_318, %min3A_319 : i32
      %get3A_321 = arith.index_cast %min3A_320 : i32 to index
      %get3A_322 = arith.constant 0 : index
      %get3A_323 = vector.load %arg3[%get3A_321, %get3A_322] : memref<10000x128xf32, #tpu.memory_space<vmem>>, vector<1x128xf32>
      %swap3A_324 = arith.constant 26 : index
      %swap3A_325 = arith.constant 0 : index
      %swap3A_326 = vector.load %arg13[%swap3A_324, %swap3A_325] : memref<64x128xf32, #tpu.memory_space<vmem>>, vector<1x128xf32>
      tpu.vector_store %arg13[%swap3A_324, %swap3A_325], %get3A_323 {strides = array<i32>} : memref<64x128xf32, #tpu.memory_space<vmem>>, vector<1x128xf32>,
      %get3A_327 = arith.constant 27 : index
      %get3A_328 = memref.load %arg0[%get3A_327] : memref<64xi32, #tpu.memory_space<smem>>
      %add3A_329 = arith.addi %get3A_328, %while3A_31 : i32
      %min3A_330 = arith.constant 9999 : i32
      %min3A_331 = arith.minsi %add3A_329, %min3A_330 : i32
      %get3A_332 = arith.index_cast %min3A_331 : i32 to index
      %get3A_333 = arith.constant 0 : index
      %get3A_334 = vector.load %arg3[%get3A_332, %get3A_333] : memref<10000x128xf32, #tpu.memory_space<vmem>>, vector<1x128xf32>
      %swap3A_335 = arith.constant 27 : index
      %swap3A_336 = arith.constant 0 : index
      %swap3A_337 = vector.load %arg13[%swap3A_335, %swap3A_336] : memref<64x128xf32, #tpu.memory_space<vmem>>, vector<1x128xf32>
      tpu.vector_store %arg13[%swap3A_335, %swap3A_336], %get3A_334 {strides = array<i32>} : memref<64x128xf32, #tpu.memory_space<vmem>>, vector<1x128xf32>,
      %get3A_338 = arith.constant 28 : index
      %get3A_339 = memref.load %arg0[%get3A_338] : memref<64xi32, #tpu.memory_space<smem>>
      %add3A_340 = arith.addi %get3A_339, %while3A_31 : i32
      %min3A_341 = arith.constant 9999 : i32
      %min3A_342 = arith.minsi %add3A_340, %min3A_341 : i32
      %get3A_343 = arith.index_cast %min3A_342 : i32 to index
      %get3A_344 = arith.constant 0 : index
      %get3A_345 = vector.load %arg3[%get3A_343, %get3A_344] : memref<10000x128xf32, #tpu.memory_space<vmem>>, vector<1x128xf32>
      %swap3A_346 = arith.constant 28 : index
      %swap3A_347 = arith.constant 0 : index
      %swap3A_348 = vector.load %arg13[%swap3A_346, %swap3A_347] : memref<64x128xf32, #tpu.memory_space<vmem>>, vector<1x128xf32>
      tpu.vector_store %arg13[%swap3A_346, %swap3A_347], %get3A_345 {strides = array<i32>} : memref<64x128xf32, #tpu.memory_space<vmem>>, vector<1x128xf32>,
      %get3A_349 = arith.constant 29 : index
      %get3A_350 = memref.load %arg0[%get3A_349] : memref<64xi32, #tpu.memory_space<smem>>
      %add3A_351 = arith.addi %get3A_350, %while3A_31 : i32
      %min3A_352 = arith.constant 9999 : i32
      %min3A_353 = arith.minsi %add3A_351, %min3A_352 : i32
      %get3A_354 = arith.index_cast %min3A_353 : i32 to index
      %get3A_355 = arith.constant 0 : index
      %get3A_356 = vector.load %arg3[%get3A_354, %get3A_355] : memref<10000x128xf32, #tpu.memory_space<vmem>>, vector<1x128xf32>
      %swap3A_357 = arith.constant 29 : index
      %swap3A_358 = arith.constant 0 : index
      %swap3A_359 = vector.load %arg13[%swap3A_357, %swap3A_358] : memref<64x128xf32, #tpu.memory_space<vmem>>, vector<1x128xf32>
      tpu.vector_store %arg13[%swap3A_357, %swap3A_358], %get3A_356 {strides = array<i32>} : memref<64x128xf32, #tpu.memory_space<vmem>>, vector<1x128xf32>,
      %get3A_360 = arith.constant 30 : index
      %get3A_361 = memref.load %arg0[%get3A_360] : memref<64xi32, #tpu.memory_space<smem>>
      %add3A_362 = arith.addi %get3A_361, %while3A_31 : i32
      %min3A_363 = arith.constant 9999 : i32
      %min3A_364 = arith.minsi %add3A_362, %min3A_363 : i32
      %get3A_365 = arith.index_cast %min3A_364 : i32 to index
      %get3A_366 = arith.constant 0 : index
      %get3A_367 = vector.load %arg3[%get3A_365, %get3A_366] : memref<10000x128xf32, #tpu.memory_space<vmem>>, vector<1x128xf32>
      %swap3A_368 = arith.constant 30 : index
      %swap3A_369 = arith.constant 0 : index
      %swap3A_370 = vector.load %arg13[%swap3A_368, %swap3A_369] : memref<64x128xf32, #tpu.memory_space<vmem>>, vector<1x128xf32>
      tpu.vector_store %arg13[%swap3A_368, %swap3A_369], %get3A_367 {strides = array<i32>} : memref<64x128xf32, #tpu.memory_space<vmem>>, vector<1x128xf32>,
      %get3A_371 = arith.constant 31 : index
      %get3A_372 = memref.load %arg0[%get3A_371] : memref<64xi32, #tpu.memory_space<smem>>
      %add3A_373 = arith.addi %get3A_372, %while3A_31 : i32
      %min3A_374 = arith.constant 9999 : i32
      %min3A_375 = arith.minsi %add3A_373, %min3A_374 : i32
      %get3A_376 = arith.index_cast %min3A_375 : i32 to index
      %get3A_377 = arith.constant 0 : index
      %get3A_378 = vector.load %arg3[%get3A_376, %get3A_377] : memref<10000x128xf32, #tpu.memory_space<vmem>>, vector<1x128xf32>
      %swap3A_379 = arith.constant 31 : index
      %swap3A_380 = arith.constant 0 : index
      %swap3A_381 = vector.load %arg13[%swap3A_379, %swap3A_380] : memref<64x128xf32, #tpu.memory_space<vmem>>, vector<1x128xf32>
      tpu.vector_store %arg13[%swap3A_379, %swap3A_380], %get3A_378 {strides = array<i32>} : memref<64x128xf32, #tpu.memory_space<vmem>>, vector<1x128xf32>,
      %get3A_382 = arith.constant 32 : index
      %get3A_383 = memref.load %arg0[%get3A_382] : memref<64xi32, #tpu.memory_space<smem>>
      %add3A_384 = arith.addi %get3A_383, %while3A_31 : i32
      %min3A_385 = arith.constant 9999 : i32
      %min3A_386 = arith.minsi %add3A_384, %min3A_385 : i32
      %get3A_387 = arith.index_cast %min3A_386 : i32 to index
      %get3A_388 = arith.constant 0 : index
      %get3A_389 = vector.load %arg3[%get3A_387, %get3A_388] : memref<10000x128xf32, #tpu.memory_space<vmem>>, vector<1x128xf32>
      %swap3A_390 = arith.constant 32 : index
      %swap3A_391 = arith.constant 0 : index
      %swap3A_392 = vector.load %arg13[%swap3A_390, %swap3A_391] : memref<64x128xf32, #tpu.memory_space<vmem>>, vector<1x128xf32>
      tpu.vector_store %arg13[%swap3A_390, %swap3A_391], %get3A_389 {strides = array<i32>} : memref<64x128xf32, #tpu.memory_space<vmem>>, vector<1x128xf32>,
      %get3A_393 = arith.constant 33 : index
      %get3A_394 = memref.load %arg0[%get3A_393] : memref<64xi32, #tpu.memory_space<smem>>
      %add3A_395 = arith.addi %get3A_394, %while3A_31 : i32
      %min3A_396 = arith.constant 9999 : i32
      %min3A_397 = arith.minsi %add3A_395, %min3A_396 : i32
      %get3A_398 = arith.index_cast %min3A_397 : i32 to index
      %get3A_399 = arith.constant 0 : index
      %get3A_400 = vector.load %arg3[%get3A_398, %get3A_399] : memref<10000x128xf32, #tpu.memory_space<vmem>>, vector<1x128xf32>
      %swap3A_401 = arith.constant 33 : index
      %swap3A_402 = arith.constant 0 : index
      %swap3A_403 = vector.load %arg13[%swap3A_401, %swap3A_402] : memref<64x128xf32, #tpu.memory_space<vmem>>, vector<1x128xf32>
      tpu.vector_store %arg13[%swap3A_401, %swap3A_402], %get3A_400 {strides = array<i32>} : memref<64x128xf32, #tpu.memory_space<vmem>>, vector<1x128xf32>,
      %get3A_404 = arith.constant 34 : index
      %get3A_405 = memref.load %arg0[%get3A_404] : memref<64xi32, #tpu.memory_space<smem>>
      %add3A_406 = arith.addi %get3A_405, %while3A_31 : i32
      %min3A_407 = arith.constant 9999 : i32
      %min3A_408 = arith.minsi %add3A_406, %min3A_407 : i32
      %get3A_409 = arith.index_cast %min3A_408 : i32 to index
      %get3A_410 = arith.constant 0 : index
      %get3A_411 = vector.load %arg3[%get3A_409, %get3A_410] : memref<10000x128xf32, #tpu.memory_space<vmem>>, vector<1x128xf32>
      %swap3A_412 = arith.constant 34 : index
      %swap3A_413 = arith.constant 0 : index
      %swap3A_414 = vector.load %arg13[%swap3A_412, %swap3A_413] : memref<64x128xf32, #tpu.memory_space<vmem>>, vector<1x128xf32>
      tpu.vector_store %arg13[%swap3A_412, %swap3A_413], %get3A_411 {strides = array<i32>} : memref<64x128xf32, #tpu.memory_space<vmem>>, vector<1x128xf32>,
      %get3A_415 = arith.constant 35 : index
      %get3A_416 = memref.load %arg0[%get3A_415] : memref<64xi32, #tpu.memory_space<smem>>
      %add3A_417 = arith.addi %get3A_416, %while3A_31 : i32
      %min3A_418 = arith.constant 9999 : i32
      %min3A_419 = arith.minsi %add3A_417, %min3A_418 : i32
      %get3A_420 = arith.index_cast %min3A_419 : i32 to index
      %get3A_421 = arith.constant 0 : index
      %get3A_422 = vector.load %arg3[%get3A_420, %get3A_421] : memref<10000x128xf32, #tpu.memory_space<vmem>>, vector<1x128xf32>
      %swap3A_423 = arith.constant 35 : index
      %swap3A_424 = arith.constant 0 : index
      %swap3A_425 = vector.load %arg13[%swap3A_423, %swap3A_424] : memref<64x128xf32, #tpu.memory_space<vmem>>, vector<1x128xf32>
      tpu.vector_store %arg13[%swap3A_423, %swap3A_424], %get3A_422 {strides = array<i32>} : memref<64x128xf32, #tpu.memory_space<vmem>>, vector<1x128xf32>,
      %get3A_426 = arith.constant 36 : index
      %get3A_427 = memref.load %arg0[%get3A_426] : memref<64xi32, #tpu.memory_space<smem>>
      %add3A_428 = arith.addi %get3A_427, %while3A_31 : i32
      %min3A_429 = arith.constant 9999 : i32
      %min3A_430 = arith.minsi %add3A_428, %min3A_429 : i32
      %get3A_431 = arith.index_cast %min3A_430 : i32 to index
      %get3A_432 = arith.constant 0 : index
      %get3A_433 = vector.load %arg3[%get3A_431, %get3A_432] : memref<10000x128xf32, #tpu.memory_space<vmem>>, vector<1x128xf32>
      %swap3A_434 = arith.constant 36 : index
      %swap3A_435 = arith.constant 0 : index
      %swap3A_436 = vector.load %arg13[%swap3A_434, %swap3A_435] : memref<64x128xf32, #tpu.memory_space<vmem>>, vector<1x128xf32>
      tpu.vector_store %arg13[%swap3A_434, %swap3A_435], %get3A_433 {strides = array<i32>} : memref<64x128xf32, #tpu.memory_space<vmem>>, vector<1x128xf32>,
      %get3A_437 = arith.constant 37 : index
      %get3A_438 = memref.load %arg0[%get3A_437] : memref<64xi32, #tpu.memory_space<smem>>
      %add3A_439 = arith.addi %get3A_438, %while3A_31 : i32
      %min3A_440 = arith.constant 9999 : i32
      %min3A_441 = arith.minsi %add3A_439, %min3A_440 : i32
      %get3A_442 = arith.index_cast %min3A_441 : i32 to index
      %get3A_443 = arith.constant 0 : index
      %get3A_444 = vector.load %arg3[%get3A_442, %get3A_443] : memref<10000x128xf32, #tpu.memory_space<vmem>>, vector<1x128xf32>
      %swap3A_445 = arith.constant 37 : index
      %swap3A_446 = arith.constant 0 : index
      %swap3A_447 = vector.load %arg13[%swap3A_445, %swap3A_446] : memref<64x128xf32, #tpu.memory_space<vmem>>, vector<1x128xf32>
      tpu.vector_store %arg13[%swap3A_445, %swap3A_446], %get3A_444 {strides = array<i32>} : memref<64x128xf32, #tpu.memory_space<vmem>>, vector<1x128xf32>,
      %get3A_448 = arith.constant 38 : index
      %get3A_449 = memref.load %arg0[%get3A_448] : memref<64xi32, #tpu.memory_space<smem>>
      %add3A_450 = arith.addi %get3A_449, %while3A_31 : i32
      %min3A_451 = arith.constant 9999 : i32
      %min3A_452 = arith.minsi %add3A_450, %min3A_451 : i32
      %get3A_453 = arith.index_cast %min3A_452 : i32 to index
      %get3A_454 = arith.constant 0 : index
      %get3A_455 = vector.load %arg3[%get3A_453, %get3A_454] : memref<10000x128xf32, #tpu.memory_space<vmem>>, vector<1x128xf32>
      %swap3A_456 = arith.constant 38 : index
      %swap3A_457 = arith.constant 0 : index
      %swap3A_458 = vector.load %arg13[%swap3A_456, %swap3A_457] : memref<64x128xf32, #tpu.memory_space<vmem>>, vector<1x128xf32>
      tpu.vector_store %arg13[%swap3A_456, %swap3A_457], %get3A_455 {strides = array<i32>} : memref<64x128xf32, #tpu.memory_space<vmem>>, vector<1x128xf32>,
      %get3A_459 = arith.constant 39 : index
      %get3A_460 = memref.load %arg0[%get3A_459] : memref<64xi32, #tpu.memory_space<smem>>
      %add3A_461 = arith.addi %get3A_460, %while3A_31 : i32
      %min3A_462 = arith.constant 9999 : i32
      %min3A_463 = arith.minsi %add3A_461, %min3A_462 : i32
      %get3A_464 = arith.index_cast %min3A_463 : i32 to index
      %get3A_465 = arith.constant 0 : index
      %get3A_466 = vector.load %arg3[%get3A_464, %get3A_465] : memref<10000x128xf32, #tpu.memory_space<vmem>>, vector<1x128xf32>
      %swap3A_467 = arith.constant 39 : index
      %swap3A_468 = arith.constant 0 : index
      %swap3A_469 = vector.load %arg13[%swap3A_467, %swap3A_468] : memref<64x128xf32, #tpu.memory_space<vmem>>, vector<1x128xf32>
      tpu.vector_store %arg13[%swap3A_467, %swap3A_468], %get3A_466 {strides = array<i32>} : memref<64x128xf32, #tpu.memory_space<vmem>>, vector<1x128xf32>,
      %get3A_470 = arith.constant 40 : index
      %get3A_471 = memref.load %arg0[%get3A_470] : memref<64xi32, #tpu.memory_space<smem>>
      %add3A_472 = arith.addi %get3A_471, %while3A_31 : i32
      %min3A_473 = arith.constant 9999 : i32
      %min3A_474 = arith.minsi %add3A_472, %min3A_473 : i32
      %get3A_475 = arith.index_cast %min3A_474 : i32 to index
      %get3A_476 = arith.constant 0 : index
      %get3A_477 = vector.load %arg3[%get3A_475, %get3A_476] : memref<10000x128xf32, #tpu.memory_space<vmem>>, vector<1x128xf32>
      %swap3A_478 = arith.constant 40 : index
      %swap3A_479 = arith.constant 0 : index
      %swap3A_480 = vector.load %arg13[%swap3A_478, %swap3A_479] : memref<64x128xf32, #tpu.memory_space<vmem>>, vector<1x128xf32>
      tpu.vector_store %arg13[%swap3A_478, %swap3A_479], %get3A_477 {strides = array<i32>} : memref<64x128xf32, #tpu.memory_space<vmem>>, vector<1x128xf32>,
      %get3A_481 = arith.constant 41 : index
      %get3A_482 = memref.load %arg0[%get3A_481] : memref<64xi32, #tpu.memory_space<smem>>
      %add3A_483 = arith.addi %get3A_482, %while3A_31 : i32
      %min3A_484 = arith.constant 9999 : i32
      %min3A_485 = arith.minsi %add3A_483, %min3A_484 : i32
      %get3A_486 = arith.index_cast %min3A_485 : i32 to index
      %get3A_487 = arith.constant 0 : index
      %get3A_488 = vector.load %arg3[%get3A_486, %get3A_487] : memref<10000x128xf32, #tpu.memory_space<vmem>>, vector<1x128xf32>
      %swap3A_489 = arith.constant 41 : index
      %swap3A_490 = arith.constant 0 : index
      %swap3A_491 = vector.load %arg13[%swap3A_489, %swap3A_490] : memref<64x128xf32, #tpu.memory_space<vmem>>, vector<1x128xf32>
      tpu.vector_store %arg13[%swap3A_489, %swap3A_490], %get3A_488 {strides = array<i32>} : memref<64x128xf32, #tpu.memory_space<vmem>>, vector<1x128xf32>,
      %get3A_492 = arith.constant 42 : index
      %get3A_493 = memref.load %arg0[%get3A_492] : memref<64xi32, #tpu.memory_space<smem>>
      %add3A_494 = arith.addi %get3A_493, %while3A_31 : i32
      %min3A_495 = arith.constant 9999 : i32
      %min3A_496 = arith.minsi %add3A_494, %min3A_495 : i32
      %get3A_497 = arith.index_cast %min3A_496 : i32 to index
      %get3A_498 = arith.constant 0 : index
      %get3A_499 = vector.load %arg3[%get3A_497, %get3A_498] : memref<10000x128xf32, #tpu.memory_space<vmem>>, vector<1x128xf32>
      %swap3A_500 = arith.constant 42 : index
      %swap3A_501 = arith.constant 0 : index
      %swap3A_502 = vector.load %arg13[%swap3A_500, %swap3A_501] : memref<64x128xf32, #tpu.memory_space<vmem>>, vector<1x128xf32>
      tpu.vector_store %arg13[%swap3A_500, %swap3A_501], %get3A_499 {strides = array<i32>} : memref<64x128xf32, #tpu.memory_space<vmem>>, vector<1x128xf32>,
      %get3A_503 = arith.constant 43 : index
      %get3A_504 = memref.load %arg0[%get3A_503] : memref<64xi32, #tpu.memory_space<smem>>
      %add3A_505 = arith.addi %get3A_504, %while3A_31 : i32
      %min3A_506 = arith.constant 9999 : i32
      %min3A_507 = arith.minsi %add3A_505, %min3A_506 : i32
      %get3A_508 = arith.index_cast %min3A_507 : i32 to index
      %get3A_509 = arith.constant 0 : index
      %get3A_510 = vector.load %arg3[%get3A_508, %get3A_509] : memref<10000x128xf32, #tpu.memory_space<vmem>>, vector<1x128xf32>
      %swap3A_511 = arith.constant 43 : index
      %swap3A_512 = arith.constant 0 : index
      %swap3A_513 = vector.load %arg13[%swap3A_511, %swap3A_512] : memref<64x128xf32, #tpu.memory_space<vmem>>, vector<1x128xf32>
      tpu.vector_store %arg13[%swap3A_511, %swap3A_512], %get3A_510 {strides = array<i32>} : memref<64x128xf32, #tpu.memory_space<vmem>>, vector<1x128xf32>,
      %get3A_514 = arith.constant 44 : index
      %get3A_515 = memref.load %arg0[%get3A_514] : memref<64xi32, #tpu.memory_space<smem>>
      %add3A_516 = arith.addi %get3A_515, %while3A_31 : i32
      %min3A_517 = arith.constant 9999 : i32
      %min3A_518 = arith.minsi %add3A_516, %min3A_517 : i32
      %get3A_519 = arith.index_cast %min3A_518 : i32 to index
      %get3A_520 = arith.constant 0 : index
      %get3A_521 = vector.load %arg3[%get3A_519, %get3A_520] : memref<10000x128xf32, #tpu.memory_space<vmem>>, vector<1x128xf32>
      %swap3A_522 = arith.constant 44 : index
      %swap3A_523 = arith.constant 0 : index
      %swap3A_524 = vector.load %arg13[%swap3A_522, %swap3A_523] : memref<64x128xf32, #tpu.memory_space<vmem>>, vector<1x128xf32>
      tpu.vector_store %arg13[%swap3A_522, %swap3A_523], %get3A_521 {strides = array<i32>} : memref<64x128xf32, #tpu.memory_space<vmem>>, vector<1x128xf32>,
      %get3A_525 = arith.constant 45 : index
      %get3A_526 = memref.load %arg0[%get3A_525] : memref<64xi32, #tpu.memory_space<smem>>
      %add3A_527 = arith.addi %get3A_526, %while3A_31 : i32
      %min3A_528 = arith.constant 9999 : i32
      %min3A_529 = arith.minsi %add3A_527, %min3A_528 : i32
      %get3A_530 = arith.index_cast %min3A_529 : i32 to index
      %get3A_531 = arith.constant 0 : index
      %get3A_532 = vector.load %arg3[%get3A_530, %get3A_531] : memref<10000x128xf32, #tpu.memory_space<vmem>>, vector<1x128xf32>
      %swap3A_533 = arith.constant 45 : index
      %swap3A_534 = arith.constant 0 : index
      %swap3A_535 = vector.load %arg13[%swap3A_533, %swap3A_534] : memref<64x128xf32, #tpu.memory_space<vmem>>, vector<1x128xf32>
      tpu.vector_store %arg13[%swap3A_533, %swap3A_534], %get3A_532 {strides = array<i32>} : memref<64x128xf32, #tpu.memory_space<vmem>>, vector<1x128xf32>,
      %get3A_536 = arith.constant 46 : index
      %get3A_537 = memref.load %arg0[%get3A_536] : memref<64xi32, #tpu.memory_space<smem>>
      %add3A_538 = arith.addi %get3A_537, %while3A_31 : i32
      %min3A_539 = arith.constant 9999 : i32
      %min3A_540 = arith.minsi %add3A_538, %min3A_539 : i32
      %get3A_541 = arith.index_cast %min3A_540 : i32 to index
      %get3A_542 = arith.constant 0 : index
      %get3A_543 = vector.load %arg3[%get3A_541, %get3A_542] : memref<10000x128xf32, #tpu.memory_space<vmem>>, vector<1x128xf32>
      %swap3A_544 = arith.constant 46 : index
      %swap3A_545 = arith.constant 0 : index
      %swap3A_546 = vector.load %arg13[%swap3A_544, %swap3A_545] : memref<64x128xf32, #tpu.memory_space<vmem>>, vector<1x128xf32>
      tpu.vector_store %arg13[%swap3A_544, %swap3A_545], %get3A_543 {strides = array<i32>} : memref<64x128xf32, #tpu.memory_space<vmem>>, vector<1x128xf32>,
      %get3A_547 = arith.constant 47 : index
      %get3A_548 = memref.load %arg0[%get3A_547] : memref<64xi32, #tpu.memory_space<smem>>
      %add3A_549 = arith.addi %get3A_548, %while3A_31 : i32
      %min3A_550 = arith.constant 9999 : i32
      %min3A_551 = arith.minsi %add3A_549, %min3A_550 : i32
      %get3A_552 = arith.index_cast %min3A_551 : i32 to index
      %get3A_553 = arith.constant 0 : index
      %get3A_554 = vector.load %arg3[%get3A_552, %get3A_553] : memref<10000x128xf32, #tpu.memory_space<vmem>>, vector<1x128xf32>
      %swap3A_555 = arith.constant 47 : index
      %swap3A_556 = arith.constant 0 : index
      %swap3A_557 = vector.load %arg13[%swap3A_555, %swap3A_556] : memref<64x128xf32, #tpu.memory_space<vmem>>, vector<1x128xf32>
      tpu.vector_store %arg13[%swap3A_555, %swap3A_556], %get3A_554 {strides = array<i32>} : memref<64x128xf32, #tpu.memory_space<vmem>>, vector<1x128xf32>,
      %get3A_558 = arith.constant 48 : index
      %get3A_559 = memref.load %arg0[%get3A_558] : memref<64xi32, #tpu.memory_space<smem>>
      %add3A_560 = arith.addi %get3A_559, %while3A_31 : i32
      %min3A_561 = arith.constant 9999 : i32
      %min3A_562 = arith.minsi %add3A_560, %min3A_561 : i32
      %get3A_563 = arith.index_cast %min3A_562 : i32 to index
      %get3A_564 = arith.constant 0 : index
      %get3A_565 = vector.load %arg3[%get3A_563, %get3A_564] : memref<10000x128xf32, #tpu.memory_space<vmem>>, vector<1x128xf32>
      %swap3A_566 = arith.constant 48 : index
      %swap3A_567 = arith.constant 0 : index
      %swap3A_568 = vector.load %arg13[%swap3A_566, %swap3A_567] : memref<64x128xf32, #tpu.memory_space<vmem>>, vector<1x128xf32>
      tpu.vector_store %arg13[%swap3A_566, %swap3A_567], %get3A_565 {strides = array<i32>} : memref<64x128xf32, #tpu.memory_space<vmem>>, vector<1x128xf32>,
      %get3A_569 = arith.constant 49 : index
      %get3A_570 = memref.load %arg0[%get3A_569] : memref<64xi32, #tpu.memory_space<smem>>
      %add3A_571 = arith.addi %get3A_570, %while3A_31 : i32
      %min3A_572 = arith.constant 9999 : i32
      %min3A_573 = arith.minsi %add3A_571, %min3A_572 : i32
      %get3A_574 = arith.index_cast %min3A_573 : i32 to index
      %get3A_575 = arith.constant 0 : index
      %get3A_576 = vector.load %arg3[%get3A_574, %get3A_575] : memref<10000x128xf32, #tpu.memory_space<vmem>>, vector<1x128xf32>
      %swap3A_577 = arith.constant 49 : index
      %swap3A_578 = arith.constant 0 : index
      %swap3A_579 = vector.load %arg13[%swap3A_577, %swap3A_578] : memref<64x128xf32, #tpu.memory_space<vmem>>, vector<1x128xf32>
      tpu.vector_store %arg13[%swap3A_577, %swap3A_578], %get3A_576 {strides = array<i32>} : memref<64x128xf32, #tpu.memory_space<vmem>>, vector<1x128xf32>,
      %get3A_580 = arith.constant 50 : index
      %get3A_581 = memref.load %arg0[%get3A_580] : memref<64xi32, #tpu.memory_space<smem>>
      %add3A_582 = arith.addi %get3A_581, %while3A_31 : i32
      %min3A_583 = arith.constant 9999 : i32
      %min3A_584 = arith.minsi %add3A_582, %min3A_583 : i32
      %get3A_585 = arith.index_cast %min3A_584 : i32 to index
      %get3A_586 = arith.constant 0 : index
      %get3A_587 = vector.load %arg3[%get3A_585, %get3A_586] : memref<10000x128xf32, #tpu.memory_space<vmem>>, vector<1x128xf32>
      %swap3A_588 = arith.constant 50 : index
      %swap3A_589 = arith.constant 0 : index
      %swap3A_590 = vector.load %arg13[%swap3A_588, %swap3A_589] : memref<64x128xf32, #tpu.memory_space<vmem>>, vector<1x128xf32>
      tpu.vector_store %arg13[%swap3A_588, %swap3A_589], %get3A_587 {strides = array<i32>} : memref<64x128xf32, #tpu.memory_space<vmem>>, vector<1x128xf32>,
      %get3A_591 = arith.constant 51 : index
      %get3A_592 = memref.load %arg0[%get3A_591] : memref<64xi32, #tpu.memory_space<smem>>
      %add3A_593 = arith.addi %get3A_592, %while3A_31 : i32
      %min3A_594 = arith.constant 9999 : i32
      %min3A_595 = arith.minsi %add3A_593, %min3A_594 : i32
      %get3A_596 = arith.index_cast %min3A_595 : i32 to index
      %get3A_597 = arith.constant 0 : index
      %get3A_598 = vector.load %arg3[%get3A_596, %get3A_597] : memref<10000x128xf32, #tpu.memory_space<vmem>>, vector<1x128xf32>
      %swap3A_599 = arith.constant 51 : index
      %swap3A_600 = arith.constant 0 : index
      %swap3A_601 = vector.load %arg13[%swap3A_599, %swap3A_600] : memref<64x128xf32, #tpu.memory_space<vmem>>, vector<1x128xf32>
      tpu.vector_store %arg13[%swap3A_599, %swap3A_600], %get3A_598 {strides = array<i32>} : memref<64x128xf32, #tpu.memory_space<vmem>>, vector<1x128xf32>,
      %get3A_602 = arith.constant 52 : index
      %get3A_603 = memref.load %arg0[%get3A_602] : memref<64xi32, #tpu.memory_space<smem>>
      %add3A_604 = arith.addi %get3A_603, %while3A_31 : i32
      %min3A_605 = arith.constant 9999 : i32
      %min3A_606 = arith.minsi %add3A_604, %min3A_605 : i32
      %get3A_607 = arith.index_cast %min3A_606 : i32 to index
      %get3A_608 = arith.constant 0 : index
      %get3A_609 = vector.load %arg3[%get3A_607, %get3A_608] : memref<10000x128xf32, #tpu.memory_space<vmem>>, vector<1x128xf32>
      %swap3A_610 = arith.constant 52 : index
      %swap3A_611 = arith.constant 0 : index
      %swap3A_612 = vector.load %arg13[%swap3A_610, %swap3A_611] : memref<64x128xf32, #tpu.memory_space<vmem>>, vector<1x128xf32>
      tpu.vector_store %arg13[%swap3A_610, %swap3A_611], %get3A_609 {strides = array<i32>} : memref<64x128xf32, #tpu.memory_space<vmem>>, vector<1x128xf32>,
      %get3A_613 = arith.constant 53 : index
      %get3A_614 = memref.load %arg0[%get3A_613] : memref<64xi32, #tpu.memory_space<smem>>
      %add3A_615 = arith.addi %get3A_614, %while3A_31 : i32
      %min3A_616 = arith.constant 9999 : i32
      %min3A_617 = arith.minsi %add3A_615, %min3A_616 : i32
      %get3A_618 = arith.index_cast %min3A_617 : i32 to index
      %get3A_619 = arith.constant 0 : index
      %get3A_620 = vector.load %arg3[%get3A_618, %get3A_619] : memref<10000x128xf32, #tpu.memory_space<vmem>>, vector<1x128xf32>
      %swap3A_621 = arith.constant 53 : index
      %swap3A_622 = arith.constant 0 : index
      %swap3A_623 = vector.load %arg13[%swap3A_621, %swap3A_622] : memref<64x128xf32, #tpu.memory_space<vmem>>, vector<1x128xf32>
      tpu.vector_store %arg13[%swap3A_621, %swap3A_622], %get3A_620 {strides = array<i32>} : memref<64x128xf32, #tpu.memory_space<vmem>>, vector<1x128xf32>,
      %get3A_624 = arith.constant 54 : index
      %get3A_625 = memref.load %arg0[%get3A_624] : memref<64xi32, #tpu.memory_space<smem>>
      %add3A_626 = arith.addi %get3A_625, %while3A_31 : i32
      %min3A_627 = arith.constant 9999 : i32
      %min3A_628 = arith.minsi %add3A_626, %min3A_627 : i32
      %get3A_629 = arith.index_cast %min3A_628 : i32 to index
      %get3A_630 = arith.constant 0 : index
      %get3A_631 = vector.load %arg3[%get3A_629, %get3A_630] : memref<10000x128xf32, #tpu.memory_space<vmem>>, vector<1x128xf32>
      %swap3A_632 = arith.constant 54 : index
      %swap3A_633 = arith.constant 0 : index
      %swap3A_634 = vector.load %arg13[%swap3A_632, %swap3A_633] : memref<64x128xf32, #tpu.memory_space<vmem>>, vector<1x128xf32>
      tpu.vector_store %arg13[%swap3A_632, %swap3A_633], %get3A_631 {strides = array<i32>} : memref<64x128xf32, #tpu.memory_space<vmem>>, vector<1x128xf32>,
      %get3A_635 = arith.constant 55 : index
      %get3A_636 = memref.load %arg0[%get3A_635] : memref<64xi32, #tpu.memory_space<smem>>
      %add3A_637 = arith.addi %get3A_636, %while3A_31 : i32
      %min3A_638 = arith.constant 9999 : i32
      %min3A_639 = arith.minsi %add3A_637, %min3A_638 : i32
      %get3A_640 = arith.index_cast %min3A_639 : i32 to index
      %get3A_641 = arith.constant 0 : index
      %get3A_642 = vector.load %arg3[%get3A_640, %get3A_641] : memref<10000x128xf32, #tpu.memory_space<vmem>>, vector<1x128xf32>
      %swap3A_643 = arith.constant 55 : index
      %swap3A_644 = arith.constant 0 : index
      %swap3A_645 = vector.load %arg13[%swap3A_643, %swap3A_644] : memref<64x128xf32, #tpu.memory_space<vmem>>, vector<1x128xf32>
      tpu.vector_store %arg13[%swap3A_643, %swap3A_644], %get3A_642 {strides = array<i32>} : memref<64x128xf32, #tpu.memory_space<vmem>>, vector<1x128xf32>,
      %get3A_646 = arith.constant 56 : index
      %get3A_647 = memref.load %arg0[%get3A_646] : memref<64xi32, #tpu.memory_space<smem>>
      %add3A_648 = arith.addi %get3A_647, %while3A_31 : i32
      %min3A_649 = arith.constant 9999 : i32
      %min3A_650 = arith.minsi %add3A_648, %min3A_649 : i32
      %get3A_651 = arith.index_cast %min3A_650 : i32 to index
      %get3A_652 = arith.constant 0 : index
      %get3A_653 = vector.load %arg3[%get3A_651, %get3A_652] : memref<10000x128xf32, #tpu.memory_space<vmem>>, vector<1x128xf32>
      %swap3A_654 = arith.constant 56 : index
      %swap3A_655 = arith.constant 0 : index
      %swap3A_656 = vector.load %arg13[%swap3A_654, %swap3A_655] : memref<64x128xf32, #tpu.memory_space<vmem>>, vector<1x128xf32>
      tpu.vector_store %arg13[%swap3A_654, %swap3A_655], %get3A_653 {strides = array<i32>} : memref<64x128xf32, #tpu.memory_space<vmem>>, vector<1x128xf32>,
      %get3A_657 = arith.constant 57 : index
      %get3A_658 = memref.load %arg0[%get3A_657] : memref<64xi32, #tpu.memory_space<smem>>
      %add3A_659 = arith.addi %get3A_658, %while3A_31 : i32
      %min3A_660 = arith.constant 9999 : i32
      %min3A_661 = arith.minsi %add3A_659, %min3A_660 : i32
      %get3A_662 = arith.index_cast %min3A_661 : i32 to index
      %get3A_663 = arith.constant 0 : index
      %get3A_664 = vector.load %arg3[%get3A_662, %get3A_663] : memref<10000x128xf32, #tpu.memory_space<vmem>>, vector<1x128xf32>
      %swap3A_665 = arith.constant 57 : index
      %swap3A_666 = arith.constant 0 : index
      %swap3A_667 = vector.load %arg13[%swap3A_665, %swap3A_666] : memref<64x128xf32, #tpu.memory_space<vmem>>, vector<1x128xf32>
      tpu.vector_store %arg13[%swap3A_665, %swap3A_666], %get3A_664 {strides = array<i32>} : memref<64x128xf32, #tpu.memory_space<vmem>>, vector<1x128xf32>,
      %get3A_668 = arith.constant 58 : index
      %get3A_669 = memref.load %arg0[%get3A_668] : memref<64xi32, #tpu.memory_space<smem>>
      %add3A_670 = arith.addi %get3A_669, %while3A_31 : i32
      %min3A_671 = arith.constant 9999 : i32
      %min3A_672 = arith.minsi %add3A_670, %min3A_671 : i32
      %get3A_673 = arith.index_cast %min3A_672 : i32 to index
      %get3A_674 = arith.constant 0 : index
      %get3A_675 = vector.load %arg3[%get3A_673, %get3A_674] : memref<10000x128xf32, #tpu.memory_space<vmem>>, vector<1x128xf32>
      %swap3A_676 = arith.constant 58 : index
      %swap3A_677 = arith.constant 0 : index
      %swap3A_678 = vector.load %arg13[%swap3A_676, %swap3A_677] : memref<64x128xf32, #tpu.memory_space<vmem>>, vector<1x128xf32>
      tpu.vector_store %arg13[%swap3A_676, %swap3A_677], %get3A_675 {strides = array<i32>} : memref<64x128xf32, #tpu.memory_space<vmem>>, vector<1x128xf32>,
      %get3A_679 = arith.constant 59 : index
      %get3A_680 = memref.load %arg0[%get3A_679] : memref<64xi32, #tpu.memory_space<smem>>
      %add3A_681 = arith.addi %get3A_680, %while3A_31 : i32
      %min3A_682 = arith.constant 9999 : i32
      %min3A_683 = arith.minsi %add3A_681, %min3A_682 : i32
      %get3A_684 = arith.index_cast %min3A_683 : i32 to index
      %get3A_685 = arith.constant 0 : index
      %get3A_686 = vector.load %arg3[%get3A_684, %get3A_685] : memref<10000x128xf32, #tpu.memory_space<vmem>>, vector<1x128xf32>
      %swap3A_687 = arith.constant 59 : index
      %swap3A_688 = arith.constant 0 : index
      %swap3A_689 = vector.load %arg13[%swap3A_687, %swap3A_688] : memref<64x128xf32, #tpu.memory_space<vmem>>, vector<1x128xf32>
      tpu.vector_store %arg13[%swap3A_687, %swap3A_688], %get3A_686 {strides = array<i32>} : memref<64x128xf32, #tpu.memory_space<vmem>>, vector<1x128xf32>,
      %get3A_690 = arith.constant 60 : index
      %get3A_691 = memref.load %arg0[%get3A_690] : memref<64xi32, #tpu.memory_space<smem>>
      %add3A_692 = arith.addi %get3A_691, %while3A_31 : i32
      %min3A_693 = arith.constant 9999 : i32
      %min3A_694 = arith.minsi %add3A_692, %min3A_693 : i32
      %get3A_695 = arith.index_cast %min3A_694 : i32 to index
      %get3A_696 = arith.constant 0 : index
      %get3A_697 = vector.load %arg3[%get3A_695, %get3A_696] : memref<10000x128xf32, #tpu.memory_space<vmem>>, vector<1x128xf32>
      %swap3A_698 = arith.constant 60 : index
      %swap3A_699 = arith.constant 0 : index
      %swap3A_700 = vector.load %arg13[%swap3A_698, %swap3A_699] : memref<64x128xf32, #tpu.memory_space<vmem>>, vector<1x128xf32>
      tpu.vector_store %arg13[%swap3A_698, %swap3A_699], %get3A_697 {strides = array<i32>} : memref<64x128xf32, #tpu.memory_space<vmem>>, vector<1x128xf32>,
      %get3A_701 = arith.constant 61 : index
      %get3A_702 = memref.load %arg0[%get3A_701] : memref<64xi32, #tpu.memory_space<smem>>
      %add3A_703 = arith.addi %get3A_702, %while3A_31 : i32
      %min3A_704 = arith.constant 9999 : i32
      %min3A_705 = arith.minsi %add3A_703, %min3A_704 : i32
      %get3A_706 = arith.index_cast %min3A_705 : i32 to index
      %get3A_707 = arith.constant 0 : index
      %get3A_708 = vector.load %arg3[%get3A_706, %get3A_707] : memref<10000x128xf32, #tpu.memory_space<vmem>>, vector<1x128xf32>
      %swap3A_709 = arith.constant 61 : index
      %swap3A_710 = arith.constant 0 : index
      %swap3A_711 = vector.load %arg13[%swap3A_709, %swap3A_710] : memref<64x128xf32, #tpu.memory_space<vmem>>, vector<1x128xf32>
      tpu.vector_store %arg13[%swap3A_709, %swap3A_710], %get3A_708 {strides = array<i32>} : memref<64x128xf32, #tpu.memory_space<vmem>>, vector<1x128xf32>,
      %get3A_712 = arith.constant 62 : index
      %get3A_713 = memref.load %arg0[%get3A_712] : memref<64xi32, #tpu.memory_space<smem>>
      %add3A_714 = arith.addi %get3A_713, %while3A_31 : i32
      %min3A_715 = arith.constant 9999 : i32
      %min3A_716 = arith.minsi %add3A_714, %min3A_715 : i32
      %get3A_717 = arith.index_cast %min3A_716 : i32 to index
      %get3A_718 = arith.constant 0 : index
      %get3A_719 = vector.load %arg3[%get3A_717, %get3A_718] : memref<10000x128xf32, #tpu.memory_space<vmem>>, vector<1x128xf32>
      %swap3A_720 = arith.constant 62 : index
      %swap3A_721 = arith.constant 0 : index
      %swap3A_722 = vector.load %arg13[%swap3A_720, %swap3A_721] : memref<64x128xf32, #tpu.memory_space<vmem>>, vector<1x128xf32>
      tpu.vector_store %arg13[%swap3A_720, %swap3A_721], %get3A_719 {strides = array<i32>} : memref<64x128xf32, #tpu.memory_space<vmem>>, vector<1x128xf32>,
      %get3A_723 = arith.constant 63 : index
      %get3A_724 = memref.load %arg0[%get3A_723] : memref<64xi32, #tpu.memory_space<smem>>
      %add3A_725 = arith.addi %get3A_724, %while3A_31 : i32
      %min3A_726 = arith.constant 9999 : i32
      %min3A_727 = arith.minsi %add3A_725, %min3A_726 : i32
      %get3A_728 = arith.index_cast %min3A_727 : i32 to index
      %get3A_729 = arith.constant 0 : index
      %get3A_730 = vector.load %arg3[%get3A_728, %get3A_729] : memref<10000x128xf32, #tpu.memory_space<vmem>>, vector<1x128xf32>
      %swap3A_731 = arith.constant 63 : index
      %swap3A_732 = arith.constant 0 : index
      %swap3A_733 = vector.load %arg13[%swap3A_731, %swap3A_732] : memref<64x128xf32, #tpu.memory_space<vmem>>, vector<1x128xf32>
      tpu.vector_store %arg13[%swap3A_731, %swap3A_732], %get3A_730 {strides = array<i32>} : memref<64x128xf32, #tpu.memory_space<vmem>>, vector<1x128xf32>,
      %get3A_734 = arith.constant 0 : index
      %get3A_735 = arith.constant 0 : index
      %get3A_736 = vector.load %arg13[%get3A_734, %get3A_735] : memref<64x128xf32, #tpu.memory_space<vmem>>, vector<64x128xf32>
      %get3A_737 = arith.constant 0 : index
      %get3A_738 = arith.constant 0 : index
      %get3A_739 = vector.load %arg4[%get3A_737, %get3A_738] : memref<128x512xf32, #tpu.memory_space<vmem>>, vector<128x512xf32>
      %dot_general3A = arith.constant dense<0.000000e+00> : vector<64x512xf32>
      %dot_general3A_740 = tpu.matmul %get3A_736, %get3A_739, %dot_general3A {dimension_numbers = #tpu.dot_dimension_numbers<[1], [0], [0], [1], [0, 0, 1, 1], [], []>, transpose_lhs_hint = false} : vector<64x128xf32>, vector<128x512xf32>, vector<64x512xf32> -> vector<64x512xf32>
      %get3A_741 = arith.constant 0 : index
      %get3A_742 = arith.constant 0 : index
      %get3A_743 = vector.load %arg11[%get3A_741, %get3A_742] : memref<64x128xf32, #tpu.memory_space<vmem>>, vector<64x128xf32>
      %get3A_744 = arith.constant 0 : index
      %get3A_745 = arith.constant 0 : index
      %get3A_746 = vector.load %arg5[%get3A_744, %get3A_745] : memref<128x512xf32, #tpu.memory_space<vmem>>, vector<128x512xf32>
      %dot_general3A_747 = arith.constant dense<0.000000e+00> : vector<64x512xf32>
      %dot_general3A_748 = tpu.matmul %get3A_743, %get3A_746, %dot_general3A_747 {dimension_numbers = #tpu.dot_dimension_numbers<[1], [0], [0], [1], [0, 0, 1, 1], [], []>, transpose_lhs_hint = false} : vector<64x128xf32>, vector<128x512xf32>, vector<64x512xf32> -> vector<64x512xf32>
      %add3A_749 = arith.addf %dot_general3A_740, %dot_general3A_748 : vector<64x512xf32>
      %get3A_750 = arith.constant 0 : index
      %get3A_751 = arith.constant 0 : index
      %get3A_752 = vector.load %arg6[%get3A_750, %get3A_751] : memref<1x512xf32, #tpu.memory_space<vmem>>, vector<1x512xf32>
      %add3A_753 = vector.broadcast %get3A_752 : vector<1x512xf32> to vector<64x512xf32>
      %add3A_754 = arith.addf %add3A_749, %add3A_753 : vector<64x512xf32>
      %slice3A = vector.extract_strided_slice %add3A_754 {offsets = [0, 0], sizes = [64, 128], strides = [1, 1]} : vector<64x512xf32> to vector<64x128xf32>
      %logistic3A = arith.negf %slice3A : vector<64x128xf32>
      %logistic3A_755 = math.exp %logistic3A : vector<64x128xf32>
      %logistic3A_756 = arith.constant 1.000000e+00 : f32
      %logistic3A_757 = vector.broadcast %logistic3A_756 : f32 to vector<64x128xf32>
      %logistic3A_758 = arith.addf %logistic3A_757, %logistic3A_755 : vector<64x128xf32>
      %logistic3A_759 = arith.divf %logistic3A_757, %logistic3A_758 : vector<64x128xf32>
      %slice3A_760 = vector.extract_strided_slice %add3A_754 {offsets = [0, 128], sizes = [64, 128], strides = [1, 1]} : vector<64x512xf32> to vector<64x128xf32>
      %logistic3A_761 = arith.negf %slice3A_760 : vector<64x128xf32>
      %logistic3A_762 = math.exp %logistic3A_761 : vector<64x128xf32>
      %logistic3A_763 = arith.constant 1.000000e+00 : f32
      %logistic3A_764 = vector.broadcast %logistic3A_763 : f32 to vector<64x128xf32>
      %logistic3A_765 = arith.addf %logistic3A_764, %logistic3A_762 : vector<64x128xf32>
      %logistic3A_766 = arith.divf %logistic3A_764, %logistic3A_765 : vector<64x128xf32>
      %slice3A_767 = vector.extract_strided_slice %add3A_754 {offsets = [0, 256], sizes = [64, 128], strides = [1, 1]} : vector<64x512xf32> to vector<64x128xf32>
      %tanh3A = math.tanh %slice3A_767 : vector<64x128xf32>
      %slice3A_768 = vector.extract_strided_slice %add3A_754 {offsets = [0, 384], sizes = [64, 128], strides = [1, 1]} : vector<64x512xf32> to vector<64x128xf32>
      %logistic3A_769 = arith.negf %slice3A_768 : vector<64x128xf32>
      %logistic3A_770 = math.exp %logistic3A_769 : vector<64x128xf32>
      %logistic3A_771 = arith.constant 1.000000e+00 : f32
      %logistic3A_772 = vector.broadcast %logistic3A_771 : f32 to vector<64x128xf32>
      %logistic3A_773 = arith.addf %logistic3A_772, %logistic3A_770 : vector<64x128xf32>
      %logistic3A_774 = arith.divf %logistic3A_772, %logistic3A_773 : vector<64x128xf32>
      %get3A_775 = arith.constant 0 : index
      %get3A_776 = arith.constant 0 : index
      %get3A_777 = vector.load %arg12[%get3A_775, %get3A_776] : memref<64x128xf32, #tpu.memory_space<vmem>>, vector<64x128xf32>
      %mul3A = arith.mulf %logistic3A_766, %get3A_777 : vector<64x128xf32>
      %mul3A_778 = arith.mulf %logistic3A_759, %tanh3A : vector<64x128xf32>
      %add3A_779 = arith.addf %mul3A, %mul3A_778 : vector<64x128xf32>
      %tanh3A_780 = math.tanh %add3A_779 : vector<64x128xf32>
      %mul3A_781 = arith.mulf %logistic3A_774, %tanh3A_780 : vector<64x128xf32>
      %swap3A_782 = arith.constant 0 : index
      %swap3A_783 = arith.constant 0 : index
      %swap3A_784 = vector.load %arg11[%swap3A_782, %swap3A_783] : memref<64x128xf32, #tpu.memory_space<vmem>>, vector<64x128xf32>
      tpu.vector_store %arg11[%swap3A_782, %swap3A_783], %mul3A_781 {strides = array<i32>} : memref<64x128xf32, #tpu.memory_space<vmem>>, vector<64x128xf32>,
      %swap3A_785 = arith.constant 0 : index
      %swap3A_786 = arith.constant 0 : index
      %swap3A_787 = vector.load %arg12[%swap3A_785, %swap3A_786] : memref<64x128xf32, #tpu.memory_space<vmem>>, vector<64x128xf32>
      tpu.vector_store %arg12[%swap3A_785, %swap3A_786], %add3A_779 {strides = array<i32>} : memref<64x128xf32, #tpu.memory_space<vmem>>, vector<64x128xf32>,
      %get3A_788 = arith.constant 0 : index
      %get3A_789 = memref.load %arg1[%get3A_788] : memref<64xi32, #tpu.memory_space<smem>>
      %lt3A = arith.cmpi slt, %while3A_31, %get3A_789 : i32
      %get3A_790 = arith.constant 0 : index
      %get3A_791 = memref.load %arg0[%get3A_790] : memref<64xi32, #tpu.memory_space<smem>>
      %add3A_792 = arith.addi %get3A_791, %while3A_31 : i32
      %jit3A = arith.constant 10239 : i32
      %select_n3A = arith.select %lt3A, %add3A_792, %jit3A : i32
      %slice3A_793 = vector.extract_strided_slice %mul3A_781 {offsets = [0, 0], sizes = [1, 128], strides = [1, 1]} : vector<64x128xf32> to vector<1x128xf32>
      %swap3A_794 = arith.index_cast %select_n3A : i32 to index
      %swap3A_795 = arith.constant 0 : index
      %swap3A_796 = vector.load %arg14[%swap3A_794, %swap3A_795] : memref<10240x128xf32, #tpu.memory_space<vmem>>, vector<1x128xf32>
      tpu.vector_store %arg14[%swap3A_794, %swap3A_795], %slice3A_793 {strides = array<i32>} : memref<10240x128xf32, #tpu.memory_space<vmem>>, vector<1x128xf32>,
      %get3A_797 = arith.constant 1 : index
      %get3A_798 = memref.load %arg1[%get3A_797] : memref<64xi32, #tpu.memory_space<smem>>
      %lt3A_799 = arith.cmpi slt, %while3A_31, %get3A_798 : i32
      %get3A_800 = arith.constant 1 : index
      %get3A_801 = memref.load %arg0[%get3A_800] : memref<64xi32, #tpu.memory_space<smem>>
      %add3A_802 = arith.addi %get3A_801, %while3A_31 : i32
      %jit3A_803 = arith.constant 10239 : i32
      %select_n3A_804 = arith.select %lt3A_799, %add3A_802, %jit3A_803 : i32
      %slice3A_805 = vector.extract_strided_slice %mul3A_781 {offsets = [1, 0], sizes = [1, 128], strides = [1, 1]} : vector<64x128xf32> to vector<1x128xf32>
      %swap3A_806 = arith.index_cast %select_n3A_804 : i32 to index
      %swap3A_807 = arith.constant 0 : index
      %swap3A_808 = vector.load %arg14[%swap3A_806, %swap3A_807] : memref<10240x128xf32, #tpu.memory_space<vmem>>, vector<1x128xf32>
      tpu.vector_store %arg14[%swap3A_806, %swap3A_807], %slice3A_805 {strides = array<i32>} : memref<10240x128xf32, #tpu.memory_space<vmem>>, vector<1x128xf32>,
      %get3A_809 = arith.constant 2 : index
      %get3A_810 = memref.load %arg1[%get3A_809] : memref<64xi32, #tpu.memory_space<smem>>
      %lt3A_811 = arith.cmpi slt, %while3A_31, %get3A_810 : i32
      %get3A_812 = arith.constant 2 : index
      %get3A_813 = memref.load %arg0[%get3A_812] : memref<64xi32, #tpu.memory_space<smem>>
      %add3A_814 = arith.addi %get3A_813, %while3A_31 : i32
      %jit3A_815 = arith.constant 10239 : i32
      %select_n3A_816 = arith.select %lt3A_811, %add3A_814, %jit3A_815 : i32
      %slice3A_817 = vector.extract_strided_slice %mul3A_781 {offsets = [2, 0], sizes = [1, 128], strides = [1, 1]} : vector<64x128xf32> to vector<1x128xf32>
      %swap3A_818 = arith.index_cast %select_n3A_816 : i32 to index
      %swap3A_819 = arith.constant 0 : index
      %swap3A_820 = vector.load %arg14[%swap3A_818, %swap3A_819] : memref<10240x128xf32, #tpu.memory_space<vmem>>, vector<1x128xf32>
      tpu.vector_store %arg14[%swap3A_818, %swap3A_819], %slice3A_817 {strides = array<i32>} : memref<10240x128xf32, #tpu.memory_space<vmem>>, vector<1x128xf32>,
      %get3A_821 = arith.constant 3 : index
      %get3A_822 = memref.load %arg1[%get3A_821] : memref<64xi32, #tpu.memory_space<smem>>
      %lt3A_823 = arith.cmpi slt, %while3A_31, %get3A_822 : i32
      %get3A_824 = arith.constant 3 : index
      %get3A_825 = memref.load %arg0[%get3A_824] : memref<64xi32, #tpu.memory_space<smem>>
      %add3A_826 = arith.addi %get3A_825, %while3A_31 : i32
      %jit3A_827 = arith.constant 10239 : i32
      %select_n3A_828 = arith.select %lt3A_823, %add3A_826, %jit3A_827 : i32
      %slice3A_829 = vector.extract_strided_slice %mul3A_781 {offsets = [3, 0], sizes = [1, 128], strides = [1, 1]} : vector<64x128xf32> to vector<1x128xf32>
      %swap3A_830 = arith.index_cast %select_n3A_828 : i32 to index
      %swap3A_831 = arith.constant 0 : index
      %swap3A_832 = vector.load %arg14[%swap3A_830, %swap3A_831] : memref<10240x128xf32, #tpu.memory_space<vmem>>, vector<1x128xf32>
      tpu.vector_store %arg14[%swap3A_830, %swap3A_831], %slice3A_829 {strides = array<i32>} : memref<10240x128xf32, #tpu.memory_space<vmem>>, vector<1x128xf32>,
      %get3A_833 = arith.constant 4 : index
      %get3A_834 = memref.load %arg1[%get3A_833] : memref<64xi32, #tpu.memory_space<smem>>
      %lt3A_835 = arith.cmpi slt, %while3A_31, %get3A_834 : i32
      %get3A_836 = arith.constant 4 : index
      %get3A_837 = memref.load %arg0[%get3A_836] : memref<64xi32, #tpu.memory_space<smem>>
      %add3A_838 = arith.addi %get3A_837, %while3A_31 : i32
      %jit3A_839 = arith.constant 10239 : i32
      %select_n3A_840 = arith.select %lt3A_835, %add3A_838, %jit3A_839 : i32
      %slice3A_841 = vector.extract_strided_slice %mul3A_781 {offsets = [4, 0], sizes = [1, 128], strides = [1, 1]} : vector<64x128xf32> to vector<1x128xf32>
      %swap3A_842 = arith.index_cast %select_n3A_840 : i32 to index
      %swap3A_843 = arith.constant 0 : index
      %swap3A_844 = vector.load %arg14[%swap3A_842, %swap3A_843] : memref<10240x128xf32, #tpu.memory_space<vmem>>, vector<1x128xf32>
      tpu.vector_store %arg14[%swap3A_842, %swap3A_843], %slice3A_841 {strides = array<i32>} : memref<10240x128xf32, #tpu.memory_space<vmem>>, vector<1x128xf32>,
      %get3A_845 = arith.constant 5 : index
      %get3A_846 = memref.load %arg1[%get3A_845] : memref<64xi32, #tpu.memory_space<smem>>
      %lt3A_847 = arith.cmpi slt, %while3A_31, %get3A_846 : i32
      %get3A_848 = arith.constant 5 : index
      %get3A_849 = memref.load %arg0[%get3A_848] : memref<64xi32, #tpu.memory_space<smem>>
      %add3A_850 = arith.addi %get3A_849, %while3A_31 : i32
      %jit3A_851 = arith.constant 10239 : i32
      %select_n3A_852 = arith.select %lt3A_847, %add3A_850, %jit3A_851 : i32
      %slice3A_853 = vector.extract_strided_slice %mul3A_781 {offsets = [5, 0], sizes = [1, 128], strides = [1, 1]} : vector<64x128xf32> to vector<1x128xf32>
      %swap3A_854 = arith.index_cast %select_n3A_852 : i32 to index
      %swap3A_855 = arith.constant 0 : index
      %swap3A_856 = vector.load %arg14[%swap3A_854, %swap3A_855] : memref<10240x128xf32, #tpu.memory_space<vmem>>, vector<1x128xf32>
      tpu.vector_store %arg14[%swap3A_854, %swap3A_855], %slice3A_853 {strides = array<i32>} : memref<10240x128xf32, #tpu.memory_space<vmem>>, vector<1x128xf32>,
      %get3A_857 = arith.constant 6 : index
      %get3A_858 = memref.load %arg1[%get3A_857] : memref<64xi32, #tpu.memory_space<smem>>
      %lt3A_859 = arith.cmpi slt, %while3A_31, %get3A_858 : i32
      %get3A_860 = arith.constant 6 : index
      %get3A_861 = memref.load %arg0[%get3A_860] : memref<64xi32, #tpu.memory_space<smem>>
      %add3A_862 = arith.addi %get3A_861, %while3A_31 : i32
      %jit3A_863 = arith.constant 10239 : i32
      %select_n3A_864 = arith.select %lt3A_859, %add3A_862, %jit3A_863 : i32
      %slice3A_865 = vector.extract_strided_slice %mul3A_781 {offsets = [6, 0], sizes = [1, 128], strides = [1, 1]} : vector<64x128xf32> to vector<1x128xf32>
      %swap3A_866 = arith.index_cast %select_n3A_864 : i32 to index
      %swap3A_867 = arith.constant 0 : index
      %swap3A_868 = vector.load %arg14[%swap3A_866, %swap3A_867] : memref<10240x128xf32, #tpu.memory_space<vmem>>, vector<1x128xf32>
      tpu.vector_store %arg14[%swap3A_866, %swap3A_867], %slice3A_865 {strides = array<i32>} : memref<10240x128xf32, #tpu.memory_space<vmem>>, vector<1x128xf32>,
      %get3A_869 = arith.constant 7 : index
      %get3A_870 = memref.load %arg1[%get3A_869] : memref<64xi32, #tpu.memory_space<smem>>
      %lt3A_871 = arith.cmpi slt, %while3A_31, %get3A_870 : i32
      %get3A_872 = arith.constant 7 : index
      %get3A_873 = memref.load %arg0[%get3A_872] : memref<64xi32, #tpu.memory_space<smem>>
      %add3A_874 = arith.addi %get3A_873, %while3A_31 : i32
      %jit3A_875 = arith.constant 10239 : i32
      %select_n3A_876 = arith.select %lt3A_871, %add3A_874, %jit3A_875 : i32
      %slice3A_877 = vector.extract_strided_slice %mul3A_781 {offsets = [7, 0], sizes = [1, 128], strides = [1, 1]} : vector<64x128xf32> to vector<1x128xf32>
      %swap3A_878 = arith.index_cast %select_n3A_876 : i32 to index
      %swap3A_879 = arith.constant 0 : index
      %swap3A_880 = vector.load %arg14[%swap3A_878, %swap3A_879] : memref<10240x128xf32, #tpu.memory_space<vmem>>, vector<1x128xf32>
      tpu.vector_store %arg14[%swap3A_878, %swap3A_879], %slice3A_877 {strides = array<i32>} : memref<10240x128xf32, #tpu.memory_space<vmem>>, vector<1x128xf32>,
      %get3A_881 = arith.constant 8 : index
      %get3A_882 = memref.load %arg1[%get3A_881] : memref<64xi32, #tpu.memory_space<smem>>
      %lt3A_883 = arith.cmpi slt, %while3A_31, %get3A_882 : i32
      %get3A_884 = arith.constant 8 : index
      %get3A_885 = memref.load %arg0[%get3A_884] : memref<64xi32, #tpu.memory_space<smem>>
      %add3A_886 = arith.addi %get3A_885, %while3A_31 : i32
      %jit3A_887 = arith.constant 10239 : i32
      %select_n3A_888 = arith.select %lt3A_883, %add3A_886, %jit3A_887 : i32
      %slice3A_889 = vector.extract_strided_slice %mul3A_781 {offsets = [8, 0], sizes = [1, 128], strides = [1, 1]} : vector<64x128xf32> to vector<1x128xf32>
      %swap3A_890 = arith.index_cast %select_n3A_888 : i32 to index
      %swap3A_891 = arith.constant 0 : index
      %swap3A_892 = vector.load %arg14[%swap3A_890, %swap3A_891] : memref<10240x128xf32, #tpu.memory_space<vmem>>, vector<1x128xf32>
      tpu.vector_store %arg14[%swap3A_890, %swap3A_891], %slice3A_889 {strides = array<i32>} : memref<10240x128xf32, #tpu.memory_space<vmem>>, vector<1x128xf32>,
      %get3A_893 = arith.constant 9 : index
      %get3A_894 = memref.load %arg1[%get3A_893] : memref<64xi32, #tpu.memory_space<smem>>
      %lt3A_895 = arith.cmpi slt, %while3A_31, %get3A_894 : i32
      %get3A_896 = arith.constant 9 : index
      %get3A_897 = memref.load %arg0[%get3A_896] : memref<64xi32, #tpu.memory_space<smem>>
      %add3A_898 = arith.addi %get3A_897, %while3A_31 : i32
      %jit3A_899 = arith.constant 10239 : i32
      %select_n3A_900 = arith.select %lt3A_895, %add3A_898, %jit3A_899 : i32
      %slice3A_901 = vector.extract_strided_slice %mul3A_781 {offsets = [9, 0], sizes = [1, 128], strides = [1, 1]} : vector<64x128xf32> to vector<1x128xf32>
      %swap3A_902 = arith.index_cast %select_n3A_900 : i32 to index
      %swap3A_903 = arith.constant 0 : index
      %swap3A_904 = vector.load %arg14[%swap3A_902, %swap3A_903] : memref<10240x128xf32, #tpu.memory_space<vmem>>, vector<1x128xf32>
      tpu.vector_store %arg14[%swap3A_902, %swap3A_903], %slice3A_901 {strides = array<i32>} : memref<10240x128xf32, #tpu.memory_space<vmem>>, vector<1x128xf32>,
      %get3A_905 = arith.constant 10 : index
      %get3A_906 = memref.load %arg1[%get3A_905] : memref<64xi32, #tpu.memory_space<smem>>
      %lt3A_907 = arith.cmpi slt, %while3A_31, %get3A_906 : i32
      %get3A_908 = arith.constant 10 : index
      %get3A_909 = memref.load %arg0[%get3A_908] : memref<64xi32, #tpu.memory_space<smem>>
      %add3A_910 = arith.addi %get3A_909, %while3A_31 : i32
      %jit3A_911 = arith.constant 10239 : i32
      %select_n3A_912 = arith.select %lt3A_907, %add3A_910, %jit3A_911 : i32
      %slice3A_913 = vector.extract_strided_slice %mul3A_781 {offsets = [10, 0], sizes = [1, 128], strides = [1, 1]} : vector<64x128xf32> to vector<1x128xf32>
      %swap3A_914 = arith.index_cast %select_n3A_912 : i32 to index
      %swap3A_915 = arith.constant 0 : index
      %swap3A_916 = vector.load %arg14[%swap3A_914, %swap3A_915] : memref<10240x128xf32, #tpu.memory_space<vmem>>, vector<1x128xf32>
      tpu.vector_store %arg14[%swap3A_914, %swap3A_915], %slice3A_913 {strides = array<i32>} : memref<10240x128xf32, #tpu.memory_space<vmem>>, vector<1x128xf32>,
      %get3A_917 = arith.constant 11 : index
      %get3A_918 = memref.load %arg1[%get3A_917] : memref<64xi32, #tpu.memory_space<smem>>
      %lt3A_919 = arith.cmpi slt, %while3A_31, %get3A_918 : i32
      %get3A_920 = arith.constant 11 : index
      %get3A_921 = memref.load %arg0[%get3A_920] : memref<64xi32, #tpu.memory_space<smem>>
      %add3A_922 = arith.addi %get3A_921, %while3A_31 : i32
      %jit3A_923 = arith.constant 10239 : i32
      %select_n3A_924 = arith.select %lt3A_919, %add3A_922, %jit3A_923 : i32
      %slice3A_925 = vector.extract_strided_slice %mul3A_781 {offsets = [11, 0], sizes = [1, 128], strides = [1, 1]} : vector<64x128xf32> to vector<1x128xf32>
      %swap3A_926 = arith.index_cast %select_n3A_924 : i32 to index
      %swap3A_927 = arith.constant 0 : index
      %swap3A_928 = vector.load %arg14[%swap3A_926, %swap3A_927] : memref<10240x128xf32, #tpu.memory_space<vmem>>, vector<1x128xf32>
      tpu.vector_store %arg14[%swap3A_926, %swap3A_927], %slice3A_925 {strides = array<i32>} : memref<10240x128xf32, #tpu.memory_space<vmem>>, vector<1x128xf32>,
      %get3A_929 = arith.constant 12 : index
      %get3A_930 = memref.load %arg1[%get3A_929] : memref<64xi32, #tpu.memory_space<smem>>
      %lt3A_931 = arith.cmpi slt, %while3A_31, %get3A_930 : i32
      %get3A_932 = arith.constant 12 : index
      %get3A_933 = memref.load %arg0[%get3A_932] : memref<64xi32, #tpu.memory_space<smem>>
      %add3A_934 = arith.addi %get3A_933, %while3A_31 : i32
      %jit3A_935 = arith.constant 10239 : i32
      %select_n3A_936 = arith.select %lt3A_931, %add3A_934, %jit3A_935 : i32
      %slice3A_937 = vector.extract_strided_slice %mul3A_781 {offsets = [12, 0], sizes = [1, 128], strides = [1, 1]} : vector<64x128xf32> to vector<1x128xf32>
      %swap3A_938 = arith.index_cast %select_n3A_936 : i32 to index
      %swap3A_939 = arith.constant 0 : index
      %swap3A_940 = vector.load %arg14[%swap3A_938, %swap3A_939] : memref<10240x128xf32, #tpu.memory_space<vmem>>, vector<1x128xf32>
      tpu.vector_store %arg14[%swap3A_938, %swap3A_939], %slice3A_937 {strides = array<i32>} : memref<10240x128xf32, #tpu.memory_space<vmem>>, vector<1x128xf32>,
      %get3A_941 = arith.constant 13 : index
      %get3A_942 = memref.load %arg1[%get3A_941] : memref<64xi32, #tpu.memory_space<smem>>
      %lt3A_943 = arith.cmpi slt, %while3A_31, %get3A_942 : i32
      %get3A_944 = arith.constant 13 : index
      %get3A_945 = memref.load %arg0[%get3A_944] : memref<64xi32, #tpu.memory_space<smem>>
      %add3A_946 = arith.addi %get3A_945, %while3A_31 : i32
      %jit3A_947 = arith.constant 10239 : i32
      %select_n3A_948 = arith.select %lt3A_943, %add3A_946, %jit3A_947 : i32
      %slice3A_949 = vector.extract_strided_slice %mul3A_781 {offsets = [13, 0], sizes = [1, 128], strides = [1, 1]} : vector<64x128xf32> to vector<1x128xf32>
      %swap3A_950 = arith.index_cast %select_n3A_948 : i32 to index
      %swap3A_951 = arith.constant 0 : index
      %swap3A_952 = vector.load %arg14[%swap3A_950, %swap3A_951] : memref<10240x128xf32, #tpu.memory_space<vmem>>, vector<1x128xf32>
      tpu.vector_store %arg14[%swap3A_950, %swap3A_951], %slice3A_949 {strides = array<i32>} : memref<10240x128xf32, #tpu.memory_space<vmem>>, vector<1x128xf32>,
      %get3A_953 = arith.constant 14 : index
      %get3A_954 = memref.load %arg1[%get3A_953] : memref<64xi32, #tpu.memory_space<smem>>
      %lt3A_955 = arith.cmpi slt, %while3A_31, %get3A_954 : i32
      %get3A_956 = arith.constant 14 : index
      %get3A_957 = memref.load %arg0[%get3A_956] : memref<64xi32, #tpu.memory_space<smem>>
      %add3A_958 = arith.addi %get3A_957, %while3A_31 : i32
      %jit3A_959 = arith.constant 10239 : i32
      %select_n3A_960 = arith.select %lt3A_955, %add3A_958, %jit3A_959 : i32
      %slice3A_961 = vector.extract_strided_slice %mul3A_781 {offsets = [14, 0], sizes = [1, 128], strides = [1, 1]} : vector<64x128xf32> to vector<1x128xf32>
      %swap3A_962 = arith.index_cast %select_n3A_960 : i32 to index
      %swap3A_963 = arith.constant 0 : index
      %swap3A_964 = vector.load %arg14[%swap3A_962, %swap3A_963] : memref<10240x128xf32, #tpu.memory_space<vmem>>, vector<1x128xf32>
      tpu.vector_store %arg14[%swap3A_962, %swap3A_963], %slice3A_961 {strides = array<i32>} : memref<10240x128xf32, #tpu.memory_space<vmem>>, vector<1x128xf32>,
      %get3A_965 = arith.constant 15 : index
      %get3A_966 = memref.load %arg1[%get3A_965] : memref<64xi32, #tpu.memory_space<smem>>
      %lt3A_967 = arith.cmpi slt, %while3A_31, %get3A_966 : i32
      %get3A_968 = arith.constant 15 : index
      %get3A_969 = memref.load %arg0[%get3A_968] : memref<64xi32, #tpu.memory_space<smem>>
      %add3A_970 = arith.addi %get3A_969, %while3A_31 : i32
      %jit3A_971 = arith.constant 10239 : i32
      %select_n3A_972 = arith.select %lt3A_967, %add3A_970, %jit3A_971 : i32
      %slice3A_973 = vector.extract_strided_slice %mul3A_781 {offsets = [15, 0], sizes = [1, 128], strides = [1, 1]} : vector<64x128xf32> to vector<1x128xf32>
      %swap3A_974 = arith.index_cast %select_n3A_972 : i32 to index
      %swap3A_975 = arith.constant 0 : index
      %swap3A_976 = vector.load %arg14[%swap3A_974, %swap3A_975] : memref<10240x128xf32, #tpu.memory_space<vmem>>, vector<1x128xf32>
      tpu.vector_store %arg14[%swap3A_974, %swap3A_975], %slice3A_973 {strides = array<i32>} : memref<10240x128xf32, #tpu.memory_space<vmem>>, vector<1x128xf32>,
      %get3A_977 = arith.constant 16 : index
      %get3A_978 = memref.load %arg1[%get3A_977] : memref<64xi32, #tpu.memory_space<smem>>
      %lt3A_979 = arith.cmpi slt, %while3A_31, %get3A_978 : i32
      %get3A_980 = arith.constant 16 : index
      %get3A_981 = memref.load %arg0[%get3A_980] : memref<64xi32, #tpu.memory_space<smem>>
      %add3A_982 = arith.addi %get3A_981, %while3A_31 : i32
      %jit3A_983 = arith.constant 10239 : i32
      %select_n3A_984 = arith.select %lt3A_979, %add3A_982, %jit3A_983 : i32
      %slice3A_985 = vector.extract_strided_slice %mul3A_781 {offsets = [16, 0], sizes = [1, 128], strides = [1, 1]} : vector<64x128xf32> to vector<1x128xf32>
      %swap3A_986 = arith.index_cast %select_n3A_984 : i32 to index
      %swap3A_987 = arith.constant 0 : index
      %swap3A_988 = vector.load %arg14[%swap3A_986, %swap3A_987] : memref<10240x128xf32, #tpu.memory_space<vmem>>, vector<1x128xf32>
      tpu.vector_store %arg14[%swap3A_986, %swap3A_987], %slice3A_985 {strides = array<i32>} : memref<10240x128xf32, #tpu.memory_space<vmem>>, vector<1x128xf32>,
      %get3A_989 = arith.constant 17 : index
      %get3A_990 = memref.load %arg1[%get3A_989] : memref<64xi32, #tpu.memory_space<smem>>
      %lt3A_991 = arith.cmpi slt, %while3A_31, %get3A_990 : i32
      %get3A_992 = arith.constant 17 : index
      %get3A_993 = memref.load %arg0[%get3A_992] : memref<64xi32, #tpu.memory_space<smem>>
      %add3A_994 = arith.addi %get3A_993, %while3A_31 : i32
      %jit3A_995 = arith.constant 10239 : i32
      %select_n3A_996 = arith.select %lt3A_991, %add3A_994, %jit3A_995 : i32
      %slice3A_997 = vector.extract_strided_slice %mul3A_781 {offsets = [17, 0], sizes = [1, 128], strides = [1, 1]} : vector<64x128xf32> to vector<1x128xf32>
      %swap3A_998 = arith.index_cast %select_n3A_996 : i32 to index
      %swap3A_999 = arith.constant 0 : index
      %swap3A_1000 = vector.load %arg14[%swap3A_998, %swap3A_999] : memref<10240x128xf32, #tpu.memory_space<vmem>>, vector<1x128xf32>
      tpu.vector_store %arg14[%swap3A_998, %swap3A_999], %slice3A_997 {strides = array<i32>} : memref<10240x128xf32, #tpu.memory_space<vmem>>, vector<1x128xf32>,
      %get3A_1001 = arith.constant 18 : index
      %get3A_1002 = memref.load %arg1[%get3A_1001] : memref<64xi32, #tpu.memory_space<smem>>
      %lt3A_1003 = arith.cmpi slt, %while3A_31, %get3A_1002 : i32
      %get3A_1004 = arith.constant 18 : index
      %get3A_1005 = memref.load %arg0[%get3A_1004] : memref<64xi32, #tpu.memory_space<smem>>
      %add3A_1006 = arith.addi %get3A_1005, %while3A_31 : i32
      %jit3A_1007 = arith.constant 10239 : i32
      %select_n3A_1008 = arith.select %lt3A_1003, %add3A_1006, %jit3A_1007 : i32
      %slice3A_1009 = vector.extract_strided_slice %mul3A_781 {offsets = [18, 0], sizes = [1, 128], strides = [1, 1]} : vector<64x128xf32> to vector<1x128xf32>
      %swap3A_1010 = arith.index_cast %select_n3A_1008 : i32 to index
      %swap3A_1011 = arith.constant 0 : index
      %swap3A_1012 = vector.load %arg14[%swap3A_1010, %swap3A_1011] : memref<10240x128xf32, #tpu.memory_space<vmem>>, vector<1x128xf32>
      tpu.vector_store %arg14[%swap3A_1010, %swap3A_1011], %slice3A_1009 {strides = array<i32>} : memref<10240x128xf32, #tpu.memory_space<vmem>>, vector<1x128xf32>,
      %get3A_1013 = arith.constant 19 : index
      %get3A_1014 = memref.load %arg1[%get3A_1013] : memref<64xi32, #tpu.memory_space<smem>>
      %lt3A_1015 = arith.cmpi slt, %while3A_31, %get3A_1014 : i32
      %get3A_1016 = arith.constant 19 : index
      %get3A_1017 = memref.load %arg0[%get3A_1016] : memref<64xi32, #tpu.memory_space<smem>>
      %add3A_1018 = arith.addi %get3A_1017, %while3A_31 : i32
      %jit3A_1019 = arith.constant 10239 : i32
      %select_n3A_1020 = arith.select %lt3A_1015, %add3A_1018, %jit3A_1019 : i32
      %slice3A_1021 = vector.extract_strided_slice %mul3A_781 {offsets = [19, 0], sizes = [1, 128], strides = [1, 1]} : vector<64x128xf32> to vector<1x128xf32>
      %swap3A_1022 = arith.index_cast %select_n3A_1020 : i32 to index
      %swap3A_1023 = arith.constant 0 : index
      %swap3A_1024 = vector.load %arg14[%swap3A_1022, %swap3A_1023] : memref<10240x128xf32, #tpu.memory_space<vmem>>, vector<1x128xf32>
      tpu.vector_store %arg14[%swap3A_1022, %swap3A_1023], %slice3A_1021 {strides = array<i32>} : memref<10240x128xf32, #tpu.memory_space<vmem>>, vector<1x128xf32>,
      %get3A_1025 = arith.constant 20 : index
      %get3A_1026 = memref.load %arg1[%get3A_1025] : memref<64xi32, #tpu.memory_space<smem>>
      %lt3A_1027 = arith.cmpi slt, %while3A_31, %get3A_1026 : i32
      %get3A_1028 = arith.constant 20 : index
      %get3A_1029 = memref.load %arg0[%get3A_1028] : memref<64xi32, #tpu.memory_space<smem>>
      %add3A_1030 = arith.addi %get3A_1029, %while3A_31 : i32
      %jit3A_1031 = arith.constant 10239 : i32
      %select_n3A_1032 = arith.select %lt3A_1027, %add3A_1030, %jit3A_1031 : i32
      %slice3A_1033 = vector.extract_strided_slice %mul3A_781 {offsets = [20, 0], sizes = [1, 128], strides = [1, 1]} : vector<64x128xf32> to vector<1x128xf32>
      %swap3A_1034 = arith.index_cast %select_n3A_1032 : i32 to index
      %swap3A_1035 = arith.constant 0 : index
      %swap3A_1036 = vector.load %arg14[%swap3A_1034, %swap3A_1035] : memref<10240x128xf32, #tpu.memory_space<vmem>>, vector<1x128xf32>
      tpu.vector_store %arg14[%swap3A_1034, %swap3A_1035], %slice3A_1033 {strides = array<i32>} : memref<10240x128xf32, #tpu.memory_space<vmem>>, vector<1x128xf32>,
      %get3A_1037 = arith.constant 21 : index
      %get3A_1038 = memref.load %arg1[%get3A_1037] : memref<64xi32, #tpu.memory_space<smem>>
      %lt3A_1039 = arith.cmpi slt, %while3A_31, %get3A_1038 : i32
      %get3A_1040 = arith.constant 21 : index
      %get3A_1041 = memref.load %arg0[%get3A_1040] : memref<64xi32, #tpu.memory_space<smem>>
      %add3A_1042 = arith.addi %get3A_1041, %while3A_31 : i32
      %jit3A_1043 = arith.constant 10239 : i32
      %select_n3A_1044 = arith.select %lt3A_1039, %add3A_1042, %jit3A_1043 : i32
      %slice3A_1045 = vector.extract_strided_slice %mul3A_781 {offsets = [21, 0], sizes = [1, 128], strides = [1, 1]} : vector<64x128xf32> to vector<1x128xf32>
      %swap3A_1046 = arith.index_cast %select_n3A_1044 : i32 to index
      %swap3A_1047 = arith.constant 0 : index
      %swap3A_1048 = vector.load %arg14[%swap3A_1046, %swap3A_1047] : memref<10240x128xf32, #tpu.memory_space<vmem>>, vector<1x128xf32>
      tpu.vector_store %arg14[%swap3A_1046, %swap3A_1047], %slice3A_1045 {strides = array<i32>} : memref<10240x128xf32, #tpu.memory_space<vmem>>, vector<1x128xf32>,
      %get3A_1049 = arith.constant 22 : index
      %get3A_1050 = memref.load %arg1[%get3A_1049] : memref<64xi32, #tpu.memory_space<smem>>
      %lt3A_1051 = arith.cmpi slt, %while3A_31, %get3A_1050 : i32
      %get3A_1052 = arith.constant 22 : index
      %get3A_1053 = memref.load %arg0[%get3A_1052] : memref<64xi32, #tpu.memory_space<smem>>
      %add3A_1054 = arith.addi %get3A_1053, %while3A_31 : i32
      %jit3A_1055 = arith.constant 10239 : i32
      %select_n3A_1056 = arith.select %lt3A_1051, %add3A_1054, %jit3A_1055 : i32
      %slice3A_1057 = vector.extract_strided_slice %mul3A_781 {offsets = [22, 0], sizes = [1, 128], strides = [1, 1]} : vector<64x128xf32> to vector<1x128xf32>
      %swap3A_1058 = arith.index_cast %select_n3A_1056 : i32 to index
      %swap3A_1059 = arith.constant 0 : index
      %swap3A_1060 = vector.load %arg14[%swap3A_1058, %swap3A_1059] : memref<10240x128xf32, #tpu.memory_space<vmem>>, vector<1x128xf32>
      tpu.vector_store %arg14[%swap3A_1058, %swap3A_1059], %slice3A_1057 {strides = array<i32>} : memref<10240x128xf32, #tpu.memory_space<vmem>>, vector<1x128xf32>,
      %get3A_1061 = arith.constant 23 : index
      %get3A_1062 = memref.load %arg1[%get3A_1061] : memref<64xi32, #tpu.memory_space<smem>>
      %lt3A_1063 = arith.cmpi slt, %while3A_31, %get3A_1062 : i32
      %get3A_1064 = arith.constant 23 : index
      %get3A_1065 = memref.load %arg0[%get3A_1064] : memref<64xi32, #tpu.memory_space<smem>>
      %add3A_1066 = arith.addi %get3A_1065, %while3A_31 : i32
      %jit3A_1067 = arith.constant 10239 : i32
      %select_n3A_1068 = arith.select %lt3A_1063, %add3A_1066, %jit3A_1067 : i32
      %slice3A_1069 = vector.extract_strided_slice %mul3A_781 {offsets = [23, 0], sizes = [1, 128], strides = [1, 1]} : vector<64x128xf32> to vector<1x128xf32>
      %swap3A_1070 = arith.index_cast %select_n3A_1068 : i32 to index
      %swap3A_1071 = arith.constant 0 : index
      %swap3A_1072 = vector.load %arg14[%swap3A_1070, %swap3A_1071] : memref<10240x128xf32, #tpu.memory_space<vmem>>, vector<1x128xf32>
      tpu.vector_store %arg14[%swap3A_1070, %swap3A_1071], %slice3A_1069 {strides = array<i32>} : memref<10240x128xf32, #tpu.memory_space<vmem>>, vector<1x128xf32>,
      %get3A_1073 = arith.constant 24 : index
      %get3A_1074 = memref.load %arg1[%get3A_1073] : memref<64xi32, #tpu.memory_space<smem>>
      %lt3A_1075 = arith.cmpi slt, %while3A_31, %get3A_1074 : i32
      %get3A_1076 = arith.constant 24 : index
      %get3A_1077 = memref.load %arg0[%get3A_1076] : memref<64xi32, #tpu.memory_space<smem>>
      %add3A_1078 = arith.addi %get3A_1077, %while3A_31 : i32
      %jit3A_1079 = arith.constant 10239 : i32
      %select_n3A_1080 = arith.select %lt3A_1075, %add3A_1078, %jit3A_1079 : i32
      %slice3A_1081 = vector.extract_strided_slice %mul3A_781 {offsets = [24, 0], sizes = [1, 128], strides = [1, 1]} : vector<64x128xf32> to vector<1x128xf32>
      %swap3A_1082 = arith.index_cast %select_n3A_1080 : i32 to index
      %swap3A_1083 = arith.constant 0 : index
      %swap3A_1084 = vector.load %arg14[%swap3A_1082, %swap3A_1083] : memref<10240x128xf32, #tpu.memory_space<vmem>>, vector<1x128xf32>
      tpu.vector_store %arg14[%swap3A_1082, %swap3A_1083], %slice3A_1081 {strides = array<i32>} : memref<10240x128xf32, #tpu.memory_space<vmem>>, vector<1x128xf32>,
      %get3A_1085 = arith.constant 25 : index
      %get3A_1086 = memref.load %arg1[%get3A_1085] : memref<64xi32, #tpu.memory_space<smem>>
      %lt3A_1087 = arith.cmpi slt, %while3A_31, %get3A_1086 : i32
      %get3A_1088 = arith.constant 25 : index
      %get3A_1089 = memref.load %arg0[%get3A_1088] : memref<64xi32, #tpu.memory_space<smem>>
      %add3A_1090 = arith.addi %get3A_1089, %while3A_31 : i32
      %jit3A_1091 = arith.constant 10239 : i32
      %select_n3A_1092 = arith.select %lt3A_1087, %add3A_1090, %jit3A_1091 : i32
      %slice3A_1093 = vector.extract_strided_slice %mul3A_781 {offsets = [25, 0], sizes = [1, 128], strides = [1, 1]} : vector<64x128xf32> to vector<1x128xf32>
      %swap3A_1094 = arith.index_cast %select_n3A_1092 : i32 to index
      %swap3A_1095 = arith.constant 0 : index
      %swap3A_1096 = vector.load %arg14[%swap3A_1094, %swap3A_1095] : memref<10240x128xf32, #tpu.memory_space<vmem>>, vector<1x128xf32>
      tpu.vector_store %arg14[%swap3A_1094, %swap3A_1095], %slice3A_1093 {strides = array<i32>} : memref<10240x128xf32, #tpu.memory_space<vmem>>, vector<1x128xf32>,
      %get3A_1097 = arith.constant 26 : index
      %get3A_1098 = memref.load %arg1[%get3A_1097] : memref<64xi32, #tpu.memory_space<smem>>
      %lt3A_1099 = arith.cmpi slt, %while3A_31, %get3A_1098 : i32
      %get3A_1100 = arith.constant 26 : index
      %get3A_1101 = memref.load %arg0[%get3A_1100] : memref<64xi32, #tpu.memory_space<smem>>
      %add3A_1102 = arith.addi %get3A_1101, %while3A_31 : i32
      %jit3A_1103 = arith.constant 10239 : i32
      %select_n3A_1104 = arith.select %lt3A_1099, %add3A_1102, %jit3A_1103 : i32
      %slice3A_1105 = vector.extract_strided_slice %mul3A_781 {offsets = [26, 0], sizes = [1, 128], strides = [1, 1]} : vector<64x128xf32> to vector<1x128xf32>
      %swap3A_1106 = arith.index_cast %select_n3A_1104 : i32 to index
      %swap3A_1107 = arith.constant 0 : index
      %swap3A_1108 = vector.load %arg14[%swap3A_1106, %swap3A_1107] : memref<10240x128xf32, #tpu.memory_space<vmem>>, vector<1x128xf32>
      tpu.vector_store %arg14[%swap3A_1106, %swap3A_1107], %slice3A_1105 {strides = array<i32>} : memref<10240x128xf32, #tpu.memory_space<vmem>>, vector<1x128xf32>,
      %get3A_1109 = arith.constant 27 : index
      %get3A_1110 = memref.load %arg1[%get3A_1109] : memref<64xi32, #tpu.memory_space<smem>>
      %lt3A_1111 = arith.cmpi slt, %while3A_31, %get3A_1110 : i32
      %get3A_1112 = arith.constant 27 : index
      %get3A_1113 = memref.load %arg0[%get3A_1112] : memref<64xi32, #tpu.memory_space<smem>>
      %add3A_1114 = arith.addi %get3A_1113, %while3A_31 : i32
      %jit3A_1115 = arith.constant 10239 : i32
      %select_n3A_1116 = arith.select %lt3A_1111, %add3A_1114, %jit3A_1115 : i32
      %slice3A_1117 = vector.extract_strided_slice %mul3A_781 {offsets = [27, 0], sizes = [1, 128], strides = [1, 1]} : vector<64x128xf32> to vector<1x128xf32>
      %swap3A_1118 = arith.index_cast %select_n3A_1116 : i32 to index
      %swap3A_1119 = arith.constant 0 : index
      %swap3A_1120 = vector.load %arg14[%swap3A_1118, %swap3A_1119] : memref<10240x128xf32, #tpu.memory_space<vmem>>, vector<1x128xf32>
      tpu.vector_store %arg14[%swap3A_1118, %swap3A_1119], %slice3A_1117 {strides = array<i32>} : memref<10240x128xf32, #tpu.memory_space<vmem>>, vector<1x128xf32>,
      %get3A_1121 = arith.constant 28 : index
      %get3A_1122 = memref.load %arg1[%get3A_1121] : memref<64xi32, #tpu.memory_space<smem>>
      %lt3A_1123 = arith.cmpi slt, %while3A_31, %get3A_1122 : i32
      %get3A_1124 = arith.constant 28 : index
      %get3A_1125 = memref.load %arg0[%get3A_1124] : memref<64xi32, #tpu.memory_space<smem>>
      %add3A_1126 = arith.addi %get3A_1125, %while3A_31 : i32
      %jit3A_1127 = arith.constant 10239 : i32
      %select_n3A_1128 = arith.select %lt3A_1123, %add3A_1126, %jit3A_1127 : i32
      %slice3A_1129 = vector.extract_strided_slice %mul3A_781 {offsets = [28, 0], sizes = [1, 128], strides = [1, 1]} : vector<64x128xf32> to vector<1x128xf32>
      %swap3A_1130 = arith.index_cast %select_n3A_1128 : i32 to index
      %swap3A_1131 = arith.constant 0 : index
      %swap3A_1132 = vector.load %arg14[%swap3A_1130, %swap3A_1131] : memref<10240x128xf32, #tpu.memory_space<vmem>>, vector<1x128xf32>
      tpu.vector_store %arg14[%swap3A_1130, %swap3A_1131], %slice3A_1129 {strides = array<i32>} : memref<10240x128xf32, #tpu.memory_space<vmem>>, vector<1x128xf32>,
      %get3A_1133 = arith.constant 29 : index
      %get3A_1134 = memref.load %arg1[%get3A_1133] : memref<64xi32, #tpu.memory_space<smem>>
      %lt3A_1135 = arith.cmpi slt, %while3A_31, %get3A_1134 : i32
      %get3A_1136 = arith.constant 29 : index
      %get3A_1137 = memref.load %arg0[%get3A_1136] : memref<64xi32, #tpu.memory_space<smem>>
      %add3A_1138 = arith.addi %get3A_1137, %while3A_31 : i32
      %jit3A_1139 = arith.constant 10239 : i32
      %select_n3A_1140 = arith.select %lt3A_1135, %add3A_1138, %jit3A_1139 : i32
      %slice3A_1141 = vector.extract_strided_slice %mul3A_781 {offsets = [29, 0], sizes = [1, 128], strides = [1, 1]} : vector<64x128xf32> to vector<1x128xf32>
      %swap3A_1142 = arith.index_cast %select_n3A_1140 : i32 to index
      %swap3A_1143 = arith.constant 0 : index
      %swap3A_1144 = vector.load %arg14[%swap3A_1142, %swap3A_1143] : memref<10240x128xf32, #tpu.memory_space<vmem>>, vector<1x128xf32>
      tpu.vector_store %arg14[%swap3A_1142, %swap3A_1143], %slice3A_1141 {strides = array<i32>} : memref<10240x128xf32, #tpu.memory_space<vmem>>, vector<1x128xf32>,
      %get3A_1145 = arith.constant 30 : index
      %get3A_1146 = memref.load %arg1[%get3A_1145] : memref<64xi32, #tpu.memory_space<smem>>
      %lt3A_1147 = arith.cmpi slt, %while3A_31, %get3A_1146 : i32
      %get3A_1148 = arith.constant 30 : index
      %get3A_1149 = memref.load %arg0[%get3A_1148] : memref<64xi32, #tpu.memory_space<smem>>
      %add3A_1150 = arith.addi %get3A_1149, %while3A_31 : i32
      %jit3A_1151 = arith.constant 10239 : i32
      %select_n3A_1152 = arith.select %lt3A_1147, %add3A_1150, %jit3A_1151 : i32
      %slice3A_1153 = vector.extract_strided_slice %mul3A_781 {offsets = [30, 0], sizes = [1, 128], strides = [1, 1]} : vector<64x128xf32> to vector<1x128xf32>
      %swap3A_1154 = arith.index_cast %select_n3A_1152 : i32 to index
      %swap3A_1155 = arith.constant 0 : index
      %swap3A_1156 = vector.load %arg14[%swap3A_1154, %swap3A_1155] : memref<10240x128xf32, #tpu.memory_space<vmem>>, vector<1x128xf32>
      tpu.vector_store %arg14[%swap3A_1154, %swap3A_1155], %slice3A_1153 {strides = array<i32>} : memref<10240x128xf32, #tpu.memory_space<vmem>>, vector<1x128xf32>,
      %get3A_1157 = arith.constant 31 : index
      %get3A_1158 = memref.load %arg1[%get3A_1157] : memref<64xi32, #tpu.memory_space<smem>>
      %lt3A_1159 = arith.cmpi slt, %while3A_31, %get3A_1158 : i32
      %get3A_1160 = arith.constant 31 : index
      %get3A_1161 = memref.load %arg0[%get3A_1160] : memref<64xi32, #tpu.memory_space<smem>>
      %add3A_1162 = arith.addi %get3A_1161, %while3A_31 : i32
      %jit3A_1163 = arith.constant 10239 : i32
      %select_n3A_1164 = arith.select %lt3A_1159, %add3A_1162, %jit3A_1163 : i32
      %slice3A_1165 = vector.extract_strided_slice %mul3A_781 {offsets = [31, 0], sizes = [1, 128], strides = [1, 1]} : vector<64x128xf32> to vector<1x128xf32>
      %swap3A_1166 = arith.index_cast %select_n3A_1164 : i32 to index
      %swap3A_1167 = arith.constant 0 : index
      %swap3A_1168 = vector.load %arg14[%swap3A_1166, %swap3A_1167] : memref<10240x128xf32, #tpu.memory_space<vmem>>, vector<1x128xf32>
      tpu.vector_store %arg14[%swap3A_1166, %swap3A_1167], %slice3A_1165 {strides = array<i32>} : memref<10240x128xf32, #tpu.memory_space<vmem>>, vector<1x128xf32>,
      %get3A_1169 = arith.constant 32 : index
      %get3A_1170 = memref.load %arg1[%get3A_1169] : memref<64xi32, #tpu.memory_space<smem>>
      %lt3A_1171 = arith.cmpi slt, %while3A_31, %get3A_1170 : i32
      %get3A_1172 = arith.constant 32 : index
      %get3A_1173 = memref.load %arg0[%get3A_1172] : memref<64xi32, #tpu.memory_space<smem>>
      %add3A_1174 = arith.addi %get3A_1173, %while3A_31 : i32
      %jit3A_1175 = arith.constant 10239 : i32
      %select_n3A_1176 = arith.select %lt3A_1171, %add3A_1174, %jit3A_1175 : i32
      %slice3A_1177 = vector.extract_strided_slice %mul3A_781 {offsets = [32, 0], sizes = [1, 128], strides = [1, 1]} : vector<64x128xf32> to vector<1x128xf32>
      %swap3A_1178 = arith.index_cast %select_n3A_1176 : i32 to index
      %swap3A_1179 = arith.constant 0 : index
      %swap3A_1180 = vector.load %arg14[%swap3A_1178, %swap3A_1179] : memref<10240x128xf32, #tpu.memory_space<vmem>>, vector<1x128xf32>
      tpu.vector_store %arg14[%swap3A_1178, %swap3A_1179], %slice3A_1177 {strides = array<i32>} : memref<10240x128xf32, #tpu.memory_space<vmem>>, vector<1x128xf32>,
      %get3A_1181 = arith.constant 33 : index
      %get3A_1182 = memref.load %arg1[%get3A_1181] : memref<64xi32, #tpu.memory_space<smem>>
      %lt3A_1183 = arith.cmpi slt, %while3A_31, %get3A_1182 : i32
      %get3A_1184 = arith.constant 33 : index
      %get3A_1185 = memref.load %arg0[%get3A_1184] : memref<64xi32, #tpu.memory_space<smem>>
      %add3A_1186 = arith.addi %get3A_1185, %while3A_31 : i32
      %jit3A_1187 = arith.constant 10239 : i32
      %select_n3A_1188 = arith.select %lt3A_1183, %add3A_1186, %jit3A_1187 : i32
      %slice3A_1189 = vector.extract_strided_slice %mul3A_781 {offsets = [33, 0], sizes = [1, 128], strides = [1, 1]} : vector<64x128xf32> to vector<1x128xf32>
      %swap3A_1190 = arith.index_cast %select_n3A_1188 : i32 to index
      %swap3A_1191 = arith.constant 0 : index
      %swap3A_1192 = vector.load %arg14[%swap3A_1190, %swap3A_1191] : memref<10240x128xf32, #tpu.memory_space<vmem>>, vector<1x128xf32>
      tpu.vector_store %arg14[%swap3A_1190, %swap3A_1191], %slice3A_1189 {strides = array<i32>} : memref<10240x128xf32, #tpu.memory_space<vmem>>, vector<1x128xf32>,
      %get3A_1193 = arith.constant 34 : index
      %get3A_1194 = memref.load %arg1[%get3A_1193] : memref<64xi32, #tpu.memory_space<smem>>
      %lt3A_1195 = arith.cmpi slt, %while3A_31, %get3A_1194 : i32
      %get3A_1196 = arith.constant 34 : index
      %get3A_1197 = memref.load %arg0[%get3A_1196] : memref<64xi32, #tpu.memory_space<smem>>
      %add3A_1198 = arith.addi %get3A_1197, %while3A_31 : i32
      %jit3A_1199 = arith.constant 10239 : i32
      %select_n3A_1200 = arith.select %lt3A_1195, %add3A_1198, %jit3A_1199 : i32
      %slice3A_1201 = vector.extract_strided_slice %mul3A_781 {offsets = [34, 0], sizes = [1, 128], strides = [1, 1]} : vector<64x128xf32> to vector<1x128xf32>
      %swap3A_1202 = arith.index_cast %select_n3A_1200 : i32 to index
      %swap3A_1203 = arith.constant 0 : index
      %swap3A_1204 = vector.load %arg14[%swap3A_1202, %swap3A_1203] : memref<10240x128xf32, #tpu.memory_space<vmem>>, vector<1x128xf32>
      tpu.vector_store %arg14[%swap3A_1202, %swap3A_1203], %slice3A_1201 {strides = array<i32>} : memref<10240x128xf32, #tpu.memory_space<vmem>>, vector<1x128xf32>,
      %get3A_1205 = arith.constant 35 : index
      %get3A_1206 = memref.load %arg1[%get3A_1205] : memref<64xi32, #tpu.memory_space<smem>>
      %lt3A_1207 = arith.cmpi slt, %while3A_31, %get3A_1206 : i32
      %get3A_1208 = arith.constant 35 : index
      %get3A_1209 = memref.load %arg0[%get3A_1208] : memref<64xi32, #tpu.memory_space<smem>>
      %add3A_1210 = arith.addi %get3A_1209, %while3A_31 : i32
      %jit3A_1211 = arith.constant 10239 : i32
      %select_n3A_1212 = arith.select %lt3A_1207, %add3A_1210, %jit3A_1211 : i32
      %slice3A_1213 = vector.extract_strided_slice %mul3A_781 {offsets = [35, 0], sizes = [1, 128], strides = [1, 1]} : vector<64x128xf32> to vector<1x128xf32>
      %swap3A_1214 = arith.index_cast %select_n3A_1212 : i32 to index
      %swap3A_1215 = arith.constant 0 : index
      %swap3A_1216 = vector.load %arg14[%swap3A_1214, %swap3A_1215] : memref<10240x128xf32, #tpu.memory_space<vmem>>, vector<1x128xf32>
      tpu.vector_store %arg14[%swap3A_1214, %swap3A_1215], %slice3A_1213 {strides = array<i32>} : memref<10240x128xf32, #tpu.memory_space<vmem>>, vector<1x128xf32>,
      %get3A_1217 = arith.constant 36 : index
      %get3A_1218 = memref.load %arg1[%get3A_1217] : memref<64xi32, #tpu.memory_space<smem>>
      %lt3A_1219 = arith.cmpi slt, %while3A_31, %get3A_1218 : i32
      %get3A_1220 = arith.constant 36 : index
      %get3A_1221 = memref.load %arg0[%get3A_1220] : memref<64xi32, #tpu.memory_space<smem>>
      %add3A_1222 = arith.addi %get3A_1221, %while3A_31 : i32
      %jit3A_1223 = arith.constant 10239 : i32
      %select_n3A_1224 = arith.select %lt3A_1219, %add3A_1222, %jit3A_1223 : i32
      %slice3A_1225 = vector.extract_strided_slice %mul3A_781 {offsets = [36, 0], sizes = [1, 128], strides = [1, 1]} : vector<64x128xf32> to vector<1x128xf32>
      %swap3A_1226 = arith.index_cast %select_n3A_1224 : i32 to index
      %swap3A_1227 = arith.constant 0 : index
      %swap3A_1228 = vector.load %arg14[%swap3A_1226, %swap3A_1227] : memref<10240x128xf32, #tpu.memory_space<vmem>>, vector<1x128xf32>
      tpu.vector_store %arg14[%swap3A_1226, %swap3A_1227], %slice3A_1225 {strides = array<i32>} : memref<10240x128xf32, #tpu.memory_space<vmem>>, vector<1x128xf32>,
      %get3A_1229 = arith.constant 37 : index
      %get3A_1230 = memref.load %arg1[%get3A_1229] : memref<64xi32, #tpu.memory_space<smem>>
      %lt3A_1231 = arith.cmpi slt, %while3A_31, %get3A_1230 : i32
      %get3A_1232 = arith.constant 37 : index
      %get3A_1233 = memref.load %arg0[%get3A_1232] : memref<64xi32, #tpu.memory_space<smem>>
      %add3A_1234 = arith.addi %get3A_1233, %while3A_31 : i32
      %jit3A_1235 = arith.constant 10239 : i32
      %select_n3A_1236 = arith.select %lt3A_1231, %add3A_1234, %jit3A_1235 : i32
      %slice3A_1237 = vector.extract_strided_slice %mul3A_781 {offsets = [37, 0], sizes = [1, 128], strides = [1, 1]} : vector<64x128xf32> to vector<1x128xf32>
      %swap3A_1238 = arith.index_cast %select_n3A_1236 : i32 to index
      %swap3A_1239 = arith.constant 0 : index
      %swap3A_1240 = vector.load %arg14[%swap3A_1238, %swap3A_1239] : memref<10240x128xf32, #tpu.memory_space<vmem>>, vector<1x128xf32>
      tpu.vector_store %arg14[%swap3A_1238, %swap3A_1239], %slice3A_1237 {strides = array<i32>} : memref<10240x128xf32, #tpu.memory_space<vmem>>, vector<1x128xf32>,
      %get3A_1241 = arith.constant 38 : index
      %get3A_1242 = memref.load %arg1[%get3A_1241] : memref<64xi32, #tpu.memory_space<smem>>
      %lt3A_1243 = arith.cmpi slt, %while3A_31, %get3A_1242 : i32
      %get3A_1244 = arith.constant 38 : index
      %get3A_1245 = memref.load %arg0[%get3A_1244] : memref<64xi32, #tpu.memory_space<smem>>
      %add3A_1246 = arith.addi %get3A_1245, %while3A_31 : i32
      %jit3A_1247 = arith.constant 10239 : i32
      %select_n3A_1248 = arith.select %lt3A_1243, %add3A_1246, %jit3A_1247 : i32
      %slice3A_1249 = vector.extract_strided_slice %mul3A_781 {offsets = [38, 0], sizes = [1, 128], strides = [1, 1]} : vector<64x128xf32> to vector<1x128xf32>
      %swap3A_1250 = arith.index_cast %select_n3A_1248 : i32 to index
      %swap3A_1251 = arith.constant 0 : index
      %swap3A_1252 = vector.load %arg14[%swap3A_1250, %swap3A_1251] : memref<10240x128xf32, #tpu.memory_space<vmem>>, vector<1x128xf32>
      tpu.vector_store %arg14[%swap3A_1250, %swap3A_1251], %slice3A_1249 {strides = array<i32>} : memref<10240x128xf32, #tpu.memory_space<vmem>>, vector<1x128xf32>,
      %get3A_1253 = arith.constant 39 : index
      %get3A_1254 = memref.load %arg1[%get3A_1253] : memref<64xi32, #tpu.memory_space<smem>>
      %lt3A_1255 = arith.cmpi slt, %while3A_31, %get3A_1254 : i32
      %get3A_1256 = arith.constant 39 : index
      %get3A_1257 = memref.load %arg0[%get3A_1256] : memref<64xi32, #tpu.memory_space<smem>>
      %add3A_1258 = arith.addi %get3A_1257, %while3A_31 : i32
      %jit3A_1259 = arith.constant 10239 : i32
      %select_n3A_1260 = arith.select %lt3A_1255, %add3A_1258, %jit3A_1259 : i32
      %slice3A_1261 = vector.extract_strided_slice %mul3A_781 {offsets = [39, 0], sizes = [1, 128], strides = [1, 1]} : vector<64x128xf32> to vector<1x128xf32>
      %swap3A_1262 = arith.index_cast %select_n3A_1260 : i32 to index
      %swap3A_1263 = arith.constant 0 : index
      %swap3A_1264 = vector.load %arg14[%swap3A_1262, %swap3A_1263] : memref<10240x128xf32, #tpu.memory_space<vmem>>, vector<1x128xf32>
      tpu.vector_store %arg14[%swap3A_1262, %swap3A_1263], %slice3A_1261 {strides = array<i32>} : memref<10240x128xf32, #tpu.memory_space<vmem>>, vector<1x128xf32>,
      %get3A_1265 = arith.constant 40 : index
      %get3A_1266 = memref.load %arg1[%get3A_1265] : memref<64xi32, #tpu.memory_space<smem>>
      %lt3A_1267 = arith.cmpi slt, %while3A_31, %get3A_1266 : i32
      %get3A_1268 = arith.constant 40 : index
      %get3A_1269 = memref.load %arg0[%get3A_1268] : memref<64xi32, #tpu.memory_space<smem>>
      %add3A_1270 = arith.addi %get3A_1269, %while3A_31 : i32
      %jit3A_1271 = arith.constant 10239 : i32
      %select_n3A_1272 = arith.select %lt3A_1267, %add3A_1270, %jit3A_1271 : i32
      %slice3A_1273 = vector.extract_strided_slice %mul3A_781 {offsets = [40, 0], sizes = [1, 128], strides = [1, 1]} : vector<64x128xf32> to vector<1x128xf32>
      %swap3A_1274 = arith.index_cast %select_n3A_1272 : i32 to index
      %swap3A_1275 = arith.constant 0 : index
      %swap3A_1276 = vector.load %arg14[%swap3A_1274, %swap3A_1275] : memref<10240x128xf32, #tpu.memory_space<vmem>>, vector<1x128xf32>
      tpu.vector_store %arg14[%swap3A_1274, %swap3A_1275], %slice3A_1273 {strides = array<i32>} : memref<10240x128xf32, #tpu.memory_space<vmem>>, vector<1x128xf32>,
      %get3A_1277 = arith.constant 41 : index
      %get3A_1278 = memref.load %arg1[%get3A_1277] : memref<64xi32, #tpu.memory_space<smem>>
      %lt3A_1279 = arith.cmpi slt, %while3A_31, %get3A_1278 : i32
      %get3A_1280 = arith.constant 41 : index
      %get3A_1281 = memref.load %arg0[%get3A_1280] : memref<64xi32, #tpu.memory_space<smem>>
      %add3A_1282 = arith.addi %get3A_1281, %while3A_31 : i32
      %jit3A_1283 = arith.constant 10239 : i32
      %select_n3A_1284 = arith.select %lt3A_1279, %add3A_1282, %jit3A_1283 : i32
      %slice3A_1285 = vector.extract_strided_slice %mul3A_781 {offsets = [41, 0], sizes = [1, 128], strides = [1, 1]} : vector<64x128xf32> to vector<1x128xf32>
      %swap3A_1286 = arith.index_cast %select_n3A_1284 : i32 to index
      %swap3A_1287 = arith.constant 0 : index
      %swap3A_1288 = vector.load %arg14[%swap3A_1286, %swap3A_1287] : memref<10240x128xf32, #tpu.memory_space<vmem>>, vector<1x128xf32>
      tpu.vector_store %arg14[%swap3A_1286, %swap3A_1287], %slice3A_1285 {strides = array<i32>} : memref<10240x128xf32, #tpu.memory_space<vmem>>, vector<1x128xf32>,
      %get3A_1289 = arith.constant 42 : index
      %get3A_1290 = memref.load %arg1[%get3A_1289] : memref<64xi32, #tpu.memory_space<smem>>
      %lt3A_1291 = arith.cmpi slt, %while3A_31, %get3A_1290 : i32
      %get3A_1292 = arith.constant 42 : index
      %get3A_1293 = memref.load %arg0[%get3A_1292] : memref<64xi32, #tpu.memory_space<smem>>
      %add3A_1294 = arith.addi %get3A_1293, %while3A_31 : i32
      %jit3A_1295 = arith.constant 10239 : i32
      %select_n3A_1296 = arith.select %lt3A_1291, %add3A_1294, %jit3A_1295 : i32
      %slice3A_1297 = vector.extract_strided_slice %mul3A_781 {offsets = [42, 0], sizes = [1, 128], strides = [1, 1]} : vector<64x128xf32> to vector<1x128xf32>
      %swap3A_1298 = arith.index_cast %select_n3A_1296 : i32 to index
      %swap3A_1299 = arith.constant 0 : index
      %swap3A_1300 = vector.load %arg14[%swap3A_1298, %swap3A_1299] : memref<10240x128xf32, #tpu.memory_space<vmem>>, vector<1x128xf32>
      tpu.vector_store %arg14[%swap3A_1298, %swap3A_1299], %slice3A_1297 {strides = array<i32>} : memref<10240x128xf32, #tpu.memory_space<vmem>>, vector<1x128xf32>,
      %get3A_1301 = arith.constant 43 : index
      %get3A_1302 = memref.load %arg1[%get3A_1301] : memref<64xi32, #tpu.memory_space<smem>>
      %lt3A_1303 = arith.cmpi slt, %while3A_31, %get3A_1302 : i32
      %get3A_1304 = arith.constant 43 : index
      %get3A_1305 = memref.load %arg0[%get3A_1304] : memref<64xi32, #tpu.memory_space<smem>>
      %add3A_1306 = arith.addi %get3A_1305, %while3A_31 : i32
      %jit3A_1307 = arith.constant 10239 : i32
      %select_n3A_1308 = arith.select %lt3A_1303, %add3A_1306, %jit3A_1307 : i32
      %slice3A_1309 = vector.extract_strided_slice %mul3A_781 {offsets = [43, 0], sizes = [1, 128], strides = [1, 1]} : vector<64x128xf32> to vector<1x128xf32>
      %swap3A_1310 = arith.index_cast %select_n3A_1308 : i32 to index
      %swap3A_1311 = arith.constant 0 : index
      %swap3A_1312 = vector.load %arg14[%swap3A_1310, %swap3A_1311] : memref<10240x128xf32, #tpu.memory_space<vmem>>, vector<1x128xf32>
      tpu.vector_store %arg14[%swap3A_1310, %swap3A_1311], %slice3A_1309 {strides = array<i32>} : memref<10240x128xf32, #tpu.memory_space<vmem>>, vector<1x128xf32>,
      %get3A_1313 = arith.constant 44 : index
      %get3A_1314 = memref.load %arg1[%get3A_1313] : memref<64xi32, #tpu.memory_space<smem>>
      %lt3A_1315 = arith.cmpi slt, %while3A_31, %get3A_1314 : i32
      %get3A_1316 = arith.constant 44 : index
      %get3A_1317 = memref.load %arg0[%get3A_1316] : memref<64xi32, #tpu.memory_space<smem>>
      %add3A_1318 = arith.addi %get3A_1317, %while3A_31 : i32
      %jit3A_1319 = arith.constant 10239 : i32
      %select_n3A_1320 = arith.select %lt3A_1315, %add3A_1318, %jit3A_1319 : i32
      %slice3A_1321 = vector.extract_strided_slice %mul3A_781 {offsets = [44, 0], sizes = [1, 128], strides = [1, 1]} : vector<64x128xf32> to vector<1x128xf32>
      %swap3A_1322 = arith.index_cast %select_n3A_1320 : i32 to index
      %swap3A_1323 = arith.constant 0 : index
      %swap3A_1324 = vector.load %arg14[%swap3A_1322, %swap3A_1323] : memref<10240x128xf32, #tpu.memory_space<vmem>>, vector<1x128xf32>
      tpu.vector_store %arg14[%swap3A_1322, %swap3A_1323], %slice3A_1321 {strides = array<i32>} : memref<10240x128xf32, #tpu.memory_space<vmem>>, vector<1x128xf32>,
      %get3A_1325 = arith.constant 45 : index
      %get3A_1326 = memref.load %arg1[%get3A_1325] : memref<64xi32, #tpu.memory_space<smem>>
      %lt3A_1327 = arith.cmpi slt, %while3A_31, %get3A_1326 : i32
      %get3A_1328 = arith.constant 45 : index
      %get3A_1329 = memref.load %arg0[%get3A_1328] : memref<64xi32, #tpu.memory_space<smem>>
      %add3A_1330 = arith.addi %get3A_1329, %while3A_31 : i32
      %jit3A_1331 = arith.constant 10239 : i32
      %select_n3A_1332 = arith.select %lt3A_1327, %add3A_1330, %jit3A_1331 : i32
      %slice3A_1333 = vector.extract_strided_slice %mul3A_781 {offsets = [45, 0], sizes = [1, 128], strides = [1, 1]} : vector<64x128xf32> to vector<1x128xf32>
      %swap3A_1334 = arith.index_cast %select_n3A_1332 : i32 to index
      %swap3A_1335 = arith.constant 0 : index
      %swap3A_1336 = vector.load %arg14[%swap3A_1334, %swap3A_1335] : memref<10240x128xf32, #tpu.memory_space<vmem>>, vector<1x128xf32>
      tpu.vector_store %arg14[%swap3A_1334, %swap3A_1335], %slice3A_1333 {strides = array<i32>} : memref<10240x128xf32, #tpu.memory_space<vmem>>, vector<1x128xf32>,
      %get3A_1337 = arith.constant 46 : index
      %get3A_1338 = memref.load %arg1[%get3A_1337] : memref<64xi32, #tpu.memory_space<smem>>
      %lt3A_1339 = arith.cmpi slt, %while3A_31, %get3A_1338 : i32
      %get3A_1340 = arith.constant 46 : index
      %get3A_1341 = memref.load %arg0[%get3A_1340] : memref<64xi32, #tpu.memory_space<smem>>
      %add3A_1342 = arith.addi %get3A_1341, %while3A_31 : i32
      %jit3A_1343 = arith.constant 10239 : i32
      %select_n3A_1344 = arith.select %lt3A_1339, %add3A_1342, %jit3A_1343 : i32
      %slice3A_1345 = vector.extract_strided_slice %mul3A_781 {offsets = [46, 0], sizes = [1, 128], strides = [1, 1]} : vector<64x128xf32> to vector<1x128xf32>
      %swap3A_1346 = arith.index_cast %select_n3A_1344 : i32 to index
      %swap3A_1347 = arith.constant 0 : index
      %swap3A_1348 = vector.load %arg14[%swap3A_1346, %swap3A_1347] : memref<10240x128xf32, #tpu.memory_space<vmem>>, vector<1x128xf32>
      tpu.vector_store %arg14[%swap3A_1346, %swap3A_1347], %slice3A_1345 {strides = array<i32>} : memref<10240x128xf32, #tpu.memory_space<vmem>>, vector<1x128xf32>,
      %get3A_1349 = arith.constant 47 : index
      %get3A_1350 = memref.load %arg1[%get3A_1349] : memref<64xi32, #tpu.memory_space<smem>>
      %lt3A_1351 = arith.cmpi slt, %while3A_31, %get3A_1350 : i32
      %get3A_1352 = arith.constant 47 : index
      %get3A_1353 = memref.load %arg0[%get3A_1352] : memref<64xi32, #tpu.memory_space<smem>>
      %add3A_1354 = arith.addi %get3A_1353, %while3A_31 : i32
      %jit3A_1355 = arith.constant 10239 : i32
      %select_n3A_1356 = arith.select %lt3A_1351, %add3A_1354, %jit3A_1355 : i32
      %slice3A_1357 = vector.extract_strided_slice %mul3A_781 {offsets = [47, 0], sizes = [1, 128], strides = [1, 1]} : vector<64x128xf32> to vector<1x128xf32>
      %swap3A_1358 = arith.index_cast %select_n3A_1356 : i32 to index
      %swap3A_1359 = arith.constant 0 : index
      %swap3A_1360 = vector.load %arg14[%swap3A_1358, %swap3A_1359] : memref<10240x128xf32, #tpu.memory_space<vmem>>, vector<1x128xf32>
      tpu.vector_store %arg14[%swap3A_1358, %swap3A_1359], %slice3A_1357 {strides = array<i32>} : memref<10240x128xf32, #tpu.memory_space<vmem>>, vector<1x128xf32>,
      %get3A_1361 = arith.constant 48 : index
      %get3A_1362 = memref.load %arg1[%get3A_1361] : memref<64xi32, #tpu.memory_space<smem>>
      %lt3A_1363 = arith.cmpi slt, %while3A_31, %get3A_1362 : i32
      %get3A_1364 = arith.constant 48 : index
      %get3A_1365 = memref.load %arg0[%get3A_1364] : memref<64xi32, #tpu.memory_space<smem>>
      %add3A_1366 = arith.addi %get3A_1365, %while3A_31 : i32
      %jit3A_1367 = arith.constant 10239 : i32
      %select_n3A_1368 = arith.select %lt3A_1363, %add3A_1366, %jit3A_1367 : i32
      %slice3A_1369 = vector.extract_strided_slice %mul3A_781 {offsets = [48, 0], sizes = [1, 128], strides = [1, 1]} : vector<64x128xf32> to vector<1x128xf32>
      %swap3A_1370 = arith.index_cast %select_n3A_1368 : i32 to index
      %swap3A_1371 = arith.constant 0 : index
      %swap3A_1372 = vector.load %arg14[%swap3A_1370, %swap3A_1371] : memref<10240x128xf32, #tpu.memory_space<vmem>>, vector<1x128xf32>
      tpu.vector_store %arg14[%swap3A_1370, %swap3A_1371], %slice3A_1369 {strides = array<i32>} : memref<10240x128xf32, #tpu.memory_space<vmem>>, vector<1x128xf32>,
      %get3A_1373 = arith.constant 49 : index
      %get3A_1374 = memref.load %arg1[%get3A_1373] : memref<64xi32, #tpu.memory_space<smem>>
      %lt3A_1375 = arith.cmpi slt, %while3A_31, %get3A_1374 : i32
      %get3A_1376 = arith.constant 49 : index
      %get3A_1377 = memref.load %arg0[%get3A_1376] : memref<64xi32, #tpu.memory_space<smem>>
      %add3A_1378 = arith.addi %get3A_1377, %while3A_31 : i32
      %jit3A_1379 = arith.constant 10239 : i32
      %select_n3A_1380 = arith.select %lt3A_1375, %add3A_1378, %jit3A_1379 : i32
      %slice3A_1381 = vector.extract_strided_slice %mul3A_781 {offsets = [49, 0], sizes = [1, 128], strides = [1, 1]} : vector<64x128xf32> to vector<1x128xf32>
      %swap3A_1382 = arith.index_cast %select_n3A_1380 : i32 to index
      %swap3A_1383 = arith.constant 0 : index
      %swap3A_1384 = vector.load %arg14[%swap3A_1382, %swap3A_1383] : memref<10240x128xf32, #tpu.memory_space<vmem>>, vector<1x128xf32>
      tpu.vector_store %arg14[%swap3A_1382, %swap3A_1383], %slice3A_1381 {strides = array<i32>} : memref<10240x128xf32, #tpu.memory_space<vmem>>, vector<1x128xf32>,
      %get3A_1385 = arith.constant 50 : index
      %get3A_1386 = memref.load %arg1[%get3A_1385] : memref<64xi32, #tpu.memory_space<smem>>
      %lt3A_1387 = arith.cmpi slt, %while3A_31, %get3A_1386 : i32
      %get3A_1388 = arith.constant 50 : index
      %get3A_1389 = memref.load %arg0[%get3A_1388] : memref<64xi32, #tpu.memory_space<smem>>
      %add3A_1390 = arith.addi %get3A_1389, %while3A_31 : i32
      %jit3A_1391 = arith.constant 10239 : i32
      %select_n3A_1392 = arith.select %lt3A_1387, %add3A_1390, %jit3A_1391 : i32
      %slice3A_1393 = vector.extract_strided_slice %mul3A_781 {offsets = [50, 0], sizes = [1, 128], strides = [1, 1]} : vector<64x128xf32> to vector<1x128xf32>
      %swap3A_1394 = arith.index_cast %select_n3A_1392 : i32 to index
      %swap3A_1395 = arith.constant 0 : index
      %swap3A_1396 = vector.load %arg14[%swap3A_1394, %swap3A_1395] : memref<10240x128xf32, #tpu.memory_space<vmem>>, vector<1x128xf32>
      tpu.vector_store %arg14[%swap3A_1394, %swap3A_1395], %slice3A_1393 {strides = array<i32>} : memref<10240x128xf32, #tpu.memory_space<vmem>>, vector<1x128xf32>,
      %get3A_1397 = arith.constant 51 : index
      %get3A_1398 = memref.load %arg1[%get3A_1397] : memref<64xi32, #tpu.memory_space<smem>>
      %lt3A_1399 = arith.cmpi slt, %while3A_31, %get3A_1398 : i32
      %get3A_1400 = arith.constant 51 : index
      %get3A_1401 = memref.load %arg0[%get3A_1400] : memref<64xi32, #tpu.memory_space<smem>>
      %add3A_1402 = arith.addi %get3A_1401, %while3A_31 : i32
      %jit3A_1403 = arith.constant 10239 : i32
      %select_n3A_1404 = arith.select %lt3A_1399, %add3A_1402, %jit3A_1403 : i32
      %slice3A_1405 = vector.extract_strided_slice %mul3A_781 {offsets = [51, 0], sizes = [1, 128], strides = [1, 1]} : vector<64x128xf32> to vector<1x128xf32>
      %swap3A_1406 = arith.index_cast %select_n3A_1404 : i32 to index
      %swap3A_1407 = arith.constant 0 : index
      %swap3A_1408 = vector.load %arg14[%swap3A_1406, %swap3A_1407] : memref<10240x128xf32, #tpu.memory_space<vmem>>, vector<1x128xf32>
      tpu.vector_store %arg14[%swap3A_1406, %swap3A_1407], %slice3A_1405 {strides = array<i32>} : memref<10240x128xf32, #tpu.memory_space<vmem>>, vector<1x128xf32>,
      %get3A_1409 = arith.constant 52 : index
      %get3A_1410 = memref.load %arg1[%get3A_1409] : memref<64xi32, #tpu.memory_space<smem>>
      %lt3A_1411 = arith.cmpi slt, %while3A_31, %get3A_1410 : i32
      %get3A_1412 = arith.constant 52 : index
      %get3A_1413 = memref.load %arg0[%get3A_1412] : memref<64xi32, #tpu.memory_space<smem>>
      %add3A_1414 = arith.addi %get3A_1413, %while3A_31 : i32
      %jit3A_1415 = arith.constant 10239 : i32
      %select_n3A_1416 = arith.select %lt3A_1411, %add3A_1414, %jit3A_1415 : i32
      %slice3A_1417 = vector.extract_strided_slice %mul3A_781 {offsets = [52, 0], sizes = [1, 128], strides = [1, 1]} : vector<64x128xf32> to vector<1x128xf32>
      %swap3A_1418 = arith.index_cast %select_n3A_1416 : i32 to index
      %swap3A_1419 = arith.constant 0 : index
      %swap3A_1420 = vector.load %arg14[%swap3A_1418, %swap3A_1419] : memref<10240x128xf32, #tpu.memory_space<vmem>>, vector<1x128xf32>
      tpu.vector_store %arg14[%swap3A_1418, %swap3A_1419], %slice3A_1417 {strides = array<i32>} : memref<10240x128xf32, #tpu.memory_space<vmem>>, vector<1x128xf32>,
      %get3A_1421 = arith.constant 53 : index
      %get3A_1422 = memref.load %arg1[%get3A_1421] : memref<64xi32, #tpu.memory_space<smem>>
      %lt3A_1423 = arith.cmpi slt, %while3A_31, %get3A_1422 : i32
      %get3A_1424 = arith.constant 53 : index
      %get3A_1425 = memref.load %arg0[%get3A_1424] : memref<64xi32, #tpu.memory_space<smem>>
      %add3A_1426 = arith.addi %get3A_1425, %while3A_31 : i32
      %jit3A_1427 = arith.constant 10239 : i32
      %select_n3A_1428 = arith.select %lt3A_1423, %add3A_1426, %jit3A_1427 : i32
      %slice3A_1429 = vector.extract_strided_slice %mul3A_781 {offsets = [53, 0], sizes = [1, 128], strides = [1, 1]} : vector<64x128xf32> to vector<1x128xf32>
      %swap3A_1430 = arith.index_cast %select_n3A_1428 : i32 to index
      %swap3A_1431 = arith.constant 0 : index
      %swap3A_1432 = vector.load %arg14[%swap3A_1430, %swap3A_1431] : memref<10240x128xf32, #tpu.memory_space<vmem>>, vector<1x128xf32>
      tpu.vector_store %arg14[%swap3A_1430, %swap3A_1431], %slice3A_1429 {strides = array<i32>} : memref<10240x128xf32, #tpu.memory_space<vmem>>, vector<1x128xf32>,
      %get3A_1433 = arith.constant 54 : index
      %get3A_1434 = memref.load %arg1[%get3A_1433] : memref<64xi32, #tpu.memory_space<smem>>
      %lt3A_1435 = arith.cmpi slt, %while3A_31, %get3A_1434 : i32
      %get3A_1436 = arith.constant 54 : index
      %get3A_1437 = memref.load %arg0[%get3A_1436] : memref<64xi32, #tpu.memory_space<smem>>
      %add3A_1438 = arith.addi %get3A_1437, %while3A_31 : i32
      %jit3A_1439 = arith.constant 10239 : i32
      %select_n3A_1440 = arith.select %lt3A_1435, %add3A_1438, %jit3A_1439 : i32
      %slice3A_1441 = vector.extract_strided_slice %mul3A_781 {offsets = [54, 0], sizes = [1, 128], strides = [1, 1]} : vector<64x128xf32> to vector<1x128xf32>
      %swap3A_1442 = arith.index_cast %select_n3A_1440 : i32 to index
      %swap3A_1443 = arith.constant 0 : index
      %swap3A_1444 = vector.load %arg14[%swap3A_1442, %swap3A_1443] : memref<10240x128xf32, #tpu.memory_space<vmem>>, vector<1x128xf32>
      tpu.vector_store %arg14[%swap3A_1442, %swap3A_1443], %slice3A_1441 {strides = array<i32>} : memref<10240x128xf32, #tpu.memory_space<vmem>>, vector<1x128xf32>,
      %get3A_1445 = arith.constant 55 : index
      %get3A_1446 = memref.load %arg1[%get3A_1445] : memref<64xi32, #tpu.memory_space<smem>>
      %lt3A_1447 = arith.cmpi slt, %while3A_31, %get3A_1446 : i32
      %get3A_1448 = arith.constant 55 : index
      %get3A_1449 = memref.load %arg0[%get3A_1448] : memref<64xi32, #tpu.memory_space<smem>>
      %add3A_1450 = arith.addi %get3A_1449, %while3A_31 : i32
      %jit3A_1451 = arith.constant 10239 : i32
      %select_n3A_1452 = arith.select %lt3A_1447, %add3A_1450, %jit3A_1451 : i32
      %slice3A_1453 = vector.extract_strided_slice %mul3A_781 {offsets = [55, 0], sizes = [1, 128], strides = [1, 1]} : vector<64x128xf32> to vector<1x128xf32>
      %swap3A_1454 = arith.index_cast %select_n3A_1452 : i32 to index
      %swap3A_1455 = arith.constant 0 : index
      %swap3A_1456 = vector.load %arg14[%swap3A_1454, %swap3A_1455] : memref<10240x128xf32, #tpu.memory_space<vmem>>, vector<1x128xf32>
      tpu.vector_store %arg14[%swap3A_1454, %swap3A_1455], %slice3A_1453 {strides = array<i32>} : memref<10240x128xf32, #tpu.memory_space<vmem>>, vector<1x128xf32>,
      %get3A_1457 = arith.constant 56 : index
      %get3A_1458 = memref.load %arg1[%get3A_1457] : memref<64xi32, #tpu.memory_space<smem>>
      %lt3A_1459 = arith.cmpi slt, %while3A_31, %get3A_1458 : i32
      %get3A_1460 = arith.constant 56 : index
      %get3A_1461 = memref.load %arg0[%get3A_1460] : memref<64xi32, #tpu.memory_space<smem>>
      %add3A_1462 = arith.addi %get3A_1461, %while3A_31 : i32
      %jit3A_1463 = arith.constant 10239 : i32
      %select_n3A_1464 = arith.select %lt3A_1459, %add3A_1462, %jit3A_1463 : i32
      %slice3A_1465 = vector.extract_strided_slice %mul3A_781 {offsets = [56, 0], sizes = [1, 128], strides = [1, 1]} : vector<64x128xf32> to vector<1x128xf32>
      %swap3A_1466 = arith.index_cast %select_n3A_1464 : i32 to index
      %swap3A_1467 = arith.constant 0 : index
      %swap3A_1468 = vector.load %arg14[%swap3A_1466, %swap3A_1467] : memref<10240x128xf32, #tpu.memory_space<vmem>>, vector<1x128xf32>
      tpu.vector_store %arg14[%swap3A_1466, %swap3A_1467], %slice3A_1465 {strides = array<i32>} : memref<10240x128xf32, #tpu.memory_space<vmem>>, vector<1x128xf32>,
      %get3A_1469 = arith.constant 57 : index
      %get3A_1470 = memref.load %arg1[%get3A_1469] : memref<64xi32, #tpu.memory_space<smem>>
      %lt3A_1471 = arith.cmpi slt, %while3A_31, %get3A_1470 : i32
      %get3A_1472 = arith.constant 57 : index
      %get3A_1473 = memref.load %arg0[%get3A_1472] : memref<64xi32, #tpu.memory_space<smem>>
      %add3A_1474 = arith.addi %get3A_1473, %while3A_31 : i32
      %jit3A_1475 = arith.constant 10239 : i32
      %select_n3A_1476 = arith.select %lt3A_1471, %add3A_1474, %jit3A_1475 : i32
      %slice3A_1477 = vector.extract_strided_slice %mul3A_781 {offsets = [57, 0], sizes = [1, 128], strides = [1, 1]} : vector<64x128xf32> to vector<1x128xf32>
      %swap3A_1478 = arith.index_cast %select_n3A_1476 : i32 to index
      %swap3A_1479 = arith.constant 0 : index
      %swap3A_1480 = vector.load %arg14[%swap3A_1478, %swap3A_1479] : memref<10240x128xf32, #tpu.memory_space<vmem>>, vector<1x128xf32>
      tpu.vector_store %arg14[%swap3A_1478, %swap3A_1479], %slice3A_1477 {strides = array<i32>} : memref<10240x128xf32, #tpu.memory_space<vmem>>, vector<1x128xf32>,
      %get3A_1481 = arith.constant 58 : index
      %get3A_1482 = memref.load %arg1[%get3A_1481] : memref<64xi32, #tpu.memory_space<smem>>
      %lt3A_1483 = arith.cmpi slt, %while3A_31, %get3A_1482 : i32
      %get3A_1484 = arith.constant 58 : index
      %get3A_1485 = memref.load %arg0[%get3A_1484] : memref<64xi32, #tpu.memory_space<smem>>
      %add3A_1486 = arith.addi %get3A_1485, %while3A_31 : i32
      %jit3A_1487 = arith.constant 10239 : i32
      %select_n3A_1488 = arith.select %lt3A_1483, %add3A_1486, %jit3A_1487 : i32
      %slice3A_1489 = vector.extract_strided_slice %mul3A_781 {offsets = [58, 0], sizes = [1, 128], strides = [1, 1]} : vector<64x128xf32> to vector<1x128xf32>
      %swap3A_1490 = arith.index_cast %select_n3A_1488 : i32 to index
      %swap3A_1491 = arith.constant 0 : index
      %swap3A_1492 = vector.load %arg14[%swap3A_1490, %swap3A_1491] : memref<10240x128xf32, #tpu.memory_space<vmem>>, vector<1x128xf32>
      tpu.vector_store %arg14[%swap3A_1490, %swap3A_1491], %slice3A_1489 {strides = array<i32>} : memref<10240x128xf32, #tpu.memory_space<vmem>>, vector<1x128xf32>,
      %get3A_1493 = arith.constant 59 : index
      %get3A_1494 = memref.load %arg1[%get3A_1493] : memref<64xi32, #tpu.memory_space<smem>>
      %lt3A_1495 = arith.cmpi slt, %while3A_31, %get3A_1494 : i32
      %get3A_1496 = arith.constant 59 : index
      %get3A_1497 = memref.load %arg0[%get3A_1496] : memref<64xi32, #tpu.memory_space<smem>>
      %add3A_1498 = arith.addi %get3A_1497, %while3A_31 : i32
      %jit3A_1499 = arith.constant 10239 : i32
      %select_n3A_1500 = arith.select %lt3A_1495, %add3A_1498, %jit3A_1499 : i32
      %slice3A_1501 = vector.extract_strided_slice %mul3A_781 {offsets = [59, 0], sizes = [1, 128], strides = [1, 1]} : vector<64x128xf32> to vector<1x128xf32>
      %swap3A_1502 = arith.index_cast %select_n3A_1500 : i32 to index
      %swap3A_1503 = arith.constant 0 : index
      %swap3A_1504 = vector.load %arg14[%swap3A_1502, %swap3A_1503] : memref<10240x128xf32, #tpu.memory_space<vmem>>, vector<1x128xf32>
      tpu.vector_store %arg14[%swap3A_1502, %swap3A_1503], %slice3A_1501 {strides = array<i32>} : memref<10240x128xf32, #tpu.memory_space<vmem>>, vector<1x128xf32>,
      %get3A_1505 = arith.constant 60 : index
      %get3A_1506 = memref.load %arg1[%get3A_1505] : memref<64xi32, #tpu.memory_space<smem>>
      %lt3A_1507 = arith.cmpi slt, %while3A_31, %get3A_1506 : i32
      %get3A_1508 = arith.constant 60 : index
      %get3A_1509 = memref.load %arg0[%get3A_1508] : memref<64xi32, #tpu.memory_space<smem>>
      %add3A_1510 = arith.addi %get3A_1509, %while3A_31 : i32
      %jit3A_1511 = arith.constant 10239 : i32
      %select_n3A_1512 = arith.select %lt3A_1507, %add3A_1510, %jit3A_1511 : i32
      %slice3A_1513 = vector.extract_strided_slice %mul3A_781 {offsets = [60, 0], sizes = [1, 128], strides = [1, 1]} : vector<64x128xf32> to vector<1x128xf32>
      %swap3A_1514 = arith.index_cast %select_n3A_1512 : i32 to index
      %swap3A_1515 = arith.constant 0 : index
      %swap3A_1516 = vector.load %arg14[%swap3A_1514, %swap3A_1515] : memref<10240x128xf32, #tpu.memory_space<vmem>>, vector<1x128xf32>
      tpu.vector_store %arg14[%swap3A_1514, %swap3A_1515], %slice3A_1513 {strides = array<i32>} : memref<10240x128xf32, #tpu.memory_space<vmem>>, vector<1x128xf32>,
      %get3A_1517 = arith.constant 61 : index
      %get3A_1518 = memref.load %arg1[%get3A_1517] : memref<64xi32, #tpu.memory_space<smem>>
      %lt3A_1519 = arith.cmpi slt, %while3A_31, %get3A_1518 : i32
      %get3A_1520 = arith.constant 61 : index
      %get3A_1521 = memref.load %arg0[%get3A_1520] : memref<64xi32, #tpu.memory_space<smem>>
      %add3A_1522 = arith.addi %get3A_1521, %while3A_31 : i32
      %jit3A_1523 = arith.constant 10239 : i32
      %select_n3A_1524 = arith.select %lt3A_1519, %add3A_1522, %jit3A_1523 : i32
      %slice3A_1525 = vector.extract_strided_slice %mul3A_781 {offsets = [61, 0], sizes = [1, 128], strides = [1, 1]} : vector<64x128xf32> to vector<1x128xf32>
      %swap3A_1526 = arith.index_cast %select_n3A_1524 : i32 to index
      %swap3A_1527 = arith.constant 0 : index
      %swap3A_1528 = vector.load %arg14[%swap3A_1526, %swap3A_1527] : memref<10240x128xf32, #tpu.memory_space<vmem>>, vector<1x128xf32>
      tpu.vector_store %arg14[%swap3A_1526, %swap3A_1527], %slice3A_1525 {strides = array<i32>} : memref<10240x128xf32, #tpu.memory_space<vmem>>, vector<1x128xf32>,
      %get3A_1529 = arith.constant 62 : index
      %get3A_1530 = memref.load %arg1[%get3A_1529] : memref<64xi32, #tpu.memory_space<smem>>
      %lt3A_1531 = arith.cmpi slt, %while3A_31, %get3A_1530 : i32
      %get3A_1532 = arith.constant 62 : index
      %get3A_1533 = memref.load %arg0[%get3A_1532] : memref<64xi32, #tpu.memory_space<smem>>
      %add3A_1534 = arith.addi %get3A_1533, %while3A_31 : i32
      %jit3A_1535 = arith.constant 10239 : i32
      %select_n3A_1536 = arith.select %lt3A_1531, %add3A_1534, %jit3A_1535 : i32
      %slice3A_1537 = vector.extract_strided_slice %mul3A_781 {offsets = [62, 0], sizes = [1, 128], strides = [1, 1]} : vector<64x128xf32> to vector<1x128xf32>
      %swap3A_1538 = arith.index_cast %select_n3A_1536 : i32 to index
      %swap3A_1539 = arith.constant 0 : index
      %swap3A_1540 = vector.load %arg14[%swap3A_1538, %swap3A_1539] : memref<10240x128xf32, #tpu.memory_space<vmem>>, vector<1x128xf32>
      tpu.vector_store %arg14[%swap3A_1538, %swap3A_1539], %slice3A_1537 {strides = array<i32>} : memref<10240x128xf32, #tpu.memory_space<vmem>>, vector<1x128xf32>,
      %get3A_1541 = arith.constant 63 : index
      %get3A_1542 = memref.load %arg1[%get3A_1541] : memref<64xi32, #tpu.memory_space<smem>>
      %lt3A_1543 = arith.cmpi slt, %while3A_31, %get3A_1542 : i32
      %get3A_1544 = arith.constant 63 : index
      %get3A_1545 = memref.load %arg0[%get3A_1544] : memref<64xi32, #tpu.memory_space<smem>>
      %add3A_1546 = arith.addi %get3A_1545, %while3A_31 : i32
      %jit3A_1547 = arith.constant 10239 : i32
      %select_n3A_1548 = arith.select %lt3A_1543, %add3A_1546, %jit3A_1547 : i32
      %slice3A_1549 = vector.extract_strided_slice %mul3A_781 {offsets = [63, 0], sizes = [1, 128], strides = [1, 1]} : vector<64x128xf32> to vector<1x128xf32>
      %swap3A_1550 = arith.index_cast %select_n3A_1548 : i32 to index
      %swap3A_1551 = arith.constant 0 : index
      %swap3A_1552 = vector.load %arg14[%swap3A_1550, %swap3A_1551] : memref<10240x128xf32, #tpu.memory_space<vmem>>, vector<1x128xf32>
      tpu.vector_store %arg14[%swap3A_1550, %swap3A_1551], %slice3A_1549 {strides = array<i32>} : memref<10240x128xf32, #tpu.memory_space<vmem>>, vector<1x128xf32>,
    }
    %while3A_17 = arith.constant 1 : i32
    scf.for %while3A_31 = %while3A_15 to %while3A_11 step %while3A_17  : i32 {
      %get3A_32 = arith.constant 0 : index
      %get3A_33 = memref.load %arg0[%get3A_32] : memref<64xi32, #tpu.memory_space<smem>>
      %add3A = arith.addi %get3A_33, %while3A_31 : i32
      %min3A = arith.constant 9999 : i32
      %min3A_34 = arith.minsi %add3A, %min3A : i32
      %get3A_35 = arith.index_cast %min3A_34 : i32 to index
      %get3A_36 = arith.constant 0 : index
      %get3A_37 = vector.load %arg3[%get3A_35, %get3A_36] : memref<10000x128xf32, #tpu.memory_space<vmem>>, vector<1x128xf32>
      %swap3A_38 = arith.constant 0 : index
      %swap3A_39 = arith.constant 0 : index
      %swap3A_40 = vector.load %arg13[%swap3A_38, %swap3A_39] : memref<64x128xf32, #tpu.memory_space<vmem>>, vector<1x128xf32>
      tpu.vector_store %arg13[%swap3A_38, %swap3A_39], %get3A_37 {strides = array<i32>} : memref<64x128xf32, #tpu.memory_space<vmem>>, vector<1x128xf32>,
      %get3A_41 = arith.constant 1 : index
      %get3A_42 = memref.load %arg0[%get3A_41] : memref<64xi32, #tpu.memory_space<smem>>
      %add3A_43 = arith.addi %get3A_42, %while3A_31 : i32
      %min3A_44 = arith.constant 9999 : i32
      %min3A_45 = arith.minsi %add3A_43, %min3A_44 : i32
      %get3A_46 = arith.index_cast %min3A_45 : i32 to index
      %get3A_47 = arith.constant 0 : index
      %get3A_48 = vector.load %arg3[%get3A_46, %get3A_47] : memref<10000x128xf32, #tpu.memory_space<vmem>>, vector<1x128xf32>
      %swap3A_49 = arith.constant 1 : index
      %swap3A_50 = arith.constant 0 : index
      %swap3A_51 = vector.load %arg13[%swap3A_49, %swap3A_50] : memref<64x128xf32, #tpu.memory_space<vmem>>, vector<1x128xf32>
      tpu.vector_store %arg13[%swap3A_49, %swap3A_50], %get3A_48 {strides = array<i32>} : memref<64x128xf32, #tpu.memory_space<vmem>>, vector<1x128xf32>,
      %get3A_52 = arith.constant 2 : index
      %get3A_53 = memref.load %arg0[%get3A_52] : memref<64xi32, #tpu.memory_space<smem>>
      %add3A_54 = arith.addi %get3A_53, %while3A_31 : i32
      %min3A_55 = arith.constant 9999 : i32
      %min3A_56 = arith.minsi %add3A_54, %min3A_55 : i32
      %get3A_57 = arith.index_cast %min3A_56 : i32 to index
      %get3A_58 = arith.constant 0 : index
      %get3A_59 = vector.load %arg3[%get3A_57, %get3A_58] : memref<10000x128xf32, #tpu.memory_space<vmem>>, vector<1x128xf32>
      %swap3A_60 = arith.constant 2 : index
      %swap3A_61 = arith.constant 0 : index
      %swap3A_62 = vector.load %arg13[%swap3A_60, %swap3A_61] : memref<64x128xf32, #tpu.memory_space<vmem>>, vector<1x128xf32>
      tpu.vector_store %arg13[%swap3A_60, %swap3A_61], %get3A_59 {strides = array<i32>} : memref<64x128xf32, #tpu.memory_space<vmem>>, vector<1x128xf32>,
      %get3A_63 = arith.constant 3 : index
      %get3A_64 = memref.load %arg0[%get3A_63] : memref<64xi32, #tpu.memory_space<smem>>
      %add3A_65 = arith.addi %get3A_64, %while3A_31 : i32
      %min3A_66 = arith.constant 9999 : i32
      %min3A_67 = arith.minsi %add3A_65, %min3A_66 : i32
      %get3A_68 = arith.index_cast %min3A_67 : i32 to index
      %get3A_69 = arith.constant 0 : index
      %get3A_70 = vector.load %arg3[%get3A_68, %get3A_69] : memref<10000x128xf32, #tpu.memory_space<vmem>>, vector<1x128xf32>
      %swap3A_71 = arith.constant 3 : index
      %swap3A_72 = arith.constant 0 : index
      %swap3A_73 = vector.load %arg13[%swap3A_71, %swap3A_72] : memref<64x128xf32, #tpu.memory_space<vmem>>, vector<1x128xf32>
      tpu.vector_store %arg13[%swap3A_71, %swap3A_72], %get3A_70 {strides = array<i32>} : memref<64x128xf32, #tpu.memory_space<vmem>>, vector<1x128xf32>,
      %get3A_74 = arith.constant 4 : index
      %get3A_75 = memref.load %arg0[%get3A_74] : memref<64xi32, #tpu.memory_space<smem>>
      %add3A_76 = arith.addi %get3A_75, %while3A_31 : i32
      %min3A_77 = arith.constant 9999 : i32
      %min3A_78 = arith.minsi %add3A_76, %min3A_77 : i32
      %get3A_79 = arith.index_cast %min3A_78 : i32 to index
      %get3A_80 = arith.constant 0 : index
      %get3A_81 = vector.load %arg3[%get3A_79, %get3A_80] : memref<10000x128xf32, #tpu.memory_space<vmem>>, vector<1x128xf32>
      %swap3A_82 = arith.constant 4 : index
      %swap3A_83 = arith.constant 0 : index
      %swap3A_84 = vector.load %arg13[%swap3A_82, %swap3A_83] : memref<64x128xf32, #tpu.memory_space<vmem>>, vector<1x128xf32>
      tpu.vector_store %arg13[%swap3A_82, %swap3A_83], %get3A_81 {strides = array<i32>} : memref<64x128xf32, #tpu.memory_space<vmem>>, vector<1x128xf32>,
      %get3A_85 = arith.constant 5 : index
      %get3A_86 = memref.load %arg0[%get3A_85] : memref<64xi32, #tpu.memory_space<smem>>
      %add3A_87 = arith.addi %get3A_86, %while3A_31 : i32
      %min3A_88 = arith.constant 9999 : i32
      %min3A_89 = arith.minsi %add3A_87, %min3A_88 : i32
      %get3A_90 = arith.index_cast %min3A_89 : i32 to index
      %get3A_91 = arith.constant 0 : index
      %get3A_92 = vector.load %arg3[%get3A_90, %get3A_91] : memref<10000x128xf32, #tpu.memory_space<vmem>>, vector<1x128xf32>
      %swap3A_93 = arith.constant 5 : index
      %swap3A_94 = arith.constant 0 : index
      %swap3A_95 = vector.load %arg13[%swap3A_93, %swap3A_94] : memref<64x128xf32, #tpu.memory_space<vmem>>, vector<1x128xf32>
      tpu.vector_store %arg13[%swap3A_93, %swap3A_94], %get3A_92 {strides = array<i32>} : memref<64x128xf32, #tpu.memory_space<vmem>>, vector<1x128xf32>,
      %get3A_96 = arith.constant 6 : index
      %get3A_97 = memref.load %arg0[%get3A_96] : memref<64xi32, #tpu.memory_space<smem>>
      %add3A_98 = arith.addi %get3A_97, %while3A_31 : i32
      %min3A_99 = arith.constant 9999 : i32
      %min3A_100 = arith.minsi %add3A_98, %min3A_99 : i32
      %get3A_101 = arith.index_cast %min3A_100 : i32 to index
      %get3A_102 = arith.constant 0 : index
      %get3A_103 = vector.load %arg3[%get3A_101, %get3A_102] : memref<10000x128xf32, #tpu.memory_space<vmem>>, vector<1x128xf32>
      %swap3A_104 = arith.constant 6 : index
      %swap3A_105 = arith.constant 0 : index
      %swap3A_106 = vector.load %arg13[%swap3A_104, %swap3A_105] : memref<64x128xf32, #tpu.memory_space<vmem>>, vector<1x128xf32>
      tpu.vector_store %arg13[%swap3A_104, %swap3A_105], %get3A_103 {strides = array<i32>} : memref<64x128xf32, #tpu.memory_space<vmem>>, vector<1x128xf32>,
      %get3A_107 = arith.constant 7 : index
      %get3A_108 = memref.load %arg0[%get3A_107] : memref<64xi32, #tpu.memory_space<smem>>
      %add3A_109 = arith.addi %get3A_108, %while3A_31 : i32
      %min3A_110 = arith.constant 9999 : i32
      %min3A_111 = arith.minsi %add3A_109, %min3A_110 : i32
      %get3A_112 = arith.index_cast %min3A_111 : i32 to index
      %get3A_113 = arith.constant 0 : index
      %get3A_114 = vector.load %arg3[%get3A_112, %get3A_113] : memref<10000x128xf32, #tpu.memory_space<vmem>>, vector<1x128xf32>
      %swap3A_115 = arith.constant 7 : index
      %swap3A_116 = arith.constant 0 : index
      %swap3A_117 = vector.load %arg13[%swap3A_115, %swap3A_116] : memref<64x128xf32, #tpu.memory_space<vmem>>, vector<1x128xf32>
      tpu.vector_store %arg13[%swap3A_115, %swap3A_116], %get3A_114 {strides = array<i32>} : memref<64x128xf32, #tpu.memory_space<vmem>>, vector<1x128xf32>,
      %get3A_118 = arith.constant 8 : index
      %get3A_119 = memref.load %arg0[%get3A_118] : memref<64xi32, #tpu.memory_space<smem>>
      %add3A_120 = arith.addi %get3A_119, %while3A_31 : i32
      %min3A_121 = arith.constant 9999 : i32
      %min3A_122 = arith.minsi %add3A_120, %min3A_121 : i32
      %get3A_123 = arith.index_cast %min3A_122 : i32 to index
      %get3A_124 = arith.constant 0 : index
      %get3A_125 = vector.load %arg3[%get3A_123, %get3A_124] : memref<10000x128xf32, #tpu.memory_space<vmem>>, vector<1x128xf32>
      %swap3A_126 = arith.constant 8 : index
      %swap3A_127 = arith.constant 0 : index
      %swap3A_128 = vector.load %arg13[%swap3A_126, %swap3A_127] : memref<64x128xf32, #tpu.memory_space<vmem>>, vector<1x128xf32>
      tpu.vector_store %arg13[%swap3A_126, %swap3A_127], %get3A_125 {strides = array<i32>} : memref<64x128xf32, #tpu.memory_space<vmem>>, vector<1x128xf32>,
      %get3A_129 = arith.constant 9 : index
      %get3A_130 = memref.load %arg0[%get3A_129] : memref<64xi32, #tpu.memory_space<smem>>
      %add3A_131 = arith.addi %get3A_130, %while3A_31 : i32
      %min3A_132 = arith.constant 9999 : i32
      %min3A_133 = arith.minsi %add3A_131, %min3A_132 : i32
      %get3A_134 = arith.index_cast %min3A_133 : i32 to index
      %get3A_135 = arith.constant 0 : index
      %get3A_136 = vector.load %arg3[%get3A_134, %get3A_135] : memref<10000x128xf32, #tpu.memory_space<vmem>>, vector<1x128xf32>
      %swap3A_137 = arith.constant 9 : index
      %swap3A_138 = arith.constant 0 : index
      %swap3A_139 = vector.load %arg13[%swap3A_137, %swap3A_138] : memref<64x128xf32, #tpu.memory_space<vmem>>, vector<1x128xf32>
      tpu.vector_store %arg13[%swap3A_137, %swap3A_138], %get3A_136 {strides = array<i32>} : memref<64x128xf32, #tpu.memory_space<vmem>>, vector<1x128xf32>,
      %get3A_140 = arith.constant 10 : index
      %get3A_141 = memref.load %arg0[%get3A_140] : memref<64xi32, #tpu.memory_space<smem>>
      %add3A_142 = arith.addi %get3A_141, %while3A_31 : i32
      %min3A_143 = arith.constant 9999 : i32
      %min3A_144 = arith.minsi %add3A_142, %min3A_143 : i32
      %get3A_145 = arith.index_cast %min3A_144 : i32 to index
      %get3A_146 = arith.constant 0 : index
      %get3A_147 = vector.load %arg3[%get3A_145, %get3A_146] : memref<10000x128xf32, #tpu.memory_space<vmem>>, vector<1x128xf32>
      %swap3A_148 = arith.constant 10 : index
      %swap3A_149 = arith.constant 0 : index
      %swap3A_150 = vector.load %arg13[%swap3A_148, %swap3A_149] : memref<64x128xf32, #tpu.memory_space<vmem>>, vector<1x128xf32>
      tpu.vector_store %arg13[%swap3A_148, %swap3A_149], %get3A_147 {strides = array<i32>} : memref<64x128xf32, #tpu.memory_space<vmem>>, vector<1x128xf32>,
      %get3A_151 = arith.constant 11 : index
      %get3A_152 = memref.load %arg0[%get3A_151] : memref<64xi32, #tpu.memory_space<smem>>
      %add3A_153 = arith.addi %get3A_152, %while3A_31 : i32
      %min3A_154 = arith.constant 9999 : i32
      %min3A_155 = arith.minsi %add3A_153, %min3A_154 : i32
      %get3A_156 = arith.index_cast %min3A_155 : i32 to index
      %get3A_157 = arith.constant 0 : index
      %get3A_158 = vector.load %arg3[%get3A_156, %get3A_157] : memref<10000x128xf32, #tpu.memory_space<vmem>>, vector<1x128xf32>
      %swap3A_159 = arith.constant 11 : index
      %swap3A_160 = arith.constant 0 : index
      %swap3A_161 = vector.load %arg13[%swap3A_159, %swap3A_160] : memref<64x128xf32, #tpu.memory_space<vmem>>, vector<1x128xf32>
      tpu.vector_store %arg13[%swap3A_159, %swap3A_160], %get3A_158 {strides = array<i32>} : memref<64x128xf32, #tpu.memory_space<vmem>>, vector<1x128xf32>,
      %get3A_162 = arith.constant 12 : index
      %get3A_163 = memref.load %arg0[%get3A_162] : memref<64xi32, #tpu.memory_space<smem>>
      %add3A_164 = arith.addi %get3A_163, %while3A_31 : i32
      %min3A_165 = arith.constant 9999 : i32
      %min3A_166 = arith.minsi %add3A_164, %min3A_165 : i32
      %get3A_167 = arith.index_cast %min3A_166 : i32 to index
      %get3A_168 = arith.constant 0 : index
      %get3A_169 = vector.load %arg3[%get3A_167, %get3A_168] : memref<10000x128xf32, #tpu.memory_space<vmem>>, vector<1x128xf32>
      %swap3A_170 = arith.constant 12 : index
      %swap3A_171 = arith.constant 0 : index
      %swap3A_172 = vector.load %arg13[%swap3A_170, %swap3A_171] : memref<64x128xf32, #tpu.memory_space<vmem>>, vector<1x128xf32>
      tpu.vector_store %arg13[%swap3A_170, %swap3A_171], %get3A_169 {strides = array<i32>} : memref<64x128xf32, #tpu.memory_space<vmem>>, vector<1x128xf32>,
      %get3A_173 = arith.constant 13 : index
      %get3A_174 = memref.load %arg0[%get3A_173] : memref<64xi32, #tpu.memory_space<smem>>
      %add3A_175 = arith.addi %get3A_174, %while3A_31 : i32
      %min3A_176 = arith.constant 9999 : i32
      %min3A_177 = arith.minsi %add3A_175, %min3A_176 : i32
      %get3A_178 = arith.index_cast %min3A_177 : i32 to index
      %get3A_179 = arith.constant 0 : index
      %get3A_180 = vector.load %arg3[%get3A_178, %get3A_179] : memref<10000x128xf32, #tpu.memory_space<vmem>>, vector<1x128xf32>
      %swap3A_181 = arith.constant 13 : index
      %swap3A_182 = arith.constant 0 : index
      %swap3A_183 = vector.load %arg13[%swap3A_181, %swap3A_182] : memref<64x128xf32, #tpu.memory_space<vmem>>, vector<1x128xf32>
      tpu.vector_store %arg13[%swap3A_181, %swap3A_182], %get3A_180 {strides = array<i32>} : memref<64x128xf32, #tpu.memory_space<vmem>>, vector<1x128xf32>,
      %get3A_184 = arith.constant 14 : index
      %get3A_185 = memref.load %arg0[%get3A_184] : memref<64xi32, #tpu.memory_space<smem>>
      %add3A_186 = arith.addi %get3A_185, %while3A_31 : i32
      %min3A_187 = arith.constant 9999 : i32
      %min3A_188 = arith.minsi %add3A_186, %min3A_187 : i32
      %get3A_189 = arith.index_cast %min3A_188 : i32 to index
      %get3A_190 = arith.constant 0 : index
      %get3A_191 = vector.load %arg3[%get3A_189, %get3A_190] : memref<10000x128xf32, #tpu.memory_space<vmem>>, vector<1x128xf32>
      %swap3A_192 = arith.constant 14 : index
      %swap3A_193 = arith.constant 0 : index
      %swap3A_194 = vector.load %arg13[%swap3A_192, %swap3A_193] : memref<64x128xf32, #tpu.memory_space<vmem>>, vector<1x128xf32>
      tpu.vector_store %arg13[%swap3A_192, %swap3A_193], %get3A_191 {strides = array<i32>} : memref<64x128xf32, #tpu.memory_space<vmem>>, vector<1x128xf32>,
      %get3A_195 = arith.constant 15 : index
      %get3A_196 = memref.load %arg0[%get3A_195] : memref<64xi32, #tpu.memory_space<smem>>
      %add3A_197 = arith.addi %get3A_196, %while3A_31 : i32
      %min3A_198 = arith.constant 9999 : i32
      %min3A_199 = arith.minsi %add3A_197, %min3A_198 : i32
      %get3A_200 = arith.index_cast %min3A_199 : i32 to index
      %get3A_201 = arith.constant 0 : index
      %get3A_202 = vector.load %arg3[%get3A_200, %get3A_201] : memref<10000x128xf32, #tpu.memory_space<vmem>>, vector<1x128xf32>
      %swap3A_203 = arith.constant 15 : index
      %swap3A_204 = arith.constant 0 : index
      %swap3A_205 = vector.load %arg13[%swap3A_203, %swap3A_204] : memref<64x128xf32, #tpu.memory_space<vmem>>, vector<1x128xf32>
      tpu.vector_store %arg13[%swap3A_203, %swap3A_204], %get3A_202 {strides = array<i32>} : memref<64x128xf32, #tpu.memory_space<vmem>>, vector<1x128xf32>,
      %get3A_206 = arith.constant 16 : index
      %get3A_207 = memref.load %arg0[%get3A_206] : memref<64xi32, #tpu.memory_space<smem>>
      %add3A_208 = arith.addi %get3A_207, %while3A_31 : i32
      %min3A_209 = arith.constant 9999 : i32
      %min3A_210 = arith.minsi %add3A_208, %min3A_209 : i32
      %get3A_211 = arith.index_cast %min3A_210 : i32 to index
      %get3A_212 = arith.constant 0 : index
      %get3A_213 = vector.load %arg3[%get3A_211, %get3A_212] : memref<10000x128xf32, #tpu.memory_space<vmem>>, vector<1x128xf32>
      %swap3A_214 = arith.constant 16 : index
      %swap3A_215 = arith.constant 0 : index
      %swap3A_216 = vector.load %arg13[%swap3A_214, %swap3A_215] : memref<64x128xf32, #tpu.memory_space<vmem>>, vector<1x128xf32>
      tpu.vector_store %arg13[%swap3A_214, %swap3A_215], %get3A_213 {strides = array<i32>} : memref<64x128xf32, #tpu.memory_space<vmem>>, vector<1x128xf32>,
      %get3A_217 = arith.constant 17 : index
      %get3A_218 = memref.load %arg0[%get3A_217] : memref<64xi32, #tpu.memory_space<smem>>
      %add3A_219 = arith.addi %get3A_218, %while3A_31 : i32
      %min3A_220 = arith.constant 9999 : i32
      %min3A_221 = arith.minsi %add3A_219, %min3A_220 : i32
      %get3A_222 = arith.index_cast %min3A_221 : i32 to index
      %get3A_223 = arith.constant 0 : index
      %get3A_224 = vector.load %arg3[%get3A_222, %get3A_223] : memref<10000x128xf32, #tpu.memory_space<vmem>>, vector<1x128xf32>
      %swap3A_225 = arith.constant 17 : index
      %swap3A_226 = arith.constant 0 : index
      %swap3A_227 = vector.load %arg13[%swap3A_225, %swap3A_226] : memref<64x128xf32, #tpu.memory_space<vmem>>, vector<1x128xf32>
      tpu.vector_store %arg13[%swap3A_225, %swap3A_226], %get3A_224 {strides = array<i32>} : memref<64x128xf32, #tpu.memory_space<vmem>>, vector<1x128xf32>,
      %get3A_228 = arith.constant 18 : index
      %get3A_229 = memref.load %arg0[%get3A_228] : memref<64xi32, #tpu.memory_space<smem>>
      %add3A_230 = arith.addi %get3A_229, %while3A_31 : i32
      %min3A_231 = arith.constant 9999 : i32
      %min3A_232 = arith.minsi %add3A_230, %min3A_231 : i32
      %get3A_233 = arith.index_cast %min3A_232 : i32 to index
      %get3A_234 = arith.constant 0 : index
      %get3A_235 = vector.load %arg3[%get3A_233, %get3A_234] : memref<10000x128xf32, #tpu.memory_space<vmem>>, vector<1x128xf32>
      %swap3A_236 = arith.constant 18 : index
      %swap3A_237 = arith.constant 0 : index
      %swap3A_238 = vector.load %arg13[%swap3A_236, %swap3A_237] : memref<64x128xf32, #tpu.memory_space<vmem>>, vector<1x128xf32>
      tpu.vector_store %arg13[%swap3A_236, %swap3A_237], %get3A_235 {strides = array<i32>} : memref<64x128xf32, #tpu.memory_space<vmem>>, vector<1x128xf32>,
      %get3A_239 = arith.constant 19 : index
      %get3A_240 = memref.load %arg0[%get3A_239] : memref<64xi32, #tpu.memory_space<smem>>
      %add3A_241 = arith.addi %get3A_240, %while3A_31 : i32
      %min3A_242 = arith.constant 9999 : i32
      %min3A_243 = arith.minsi %add3A_241, %min3A_242 : i32
      %get3A_244 = arith.index_cast %min3A_243 : i32 to index
      %get3A_245 = arith.constant 0 : index
      %get3A_246 = vector.load %arg3[%get3A_244, %get3A_245] : memref<10000x128xf32, #tpu.memory_space<vmem>>, vector<1x128xf32>
      %swap3A_247 = arith.constant 19 : index
      %swap3A_248 = arith.constant 0 : index
      %swap3A_249 = vector.load %arg13[%swap3A_247, %swap3A_248] : memref<64x128xf32, #tpu.memory_space<vmem>>, vector<1x128xf32>
      tpu.vector_store %arg13[%swap3A_247, %swap3A_248], %get3A_246 {strides = array<i32>} : memref<64x128xf32, #tpu.memory_space<vmem>>, vector<1x128xf32>,
      %get3A_250 = arith.constant 20 : index
      %get3A_251 = memref.load %arg0[%get3A_250] : memref<64xi32, #tpu.memory_space<smem>>
      %add3A_252 = arith.addi %get3A_251, %while3A_31 : i32
      %min3A_253 = arith.constant 9999 : i32
      %min3A_254 = arith.minsi %add3A_252, %min3A_253 : i32
      %get3A_255 = arith.index_cast %min3A_254 : i32 to index
      %get3A_256 = arith.constant 0 : index
      %get3A_257 = vector.load %arg3[%get3A_255, %get3A_256] : memref<10000x128xf32, #tpu.memory_space<vmem>>, vector<1x128xf32>
      %swap3A_258 = arith.constant 20 : index
      %swap3A_259 = arith.constant 0 : index
      %swap3A_260 = vector.load %arg13[%swap3A_258, %swap3A_259] : memref<64x128xf32, #tpu.memory_space<vmem>>, vector<1x128xf32>
      tpu.vector_store %arg13[%swap3A_258, %swap3A_259], %get3A_257 {strides = array<i32>} : memref<64x128xf32, #tpu.memory_space<vmem>>, vector<1x128xf32>,
      %get3A_261 = arith.constant 21 : index
      %get3A_262 = memref.load %arg0[%get3A_261] : memref<64xi32, #tpu.memory_space<smem>>
      %add3A_263 = arith.addi %get3A_262, %while3A_31 : i32
      %min3A_264 = arith.constant 9999 : i32
      %min3A_265 = arith.minsi %add3A_263, %min3A_264 : i32
      %get3A_266 = arith.index_cast %min3A_265 : i32 to index
      %get3A_267 = arith.constant 0 : index
      %get3A_268 = vector.load %arg3[%get3A_266, %get3A_267] : memref<10000x128xf32, #tpu.memory_space<vmem>>, vector<1x128xf32>
      %swap3A_269 = arith.constant 21 : index
      %swap3A_270 = arith.constant 0 : index
      %swap3A_271 = vector.load %arg13[%swap3A_269, %swap3A_270] : memref<64x128xf32, #tpu.memory_space<vmem>>, vector<1x128xf32>
      tpu.vector_store %arg13[%swap3A_269, %swap3A_270], %get3A_268 {strides = array<i32>} : memref<64x128xf32, #tpu.memory_space<vmem>>, vector<1x128xf32>,
      %get3A_272 = arith.constant 22 : index
      %get3A_273 = memref.load %arg0[%get3A_272] : memref<64xi32, #tpu.memory_space<smem>>
      %add3A_274 = arith.addi %get3A_273, %while3A_31 : i32
      %min3A_275 = arith.constant 9999 : i32
      %min3A_276 = arith.minsi %add3A_274, %min3A_275 : i32
      %get3A_277 = arith.index_cast %min3A_276 : i32 to index
      %get3A_278 = arith.constant 0 : index
      %get3A_279 = vector.load %arg3[%get3A_277, %get3A_278] : memref<10000x128xf32, #tpu.memory_space<vmem>>, vector<1x128xf32>
      %swap3A_280 = arith.constant 22 : index
      %swap3A_281 = arith.constant 0 : index
      %swap3A_282 = vector.load %arg13[%swap3A_280, %swap3A_281] : memref<64x128xf32, #tpu.memory_space<vmem>>, vector<1x128xf32>
      tpu.vector_store %arg13[%swap3A_280, %swap3A_281], %get3A_279 {strides = array<i32>} : memref<64x128xf32, #tpu.memory_space<vmem>>, vector<1x128xf32>,
      %get3A_283 = arith.constant 23 : index
      %get3A_284 = memref.load %arg0[%get3A_283] : memref<64xi32, #tpu.memory_space<smem>>
      %add3A_285 = arith.addi %get3A_284, %while3A_31 : i32
      %min3A_286 = arith.constant 9999 : i32
      %min3A_287 = arith.minsi %add3A_285, %min3A_286 : i32
      %get3A_288 = arith.index_cast %min3A_287 : i32 to index
      %get3A_289 = arith.constant 0 : index
      %get3A_290 = vector.load %arg3[%get3A_288, %get3A_289] : memref<10000x128xf32, #tpu.memory_space<vmem>>, vector<1x128xf32>
      %swap3A_291 = arith.constant 23 : index
      %swap3A_292 = arith.constant 0 : index
      %swap3A_293 = vector.load %arg13[%swap3A_291, %swap3A_292] : memref<64x128xf32, #tpu.memory_space<vmem>>, vector<1x128xf32>
      tpu.vector_store %arg13[%swap3A_291, %swap3A_292], %get3A_290 {strides = array<i32>} : memref<64x128xf32, #tpu.memory_space<vmem>>, vector<1x128xf32>,
      %get3A_294 = arith.constant 24 : index
      %get3A_295 = memref.load %arg0[%get3A_294] : memref<64xi32, #tpu.memory_space<smem>>
      %add3A_296 = arith.addi %get3A_295, %while3A_31 : i32
      %min3A_297 = arith.constant 9999 : i32
      %min3A_298 = arith.minsi %add3A_296, %min3A_297 : i32
      %get3A_299 = arith.index_cast %min3A_298 : i32 to index
      %get3A_300 = arith.constant 0 : index
      %get3A_301 = vector.load %arg3[%get3A_299, %get3A_300] : memref<10000x128xf32, #tpu.memory_space<vmem>>, vector<1x128xf32>
      %swap3A_302 = arith.constant 24 : index
      %swap3A_303 = arith.constant 0 : index
      %swap3A_304 = vector.load %arg13[%swap3A_302, %swap3A_303] : memref<64x128xf32, #tpu.memory_space<vmem>>, vector<1x128xf32>
      tpu.vector_store %arg13[%swap3A_302, %swap3A_303], %get3A_301 {strides = array<i32>} : memref<64x128xf32, #tpu.memory_space<vmem>>, vector<1x128xf32>,
      %get3A_305 = arith.constant 25 : index
      %get3A_306 = memref.load %arg0[%get3A_305] : memref<64xi32, #tpu.memory_space<smem>>
      %add3A_307 = arith.addi %get3A_306, %while3A_31 : i32
      %min3A_308 = arith.constant 9999 : i32
      %min3A_309 = arith.minsi %add3A_307, %min3A_308 : i32
      %get3A_310 = arith.index_cast %min3A_309 : i32 to index
      %get3A_311 = arith.constant 0 : index
      %get3A_312 = vector.load %arg3[%get3A_310, %get3A_311] : memref<10000x128xf32, #tpu.memory_space<vmem>>, vector<1x128xf32>
      %swap3A_313 = arith.constant 25 : index
      %swap3A_314 = arith.constant 0 : index
      %swap3A_315 = vector.load %arg13[%swap3A_313, %swap3A_314] : memref<64x128xf32, #tpu.memory_space<vmem>>, vector<1x128xf32>
      tpu.vector_store %arg13[%swap3A_313, %swap3A_314], %get3A_312 {strides = array<i32>} : memref<64x128xf32, #tpu.memory_space<vmem>>, vector<1x128xf32>,
      %get3A_316 = arith.constant 26 : index
      %get3A_317 = memref.load %arg0[%get3A_316] : memref<64xi32, #tpu.memory_space<smem>>
      %add3A_318 = arith.addi %get3A_317, %while3A_31 : i32
      %min3A_319 = arith.constant 9999 : i32
      %min3A_320 = arith.minsi %add3A_318, %min3A_319 : i32
      %get3A_321 = arith.index_cast %min3A_320 : i32 to index
      %get3A_322 = arith.constant 0 : index
      %get3A_323 = vector.load %arg3[%get3A_321, %get3A_322] : memref<10000x128xf32, #tpu.memory_space<vmem>>, vector<1x128xf32>
      %swap3A_324 = arith.constant 26 : index
      %swap3A_325 = arith.constant 0 : index
      %swap3A_326 = vector.load %arg13[%swap3A_324, %swap3A_325] : memref<64x128xf32, #tpu.memory_space<vmem>>, vector<1x128xf32>
      tpu.vector_store %arg13[%swap3A_324, %swap3A_325], %get3A_323 {strides = array<i32>} : memref<64x128xf32, #tpu.memory_space<vmem>>, vector<1x128xf32>,
      %get3A_327 = arith.constant 27 : index
      %get3A_328 = memref.load %arg0[%get3A_327] : memref<64xi32, #tpu.memory_space<smem>>
      %add3A_329 = arith.addi %get3A_328, %while3A_31 : i32
      %min3A_330 = arith.constant 9999 : i32
      %min3A_331 = arith.minsi %add3A_329, %min3A_330 : i32
      %get3A_332 = arith.index_cast %min3A_331 : i32 to index
      %get3A_333 = arith.constant 0 : index
      %get3A_334 = vector.load %arg3[%get3A_332, %get3A_333] : memref<10000x128xf32, #tpu.memory_space<vmem>>, vector<1x128xf32>
      %swap3A_335 = arith.constant 27 : index
      %swap3A_336 = arith.constant 0 : index
      %swap3A_337 = vector.load %arg13[%swap3A_335, %swap3A_336] : memref<64x128xf32, #tpu.memory_space<vmem>>, vector<1x128xf32>
      tpu.vector_store %arg13[%swap3A_335, %swap3A_336], %get3A_334 {strides = array<i32>} : memref<64x128xf32, #tpu.memory_space<vmem>>, vector<1x128xf32>,
      %get3A_338 = arith.constant 28 : index
      %get3A_339 = memref.load %arg0[%get3A_338] : memref<64xi32, #tpu.memory_space<smem>>
      %add3A_340 = arith.addi %get3A_339, %while3A_31 : i32
      %min3A_341 = arith.constant 9999 : i32
      %min3A_342 = arith.minsi %add3A_340, %min3A_341 : i32
      %get3A_343 = arith.index_cast %min3A_342 : i32 to index
      %get3A_344 = arith.constant 0 : index
      %get3A_345 = vector.load %arg3[%get3A_343, %get3A_344] : memref<10000x128xf32, #tpu.memory_space<vmem>>, vector<1x128xf32>
      %swap3A_346 = arith.constant 28 : index
      %swap3A_347 = arith.constant 0 : index
      %swap3A_348 = vector.load %arg13[%swap3A_346, %swap3A_347] : memref<64x128xf32, #tpu.memory_space<vmem>>, vector<1x128xf32>
      tpu.vector_store %arg13[%swap3A_346, %swap3A_347], %get3A_345 {strides = array<i32>} : memref<64x128xf32, #tpu.memory_space<vmem>>, vector<1x128xf32>,
      %get3A_349 = arith.constant 29 : index
      %get3A_350 = memref.load %arg0[%get3A_349] : memref<64xi32, #tpu.memory_space<smem>>
      %add3A_351 = arith.addi %get3A_350, %while3A_31 : i32
      %min3A_352 = arith.constant 9999 : i32
      %min3A_353 = arith.minsi %add3A_351, %min3A_352 : i32
      %get3A_354 = arith.index_cast %min3A_353 : i32 to index
      %get3A_355 = arith.constant 0 : index
      %get3A_356 = vector.load %arg3[%get3A_354, %get3A_355] : memref<10000x128xf32, #tpu.memory_space<vmem>>, vector<1x128xf32>
      %swap3A_357 = arith.constant 29 : index
      %swap3A_358 = arith.constant 0 : index
      %swap3A_359 = vector.load %arg13[%swap3A_357, %swap3A_358] : memref<64x128xf32, #tpu.memory_space<vmem>>, vector<1x128xf32>
      tpu.vector_store %arg13[%swap3A_357, %swap3A_358], %get3A_356 {strides = array<i32>} : memref<64x128xf32, #tpu.memory_space<vmem>>, vector<1x128xf32>,
      %get3A_360 = arith.constant 30 : index
      %get3A_361 = memref.load %arg0[%get3A_360] : memref<64xi32, #tpu.memory_space<smem>>
      %add3A_362 = arith.addi %get3A_361, %while3A_31 : i32
      %min3A_363 = arith.constant 9999 : i32
      %min3A_364 = arith.minsi %add3A_362, %min3A_363 : i32
      %get3A_365 = arith.index_cast %min3A_364 : i32 to index
      %get3A_366 = arith.constant 0 : index
      %get3A_367 = vector.load %arg3[%get3A_365, %get3A_366] : memref<10000x128xf32, #tpu.memory_space<vmem>>, vector<1x128xf32>
      %swap3A_368 = arith.constant 30 : index
      %swap3A_369 = arith.constant 0 : index
      %swap3A_370 = vector.load %arg13[%swap3A_368, %swap3A_369] : memref<64x128xf32, #tpu.memory_space<vmem>>, vector<1x128xf32>
      tpu.vector_store %arg13[%swap3A_368, %swap3A_369], %get3A_367 {strides = array<i32>} : memref<64x128xf32, #tpu.memory_space<vmem>>, vector<1x128xf32>,
      %get3A_371 = arith.constant 31 : index
      %get3A_372 = memref.load %arg0[%get3A_371] : memref<64xi32, #tpu.memory_space<smem>>
      %add3A_373 = arith.addi %get3A_372, %while3A_31 : i32
      %min3A_374 = arith.constant 9999 : i32
      %min3A_375 = arith.minsi %add3A_373, %min3A_374 : i32
      %get3A_376 = arith.index_cast %min3A_375 : i32 to index
      %get3A_377 = arith.constant 0 : index
      %get3A_378 = vector.load %arg3[%get3A_376, %get3A_377] : memref<10000x128xf32, #tpu.memory_space<vmem>>, vector<1x128xf32>
      %swap3A_379 = arith.constant 31 : index
      %swap3A_380 = arith.constant 0 : index
      %swap3A_381 = vector.load %arg13[%swap3A_379, %swap3A_380] : memref<64x128xf32, #tpu.memory_space<vmem>>, vector<1x128xf32>
      tpu.vector_store %arg13[%swap3A_379, %swap3A_380], %get3A_378 {strides = array<i32>} : memref<64x128xf32, #tpu.memory_space<vmem>>, vector<1x128xf32>,
      %get3A_382 = arith.constant 32 : index
      %get3A_383 = memref.load %arg0[%get3A_382] : memref<64xi32, #tpu.memory_space<smem>>
      %add3A_384 = arith.addi %get3A_383, %while3A_31 : i32
      %min3A_385 = arith.constant 9999 : i32
      %min3A_386 = arith.minsi %add3A_384, %min3A_385 : i32
      %get3A_387 = arith.index_cast %min3A_386 : i32 to index
      %get3A_388 = arith.constant 0 : index
      %get3A_389 = vector.load %arg3[%get3A_387, %get3A_388] : memref<10000x128xf32, #tpu.memory_space<vmem>>, vector<1x128xf32>
      %swap3A_390 = arith.constant 32 : index
      %swap3A_391 = arith.constant 0 : index
      %swap3A_392 = vector.load %arg13[%swap3A_390, %swap3A_391] : memref<64x128xf32, #tpu.memory_space<vmem>>, vector<1x128xf32>
      tpu.vector_store %arg13[%swap3A_390, %swap3A_391], %get3A_389 {strides = array<i32>} : memref<64x128xf32, #tpu.memory_space<vmem>>, vector<1x128xf32>,
      %get3A_393 = arith.constant 33 : index
      %get3A_394 = memref.load %arg0[%get3A_393] : memref<64xi32, #tpu.memory_space<smem>>
      %add3A_395 = arith.addi %get3A_394, %while3A_31 : i32
      %min3A_396 = arith.constant 9999 : i32
      %min3A_397 = arith.minsi %add3A_395, %min3A_396 : i32
      %get3A_398 = arith.index_cast %min3A_397 : i32 to index
      %get3A_399 = arith.constant 0 : index
      %get3A_400 = vector.load %arg3[%get3A_398, %get3A_399] : memref<10000x128xf32, #tpu.memory_space<vmem>>, vector<1x128xf32>
      %swap3A_401 = arith.constant 33 : index
      %swap3A_402 = arith.constant 0 : index
      %swap3A_403 = vector.load %arg13[%swap3A_401, %swap3A_402] : memref<64x128xf32, #tpu.memory_space<vmem>>, vector<1x128xf32>
      tpu.vector_store %arg13[%swap3A_401, %swap3A_402], %get3A_400 {strides = array<i32>} : memref<64x128xf32, #tpu.memory_space<vmem>>, vector<1x128xf32>,
      %get3A_404 = arith.constant 34 : index
      %get3A_405 = memref.load %arg0[%get3A_404] : memref<64xi32, #tpu.memory_space<smem>>
      %add3A_406 = arith.addi %get3A_405, %while3A_31 : i32
      %min3A_407 = arith.constant 9999 : i32
      %min3A_408 = arith.minsi %add3A_406, %min3A_407 : i32
      %get3A_409 = arith.index_cast %min3A_408 : i32 to index
      %get3A_410 = arith.constant 0 : index
      %get3A_411 = vector.load %arg3[%get3A_409, %get3A_410] : memref<10000x128xf32, #tpu.memory_space<vmem>>, vector<1x128xf32>
      %swap3A_412 = arith.constant 34 : index
      %swap3A_413 = arith.constant 0 : index
      %swap3A_414 = vector.load %arg13[%swap3A_412, %swap3A_413] : memref<64x128xf32, #tpu.memory_space<vmem>>, vector<1x128xf32>
      tpu.vector_store %arg13[%swap3A_412, %swap3A_413], %get3A_411 {strides = array<i32>} : memref<64x128xf32, #tpu.memory_space<vmem>>, vector<1x128xf32>,
      %get3A_415 = arith.constant 35 : index
      %get3A_416 = memref.load %arg0[%get3A_415] : memref<64xi32, #tpu.memory_space<smem>>
      %add3A_417 = arith.addi %get3A_416, %while3A_31 : i32
      %min3A_418 = arith.constant 9999 : i32
      %min3A_419 = arith.minsi %add3A_417, %min3A_418 : i32
      %get3A_420 = arith.index_cast %min3A_419 : i32 to index
      %get3A_421 = arith.constant 0 : index
      %get3A_422 = vector.load %arg3[%get3A_420, %get3A_421] : memref<10000x128xf32, #tpu.memory_space<vmem>>, vector<1x128xf32>
      %swap3A_423 = arith.constant 35 : index
      %swap3A_424 = arith.constant 0 : index
      %swap3A_425 = vector.load %arg13[%swap3A_423, %swap3A_424] : memref<64x128xf32, #tpu.memory_space<vmem>>, vector<1x128xf32>
      tpu.vector_store %arg13[%swap3A_423, %swap3A_424], %get3A_422 {strides = array<i32>} : memref<64x128xf32, #tpu.memory_space<vmem>>, vector<1x128xf32>,
      %get3A_426 = arith.constant 36 : index
      %get3A_427 = memref.load %arg0[%get3A_426] : memref<64xi32, #tpu.memory_space<smem>>
      %add3A_428 = arith.addi %get3A_427, %while3A_31 : i32
      %min3A_429 = arith.constant 9999 : i32
      %min3A_430 = arith.minsi %add3A_428, %min3A_429 : i32
      %get3A_431 = arith.index_cast %min3A_430 : i32 to index
      %get3A_432 = arith.constant 0 : index
      %get3A_433 = vector.load %arg3[%get3A_431, %get3A_432] : memref<10000x128xf32, #tpu.memory_space<vmem>>, vector<1x128xf32>
      %swap3A_434 = arith.constant 36 : index
      %swap3A_435 = arith.constant 0 : index
      %swap3A_436 = vector.load %arg13[%swap3A_434, %swap3A_435] : memref<64x128xf32, #tpu.memory_space<vmem>>, vector<1x128xf32>
      tpu.vector_store %arg13[%swap3A_434, %swap3A_435], %get3A_433 {strides = array<i32>} : memref<64x128xf32, #tpu.memory_space<vmem>>, vector<1x128xf32>,
      %get3A_437 = arith.constant 37 : index
      %get3A_438 = memref.load %arg0[%get3A_437] : memref<64xi32, #tpu.memory_space<smem>>
      %add3A_439 = arith.addi %get3A_438, %while3A_31 : i32
      %min3A_440 = arith.constant 9999 : i32
      %min3A_441 = arith.minsi %add3A_439, %min3A_440 : i32
      %get3A_442 = arith.index_cast %min3A_441 : i32 to index
      %get3A_443 = arith.constant 0 : index
      %get3A_444 = vector.load %arg3[%get3A_442, %get3A_443] : memref<10000x128xf32, #tpu.memory_space<vmem>>, vector<1x128xf32>
      %swap3A_445 = arith.constant 37 : index
      %swap3A_446 = arith.constant 0 : index
      %swap3A_447 = vector.load %arg13[%swap3A_445, %swap3A_446] : memref<64x128xf32, #tpu.memory_space<vmem>>, vector<1x128xf32>
      tpu.vector_store %arg13[%swap3A_445, %swap3A_446], %get3A_444 {strides = array<i32>} : memref<64x128xf32, #tpu.memory_space<vmem>>, vector<1x128xf32>,
      %get3A_448 = arith.constant 38 : index
      %get3A_449 = memref.load %arg0[%get3A_448] : memref<64xi32, #tpu.memory_space<smem>>
      %add3A_450 = arith.addi %get3A_449, %while3A_31 : i32
      %min3A_451 = arith.constant 9999 : i32
      %min3A_452 = arith.minsi %add3A_450, %min3A_451 : i32
      %get3A_453 = arith.index_cast %min3A_452 : i32 to index
      %get3A_454 = arith.constant 0 : index
      %get3A_455 = vector.load %arg3[%get3A_453, %get3A_454] : memref<10000x128xf32, #tpu.memory_space<vmem>>, vector<1x128xf32>
      %swap3A_456 = arith.constant 38 : index
      %swap3A_457 = arith.constant 0 : index
      %swap3A_458 = vector.load %arg13[%swap3A_456, %swap3A_457] : memref<64x128xf32, #tpu.memory_space<vmem>>, vector<1x128xf32>
      tpu.vector_store %arg13[%swap3A_456, %swap3A_457], %get3A_455 {strides = array<i32>} : memref<64x128xf32, #tpu.memory_space<vmem>>, vector<1x128xf32>,
      %get3A_459 = arith.constant 39 : index
      %get3A_460 = memref.load %arg0[%get3A_459] : memref<64xi32, #tpu.memory_space<smem>>
      %add3A_461 = arith.addi %get3A_460, %while3A_31 : i32
      %min3A_462 = arith.constant 9999 : i32
      %min3A_463 = arith.minsi %add3A_461, %min3A_462 : i32
      %get3A_464 = arith.index_cast %min3A_463 : i32 to index
      %get3A_465 = arith.constant 0 : index
      %get3A_466 = vector.load %arg3[%get3A_464, %get3A_465] : memref<10000x128xf32, #tpu.memory_space<vmem>>, vector<1x128xf32>
      %swap3A_467 = arith.constant 39 : index
      %swap3A_468 = arith.constant 0 : index
      %swap3A_469 = vector.load %arg13[%swap3A_467, %swap3A_468] : memref<64x128xf32, #tpu.memory_space<vmem>>, vector<1x128xf32>
      tpu.vector_store %arg13[%swap3A_467, %swap3A_468], %get3A_466 {strides = array<i32>} : memref<64x128xf32, #tpu.memory_space<vmem>>, vector<1x128xf32>,
      %get3A_470 = arith.constant 40 : index
      %get3A_471 = memref.load %arg0[%get3A_470] : memref<64xi32, #tpu.memory_space<smem>>
      %add3A_472 = arith.addi %get3A_471, %while3A_31 : i32
      %min3A_473 = arith.constant 9999 : i32
      %min3A_474 = arith.minsi %add3A_472, %min3A_473 : i32
      %get3A_475 = arith.index_cast %min3A_474 : i32 to index
      %get3A_476 = arith.constant 0 : index
      %get3A_477 = vector.load %arg3[%get3A_475, %get3A_476] : memref<10000x128xf32, #tpu.memory_space<vmem>>, vector<1x128xf32>
      %swap3A_478 = arith.constant 40 : index
      %swap3A_479 = arith.constant 0 : index
      %swap3A_480 = vector.load %arg13[%swap3A_478, %swap3A_479] : memref<64x128xf32, #tpu.memory_space<vmem>>, vector<1x128xf32>
      tpu.vector_store %arg13[%swap3A_478, %swap3A_479], %get3A_477 {strides = array<i32>} : memref<64x128xf32, #tpu.memory_space<vmem>>, vector<1x128xf32>,
      %get3A_481 = arith.constant 41 : index
      %get3A_482 = memref.load %arg0[%get3A_481] : memref<64xi32, #tpu.memory_space<smem>>
      %add3A_483 = arith.addi %get3A_482, %while3A_31 : i32
      %min3A_484 = arith.constant 9999 : i32
      %min3A_485 = arith.minsi %add3A_483, %min3A_484 : i32
      %get3A_486 = arith.index_cast %min3A_485 : i32 to index
      %get3A_487 = arith.constant 0 : index
      %get3A_488 = vector.load %arg3[%get3A_486, %get3A_487] : memref<10000x128xf32, #tpu.memory_space<vmem>>, vector<1x128xf32>
      %swap3A_489 = arith.constant 41 : index
      %swap3A_490 = arith.constant 0 : index
      %swap3A_491 = vector.load %arg13[%swap3A_489, %swap3A_490] : memref<64x128xf32, #tpu.memory_space<vmem>>, vector<1x128xf32>
      tpu.vector_store %arg13[%swap3A_489, %swap3A_490], %get3A_488 {strides = array<i32>} : memref<64x128xf32, #tpu.memory_space<vmem>>, vector<1x128xf32>,
      %get3A_492 = arith.constant 42 : index
      %get3A_493 = memref.load %arg0[%get3A_492] : memref<64xi32, #tpu.memory_space<smem>>
      %add3A_494 = arith.addi %get3A_493, %while3A_31 : i32
      %min3A_495 = arith.constant 9999 : i32
      %min3A_496 = arith.minsi %add3A_494, %min3A_495 : i32
      %get3A_497 = arith.index_cast %min3A_496 : i32 to index
      %get3A_498 = arith.constant 0 : index
      %get3A_499 = vector.load %arg3[%get3A_497, %get3A_498] : memref<10000x128xf32, #tpu.memory_space<vmem>>, vector<1x128xf32>
      %swap3A_500 = arith.constant 42 : index
      %swap3A_501 = arith.constant 0 : index
      %swap3A_502 = vector.load %arg13[%swap3A_500, %swap3A_501] : memref<64x128xf32, #tpu.memory_space<vmem>>, vector<1x128xf32>
      tpu.vector_store %arg13[%swap3A_500, %swap3A_501], %get3A_499 {strides = array<i32>} : memref<64x128xf32, #tpu.memory_space<vmem>>, vector<1x128xf32>,
      %get3A_503 = arith.constant 43 : index
      %get3A_504 = memref.load %arg0[%get3A_503] : memref<64xi32, #tpu.memory_space<smem>>
      %add3A_505 = arith.addi %get3A_504, %while3A_31 : i32
      %min3A_506 = arith.constant 9999 : i32
      %min3A_507 = arith.minsi %add3A_505, %min3A_506 : i32
      %get3A_508 = arith.index_cast %min3A_507 : i32 to index
      %get3A_509 = arith.constant 0 : index
      %get3A_510 = vector.load %arg3[%get3A_508, %get3A_509] : memref<10000x128xf32, #tpu.memory_space<vmem>>, vector<1x128xf32>
      %swap3A_511 = arith.constant 43 : index
      %swap3A_512 = arith.constant 0 : index
      %swap3A_513 = vector.load %arg13[%swap3A_511, %swap3A_512] : memref<64x128xf32, #tpu.memory_space<vmem>>, vector<1x128xf32>
      tpu.vector_store %arg13[%swap3A_511, %swap3A_512], %get3A_510 {strides = array<i32>} : memref<64x128xf32, #tpu.memory_space<vmem>>, vector<1x128xf32>,
      %get3A_514 = arith.constant 44 : index
      %get3A_515 = memref.load %arg0[%get3A_514] : memref<64xi32, #tpu.memory_space<smem>>
      %add3A_516 = arith.addi %get3A_515, %while3A_31 : i32
      %min3A_517 = arith.constant 9999 : i32
      %min3A_518 = arith.minsi %add3A_516, %min3A_517 : i32
      %get3A_519 = arith.index_cast %min3A_518 : i32 to index
      %get3A_520 = arith.constant 0 : index
      %get3A_521 = vector.load %arg3[%get3A_519, %get3A_520] : memref<10000x128xf32, #tpu.memory_space<vmem>>, vector<1x128xf32>
      %swap3A_522 = arith.constant 44 : index
      %swap3A_523 = arith.constant 0 : index
      %swap3A_524 = vector.load %arg13[%swap3A_522, %swap3A_523] : memref<64x128xf32, #tpu.memory_space<vmem>>, vector<1x128xf32>
      tpu.vector_store %arg13[%swap3A_522, %swap3A_523], %get3A_521 {strides = array<i32>} : memref<64x128xf32, #tpu.memory_space<vmem>>, vector<1x128xf32>,
      %get3A_525 = arith.constant 45 : index
      %get3A_526 = memref.load %arg0[%get3A_525] : memref<64xi32, #tpu.memory_space<smem>>
      %add3A_527 = arith.addi %get3A_526, %while3A_31 : i32
      %min3A_528 = arith.constant 9999 : i32
      %min3A_529 = arith.minsi %add3A_527, %min3A_528 : i32
      %get3A_530 = arith.index_cast %min3A_529 : i32 to index
      %get3A_531 = arith.constant 0 : index
      %get3A_532 = vector.load %arg3[%get3A_530, %get3A_531] : memref<10000x128xf32, #tpu.memory_space<vmem>>, vector<1x128xf32>
      %swap3A_533 = arith.constant 45 : index
      %swap3A_534 = arith.constant 0 : index
      %swap3A_535 = vector.load %arg13[%swap3A_533, %swap3A_534] : memref<64x128xf32, #tpu.memory_space<vmem>>, vector<1x128xf32>
      tpu.vector_store %arg13[%swap3A_533, %swap3A_534], %get3A_532 {strides = array<i32>} : memref<64x128xf32, #tpu.memory_space<vmem>>, vector<1x128xf32>,
      %get3A_536 = arith.constant 46 : index
      %get3A_537 = memref.load %arg0[%get3A_536] : memref<64xi32, #tpu.memory_space<smem>>
      %add3A_538 = arith.addi %get3A_537, %while3A_31 : i32
      %min3A_539 = arith.constant 9999 : i32
      %min3A_540 = arith.minsi %add3A_538, %min3A_539 : i32
      %get3A_541 = arith.index_cast %min3A_540 : i32 to index
      %get3A_542 = arith.constant 0 : index
      %get3A_543 = vector.load %arg3[%get3A_541, %get3A_542] : memref<10000x128xf32, #tpu.memory_space<vmem>>, vector<1x128xf32>
      %swap3A_544 = arith.constant 46 : index
      %swap3A_545 = arith.constant 0 : index
      %swap3A_546 = vector.load %arg13[%swap3A_544, %swap3A_545] : memref<64x128xf32, #tpu.memory_space<vmem>>, vector<1x128xf32>
      tpu.vector_store %arg13[%swap3A_544, %swap3A_545], %get3A_543 {strides = array<i32>} : memref<64x128xf32, #tpu.memory_space<vmem>>, vector<1x128xf32>,
      %get3A_547 = arith.constant 47 : index
      %get3A_548 = memref.load %arg0[%get3A_547] : memref<64xi32, #tpu.memory_space<smem>>
      %add3A_549 = arith.addi %get3A_548, %while3A_31 : i32
      %min3A_550 = arith.constant 9999 : i32
      %min3A_551 = arith.minsi %add3A_549, %min3A_550 : i32
      %get3A_552 = arith.index_cast %min3A_551 : i32 to index
      %get3A_553 = arith.constant 0 : index
      %get3A_554 = vector.load %arg3[%get3A_552, %get3A_553] : memref<10000x128xf32, #tpu.memory_space<vmem>>, vector<1x128xf32>
      %swap3A_555 = arith.constant 47 : index
      %swap3A_556 = arith.constant 0 : index
      %swap3A_557 = vector.load %arg13[%swap3A_555, %swap3A_556] : memref<64x128xf32, #tpu.memory_space<vmem>>, vector<1x128xf32>
      tpu.vector_store %arg13[%swap3A_555, %swap3A_556], %get3A_554 {strides = array<i32>} : memref<64x128xf32, #tpu.memory_space<vmem>>, vector<1x128xf32>,
      %get3A_558 = arith.constant 48 : index
      %get3A_559 = memref.load %arg0[%get3A_558] : memref<64xi32, #tpu.memory_space<smem>>
      %add3A_560 = arith.addi %get3A_559, %while3A_31 : i32
      %min3A_561 = arith.constant 9999 : i32
      %min3A_562 = arith.minsi %add3A_560, %min3A_561 : i32
      %get3A_563 = arith.index_cast %min3A_562 : i32 to index
      %get3A_564 = arith.constant 0 : index
      %get3A_565 = vector.load %arg3[%get3A_563, %get3A_564] : memref<10000x128xf32, #tpu.memory_space<vmem>>, vector<1x128xf32>
      %swap3A_566 = arith.constant 48 : index
      %swap3A_567 = arith.constant 0 : index
      %swap3A_568 = vector.load %arg13[%swap3A_566, %swap3A_567] : memref<64x128xf32, #tpu.memory_space<vmem>>, vector<1x128xf32>
      tpu.vector_store %arg13[%swap3A_566, %swap3A_567], %get3A_565 {strides = array<i32>} : memref<64x128xf32, #tpu.memory_space<vmem>>, vector<1x128xf32>,
      %get3A_569 = arith.constant 49 : index
      %get3A_570 = memref.load %arg0[%get3A_569] : memref<64xi32, #tpu.memory_space<smem>>
      %add3A_571 = arith.addi %get3A_570, %while3A_31 : i32
      %min3A_572 = arith.constant 9999 : i32
      %min3A_573 = arith.minsi %add3A_571, %min3A_572 : i32
      %get3A_574 = arith.index_cast %min3A_573 : i32 to index
      %get3A_575 = arith.constant 0 : index
      %get3A_576 = vector.load %arg3[%get3A_574, %get3A_575] : memref<10000x128xf32, #tpu.memory_space<vmem>>, vector<1x128xf32>
      %swap3A_577 = arith.constant 49 : index
      %swap3A_578 = arith.constant 0 : index
      %swap3A_579 = vector.load %arg13[%swap3A_577, %swap3A_578] : memref<64x128xf32, #tpu.memory_space<vmem>>, vector<1x128xf32>
      tpu.vector_store %arg13[%swap3A_577, %swap3A_578], %get3A_576 {strides = array<i32>} : memref<64x128xf32, #tpu.memory_space<vmem>>, vector<1x128xf32>,
      %get3A_580 = arith.constant 50 : index
      %get3A_581 = memref.load %arg0[%get3A_580] : memref<64xi32, #tpu.memory_space<smem>>
      %add3A_582 = arith.addi %get3A_581, %while3A_31 : i32
      %min3A_583 = arith.constant 9999 : i32
      %min3A_584 = arith.minsi %add3A_582, %min3A_583 : i32
      %get3A_585 = arith.index_cast %min3A_584 : i32 to index
      %get3A_586 = arith.constant 0 : index
      %get3A_587 = vector.load %arg3[%get3A_585, %get3A_586] : memref<10000x128xf32, #tpu.memory_space<vmem>>, vector<1x128xf32>
      %swap3A_588 = arith.constant 50 : index
      %swap3A_589 = arith.constant 0 : index
      %swap3A_590 = vector.load %arg13[%swap3A_588, %swap3A_589] : memref<64x128xf32, #tpu.memory_space<vmem>>, vector<1x128xf32>
      tpu.vector_store %arg13[%swap3A_588, %swap3A_589], %get3A_587 {strides = array<i32>} : memref<64x128xf32, #tpu.memory_space<vmem>>, vector<1x128xf32>,
      %get3A_591 = arith.constant 51 : index
      %get3A_592 = memref.load %arg0[%get3A_591] : memref<64xi32, #tpu.memory_space<smem>>
      %add3A_593 = arith.addi %get3A_592, %while3A_31 : i32
      %min3A_594 = arith.constant 9999 : i32
      %min3A_595 = arith.minsi %add3A_593, %min3A_594 : i32
      %get3A_596 = arith.index_cast %min3A_595 : i32 to index
      %get3A_597 = arith.constant 0 : index
      %get3A_598 = vector.load %arg3[%get3A_596, %get3A_597] : memref<10000x128xf32, #tpu.memory_space<vmem>>, vector<1x128xf32>
      %swap3A_599 = arith.constant 51 : index
      %swap3A_600 = arith.constant 0 : index
      %swap3A_601 = vector.load %arg13[%swap3A_599, %swap3A_600] : memref<64x128xf32, #tpu.memory_space<vmem>>, vector<1x128xf32>
      tpu.vector_store %arg13[%swap3A_599, %swap3A_600], %get3A_598 {strides = array<i32>} : memref<64x128xf32, #tpu.memory_space<vmem>>, vector<1x128xf32>,
      %get3A_602 = arith.constant 52 : index
      %get3A_603 = memref.load %arg0[%get3A_602] : memref<64xi32, #tpu.memory_space<smem>>
      %add3A_604 = arith.addi %get3A_603, %while3A_31 : i32
      %min3A_605 = arith.constant 9999 : i32
      %min3A_606 = arith.minsi %add3A_604, %min3A_605 : i32
      %get3A_607 = arith.index_cast %min3A_606 : i32 to index
      %get3A_608 = arith.constant 0 : index
      %get3A_609 = vector.load %arg3[%get3A_607, %get3A_608] : memref<10000x128xf32, #tpu.memory_space<vmem>>, vector<1x128xf32>
      %swap3A_610 = arith.constant 52 : index
      %swap3A_611 = arith.constant 0 : index
      %swap3A_612 = vector.load %arg13[%swap3A_610, %swap3A_611] : memref<64x128xf32, #tpu.memory_space<vmem>>, vector<1x128xf32>
      tpu.vector_store %arg13[%swap3A_610, %swap3A_611], %get3A_609 {strides = array<i32>} : memref<64x128xf32, #tpu.memory_space<vmem>>, vector<1x128xf32>,
      %get3A_613 = arith.constant 53 : index
      %get3A_614 = memref.load %arg0[%get3A_613] : memref<64xi32, #tpu.memory_space<smem>>
      %add3A_615 = arith.addi %get3A_614, %while3A_31 : i32
      %min3A_616 = arith.constant 9999 : i32
      %min3A_617 = arith.minsi %add3A_615, %min3A_616 : i32
      %get3A_618 = arith.index_cast %min3A_617 : i32 to index
      %get3A_619 = arith.constant 0 : index
      %get3A_620 = vector.load %arg3[%get3A_618, %get3A_619] : memref<10000x128xf32, #tpu.memory_space<vmem>>, vector<1x128xf32>
      %swap3A_621 = arith.constant 53 : index
      %swap3A_622 = arith.constant 0 : index
      %swap3A_623 = vector.load %arg13[%swap3A_621, %swap3A_622] : memref<64x128xf32, #tpu.memory_space<vmem>>, vector<1x128xf32>
      tpu.vector_store %arg13[%swap3A_621, %swap3A_622], %get3A_620 {strides = array<i32>} : memref<64x128xf32, #tpu.memory_space<vmem>>, vector<1x128xf32>,
      %get3A_624 = arith.constant 54 : index
      %get3A_625 = memref.load %arg0[%get3A_624] : memref<64xi32, #tpu.memory_space<smem>>
      %add3A_626 = arith.addi %get3A_625, %while3A_31 : i32
      %min3A_627 = arith.constant 9999 : i32
      %min3A_628 = arith.minsi %add3A_626, %min3A_627 : i32
      %get3A_629 = arith.index_cast %min3A_628 : i32 to index
      %get3A_630 = arith.constant 0 : index
      %get3A_631 = vector.load %arg3[%get3A_629, %get3A_630] : memref<10000x128xf32, #tpu.memory_space<vmem>>, vector<1x128xf32>
      %swap3A_632 = arith.constant 54 : index
      %swap3A_633 = arith.constant 0 : index
      %swap3A_634 = vector.load %arg13[%swap3A_632, %swap3A_633] : memref<64x128xf32, #tpu.memory_space<vmem>>, vector<1x128xf32>
      tpu.vector_store %arg13[%swap3A_632, %swap3A_633], %get3A_631 {strides = array<i32>} : memref<64x128xf32, #tpu.memory_space<vmem>>, vector<1x128xf32>,
      %get3A_635 = arith.constant 55 : index
      %get3A_636 = memref.load %arg0[%get3A_635] : memref<64xi32, #tpu.memory_space<smem>>
      %add3A_637 = arith.addi %get3A_636, %while3A_31 : i32
      %min3A_638 = arith.constant 9999 : i32
      %min3A_639 = arith.minsi %add3A_637, %min3A_638 : i32
      %get3A_640 = arith.index_cast %min3A_639 : i32 to index
      %get3A_641 = arith.constant 0 : index
      %get3A_642 = vector.load %arg3[%get3A_640, %get3A_641] : memref<10000x128xf32, #tpu.memory_space<vmem>>, vector<1x128xf32>
      %swap3A_643 = arith.constant 55 : index
      %swap3A_644 = arith.constant 0 : index
      %swap3A_645 = vector.load %arg13[%swap3A_643, %swap3A_644] : memref<64x128xf32, #tpu.memory_space<vmem>>, vector<1x128xf32>
      tpu.vector_store %arg13[%swap3A_643, %swap3A_644], %get3A_642 {strides = array<i32>} : memref<64x128xf32, #tpu.memory_space<vmem>>, vector<1x128xf32>,
      %get3A_646 = arith.constant 56 : index
      %get3A_647 = memref.load %arg0[%get3A_646] : memref<64xi32, #tpu.memory_space<smem>>
      %add3A_648 = arith.addi %get3A_647, %while3A_31 : i32
      %min3A_649 = arith.constant 9999 : i32
      %min3A_650 = arith.minsi %add3A_648, %min3A_649 : i32
      %get3A_651 = arith.index_cast %min3A_650 : i32 to index
      %get3A_652 = arith.constant 0 : index
      %get3A_653 = vector.load %arg3[%get3A_651, %get3A_652] : memref<10000x128xf32, #tpu.memory_space<vmem>>, vector<1x128xf32>
      %swap3A_654 = arith.constant 56 : index
      %swap3A_655 = arith.constant 0 : index
      %swap3A_656 = vector.load %arg13[%swap3A_654, %swap3A_655] : memref<64x128xf32, #tpu.memory_space<vmem>>, vector<1x128xf32>
      tpu.vector_store %arg13[%swap3A_654, %swap3A_655], %get3A_653 {strides = array<i32>} : memref<64x128xf32, #tpu.memory_space<vmem>>, vector<1x128xf32>,
      %get3A_657 = arith.constant 57 : index
      %get3A_658 = memref.load %arg0[%get3A_657] : memref<64xi32, #tpu.memory_space<smem>>
      %add3A_659 = arith.addi %get3A_658, %while3A_31 : i32
      %min3A_660 = arith.constant 9999 : i32
      %min3A_661 = arith.minsi %add3A_659, %min3A_660 : i32
      %get3A_662 = arith.index_cast %min3A_661 : i32 to index
      %get3A_663 = arith.constant 0 : index
      %get3A_664 = vector.load %arg3[%get3A_662, %get3A_663] : memref<10000x128xf32, #tpu.memory_space<vmem>>, vector<1x128xf32>
      %swap3A_665 = arith.constant 57 : index
      %swap3A_666 = arith.constant 0 : index
      %swap3A_667 = vector.load %arg13[%swap3A_665, %swap3A_666] : memref<64x128xf32, #tpu.memory_space<vmem>>, vector<1x128xf32>
      tpu.vector_store %arg13[%swap3A_665, %swap3A_666], %get3A_664 {strides = array<i32>} : memref<64x128xf32, #tpu.memory_space<vmem>>, vector<1x128xf32>,
      %get3A_668 = arith.constant 58 : index
      %get3A_669 = memref.load %arg0[%get3A_668] : memref<64xi32, #tpu.memory_space<smem>>
      %add3A_670 = arith.addi %get3A_669, %while3A_31 : i32
      %min3A_671 = arith.constant 9999 : i32
      %min3A_672 = arith.minsi %add3A_670, %min3A_671 : i32
      %get3A_673 = arith.index_cast %min3A_672 : i32 to index
      %get3A_674 = arith.constant 0 : index
      %get3A_675 = vector.load %arg3[%get3A_673, %get3A_674] : memref<10000x128xf32, #tpu.memory_space<vmem>>, vector<1x128xf32>
      %swap3A_676 = arith.constant 58 : index
      %swap3A_677 = arith.constant 0 : index
      %swap3A_678 = vector.load %arg13[%swap3A_676, %swap3A_677] : memref<64x128xf32, #tpu.memory_space<vmem>>, vector<1x128xf32>
      tpu.vector_store %arg13[%swap3A_676, %swap3A_677], %get3A_675 {strides = array<i32>} : memref<64x128xf32, #tpu.memory_space<vmem>>, vector<1x128xf32>,
      %get3A_679 = arith.constant 59 : index
      %get3A_680 = memref.load %arg0[%get3A_679] : memref<64xi32, #tpu.memory_space<smem>>
      %add3A_681 = arith.addi %get3A_680, %while3A_31 : i32
      %min3A_682 = arith.constant 9999 : i32
      %min3A_683 = arith.minsi %add3A_681, %min3A_682 : i32
      %get3A_684 = arith.index_cast %min3A_683 : i32 to index
      %get3A_685 = arith.constant 0 : index
      %get3A_686 = vector.load %arg3[%get3A_684, %get3A_685] : memref<10000x128xf32, #tpu.memory_space<vmem>>, vector<1x128xf32>
      %swap3A_687 = arith.constant 59 : index
      %swap3A_688 = arith.constant 0 : index
      %swap3A_689 = vector.load %arg13[%swap3A_687, %swap3A_688] : memref<64x128xf32, #tpu.memory_space<vmem>>, vector<1x128xf32>
      tpu.vector_store %arg13[%swap3A_687, %swap3A_688], %get3A_686 {strides = array<i32>} : memref<64x128xf32, #tpu.memory_space<vmem>>, vector<1x128xf32>,
      %get3A_690 = arith.constant 60 : index
      %get3A_691 = memref.load %arg0[%get3A_690] : memref<64xi32, #tpu.memory_space<smem>>
      %add3A_692 = arith.addi %get3A_691, %while3A_31 : i32
      %min3A_693 = arith.constant 9999 : i32
      %min3A_694 = arith.minsi %add3A_692, %min3A_693 : i32
      %get3A_695 = arith.index_cast %min3A_694 : i32 to index
      %get3A_696 = arith.constant 0 : index
      %get3A_697 = vector.load %arg3[%get3A_695, %get3A_696] : memref<10000x128xf32, #tpu.memory_space<vmem>>, vector<1x128xf32>
      %swap3A_698 = arith.constant 60 : index
      %swap3A_699 = arith.constant 0 : index
      %swap3A_700 = vector.load %arg13[%swap3A_698, %swap3A_699] : memref<64x128xf32, #tpu.memory_space<vmem>>, vector<1x128xf32>
      tpu.vector_store %arg13[%swap3A_698, %swap3A_699], %get3A_697 {strides = array<i32>} : memref<64x128xf32, #tpu.memory_space<vmem>>, vector<1x128xf32>,
      %get3A_701 = arith.constant 61 : index
      %get3A_702 = memref.load %arg0[%get3A_701] : memref<64xi32, #tpu.memory_space<smem>>
      %add3A_703 = arith.addi %get3A_702, %while3A_31 : i32
      %min3A_704 = arith.constant 9999 : i32
      %min3A_705 = arith.minsi %add3A_703, %min3A_704 : i32
      %get3A_706 = arith.index_cast %min3A_705 : i32 to index
      %get3A_707 = arith.constant 0 : index
      %get3A_708 = vector.load %arg3[%get3A_706, %get3A_707] : memref<10000x128xf32, #tpu.memory_space<vmem>>, vector<1x128xf32>
      %swap3A_709 = arith.constant 61 : index
      %swap3A_710 = arith.constant 0 : index
      %swap3A_711 = vector.load %arg13[%swap3A_709, %swap3A_710] : memref<64x128xf32, #tpu.memory_space<vmem>>, vector<1x128xf32>
      tpu.vector_store %arg13[%swap3A_709, %swap3A_710], %get3A_708 {strides = array<i32>} : memref<64x128xf32, #tpu.memory_space<vmem>>, vector<1x128xf32>,
      %get3A_712 = arith.constant 62 : index
      %get3A_713 = memref.load %arg0[%get3A_712] : memref<64xi32, #tpu.memory_space<smem>>
      %add3A_714 = arith.addi %get3A_713, %while3A_31 : i32
      %min3A_715 = arith.constant 9999 : i32
      %min3A_716 = arith.minsi %add3A_714, %min3A_715 : i32
      %get3A_717 = arith.index_cast %min3A_716 : i32 to index
      %get3A_718 = arith.constant 0 : index
      %get3A_719 = vector.load %arg3[%get3A_717, %get3A_718] : memref<10000x128xf32, #tpu.memory_space<vmem>>, vector<1x128xf32>
      %swap3A_720 = arith.constant 62 : index
      %swap3A_721 = arith.constant 0 : index
      %swap3A_722 = vector.load %arg13[%swap3A_720, %swap3A_721] : memref<64x128xf32, #tpu.memory_space<vmem>>, vector<1x128xf32>
      tpu.vector_store %arg13[%swap3A_720, %swap3A_721], %get3A_719 {strides = array<i32>} : memref<64x128xf32, #tpu.memory_space<vmem>>, vector<1x128xf32>,
      %get3A_723 = arith.constant 63 : index
      %get3A_724 = memref.load %arg0[%get3A_723] : memref<64xi32, #tpu.memory_space<smem>>
      %add3A_725 = arith.addi %get3A_724, %while3A_31 : i32
      %min3A_726 = arith.constant 9999 : i32
      %min3A_727 = arith.minsi %add3A_725, %min3A_726 : i32
      %get3A_728 = arith.index_cast %min3A_727 : i32 to index
      %get3A_729 = arith.constant 0 : index
      %get3A_730 = vector.load %arg3[%get3A_728, %get3A_729] : memref<10000x128xf32, #tpu.memory_space<vmem>>, vector<1x128xf32>
      %swap3A_731 = arith.constant 63 : index
      %swap3A_732 = arith.constant 0 : index
      %swap3A_733 = vector.load %arg13[%swap3A_731, %swap3A_732] : memref<64x128xf32, #tpu.memory_space<vmem>>, vector<1x128xf32>
      tpu.vector_store %arg13[%swap3A_731, %swap3A_732], %get3A_730 {strides = array<i32>} : memref<64x128xf32, #tpu.memory_space<vmem>>, vector<1x128xf32>,
      %get3A_734 = arith.constant 0 : index
      %get3A_735 = arith.constant 0 : index
      %get3A_736 = vector.load %arg13[%get3A_734, %get3A_735] : memref<64x128xf32, #tpu.memory_space<vmem>>, vector<64x128xf32>
      %get3A_737 = arith.constant 0 : index
      %get3A_738 = arith.constant 0 : index
      %get3A_739 = vector.load %arg4[%get3A_737, %get3A_738] : memref<128x512xf32, #tpu.memory_space<vmem>>, vector<128x512xf32>
      %dot_general3A = arith.constant dense<0.000000e+00> : vector<64x512xf32>
      %dot_general3A_740 = tpu.matmul %get3A_736, %get3A_739, %dot_general3A {dimension_numbers = #tpu.dot_dimension_numbers<[1], [0], [0], [1], [0, 0, 1, 1], [], []>, transpose_lhs_hint = false} : vector<64x128xf32>, vector<128x512xf32>, vector<64x512xf32> -> vector<64x512xf32>
      %get3A_741 = arith.constant 0 : index
      %get3A_742 = arith.constant 0 : index
      %get3A_743 = vector.load %arg11[%get3A_741, %get3A_742] : memref<64x128xf32, #tpu.memory_space<vmem>>, vector<64x128xf32>
      %get3A_744 = arith.constant 0 : index
      %get3A_745 = arith.constant 0 : index
      %get3A_746 = vector.load %arg5[%get3A_744, %get3A_745] : memref<128x512xf32, #tpu.memory_space<vmem>>, vector<128x512xf32>
      %dot_general3A_747 = arith.constant dense<0.000000e+00> : vector<64x512xf32>
      %dot_general3A_748 = tpu.matmul %get3A_743, %get3A_746, %dot_general3A_747 {dimension_numbers = #tpu.dot_dimension_numbers<[1], [0], [0], [1], [0, 0, 1, 1], [], []>, transpose_lhs_hint = false} : vector<64x128xf32>, vector<128x512xf32>, vector<64x512xf32> -> vector<64x512xf32>
      %add3A_749 = arith.addf %dot_general3A_740, %dot_general3A_748 : vector<64x512xf32>
      %get3A_750 = arith.constant 0 : index
      %get3A_751 = arith.constant 0 : index
      %get3A_752 = vector.load %arg6[%get3A_750, %get3A_751] : memref<1x512xf32, #tpu.memory_space<vmem>>, vector<1x512xf32>
      %add3A_753 = vector.broadcast %get3A_752 : vector<1x512xf32> to vector<64x512xf32>
      %add3A_754 = arith.addf %add3A_749, %add3A_753 : vector<64x512xf32>
      %slice3A = vector.extract_strided_slice %add3A_754 {offsets = [0, 0], sizes = [64, 128], strides = [1, 1]} : vector<64x512xf32> to vector<64x128xf32>
      %logistic3A = arith.negf %slice3A : vector<64x128xf32>
      %logistic3A_755 = math.exp %logistic3A : vector<64x128xf32>
      %logistic3A_756 = arith.constant 1.000000e+00 : f32
      %logistic3A_757 = vector.broadcast %logistic3A_756 : f32 to vector<64x128xf32>
      %logistic3A_758 = arith.addf %logistic3A_757, %logistic3A_755 : vector<64x128xf32>
      %logistic3A_759 = arith.divf %logistic3A_757, %logistic3A_758 : vector<64x128xf32>
      %slice3A_760 = vector.extract_strided_slice %add3A_754 {offsets = [0, 128], sizes = [64, 128], strides = [1, 1]} : vector<64x512xf32> to vector<64x128xf32>
      %logistic3A_761 = arith.negf %slice3A_760 : vector<64x128xf32>
      %logistic3A_762 = math.exp %logistic3A_761 : vector<64x128xf32>
      %logistic3A_763 = arith.constant 1.000000e+00 : f32
      %logistic3A_764 = vector.broadcast %logistic3A_763 : f32 to vector<64x128xf32>
      %logistic3A_765 = arith.addf %logistic3A_764, %logistic3A_762 : vector<64x128xf32>
      %logistic3A_766 = arith.divf %logistic3A_764, %logistic3A_765 : vector<64x128xf32>
      %slice3A_767 = vector.extract_strided_slice %add3A_754 {offsets = [0, 256], sizes = [64, 128], strides = [1, 1]} : vector<64x512xf32> to vector<64x128xf32>
      %tanh3A = math.tanh %slice3A_767 : vector<64x128xf32>
      %slice3A_768 = vector.extract_strided_slice %add3A_754 {offsets = [0, 384], sizes = [64, 128], strides = [1, 1]} : vector<64x512xf32> to vector<64x128xf32>
      %logistic3A_769 = arith.negf %slice3A_768 : vector<64x128xf32>
      %logistic3A_770 = math.exp %logistic3A_769 : vector<64x128xf32>
      %logistic3A_771 = arith.constant 1.000000e+00 : f32
      %logistic3A_772 = vector.broadcast %logistic3A_771 : f32 to vector<64x128xf32>
      %logistic3A_773 = arith.addf %logistic3A_772, %logistic3A_770 : vector<64x128xf32>
      %logistic3A_774 = arith.divf %logistic3A_772, %logistic3A_773 : vector<64x128xf32>
      %get3A_775 = arith.constant 0 : index
      %get3A_776 = arith.constant 0 : index
      %get3A_777 = vector.load %arg12[%get3A_775, %get3A_776] : memref<64x128xf32, #tpu.memory_space<vmem>>, vector<64x128xf32>
      %mul3A = arith.mulf %logistic3A_766, %get3A_777 : vector<64x128xf32>
      %mul3A_778 = arith.mulf %logistic3A_759, %tanh3A : vector<64x128xf32>
      %add3A_779 = arith.addf %mul3A, %mul3A_778 : vector<64x128xf32>
      %tanh3A_780 = math.tanh %add3A_779 : vector<64x128xf32>
      %mul3A_781 = arith.mulf %logistic3A_774, %tanh3A_780 : vector<64x128xf32>
      %swap3A_782 = arith.constant 0 : index
      %swap3A_783 = arith.constant 0 : index
      %swap3A_784 = vector.load %arg11[%swap3A_782, %swap3A_783] : memref<64x128xf32, #tpu.memory_space<vmem>>, vector<64x128xf32>
      tpu.vector_store %arg11[%swap3A_782, %swap3A_783], %mul3A_781 {strides = array<i32>} : memref<64x128xf32, #tpu.memory_space<vmem>>, vector<64x128xf32>,
      %swap3A_785 = arith.constant 0 : index
      %swap3A_786 = arith.constant 0 : index
      %swap3A_787 = vector.load %arg12[%swap3A_785, %swap3A_786] : memref<64x128xf32, #tpu.memory_space<vmem>>, vector<64x128xf32>
      tpu.vector_store %arg12[%swap3A_785, %swap3A_786], %add3A_779 {strides = array<i32>} : memref<64x128xf32, #tpu.memory_space<vmem>>, vector<64x128xf32>,
      %get3A_788 = arith.constant 0 : index
      %get3A_789 = memref.load %arg1[%get3A_788] : memref<64xi32, #tpu.memory_space<smem>>
      %lt3A = arith.cmpi slt, %while3A_31, %get3A_789 : i32
      %get3A_790 = arith.constant 0 : index
      %get3A_791 = memref.load %arg0[%get3A_790] : memref<64xi32, #tpu.memory_space<smem>>
      %add3A_792 = arith.addi %get3A_791, %while3A_31 : i32
      %jit3A = arith.constant 10239 : i32
      %select_n3A = arith.select %lt3A, %add3A_792, %jit3A : i32
      %slice3A_793 = vector.extract_strided_slice %mul3A_781 {offsets = [0, 0], sizes = [1, 128], strides = [1, 1]} : vector<64x128xf32> to vector<1x128xf32>
      %swap3A_794 = arith.index_cast %select_n3A : i32 to index
      %swap3A_795 = arith.constant 0 : index
      %swap3A_796 = vector.load %arg14[%swap3A_794, %swap3A_795] : memref<10240x128xf32, #tpu.memory_space<vmem>>, vector<1x128xf32>
      tpu.vector_store %arg14[%swap3A_794, %swap3A_795], %slice3A_793 {strides = array<i32>} : memref<10240x128xf32, #tpu.memory_space<vmem>>, vector<1x128xf32>,
      %get3A_797 = arith.constant 1 : index
      %get3A_798 = memref.load %arg1[%get3A_797] : memref<64xi32, #tpu.memory_space<smem>>
      %lt3A_799 = arith.cmpi slt, %while3A_31, %get3A_798 : i32
      %get3A_800 = arith.constant 1 : index
      %get3A_801 = memref.load %arg0[%get3A_800] : memref<64xi32, #tpu.memory_space<smem>>
      %add3A_802 = arith.addi %get3A_801, %while3A_31 : i32
      %jit3A_803 = arith.constant 10239 : i32
      %select_n3A_804 = arith.select %lt3A_799, %add3A_802, %jit3A_803 : i32
      %slice3A_805 = vector.extract_strided_slice %mul3A_781 {offsets = [1, 0], sizes = [1, 128], strides = [1, 1]} : vector<64x128xf32> to vector<1x128xf32>
      %swap3A_806 = arith.index_cast %select_n3A_804 : i32 to index
      %swap3A_807 = arith.constant 0 : index
      %swap3A_808 = vector.load %arg14[%swap3A_806, %swap3A_807] : memref<10240x128xf32, #tpu.memory_space<vmem>>, vector<1x128xf32>
      tpu.vector_store %arg14[%swap3A_806, %swap3A_807], %slice3A_805 {strides = array<i32>} : memref<10240x128xf32, #tpu.memory_space<vmem>>, vector<1x128xf32>,
      %get3A_809 = arith.constant 2 : index
      %get3A_810 = memref.load %arg1[%get3A_809] : memref<64xi32, #tpu.memory_space<smem>>
      %lt3A_811 = arith.cmpi slt, %while3A_31, %get3A_810 : i32
      %get3A_812 = arith.constant 2 : index
      %get3A_813 = memref.load %arg0[%get3A_812] : memref<64xi32, #tpu.memory_space<smem>>
      %add3A_814 = arith.addi %get3A_813, %while3A_31 : i32
      %jit3A_815 = arith.constant 10239 : i32
      %select_n3A_816 = arith.select %lt3A_811, %add3A_814, %jit3A_815 : i32
      %slice3A_817 = vector.extract_strided_slice %mul3A_781 {offsets = [2, 0], sizes = [1, 128], strides = [1, 1]} : vector<64x128xf32> to vector<1x128xf32>
      %swap3A_818 = arith.index_cast %select_n3A_816 : i32 to index
      %swap3A_819 = arith.constant 0 : index
      %swap3A_820 = vector.load %arg14[%swap3A_818, %swap3A_819] : memref<10240x128xf32, #tpu.memory_space<vmem>>, vector<1x128xf32>
      tpu.vector_store %arg14[%swap3A_818, %swap3A_819], %slice3A_817 {strides = array<i32>} : memref<10240x128xf32, #tpu.memory_space<vmem>>, vector<1x128xf32>,
      %get3A_821 = arith.constant 3 : index
      %get3A_822 = memref.load %arg1[%get3A_821] : memref<64xi32, #tpu.memory_space<smem>>
      %lt3A_823 = arith.cmpi slt, %while3A_31, %get3A_822 : i32
      %get3A_824 = arith.constant 3 : index
      %get3A_825 = memref.load %arg0[%get3A_824] : memref<64xi32, #tpu.memory_space<smem>>
      %add3A_826 = arith.addi %get3A_825, %while3A_31 : i32
      %jit3A_827 = arith.constant 10239 : i32
      %select_n3A_828 = arith.select %lt3A_823, %add3A_826, %jit3A_827 : i32
      %slice3A_829 = vector.extract_strided_slice %mul3A_781 {offsets = [3, 0], sizes = [1, 128], strides = [1, 1]} : vector<64x128xf32> to vector<1x128xf32>
      %swap3A_830 = arith.index_cast %select_n3A_828 : i32 to index
      %swap3A_831 = arith.constant 0 : index
      %swap3A_832 = vector.load %arg14[%swap3A_830, %swap3A_831] : memref<10240x128xf32, #tpu.memory_space<vmem>>, vector<1x128xf32>
      tpu.vector_store %arg14[%swap3A_830, %swap3A_831], %slice3A_829 {strides = array<i32>} : memref<10240x128xf32, #tpu.memory_space<vmem>>, vector<1x128xf32>,
      %get3A_833 = arith.constant 4 : index
      %get3A_834 = memref.load %arg1[%get3A_833] : memref<64xi32, #tpu.memory_space<smem>>
      %lt3A_835 = arith.cmpi slt, %while3A_31, %get3A_834 : i32
      %get3A_836 = arith.constant 4 : index
      %get3A_837 = memref.load %arg0[%get3A_836] : memref<64xi32, #tpu.memory_space<smem>>
      %add3A_838 = arith.addi %get3A_837, %while3A_31 : i32
      %jit3A_839 = arith.constant 10239 : i32
      %select_n3A_840 = arith.select %lt3A_835, %add3A_838, %jit3A_839 : i32
      %slice3A_841 = vector.extract_strided_slice %mul3A_781 {offsets = [4, 0], sizes = [1, 128], strides = [1, 1]} : vector<64x128xf32> to vector<1x128xf32>
      %swap3A_842 = arith.index_cast %select_n3A_840 : i32 to index
      %swap3A_843 = arith.constant 0 : index
      %swap3A_844 = vector.load %arg14[%swap3A_842, %swap3A_843] : memref<10240x128xf32, #tpu.memory_space<vmem>>, vector<1x128xf32>
      tpu.vector_store %arg14[%swap3A_842, %swap3A_843], %slice3A_841 {strides = array<i32>} : memref<10240x128xf32, #tpu.memory_space<vmem>>, vector<1x128xf32>,
      %get3A_845 = arith.constant 5 : index
      %get3A_846 = memref.load %arg1[%get3A_845] : memref<64xi32, #tpu.memory_space<smem>>
      %lt3A_847 = arith.cmpi slt, %while3A_31, %get3A_846 : i32
      %get3A_848 = arith.constant 5 : index
      %get3A_849 = memref.load %arg0[%get3A_848] : memref<64xi32, #tpu.memory_space<smem>>
      %add3A_850 = arith.addi %get3A_849, %while3A_31 : i32
      %jit3A_851 = arith.constant 10239 : i32
      %select_n3A_852 = arith.select %lt3A_847, %add3A_850, %jit3A_851 : i32
      %slice3A_853 = vector.extract_strided_slice %mul3A_781 {offsets = [5, 0], sizes = [1, 128], strides = [1, 1]} : vector<64x128xf32> to vector<1x128xf32>
      %swap3A_854 = arith.index_cast %select_n3A_852 : i32 to index
      %swap3A_855 = arith.constant 0 : index
      %swap3A_856 = vector.load %arg14[%swap3A_854, %swap3A_855] : memref<10240x128xf32, #tpu.memory_space<vmem>>, vector<1x128xf32>
      tpu.vector_store %arg14[%swap3A_854, %swap3A_855], %slice3A_853 {strides = array<i32>} : memref<10240x128xf32, #tpu.memory_space<vmem>>, vector<1x128xf32>,
      %get3A_857 = arith.constant 6 : index
      %get3A_858 = memref.load %arg1[%get3A_857] : memref<64xi32, #tpu.memory_space<smem>>
      %lt3A_859 = arith.cmpi slt, %while3A_31, %get3A_858 : i32
      %get3A_860 = arith.constant 6 : index
      %get3A_861 = memref.load %arg0[%get3A_860] : memref<64xi32, #tpu.memory_space<smem>>
      %add3A_862 = arith.addi %get3A_861, %while3A_31 : i32
      %jit3A_863 = arith.constant 10239 : i32
      %select_n3A_864 = arith.select %lt3A_859, %add3A_862, %jit3A_863 : i32
      %slice3A_865 = vector.extract_strided_slice %mul3A_781 {offsets = [6, 0], sizes = [1, 128], strides = [1, 1]} : vector<64x128xf32> to vector<1x128xf32>
      %swap3A_866 = arith.index_cast %select_n3A_864 : i32 to index
      %swap3A_867 = arith.constant 0 : index
      %swap3A_868 = vector.load %arg14[%swap3A_866, %swap3A_867] : memref<10240x128xf32, #tpu.memory_space<vmem>>, vector<1x128xf32>
      tpu.vector_store %arg14[%swap3A_866, %swap3A_867], %slice3A_865 {strides = array<i32>} : memref<10240x128xf32, #tpu.memory_space<vmem>>, vector<1x128xf32>,
      %get3A_869 = arith.constant 7 : index
      %get3A_870 = memref.load %arg1[%get3A_869] : memref<64xi32, #tpu.memory_space<smem>>
      %lt3A_871 = arith.cmpi slt, %while3A_31, %get3A_870 : i32
      %get3A_872 = arith.constant 7 : index
      %get3A_873 = memref.load %arg0[%get3A_872] : memref<64xi32, #tpu.memory_space<smem>>
      %add3A_874 = arith.addi %get3A_873, %while3A_31 : i32
      %jit3A_875 = arith.constant 10239 : i32
      %select_n3A_876 = arith.select %lt3A_871, %add3A_874, %jit3A_875 : i32
      %slice3A_877 = vector.extract_strided_slice %mul3A_781 {offsets = [7, 0], sizes = [1, 128], strides = [1, 1]} : vector<64x128xf32> to vector<1x128xf32>
      %swap3A_878 = arith.index_cast %select_n3A_876 : i32 to index
      %swap3A_879 = arith.constant 0 : index
      %swap3A_880 = vector.load %arg14[%swap3A_878, %swap3A_879] : memref<10240x128xf32, #tpu.memory_space<vmem>>, vector<1x128xf32>
      tpu.vector_store %arg14[%swap3A_878, %swap3A_879], %slice3A_877 {strides = array<i32>} : memref<10240x128xf32, #tpu.memory_space<vmem>>, vector<1x128xf32>,
      %get3A_881 = arith.constant 8 : index
      %get3A_882 = memref.load %arg1[%get3A_881] : memref<64xi32, #tpu.memory_space<smem>>
      %lt3A_883 = arith.cmpi slt, %while3A_31, %get3A_882 : i32
      %get3A_884 = arith.constant 8 : index
      %get3A_885 = memref.load %arg0[%get3A_884] : memref<64xi32, #tpu.memory_space<smem>>
      %add3A_886 = arith.addi %get3A_885, %while3A_31 : i32
      %jit3A_887 = arith.constant 10239 : i32
      %select_n3A_888 = arith.select %lt3A_883, %add3A_886, %jit3A_887 : i32
      %slice3A_889 = vector.extract_strided_slice %mul3A_781 {offsets = [8, 0], sizes = [1, 128], strides = [1, 1]} : vector<64x128xf32> to vector<1x128xf32>
      %swap3A_890 = arith.index_cast %select_n3A_888 : i32 to index
      %swap3A_891 = arith.constant 0 : index
      %swap3A_892 = vector.load %arg14[%swap3A_890, %swap3A_891] : memref<10240x128xf32, #tpu.memory_space<vmem>>, vector<1x128xf32>
      tpu.vector_store %arg14[%swap3A_890, %swap3A_891], %slice3A_889 {strides = array<i32>} : memref<10240x128xf32, #tpu.memory_space<vmem>>, vector<1x128xf32>,
      %get3A_893 = arith.constant 9 : index
      %get3A_894 = memref.load %arg1[%get3A_893] : memref<64xi32, #tpu.memory_space<smem>>
      %lt3A_895 = arith.cmpi slt, %while3A_31, %get3A_894 : i32
      %get3A_896 = arith.constant 9 : index
      %get3A_897 = memref.load %arg0[%get3A_896] : memref<64xi32, #tpu.memory_space<smem>>
      %add3A_898 = arith.addi %get3A_897, %while3A_31 : i32
      %jit3A_899 = arith.constant 10239 : i32
      %select_n3A_900 = arith.select %lt3A_895, %add3A_898, %jit3A_899 : i32
      %slice3A_901 = vector.extract_strided_slice %mul3A_781 {offsets = [9, 0], sizes = [1, 128], strides = [1, 1]} : vector<64x128xf32> to vector<1x128xf32>
      %swap3A_902 = arith.index_cast %select_n3A_900 : i32 to index
      %swap3A_903 = arith.constant 0 : index
      %swap3A_904 = vector.load %arg14[%swap3A_902, %swap3A_903] : memref<10240x128xf32, #tpu.memory_space<vmem>>, vector<1x128xf32>
      tpu.vector_store %arg14[%swap3A_902, %swap3A_903], %slice3A_901 {strides = array<i32>} : memref<10240x128xf32, #tpu.memory_space<vmem>>, vector<1x128xf32>,
      %get3A_905 = arith.constant 10 : index
      %get3A_906 = memref.load %arg1[%get3A_905] : memref<64xi32, #tpu.memory_space<smem>>
      %lt3A_907 = arith.cmpi slt, %while3A_31, %get3A_906 : i32
      %get3A_908 = arith.constant 10 : index
      %get3A_909 = memref.load %arg0[%get3A_908] : memref<64xi32, #tpu.memory_space<smem>>
      %add3A_910 = arith.addi %get3A_909, %while3A_31 : i32
      %jit3A_911 = arith.constant 10239 : i32
      %select_n3A_912 = arith.select %lt3A_907, %add3A_910, %jit3A_911 : i32
      %slice3A_913 = vector.extract_strided_slice %mul3A_781 {offsets = [10, 0], sizes = [1, 128], strides = [1, 1]} : vector<64x128xf32> to vector<1x128xf32>
      %swap3A_914 = arith.index_cast %select_n3A_912 : i32 to index
      %swap3A_915 = arith.constant 0 : index
      %swap3A_916 = vector.load %arg14[%swap3A_914, %swap3A_915] : memref<10240x128xf32, #tpu.memory_space<vmem>>, vector<1x128xf32>
      tpu.vector_store %arg14[%swap3A_914, %swap3A_915], %slice3A_913 {strides = array<i32>} : memref<10240x128xf32, #tpu.memory_space<vmem>>, vector<1x128xf32>,
      %get3A_917 = arith.constant 11 : index
      %get3A_918 = memref.load %arg1[%get3A_917] : memref<64xi32, #tpu.memory_space<smem>>
      %lt3A_919 = arith.cmpi slt, %while3A_31, %get3A_918 : i32
      %get3A_920 = arith.constant 11 : index
      %get3A_921 = memref.load %arg0[%get3A_920] : memref<64xi32, #tpu.memory_space<smem>>
      %add3A_922 = arith.addi %get3A_921, %while3A_31 : i32
      %jit3A_923 = arith.constant 10239 : i32
      %select_n3A_924 = arith.select %lt3A_919, %add3A_922, %jit3A_923 : i32
      %slice3A_925 = vector.extract_strided_slice %mul3A_781 {offsets = [11, 0], sizes = [1, 128], strides = [1, 1]} : vector<64x128xf32> to vector<1x128xf32>
      %swap3A_926 = arith.index_cast %select_n3A_924 : i32 to index
      %swap3A_927 = arith.constant 0 : index
      %swap3A_928 = vector.load %arg14[%swap3A_926, %swap3A_927] : memref<10240x128xf32, #tpu.memory_space<vmem>>, vector<1x128xf32>
      tpu.vector_store %arg14[%swap3A_926, %swap3A_927], %slice3A_925 {strides = array<i32>} : memref<10240x128xf32, #tpu.memory_space<vmem>>, vector<1x128xf32>,
      %get3A_929 = arith.constant 12 : index
      %get3A_930 = memref.load %arg1[%get3A_929] : memref<64xi32, #tpu.memory_space<smem>>
      %lt3A_931 = arith.cmpi slt, %while3A_31, %get3A_930 : i32
      %get3A_932 = arith.constant 12 : index
      %get3A_933 = memref.load %arg0[%get3A_932] : memref<64xi32, #tpu.memory_space<smem>>
      %add3A_934 = arith.addi %get3A_933, %while3A_31 : i32
      %jit3A_935 = arith.constant 10239 : i32
      %select_n3A_936 = arith.select %lt3A_931, %add3A_934, %jit3A_935 : i32
      %slice3A_937 = vector.extract_strided_slice %mul3A_781 {offsets = [12, 0], sizes = [1, 128], strides = [1, 1]} : vector<64x128xf32> to vector<1x128xf32>
      %swap3A_938 = arith.index_cast %select_n3A_936 : i32 to index
      %swap3A_939 = arith.constant 0 : index
      %swap3A_940 = vector.load %arg14[%swap3A_938, %swap3A_939] : memref<10240x128xf32, #tpu.memory_space<vmem>>, vector<1x128xf32>
      tpu.vector_store %arg14[%swap3A_938, %swap3A_939], %slice3A_937 {strides = array<i32>} : memref<10240x128xf32, #tpu.memory_space<vmem>>, vector<1x128xf32>,
      %get3A_941 = arith.constant 13 : index
      %get3A_942 = memref.load %arg1[%get3A_941] : memref<64xi32, #tpu.memory_space<smem>>
      %lt3A_943 = arith.cmpi slt, %while3A_31, %get3A_942 : i32
      %get3A_944 = arith.constant 13 : index
      %get3A_945 = memref.load %arg0[%get3A_944] : memref<64xi32, #tpu.memory_space<smem>>
      %add3A_946 = arith.addi %get3A_945, %while3A_31 : i32
      %jit3A_947 = arith.constant 10239 : i32
      %select_n3A_948 = arith.select %lt3A_943, %add3A_946, %jit3A_947 : i32
      %slice3A_949 = vector.extract_strided_slice %mul3A_781 {offsets = [13, 0], sizes = [1, 128], strides = [1, 1]} : vector<64x128xf32> to vector<1x128xf32>
      %swap3A_950 = arith.index_cast %select_n3A_948 : i32 to index
      %swap3A_951 = arith.constant 0 : index
      %swap3A_952 = vector.load %arg14[%swap3A_950, %swap3A_951] : memref<10240x128xf32, #tpu.memory_space<vmem>>, vector<1x128xf32>
      tpu.vector_store %arg14[%swap3A_950, %swap3A_951], %slice3A_949 {strides = array<i32>} : memref<10240x128xf32, #tpu.memory_space<vmem>>, vector<1x128xf32>,
      %get3A_953 = arith.constant 14 : index
      %get3A_954 = memref.load %arg1[%get3A_953] : memref<64xi32, #tpu.memory_space<smem>>
      %lt3A_955 = arith.cmpi slt, %while3A_31, %get3A_954 : i32
      %get3A_956 = arith.constant 14 : index
      %get3A_957 = memref.load %arg0[%get3A_956] : memref<64xi32, #tpu.memory_space<smem>>
      %add3A_958 = arith.addi %get3A_957, %while3A_31 : i32
      %jit3A_959 = arith.constant 10239 : i32
      %select_n3A_960 = arith.select %lt3A_955, %add3A_958, %jit3A_959 : i32
      %slice3A_961 = vector.extract_strided_slice %mul3A_781 {offsets = [14, 0], sizes = [1, 128], strides = [1, 1]} : vector<64x128xf32> to vector<1x128xf32>
      %swap3A_962 = arith.index_cast %select_n3A_960 : i32 to index
      %swap3A_963 = arith.constant 0 : index
      %swap3A_964 = vector.load %arg14[%swap3A_962, %swap3A_963] : memref<10240x128xf32, #tpu.memory_space<vmem>>, vector<1x128xf32>
      tpu.vector_store %arg14[%swap3A_962, %swap3A_963], %slice3A_961 {strides = array<i32>} : memref<10240x128xf32, #tpu.memory_space<vmem>>, vector<1x128xf32>,
      %get3A_965 = arith.constant 15 : index
      %get3A_966 = memref.load %arg1[%get3A_965] : memref<64xi32, #tpu.memory_space<smem>>
      %lt3A_967 = arith.cmpi slt, %while3A_31, %get3A_966 : i32
      %get3A_968 = arith.constant 15 : index
      %get3A_969 = memref.load %arg0[%get3A_968] : memref<64xi32, #tpu.memory_space<smem>>
      %add3A_970 = arith.addi %get3A_969, %while3A_31 : i32
      %jit3A_971 = arith.constant 10239 : i32
      %select_n3A_972 = arith.select %lt3A_967, %add3A_970, %jit3A_971 : i32
      %slice3A_973 = vector.extract_strided_slice %mul3A_781 {offsets = [15, 0], sizes = [1, 128], strides = [1, 1]} : vector<64x128xf32> to vector<1x128xf32>
      %swap3A_974 = arith.index_cast %select_n3A_972 : i32 to index
      %swap3A_975 = arith.constant 0 : index
      %swap3A_976 = vector.load %arg14[%swap3A_974, %swap3A_975] : memref<10240x128xf32, #tpu.memory_space<vmem>>, vector<1x128xf32>
      tpu.vector_store %arg14[%swap3A_974, %swap3A_975], %slice3A_973 {strides = array<i32>} : memref<10240x128xf32, #tpu.memory_space<vmem>>, vector<1x128xf32>,
      %get3A_977 = arith.constant 16 : index
      %get3A_978 = memref.load %arg1[%get3A_977] : memref<64xi32, #tpu.memory_space<smem>>
      %lt3A_979 = arith.cmpi slt, %while3A_31, %get3A_978 : i32
      %get3A_980 = arith.constant 16 : index
      %get3A_981 = memref.load %arg0[%get3A_980] : memref<64xi32, #tpu.memory_space<smem>>
      %add3A_982 = arith.addi %get3A_981, %while3A_31 : i32
      %jit3A_983 = arith.constant 10239 : i32
      %select_n3A_984 = arith.select %lt3A_979, %add3A_982, %jit3A_983 : i32
      %slice3A_985 = vector.extract_strided_slice %mul3A_781 {offsets = [16, 0], sizes = [1, 128], strides = [1, 1]} : vector<64x128xf32> to vector<1x128xf32>
      %swap3A_986 = arith.index_cast %select_n3A_984 : i32 to index
      %swap3A_987 = arith.constant 0 : index
      %swap3A_988 = vector.load %arg14[%swap3A_986, %swap3A_987] : memref<10240x128xf32, #tpu.memory_space<vmem>>, vector<1x128xf32>
      tpu.vector_store %arg14[%swap3A_986, %swap3A_987], %slice3A_985 {strides = array<i32>} : memref<10240x128xf32, #tpu.memory_space<vmem>>, vector<1x128xf32>,
      %get3A_989 = arith.constant 17 : index
      %get3A_990 = memref.load %arg1[%get3A_989] : memref<64xi32, #tpu.memory_space<smem>>
      %lt3A_991 = arith.cmpi slt, %while3A_31, %get3A_990 : i32
      %get3A_992 = arith.constant 17 : index
      %get3A_993 = memref.load %arg0[%get3A_992] : memref<64xi32, #tpu.memory_space<smem>>
      %add3A_994 = arith.addi %get3A_993, %while3A_31 : i32
      %jit3A_995 = arith.constant 10239 : i32
      %select_n3A_996 = arith.select %lt3A_991, %add3A_994, %jit3A_995 : i32
      %slice3A_997 = vector.extract_strided_slice %mul3A_781 {offsets = [17, 0], sizes = [1, 128], strides = [1, 1]} : vector<64x128xf32> to vector<1x128xf32>
      %swap3A_998 = arith.index_cast %select_n3A_996 : i32 to index
      %swap3A_999 = arith.constant 0 : index
      %swap3A_1000 = vector.load %arg14[%swap3A_998, %swap3A_999] : memref<10240x128xf32, #tpu.memory_space<vmem>>, vector<1x128xf32>
      tpu.vector_store %arg14[%swap3A_998, %swap3A_999], %slice3A_997 {strides = array<i32>} : memref<10240x128xf32, #tpu.memory_space<vmem>>, vector<1x128xf32>,
      %get3A_1001 = arith.constant 18 : index
      %get3A_1002 = memref.load %arg1[%get3A_1001] : memref<64xi32, #tpu.memory_space<smem>>
      %lt3A_1003 = arith.cmpi slt, %while3A_31, %get3A_1002 : i32
      %get3A_1004 = arith.constant 18 : index
      %get3A_1005 = memref.load %arg0[%get3A_1004] : memref<64xi32, #tpu.memory_space<smem>>
      %add3A_1006 = arith.addi %get3A_1005, %while3A_31 : i32
      %jit3A_1007 = arith.constant 10239 : i32
      %select_n3A_1008 = arith.select %lt3A_1003, %add3A_1006, %jit3A_1007 : i32
      %slice3A_1009 = vector.extract_strided_slice %mul3A_781 {offsets = [18, 0], sizes = [1, 128], strides = [1, 1]} : vector<64x128xf32> to vector<1x128xf32>
      %swap3A_1010 = arith.index_cast %select_n3A_1008 : i32 to index
      %swap3A_1011 = arith.constant 0 : index
      %swap3A_1012 = vector.load %arg14[%swap3A_1010, %swap3A_1011] : memref<10240x128xf32, #tpu.memory_space<vmem>>, vector<1x128xf32>
      tpu.vector_store %arg14[%swap3A_1010, %swap3A_1011], %slice3A_1009 {strides = array<i32>} : memref<10240x128xf32, #tpu.memory_space<vmem>>, vector<1x128xf32>,
      %get3A_1013 = arith.constant 19 : index
      %get3A_1014 = memref.load %arg1[%get3A_1013] : memref<64xi32, #tpu.memory_space<smem>>
      %lt3A_1015 = arith.cmpi slt, %while3A_31, %get3A_1014 : i32
      %get3A_1016 = arith.constant 19 : index
      %get3A_1017 = memref.load %arg0[%get3A_1016] : memref<64xi32, #tpu.memory_space<smem>>
      %add3A_1018 = arith.addi %get3A_1017, %while3A_31 : i32
      %jit3A_1019 = arith.constant 10239 : i32
      %select_n3A_1020 = arith.select %lt3A_1015, %add3A_1018, %jit3A_1019 : i32
      %slice3A_1021 = vector.extract_strided_slice %mul3A_781 {offsets = [19, 0], sizes = [1, 128], strides = [1, 1]} : vector<64x128xf32> to vector<1x128xf32>
      %swap3A_1022 = arith.index_cast %select_n3A_1020 : i32 to index
      %swap3A_1023 = arith.constant 0 : index
      %swap3A_1024 = vector.load %arg14[%swap3A_1022, %swap3A_1023] : memref<10240x128xf32, #tpu.memory_space<vmem>>, vector<1x128xf32>
      tpu.vector_store %arg14[%swap3A_1022, %swap3A_1023], %slice3A_1021 {strides = array<i32>} : memref<10240x128xf32, #tpu.memory_space<vmem>>, vector<1x128xf32>,
      %get3A_1025 = arith.constant 20 : index
      %get3A_1026 = memref.load %arg1[%get3A_1025] : memref<64xi32, #tpu.memory_space<smem>>
      %lt3A_1027 = arith.cmpi slt, %while3A_31, %get3A_1026 : i32
      %get3A_1028 = arith.constant 20 : index
      %get3A_1029 = memref.load %arg0[%get3A_1028] : memref<64xi32, #tpu.memory_space<smem>>
      %add3A_1030 = arith.addi %get3A_1029, %while3A_31 : i32
      %jit3A_1031 = arith.constant 10239 : i32
      %select_n3A_1032 = arith.select %lt3A_1027, %add3A_1030, %jit3A_1031 : i32
      %slice3A_1033 = vector.extract_strided_slice %mul3A_781 {offsets = [20, 0], sizes = [1, 128], strides = [1, 1]} : vector<64x128xf32> to vector<1x128xf32>
      %swap3A_1034 = arith.index_cast %select_n3A_1032 : i32 to index
      %swap3A_1035 = arith.constant 0 : index
      %swap3A_1036 = vector.load %arg14[%swap3A_1034, %swap3A_1035] : memref<10240x128xf32, #tpu.memory_space<vmem>>, vector<1x128xf32>
      tpu.vector_store %arg14[%swap3A_1034, %swap3A_1035], %slice3A_1033 {strides = array<i32>} : memref<10240x128xf32, #tpu.memory_space<vmem>>, vector<1x128xf32>,
      %get3A_1037 = arith.constant 21 : index
      %get3A_1038 = memref.load %arg1[%get3A_1037] : memref<64xi32, #tpu.memory_space<smem>>
      %lt3A_1039 = arith.cmpi slt, %while3A_31, %get3A_1038 : i32
      %get3A_1040 = arith.constant 21 : index
      %get3A_1041 = memref.load %arg0[%get3A_1040] : memref<64xi32, #tpu.memory_space<smem>>
      %add3A_1042 = arith.addi %get3A_1041, %while3A_31 : i32
      %jit3A_1043 = arith.constant 10239 : i32
      %select_n3A_1044 = arith.select %lt3A_1039, %add3A_1042, %jit3A_1043 : i32
      %slice3A_1045 = vector.extract_strided_slice %mul3A_781 {offsets = [21, 0], sizes = [1, 128], strides = [1, 1]} : vector<64x128xf32> to vector<1x128xf32>
      %swap3A_1046 = arith.index_cast %select_n3A_1044 : i32 to index
      %swap3A_1047 = arith.constant 0 : index
      %swap3A_1048 = vector.load %arg14[%swap3A_1046, %swap3A_1047] : memref<10240x128xf32, #tpu.memory_space<vmem>>, vector<1x128xf32>
      tpu.vector_store %arg14[%swap3A_1046, %swap3A_1047], %slice3A_1045 {strides = array<i32>} : memref<10240x128xf32, #tpu.memory_space<vmem>>, vector<1x128xf32>,
      %get3A_1049 = arith.constant 22 : index
      %get3A_1050 = memref.load %arg1[%get3A_1049] : memref<64xi32, #tpu.memory_space<smem>>
      %lt3A_1051 = arith.cmpi slt, %while3A_31, %get3A_1050 : i32
      %get3A_1052 = arith.constant 22 : index
      %get3A_1053 = memref.load %arg0[%get3A_1052] : memref<64xi32, #tpu.memory_space<smem>>
      %add3A_1054 = arith.addi %get3A_1053, %while3A_31 : i32
      %jit3A_1055 = arith.constant 10239 : i32
      %select_n3A_1056 = arith.select %lt3A_1051, %add3A_1054, %jit3A_1055 : i32
      %slice3A_1057 = vector.extract_strided_slice %mul3A_781 {offsets = [22, 0], sizes = [1, 128], strides = [1, 1]} : vector<64x128xf32> to vector<1x128xf32>
      %swap3A_1058 = arith.index_cast %select_n3A_1056 : i32 to index
      %swap3A_1059 = arith.constant 0 : index
      %swap3A_1060 = vector.load %arg14[%swap3A_1058, %swap3A_1059] : memref<10240x128xf32, #tpu.memory_space<vmem>>, vector<1x128xf32>
      tpu.vector_store %arg14[%swap3A_1058, %swap3A_1059], %slice3A_1057 {strides = array<i32>} : memref<10240x128xf32, #tpu.memory_space<vmem>>, vector<1x128xf32>,
      %get3A_1061 = arith.constant 23 : index
      %get3A_1062 = memref.load %arg1[%get3A_1061] : memref<64xi32, #tpu.memory_space<smem>>
      %lt3A_1063 = arith.cmpi slt, %while3A_31, %get3A_1062 : i32
      %get3A_1064 = arith.constant 23 : index
      %get3A_1065 = memref.load %arg0[%get3A_1064] : memref<64xi32, #tpu.memory_space<smem>>
      %add3A_1066 = arith.addi %get3A_1065, %while3A_31 : i32
      %jit3A_1067 = arith.constant 10239 : i32
      %select_n3A_1068 = arith.select %lt3A_1063, %add3A_1066, %jit3A_1067 : i32
      %slice3A_1069 = vector.extract_strided_slice %mul3A_781 {offsets = [23, 0], sizes = [1, 128], strides = [1, 1]} : vector<64x128xf32> to vector<1x128xf32>
      %swap3A_1070 = arith.index_cast %select_n3A_1068 : i32 to index
      %swap3A_1071 = arith.constant 0 : index
      %swap3A_1072 = vector.load %arg14[%swap3A_1070, %swap3A_1071] : memref<10240x128xf32, #tpu.memory_space<vmem>>, vector<1x128xf32>
      tpu.vector_store %arg14[%swap3A_1070, %swap3A_1071], %slice3A_1069 {strides = array<i32>} : memref<10240x128xf32, #tpu.memory_space<vmem>>, vector<1x128xf32>,
      %get3A_1073 = arith.constant 24 : index
      %get3A_1074 = memref.load %arg1[%get3A_1073] : memref<64xi32, #tpu.memory_space<smem>>
      %lt3A_1075 = arith.cmpi slt, %while3A_31, %get3A_1074 : i32
      %get3A_1076 = arith.constant 24 : index
      %get3A_1077 = memref.load %arg0[%get3A_1076] : memref<64xi32, #tpu.memory_space<smem>>
      %add3A_1078 = arith.addi %get3A_1077, %while3A_31 : i32
      %jit3A_1079 = arith.constant 10239 : i32
      %select_n3A_1080 = arith.select %lt3A_1075, %add3A_1078, %jit3A_1079 : i32
      %slice3A_1081 = vector.extract_strided_slice %mul3A_781 {offsets = [24, 0], sizes = [1, 128], strides = [1, 1]} : vector<64x128xf32> to vector<1x128xf32>
      %swap3A_1082 = arith.index_cast %select_n3A_1080 : i32 to index
      %swap3A_1083 = arith.constant 0 : index
      %swap3A_1084 = vector.load %arg14[%swap3A_1082, %swap3A_1083] : memref<10240x128xf32, #tpu.memory_space<vmem>>, vector<1x128xf32>
      tpu.vector_store %arg14[%swap3A_1082, %swap3A_1083], %slice3A_1081 {strides = array<i32>} : memref<10240x128xf32, #tpu.memory_space<vmem>>, vector<1x128xf32>,
      %get3A_1085 = arith.constant 25 : index
      %get3A_1086 = memref.load %arg1[%get3A_1085] : memref<64xi32, #tpu.memory_space<smem>>
      %lt3A_1087 = arith.cmpi slt, %while3A_31, %get3A_1086 : i32
      %get3A_1088 = arith.constant 25 : index
      %get3A_1089 = memref.load %arg0[%get3A_1088] : memref<64xi32, #tpu.memory_space<smem>>
      %add3A_1090 = arith.addi %get3A_1089, %while3A_31 : i32
      %jit3A_1091 = arith.constant 10239 : i32
      %select_n3A_1092 = arith.select %lt3A_1087, %add3A_1090, %jit3A_1091 : i32
      %slice3A_1093 = vector.extract_strided_slice %mul3A_781 {offsets = [25, 0], sizes = [1, 128], strides = [1, 1]} : vector<64x128xf32> to vector<1x128xf32>
      %swap3A_1094 = arith.index_cast %select_n3A_1092 : i32 to index
      %swap3A_1095 = arith.constant 0 : index
      %swap3A_1096 = vector.load %arg14[%swap3A_1094, %swap3A_1095] : memref<10240x128xf32, #tpu.memory_space<vmem>>, vector<1x128xf32>
      tpu.vector_store %arg14[%swap3A_1094, %swap3A_1095], %slice3A_1093 {strides = array<i32>} : memref<10240x128xf32, #tpu.memory_space<vmem>>, vector<1x128xf32>,
      %get3A_1097 = arith.constant 26 : index
      %get3A_1098 = memref.load %arg1[%get3A_1097] : memref<64xi32, #tpu.memory_space<smem>>
      %lt3A_1099 = arith.cmpi slt, %while3A_31, %get3A_1098 : i32
      %get3A_1100 = arith.constant 26 : index
      %get3A_1101 = memref.load %arg0[%get3A_1100] : memref<64xi32, #tpu.memory_space<smem>>
      %add3A_1102 = arith.addi %get3A_1101, %while3A_31 : i32
      %jit3A_1103 = arith.constant 10239 : i32
      %select_n3A_1104 = arith.select %lt3A_1099, %add3A_1102, %jit3A_1103 : i32
      %slice3A_1105 = vector.extract_strided_slice %mul3A_781 {offsets = [26, 0], sizes = [1, 128], strides = [1, 1]} : vector<64x128xf32> to vector<1x128xf32>
      %swap3A_1106 = arith.index_cast %select_n3A_1104 : i32 to index
      %swap3A_1107 = arith.constant 0 : index
      %swap3A_1108 = vector.load %arg14[%swap3A_1106, %swap3A_1107] : memref<10240x128xf32, #tpu.memory_space<vmem>>, vector<1x128xf32>
      tpu.vector_store %arg14[%swap3A_1106, %swap3A_1107], %slice3A_1105 {strides = array<i32>} : memref<10240x128xf32, #tpu.memory_space<vmem>>, vector<1x128xf32>,
      %get3A_1109 = arith.constant 27 : index
      %get3A_1110 = memref.load %arg1[%get3A_1109] : memref<64xi32, #tpu.memory_space<smem>>
      %lt3A_1111 = arith.cmpi slt, %while3A_31, %get3A_1110 : i32
      %get3A_1112 = arith.constant 27 : index
      %get3A_1113 = memref.load %arg0[%get3A_1112] : memref<64xi32, #tpu.memory_space<smem>>
      %add3A_1114 = arith.addi %get3A_1113, %while3A_31 : i32
      %jit3A_1115 = arith.constant 10239 : i32
      %select_n3A_1116 = arith.select %lt3A_1111, %add3A_1114, %jit3A_1115 : i32
      %slice3A_1117 = vector.extract_strided_slice %mul3A_781 {offsets = [27, 0], sizes = [1, 128], strides = [1, 1]} : vector<64x128xf32> to vector<1x128xf32>
      %swap3A_1118 = arith.index_cast %select_n3A_1116 : i32 to index
      %swap3A_1119 = arith.constant 0 : index
      %swap3A_1120 = vector.load %arg14[%swap3A_1118, %swap3A_1119] : memref<10240x128xf32, #tpu.memory_space<vmem>>, vector<1x128xf32>
      tpu.vector_store %arg14[%swap3A_1118, %swap3A_1119], %slice3A_1117 {strides = array<i32>} : memref<10240x128xf32, #tpu.memory_space<vmem>>, vector<1x128xf32>,
      %get3A_1121 = arith.constant 28 : index
      %get3A_1122 = memref.load %arg1[%get3A_1121] : memref<64xi32, #tpu.memory_space<smem>>
      %lt3A_1123 = arith.cmpi slt, %while3A_31, %get3A_1122 : i32
      %get3A_1124 = arith.constant 28 : index
      %get3A_1125 = memref.load %arg0[%get3A_1124] : memref<64xi32, #tpu.memory_space<smem>>
      %add3A_1126 = arith.addi %get3A_1125, %while3A_31 : i32
      %jit3A_1127 = arith.constant 10239 : i32
      %select_n3A_1128 = arith.select %lt3A_1123, %add3A_1126, %jit3A_1127 : i32
      %slice3A_1129 = vector.extract_strided_slice %mul3A_781 {offsets = [28, 0], sizes = [1, 128], strides = [1, 1]} : vector<64x128xf32> to vector<1x128xf32>
      %swap3A_1130 = arith.index_cast %select_n3A_1128 : i32 to index
      %swap3A_1131 = arith.constant 0 : index
      %swap3A_1132 = vector.load %arg14[%swap3A_1130, %swap3A_1131] : memref<10240x128xf32, #tpu.memory_space<vmem>>, vector<1x128xf32>
      tpu.vector_store %arg14[%swap3A_1130, %swap3A_1131], %slice3A_1129 {strides = array<i32>} : memref<10240x128xf32, #tpu.memory_space<vmem>>, vector<1x128xf32>,
      %get3A_1133 = arith.constant 29 : index
      %get3A_1134 = memref.load %arg1[%get3A_1133] : memref<64xi32, #tpu.memory_space<smem>>
      %lt3A_1135 = arith.cmpi slt, %while3A_31, %get3A_1134 : i32
      %get3A_1136 = arith.constant 29 : index
      %get3A_1137 = memref.load %arg0[%get3A_1136] : memref<64xi32, #tpu.memory_space<smem>>
      %add3A_1138 = arith.addi %get3A_1137, %while3A_31 : i32
      %jit3A_1139 = arith.constant 10239 : i32
      %select_n3A_1140 = arith.select %lt3A_1135, %add3A_1138, %jit3A_1139 : i32
      %slice3A_1141 = vector.extract_strided_slice %mul3A_781 {offsets = [29, 0], sizes = [1, 128], strides = [1, 1]} : vector<64x128xf32> to vector<1x128xf32>
      %swap3A_1142 = arith.index_cast %select_n3A_1140 : i32 to index
      %swap3A_1143 = arith.constant 0 : index
      %swap3A_1144 = vector.load %arg14[%swap3A_1142, %swap3A_1143] : memref<10240x128xf32, #tpu.memory_space<vmem>>, vector<1x128xf32>
      tpu.vector_store %arg14[%swap3A_1142, %swap3A_1143], %slice3A_1141 {strides = array<i32>} : memref<10240x128xf32, #tpu.memory_space<vmem>>, vector<1x128xf32>,
      %get3A_1145 = arith.constant 30 : index
      %get3A_1146 = memref.load %arg1[%get3A_1145] : memref<64xi32, #tpu.memory_space<smem>>
      %lt3A_1147 = arith.cmpi slt, %while3A_31, %get3A_1146 : i32
      %get3A_1148 = arith.constant 30 : index
      %get3A_1149 = memref.load %arg0[%get3A_1148] : memref<64xi32, #tpu.memory_space<smem>>
      %add3A_1150 = arith.addi %get3A_1149, %while3A_31 : i32
      %jit3A_1151 = arith.constant 10239 : i32
      %select_n3A_1152 = arith.select %lt3A_1147, %add3A_1150, %jit3A_1151 : i32
      %slice3A_1153 = vector.extract_strided_slice %mul3A_781 {offsets = [30, 0], sizes = [1, 128], strides = [1, 1]} : vector<64x128xf32> to vector<1x128xf32>
      %swap3A_1154 = arith.index_cast %select_n3A_1152 : i32 to index
      %swap3A_1155 = arith.constant 0 : index
      %swap3A_1156 = vector.load %arg14[%swap3A_1154, %swap3A_1155] : memref<10240x128xf32, #tpu.memory_space<vmem>>, vector<1x128xf32>
      tpu.vector_store %arg14[%swap3A_1154, %swap3A_1155], %slice3A_1153 {strides = array<i32>} : memref<10240x128xf32, #tpu.memory_space<vmem>>, vector<1x128xf32>,
      %get3A_1157 = arith.constant 31 : index
      %get3A_1158 = memref.load %arg1[%get3A_1157] : memref<64xi32, #tpu.memory_space<smem>>
      %lt3A_1159 = arith.cmpi slt, %while3A_31, %get3A_1158 : i32
      %get3A_1160 = arith.constant 31 : index
      %get3A_1161 = memref.load %arg0[%get3A_1160] : memref<64xi32, #tpu.memory_space<smem>>
      %add3A_1162 = arith.addi %get3A_1161, %while3A_31 : i32
      %jit3A_1163 = arith.constant 10239 : i32
      %select_n3A_1164 = arith.select %lt3A_1159, %add3A_1162, %jit3A_1163 : i32
      %slice3A_1165 = vector.extract_strided_slice %mul3A_781 {offsets = [31, 0], sizes = [1, 128], strides = [1, 1]} : vector<64x128xf32> to vector<1x128xf32>
      %swap3A_1166 = arith.index_cast %select_n3A_1164 : i32 to index
      %swap3A_1167 = arith.constant 0 : index
      %swap3A_1168 = vector.load %arg14[%swap3A_1166, %swap3A_1167] : memref<10240x128xf32, #tpu.memory_space<vmem>>, vector<1x128xf32>
      tpu.vector_store %arg14[%swap3A_1166, %swap3A_1167], %slice3A_1165 {strides = array<i32>} : memref<10240x128xf32, #tpu.memory_space<vmem>>, vector<1x128xf32>,
      %get3A_1169 = arith.constant 32 : index
      %get3A_1170 = memref.load %arg1[%get3A_1169] : memref<64xi32, #tpu.memory_space<smem>>
      %lt3A_1171 = arith.cmpi slt, %while3A_31, %get3A_1170 : i32
      %get3A_1172 = arith.constant 32 : index
      %get3A_1173 = memref.load %arg0[%get3A_1172] : memref<64xi32, #tpu.memory_space<smem>>
      %add3A_1174 = arith.addi %get3A_1173, %while3A_31 : i32
      %jit3A_1175 = arith.constant 10239 : i32
      %select_n3A_1176 = arith.select %lt3A_1171, %add3A_1174, %jit3A_1175 : i32
      %slice3A_1177 = vector.extract_strided_slice %mul3A_781 {offsets = [32, 0], sizes = [1, 128], strides = [1, 1]} : vector<64x128xf32> to vector<1x128xf32>
      %swap3A_1178 = arith.index_cast %select_n3A_1176 : i32 to index
      %swap3A_1179 = arith.constant 0 : index
      %swap3A_1180 = vector.load %arg14[%swap3A_1178, %swap3A_1179] : memref<10240x128xf32, #tpu.memory_space<vmem>>, vector<1x128xf32>
      tpu.vector_store %arg14[%swap3A_1178, %swap3A_1179], %slice3A_1177 {strides = array<i32>} : memref<10240x128xf32, #tpu.memory_space<vmem>>, vector<1x128xf32>,
      %get3A_1181 = arith.constant 33 : index
      %get3A_1182 = memref.load %arg1[%get3A_1181] : memref<64xi32, #tpu.memory_space<smem>>
      %lt3A_1183 = arith.cmpi slt, %while3A_31, %get3A_1182 : i32
      %get3A_1184 = arith.constant 33 : index
      %get3A_1185 = memref.load %arg0[%get3A_1184] : memref<64xi32, #tpu.memory_space<smem>>
      %add3A_1186 = arith.addi %get3A_1185, %while3A_31 : i32
      %jit3A_1187 = arith.constant 10239 : i32
      %select_n3A_1188 = arith.select %lt3A_1183, %add3A_1186, %jit3A_1187 : i32
      %slice3A_1189 = vector.extract_strided_slice %mul3A_781 {offsets = [33, 0], sizes = [1, 128], strides = [1, 1]} : vector<64x128xf32> to vector<1x128xf32>
      %swap3A_1190 = arith.index_cast %select_n3A_1188 : i32 to index
      %swap3A_1191 = arith.constant 0 : index
      %swap3A_1192 = vector.load %arg14[%swap3A_1190, %swap3A_1191] : memref<10240x128xf32, #tpu.memory_space<vmem>>, vector<1x128xf32>
      tpu.vector_store %arg14[%swap3A_1190, %swap3A_1191], %slice3A_1189 {strides = array<i32>} : memref<10240x128xf32, #tpu.memory_space<vmem>>, vector<1x128xf32>,
      %get3A_1193 = arith.constant 34 : index
      %get3A_1194 = memref.load %arg1[%get3A_1193] : memref<64xi32, #tpu.memory_space<smem>>
      %lt3A_1195 = arith.cmpi slt, %while3A_31, %get3A_1194 : i32
      %get3A_1196 = arith.constant 34 : index
      %get3A_1197 = memref.load %arg0[%get3A_1196] : memref<64xi32, #tpu.memory_space<smem>>
      %add3A_1198 = arith.addi %get3A_1197, %while3A_31 : i32
      %jit3A_1199 = arith.constant 10239 : i32
      %select_n3A_1200 = arith.select %lt3A_1195, %add3A_1198, %jit3A_1199 : i32
      %slice3A_1201 = vector.extract_strided_slice %mul3A_781 {offsets = [34, 0], sizes = [1, 128], strides = [1, 1]} : vector<64x128xf32> to vector<1x128xf32>
      %swap3A_1202 = arith.index_cast %select_n3A_1200 : i32 to index
      %swap3A_1203 = arith.constant 0 : index
      %swap3A_1204 = vector.load %arg14[%swap3A_1202, %swap3A_1203] : memref<10240x128xf32, #tpu.memory_space<vmem>>, vector<1x128xf32>
      tpu.vector_store %arg14[%swap3A_1202, %swap3A_1203], %slice3A_1201 {strides = array<i32>} : memref<10240x128xf32, #tpu.memory_space<vmem>>, vector<1x128xf32>,
      %get3A_1205 = arith.constant 35 : index
      %get3A_1206 = memref.load %arg1[%get3A_1205] : memref<64xi32, #tpu.memory_space<smem>>
      %lt3A_1207 = arith.cmpi slt, %while3A_31, %get3A_1206 : i32
      %get3A_1208 = arith.constant 35 : index
      %get3A_1209 = memref.load %arg0[%get3A_1208] : memref<64xi32, #tpu.memory_space<smem>>
      %add3A_1210 = arith.addi %get3A_1209, %while3A_31 : i32
      %jit3A_1211 = arith.constant 10239 : i32
      %select_n3A_1212 = arith.select %lt3A_1207, %add3A_1210, %jit3A_1211 : i32
      %slice3A_1213 = vector.extract_strided_slice %mul3A_781 {offsets = [35, 0], sizes = [1, 128], strides = [1, 1]} : vector<64x128xf32> to vector<1x128xf32>
      %swap3A_1214 = arith.index_cast %select_n3A_1212 : i32 to index
      %swap3A_1215 = arith.constant 0 : index
      %swap3A_1216 = vector.load %arg14[%swap3A_1214, %swap3A_1215] : memref<10240x128xf32, #tpu.memory_space<vmem>>, vector<1x128xf32>
      tpu.vector_store %arg14[%swap3A_1214, %swap3A_1215], %slice3A_1213 {strides = array<i32>} : memref<10240x128xf32, #tpu.memory_space<vmem>>, vector<1x128xf32>,
      %get3A_1217 = arith.constant 36 : index
      %get3A_1218 = memref.load %arg1[%get3A_1217] : memref<64xi32, #tpu.memory_space<smem>>
      %lt3A_1219 = arith.cmpi slt, %while3A_31, %get3A_1218 : i32
      %get3A_1220 = arith.constant 36 : index
      %get3A_1221 = memref.load %arg0[%get3A_1220] : memref<64xi32, #tpu.memory_space<smem>>
      %add3A_1222 = arith.addi %get3A_1221, %while3A_31 : i32
      %jit3A_1223 = arith.constant 10239 : i32
      %select_n3A_1224 = arith.select %lt3A_1219, %add3A_1222, %jit3A_1223 : i32
      %slice3A_1225 = vector.extract_strided_slice %mul3A_781 {offsets = [36, 0], sizes = [1, 128], strides = [1, 1]} : vector<64x128xf32> to vector<1x128xf32>
      %swap3A_1226 = arith.index_cast %select_n3A_1224 : i32 to index
      %swap3A_1227 = arith.constant 0 : index
      %swap3A_1228 = vector.load %arg14[%swap3A_1226, %swap3A_1227] : memref<10240x128xf32, #tpu.memory_space<vmem>>, vector<1x128xf32>
      tpu.vector_store %arg14[%swap3A_1226, %swap3A_1227], %slice3A_1225 {strides = array<i32>} : memref<10240x128xf32, #tpu.memory_space<vmem>>, vector<1x128xf32>,
      %get3A_1229 = arith.constant 37 : index
      %get3A_1230 = memref.load %arg1[%get3A_1229] : memref<64xi32, #tpu.memory_space<smem>>
      %lt3A_1231 = arith.cmpi slt, %while3A_31, %get3A_1230 : i32
      %get3A_1232 = arith.constant 37 : index
      %get3A_1233 = memref.load %arg0[%get3A_1232] : memref<64xi32, #tpu.memory_space<smem>>
      %add3A_1234 = arith.addi %get3A_1233, %while3A_31 : i32
      %jit3A_1235 = arith.constant 10239 : i32
      %select_n3A_1236 = arith.select %lt3A_1231, %add3A_1234, %jit3A_1235 : i32
      %slice3A_1237 = vector.extract_strided_slice %mul3A_781 {offsets = [37, 0], sizes = [1, 128], strides = [1, 1]} : vector<64x128xf32> to vector<1x128xf32>
      %swap3A_1238 = arith.index_cast %select_n3A_1236 : i32 to index
      %swap3A_1239 = arith.constant 0 : index
      %swap3A_1240 = vector.load %arg14[%swap3A_1238, %swap3A_1239] : memref<10240x128xf32, #tpu.memory_space<vmem>>, vector<1x128xf32>
      tpu.vector_store %arg14[%swap3A_1238, %swap3A_1239], %slice3A_1237 {strides = array<i32>} : memref<10240x128xf32, #tpu.memory_space<vmem>>, vector<1x128xf32>,
      %get3A_1241 = arith.constant 38 : index
      %get3A_1242 = memref.load %arg1[%get3A_1241] : memref<64xi32, #tpu.memory_space<smem>>
      %lt3A_1243 = arith.cmpi slt, %while3A_31, %get3A_1242 : i32
      %get3A_1244 = arith.constant 38 : index
      %get3A_1245 = memref.load %arg0[%get3A_1244] : memref<64xi32, #tpu.memory_space<smem>>
      %add3A_1246 = arith.addi %get3A_1245, %while3A_31 : i32
      %jit3A_1247 = arith.constant 10239 : i32
      %select_n3A_1248 = arith.select %lt3A_1243, %add3A_1246, %jit3A_1247 : i32
      %slice3A_1249 = vector.extract_strided_slice %mul3A_781 {offsets = [38, 0], sizes = [1, 128], strides = [1, 1]} : vector<64x128xf32> to vector<1x128xf32>
      %swap3A_1250 = arith.index_cast %select_n3A_1248 : i32 to index
      %swap3A_1251 = arith.constant 0 : index
      %swap3A_1252 = vector.load %arg14[%swap3A_1250, %swap3A_1251] : memref<10240x128xf32, #tpu.memory_space<vmem>>, vector<1x128xf32>
      tpu.vector_store %arg14[%swap3A_1250, %swap3A_1251], %slice3A_1249 {strides = array<i32>} : memref<10240x128xf32, #tpu.memory_space<vmem>>, vector<1x128xf32>,
      %get3A_1253 = arith.constant 39 : index
      %get3A_1254 = memref.load %arg1[%get3A_1253] : memref<64xi32, #tpu.memory_space<smem>>
      %lt3A_1255 = arith.cmpi slt, %while3A_31, %get3A_1254 : i32
      %get3A_1256 = arith.constant 39 : index
      %get3A_1257 = memref.load %arg0[%get3A_1256] : memref<64xi32, #tpu.memory_space<smem>>
      %add3A_1258 = arith.addi %get3A_1257, %while3A_31 : i32
      %jit3A_1259 = arith.constant 10239 : i32
      %select_n3A_1260 = arith.select %lt3A_1255, %add3A_1258, %jit3A_1259 : i32
      %slice3A_1261 = vector.extract_strided_slice %mul3A_781 {offsets = [39, 0], sizes = [1, 128], strides = [1, 1]} : vector<64x128xf32> to vector<1x128xf32>
      %swap3A_1262 = arith.index_cast %select_n3A_1260 : i32 to index
      %swap3A_1263 = arith.constant 0 : index
      %swap3A_1264 = vector.load %arg14[%swap3A_1262, %swap3A_1263] : memref<10240x128xf32, #tpu.memory_space<vmem>>, vector<1x128xf32>
      tpu.vector_store %arg14[%swap3A_1262, %swap3A_1263], %slice3A_1261 {strides = array<i32>} : memref<10240x128xf32, #tpu.memory_space<vmem>>, vector<1x128xf32>,
      %get3A_1265 = arith.constant 40 : index
      %get3A_1266 = memref.load %arg1[%get3A_1265] : memref<64xi32, #tpu.memory_space<smem>>
      %lt3A_1267 = arith.cmpi slt, %while3A_31, %get3A_1266 : i32
      %get3A_1268 = arith.constant 40 : index
      %get3A_1269 = memref.load %arg0[%get3A_1268] : memref<64xi32, #tpu.memory_space<smem>>
      %add3A_1270 = arith.addi %get3A_1269, %while3A_31 : i32
      %jit3A_1271 = arith.constant 10239 : i32
      %select_n3A_1272 = arith.select %lt3A_1267, %add3A_1270, %jit3A_1271 : i32
      %slice3A_1273 = vector.extract_strided_slice %mul3A_781 {offsets = [40, 0], sizes = [1, 128], strides = [1, 1]} : vector<64x128xf32> to vector<1x128xf32>
      %swap3A_1274 = arith.index_cast %select_n3A_1272 : i32 to index
      %swap3A_1275 = arith.constant 0 : index
      %swap3A_1276 = vector.load %arg14[%swap3A_1274, %swap3A_1275] : memref<10240x128xf32, #tpu.memory_space<vmem>>, vector<1x128xf32>
      tpu.vector_store %arg14[%swap3A_1274, %swap3A_1275], %slice3A_1273 {strides = array<i32>} : memref<10240x128xf32, #tpu.memory_space<vmem>>, vector<1x128xf32>,
      %get3A_1277 = arith.constant 41 : index
      %get3A_1278 = memref.load %arg1[%get3A_1277] : memref<64xi32, #tpu.memory_space<smem>>
      %lt3A_1279 = arith.cmpi slt, %while3A_31, %get3A_1278 : i32
      %get3A_1280 = arith.constant 41 : index
      %get3A_1281 = memref.load %arg0[%get3A_1280] : memref<64xi32, #tpu.memory_space<smem>>
      %add3A_1282 = arith.addi %get3A_1281, %while3A_31 : i32
      %jit3A_1283 = arith.constant 10239 : i32
      %select_n3A_1284 = arith.select %lt3A_1279, %add3A_1282, %jit3A_1283 : i32
      %slice3A_1285 = vector.extract_strided_slice %mul3A_781 {offsets = [41, 0], sizes = [1, 128], strides = [1, 1]} : vector<64x128xf32> to vector<1x128xf32>
      %swap3A_1286 = arith.index_cast %select_n3A_1284 : i32 to index
      %swap3A_1287 = arith.constant 0 : index
      %swap3A_1288 = vector.load %arg14[%swap3A_1286, %swap3A_1287] : memref<10240x128xf32, #tpu.memory_space<vmem>>, vector<1x128xf32>
      tpu.vector_store %arg14[%swap3A_1286, %swap3A_1287], %slice3A_1285 {strides = array<i32>} : memref<10240x128xf32, #tpu.memory_space<vmem>>, vector<1x128xf32>,
      %get3A_1289 = arith.constant 42 : index
      %get3A_1290 = memref.load %arg1[%get3A_1289] : memref<64xi32, #tpu.memory_space<smem>>
      %lt3A_1291 = arith.cmpi slt, %while3A_31, %get3A_1290 : i32
      %get3A_1292 = arith.constant 42 : index
      %get3A_1293 = memref.load %arg0[%get3A_1292] : memref<64xi32, #tpu.memory_space<smem>>
      %add3A_1294 = arith.addi %get3A_1293, %while3A_31 : i32
      %jit3A_1295 = arith.constant 10239 : i32
      %select_n3A_1296 = arith.select %lt3A_1291, %add3A_1294, %jit3A_1295 : i32
      %slice3A_1297 = vector.extract_strided_slice %mul3A_781 {offsets = [42, 0], sizes = [1, 128], strides = [1, 1]} : vector<64x128xf32> to vector<1x128xf32>
      %swap3A_1298 = arith.index_cast %select_n3A_1296 : i32 to index
      %swap3A_1299 = arith.constant 0 : index
      %swap3A_1300 = vector.load %arg14[%swap3A_1298, %swap3A_1299] : memref<10240x128xf32, #tpu.memory_space<vmem>>, vector<1x128xf32>
      tpu.vector_store %arg14[%swap3A_1298, %swap3A_1299], %slice3A_1297 {strides = array<i32>} : memref<10240x128xf32, #tpu.memory_space<vmem>>, vector<1x128xf32>,
      %get3A_1301 = arith.constant 43 : index
      %get3A_1302 = memref.load %arg1[%get3A_1301] : memref<64xi32, #tpu.memory_space<smem>>
      %lt3A_1303 = arith.cmpi slt, %while3A_31, %get3A_1302 : i32
      %get3A_1304 = arith.constant 43 : index
      %get3A_1305 = memref.load %arg0[%get3A_1304] : memref<64xi32, #tpu.memory_space<smem>>
      %add3A_1306 = arith.addi %get3A_1305, %while3A_31 : i32
      %jit3A_1307 = arith.constant 10239 : i32
      %select_n3A_1308 = arith.select %lt3A_1303, %add3A_1306, %jit3A_1307 : i32
      %slice3A_1309 = vector.extract_strided_slice %mul3A_781 {offsets = [43, 0], sizes = [1, 128], strides = [1, 1]} : vector<64x128xf32> to vector<1x128xf32>
      %swap3A_1310 = arith.index_cast %select_n3A_1308 : i32 to index
      %swap3A_1311 = arith.constant 0 : index
      %swap3A_1312 = vector.load %arg14[%swap3A_1310, %swap3A_1311] : memref<10240x128xf32, #tpu.memory_space<vmem>>, vector<1x128xf32>
      tpu.vector_store %arg14[%swap3A_1310, %swap3A_1311], %slice3A_1309 {strides = array<i32>} : memref<10240x128xf32, #tpu.memory_space<vmem>>, vector<1x128xf32>,
      %get3A_1313 = arith.constant 44 : index
      %get3A_1314 = memref.load %arg1[%get3A_1313] : memref<64xi32, #tpu.memory_space<smem>>
      %lt3A_1315 = arith.cmpi slt, %while3A_31, %get3A_1314 : i32
      %get3A_1316 = arith.constant 44 : index
      %get3A_1317 = memref.load %arg0[%get3A_1316] : memref<64xi32, #tpu.memory_space<smem>>
      %add3A_1318 = arith.addi %get3A_1317, %while3A_31 : i32
      %jit3A_1319 = arith.constant 10239 : i32
      %select_n3A_1320 = arith.select %lt3A_1315, %add3A_1318, %jit3A_1319 : i32
      %slice3A_1321 = vector.extract_strided_slice %mul3A_781 {offsets = [44, 0], sizes = [1, 128], strides = [1, 1]} : vector<64x128xf32> to vector<1x128xf32>
      %swap3A_1322 = arith.index_cast %select_n3A_1320 : i32 to index
      %swap3A_1323 = arith.constant 0 : index
      %swap3A_1324 = vector.load %arg14[%swap3A_1322, %swap3A_1323] : memref<10240x128xf32, #tpu.memory_space<vmem>>, vector<1x128xf32>
      tpu.vector_store %arg14[%swap3A_1322, %swap3A_1323], %slice3A_1321 {strides = array<i32>} : memref<10240x128xf32, #tpu.memory_space<vmem>>, vector<1x128xf32>,
      %get3A_1325 = arith.constant 45 : index
      %get3A_1326 = memref.load %arg1[%get3A_1325] : memref<64xi32, #tpu.memory_space<smem>>
      %lt3A_1327 = arith.cmpi slt, %while3A_31, %get3A_1326 : i32
      %get3A_1328 = arith.constant 45 : index
      %get3A_1329 = memref.load %arg0[%get3A_1328] : memref<64xi32, #tpu.memory_space<smem>>
      %add3A_1330 = arith.addi %get3A_1329, %while3A_31 : i32
      %jit3A_1331 = arith.constant 10239 : i32
      %select_n3A_1332 = arith.select %lt3A_1327, %add3A_1330, %jit3A_1331 : i32
      %slice3A_1333 = vector.extract_strided_slice %mul3A_781 {offsets = [45, 0], sizes = [1, 128], strides = [1, 1]} : vector<64x128xf32> to vector<1x128xf32>
      %swap3A_1334 = arith.index_cast %select_n3A_1332 : i32 to index
      %swap3A_1335 = arith.constant 0 : index
      %swap3A_1336 = vector.load %arg14[%swap3A_1334, %swap3A_1335] : memref<10240x128xf32, #tpu.memory_space<vmem>>, vector<1x128xf32>
      tpu.vector_store %arg14[%swap3A_1334, %swap3A_1335], %slice3A_1333 {strides = array<i32>} : memref<10240x128xf32, #tpu.memory_space<vmem>>, vector<1x128xf32>,
      %get3A_1337 = arith.constant 46 : index
      %get3A_1338 = memref.load %arg1[%get3A_1337] : memref<64xi32, #tpu.memory_space<smem>>
      %lt3A_1339 = arith.cmpi slt, %while3A_31, %get3A_1338 : i32
      %get3A_1340 = arith.constant 46 : index
      %get3A_1341 = memref.load %arg0[%get3A_1340] : memref<64xi32, #tpu.memory_space<smem>>
      %add3A_1342 = arith.addi %get3A_1341, %while3A_31 : i32
      %jit3A_1343 = arith.constant 10239 : i32
      %select_n3A_1344 = arith.select %lt3A_1339, %add3A_1342, %jit3A_1343 : i32
      %slice3A_1345 = vector.extract_strided_slice %mul3A_781 {offsets = [46, 0], sizes = [1, 128], strides = [1, 1]} : vector<64x128xf32> to vector<1x128xf32>
      %swap3A_1346 = arith.index_cast %select_n3A_1344 : i32 to index
      %swap3A_1347 = arith.constant 0 : index
      %swap3A_1348 = vector.load %arg14[%swap3A_1346, %swap3A_1347] : memref<10240x128xf32, #tpu.memory_space<vmem>>, vector<1x128xf32>
      tpu.vector_store %arg14[%swap3A_1346, %swap3A_1347], %slice3A_1345 {strides = array<i32>} : memref<10240x128xf32, #tpu.memory_space<vmem>>, vector<1x128xf32>,
      %get3A_1349 = arith.constant 47 : index
      %get3A_1350 = memref.load %arg1[%get3A_1349] : memref<64xi32, #tpu.memory_space<smem>>
      %lt3A_1351 = arith.cmpi slt, %while3A_31, %get3A_1350 : i32
      %get3A_1352 = arith.constant 47 : index
      %get3A_1353 = memref.load %arg0[%get3A_1352] : memref<64xi32, #tpu.memory_space<smem>>
      %add3A_1354 = arith.addi %get3A_1353, %while3A_31 : i32
      %jit3A_1355 = arith.constant 10239 : i32
      %select_n3A_1356 = arith.select %lt3A_1351, %add3A_1354, %jit3A_1355 : i32
      %slice3A_1357 = vector.extract_strided_slice %mul3A_781 {offsets = [47, 0], sizes = [1, 128], strides = [1, 1]} : vector<64x128xf32> to vector<1x128xf32>
      %swap3A_1358 = arith.index_cast %select_n3A_1356 : i32 to index
      %swap3A_1359 = arith.constant 0 : index
      %swap3A_1360 = vector.load %arg14[%swap3A_1358, %swap3A_1359] : memref<10240x128xf32, #tpu.memory_space<vmem>>, vector<1x128xf32>
      tpu.vector_store %arg14[%swap3A_1358, %swap3A_1359], %slice3A_1357 {strides = array<i32>} : memref<10240x128xf32, #tpu.memory_space<vmem>>, vector<1x128xf32>,
      %get3A_1361 = arith.constant 48 : index
      %get3A_1362 = memref.load %arg1[%get3A_1361] : memref<64xi32, #tpu.memory_space<smem>>
      %lt3A_1363 = arith.cmpi slt, %while3A_31, %get3A_1362 : i32
      %get3A_1364 = arith.constant 48 : index
      %get3A_1365 = memref.load %arg0[%get3A_1364] : memref<64xi32, #tpu.memory_space<smem>>
      %add3A_1366 = arith.addi %get3A_1365, %while3A_31 : i32
      %jit3A_1367 = arith.constant 10239 : i32
      %select_n3A_1368 = arith.select %lt3A_1363, %add3A_1366, %jit3A_1367 : i32
      %slice3A_1369 = vector.extract_strided_slice %mul3A_781 {offsets = [48, 0], sizes = [1, 128], strides = [1, 1]} : vector<64x128xf32> to vector<1x128xf32>
      %swap3A_1370 = arith.index_cast %select_n3A_1368 : i32 to index
      %swap3A_1371 = arith.constant 0 : index
      %swap3A_1372 = vector.load %arg14[%swap3A_1370, %swap3A_1371] : memref<10240x128xf32, #tpu.memory_space<vmem>>, vector<1x128xf32>
      tpu.vector_store %arg14[%swap3A_1370, %swap3A_1371], %slice3A_1369 {strides = array<i32>} : memref<10240x128xf32, #tpu.memory_space<vmem>>, vector<1x128xf32>,
      %get3A_1373 = arith.constant 49 : index
      %get3A_1374 = memref.load %arg1[%get3A_1373] : memref<64xi32, #tpu.memory_space<smem>>
      %lt3A_1375 = arith.cmpi slt, %while3A_31, %get3A_1374 : i32
      %get3A_1376 = arith.constant 49 : index
      %get3A_1377 = memref.load %arg0[%get3A_1376] : memref<64xi32, #tpu.memory_space<smem>>
      %add3A_1378 = arith.addi %get3A_1377, %while3A_31 : i32
      %jit3A_1379 = arith.constant 10239 : i32
      %select_n3A_1380 = arith.select %lt3A_1375, %add3A_1378, %jit3A_1379 : i32
      %slice3A_1381 = vector.extract_strided_slice %mul3A_781 {offsets = [49, 0], sizes = [1, 128], strides = [1, 1]} : vector<64x128xf32> to vector<1x128xf32>
      %swap3A_1382 = arith.index_cast %select_n3A_1380 : i32 to index
      %swap3A_1383 = arith.constant 0 : index
      %swap3A_1384 = vector.load %arg14[%swap3A_1382, %swap3A_1383] : memref<10240x128xf32, #tpu.memory_space<vmem>>, vector<1x128xf32>
      tpu.vector_store %arg14[%swap3A_1382, %swap3A_1383], %slice3A_1381 {strides = array<i32>} : memref<10240x128xf32, #tpu.memory_space<vmem>>, vector<1x128xf32>,
      %get3A_1385 = arith.constant 50 : index
      %get3A_1386 = memref.load %arg1[%get3A_1385] : memref<64xi32, #tpu.memory_space<smem>>
      %lt3A_1387 = arith.cmpi slt, %while3A_31, %get3A_1386 : i32
      %get3A_1388 = arith.constant 50 : index
      %get3A_1389 = memref.load %arg0[%get3A_1388] : memref<64xi32, #tpu.memory_space<smem>>
      %add3A_1390 = arith.addi %get3A_1389, %while3A_31 : i32
      %jit3A_1391 = arith.constant 10239 : i32
      %select_n3A_1392 = arith.select %lt3A_1387, %add3A_1390, %jit3A_1391 : i32
      %slice3A_1393 = vector.extract_strided_slice %mul3A_781 {offsets = [50, 0], sizes = [1, 128], strides = [1, 1]} : vector<64x128xf32> to vector<1x128xf32>
      %swap3A_1394 = arith.index_cast %select_n3A_1392 : i32 to index
      %swap3A_1395 = arith.constant 0 : index
      %swap3A_1396 = vector.load %arg14[%swap3A_1394, %swap3A_1395] : memref<10240x128xf32, #tpu.memory_space<vmem>>, vector<1x128xf32>
      tpu.vector_store %arg14[%swap3A_1394, %swap3A_1395], %slice3A_1393 {strides = array<i32>} : memref<10240x128xf32, #tpu.memory_space<vmem>>, vector<1x128xf32>,
      %get3A_1397 = arith.constant 51 : index
      %get3A_1398 = memref.load %arg1[%get3A_1397] : memref<64xi32, #tpu.memory_space<smem>>
      %lt3A_1399 = arith.cmpi slt, %while3A_31, %get3A_1398 : i32
      %get3A_1400 = arith.constant 51 : index
      %get3A_1401 = memref.load %arg0[%get3A_1400] : memref<64xi32, #tpu.memory_space<smem>>
      %add3A_1402 = arith.addi %get3A_1401, %while3A_31 : i32
      %jit3A_1403 = arith.constant 10239 : i32
      %select_n3A_1404 = arith.select %lt3A_1399, %add3A_1402, %jit3A_1403 : i32
      %slice3A_1405 = vector.extract_strided_slice %mul3A_781 {offsets = [51, 0], sizes = [1, 128], strides = [1, 1]} : vector<64x128xf32> to vector<1x128xf32>
      %swap3A_1406 = arith.index_cast %select_n3A_1404 : i32 to index
      %swap3A_1407 = arith.constant 0 : index
      %swap3A_1408 = vector.load %arg14[%swap3A_1406, %swap3A_1407] : memref<10240x128xf32, #tpu.memory_space<vmem>>, vector<1x128xf32>
      tpu.vector_store %arg14[%swap3A_1406, %swap3A_1407], %slice3A_1405 {strides = array<i32>} : memref<10240x128xf32, #tpu.memory_space<vmem>>, vector<1x128xf32>,
      %get3A_1409 = arith.constant 52 : index
      %get3A_1410 = memref.load %arg1[%get3A_1409] : memref<64xi32, #tpu.memory_space<smem>>
      %lt3A_1411 = arith.cmpi slt, %while3A_31, %get3A_1410 : i32
      %get3A_1412 = arith.constant 52 : index
      %get3A_1413 = memref.load %arg0[%get3A_1412] : memref<64xi32, #tpu.memory_space<smem>>
      %add3A_1414 = arith.addi %get3A_1413, %while3A_31 : i32
      %jit3A_1415 = arith.constant 10239 : i32
      %select_n3A_1416 = arith.select %lt3A_1411, %add3A_1414, %jit3A_1415 : i32
      %slice3A_1417 = vector.extract_strided_slice %mul3A_781 {offsets = [52, 0], sizes = [1, 128], strides = [1, 1]} : vector<64x128xf32> to vector<1x128xf32>
      %swap3A_1418 = arith.index_cast %select_n3A_1416 : i32 to index
      %swap3A_1419 = arith.constant 0 : index
      %swap3A_1420 = vector.load %arg14[%swap3A_1418, %swap3A_1419] : memref<10240x128xf32, #tpu.memory_space<vmem>>, vector<1x128xf32>
      tpu.vector_store %arg14[%swap3A_1418, %swap3A_1419], %slice3A_1417 {strides = array<i32>} : memref<10240x128xf32, #tpu.memory_space<vmem>>, vector<1x128xf32>,
      %get3A_1421 = arith.constant 53 : index
      %get3A_1422 = memref.load %arg1[%get3A_1421] : memref<64xi32, #tpu.memory_space<smem>>
      %lt3A_1423 = arith.cmpi slt, %while3A_31, %get3A_1422 : i32
      %get3A_1424 = arith.constant 53 : index
      %get3A_1425 = memref.load %arg0[%get3A_1424] : memref<64xi32, #tpu.memory_space<smem>>
      %add3A_1426 = arith.addi %get3A_1425, %while3A_31 : i32
      %jit3A_1427 = arith.constant 10239 : i32
      %select_n3A_1428 = arith.select %lt3A_1423, %add3A_1426, %jit3A_1427 : i32
      %slice3A_1429 = vector.extract_strided_slice %mul3A_781 {offsets = [53, 0], sizes = [1, 128], strides = [1, 1]} : vector<64x128xf32> to vector<1x128xf32>
      %swap3A_1430 = arith.index_cast %select_n3A_1428 : i32 to index
      %swap3A_1431 = arith.constant 0 : index
      %swap3A_1432 = vector.load %arg14[%swap3A_1430, %swap3A_1431] : memref<10240x128xf32, #tpu.memory_space<vmem>>, vector<1x128xf32>
      tpu.vector_store %arg14[%swap3A_1430, %swap3A_1431], %slice3A_1429 {strides = array<i32>} : memref<10240x128xf32, #tpu.memory_space<vmem>>, vector<1x128xf32>,
      %get3A_1433 = arith.constant 54 : index
      %get3A_1434 = memref.load %arg1[%get3A_1433] : memref<64xi32, #tpu.memory_space<smem>>
      %lt3A_1435 = arith.cmpi slt, %while3A_31, %get3A_1434 : i32
      %get3A_1436 = arith.constant 54 : index
      %get3A_1437 = memref.load %arg0[%get3A_1436] : memref<64xi32, #tpu.memory_space<smem>>
      %add3A_1438 = arith.addi %get3A_1437, %while3A_31 : i32
      %jit3A_1439 = arith.constant 10239 : i32
      %select_n3A_1440 = arith.select %lt3A_1435, %add3A_1438, %jit3A_1439 : i32
      %slice3A_1441 = vector.extract_strided_slice %mul3A_781 {offsets = [54, 0], sizes = [1, 128], strides = [1, 1]} : vector<64x128xf32> to vector<1x128xf32>
      %swap3A_1442 = arith.index_cast %select_n3A_1440 : i32 to index
      %swap3A_1443 = arith.constant 0 : index
      %swap3A_1444 = vector.load %arg14[%swap3A_1442, %swap3A_1443] : memref<10240x128xf32, #tpu.memory_space<vmem>>, vector<1x128xf32>
      tpu.vector_store %arg14[%swap3A_1442, %swap3A_1443], %slice3A_1441 {strides = array<i32>} : memref<10240x128xf32, #tpu.memory_space<vmem>>, vector<1x128xf32>,
      %get3A_1445 = arith.constant 55 : index
      %get3A_1446 = memref.load %arg1[%get3A_1445] : memref<64xi32, #tpu.memory_space<smem>>
      %lt3A_1447 = arith.cmpi slt, %while3A_31, %get3A_1446 : i32
      %get3A_1448 = arith.constant 55 : index
      %get3A_1449 = memref.load %arg0[%get3A_1448] : memref<64xi32, #tpu.memory_space<smem>>
      %add3A_1450 = arith.addi %get3A_1449, %while3A_31 : i32
      %jit3A_1451 = arith.constant 10239 : i32
      %select_n3A_1452 = arith.select %lt3A_1447, %add3A_1450, %jit3A_1451 : i32
      %slice3A_1453 = vector.extract_strided_slice %mul3A_781 {offsets = [55, 0], sizes = [1, 128], strides = [1, 1]} : vector<64x128xf32> to vector<1x128xf32>
      %swap3A_1454 = arith.index_cast %select_n3A_1452 : i32 to index
      %swap3A_1455 = arith.constant 0 : index
      %swap3A_1456 = vector.load %arg14[%swap3A_1454, %swap3A_1455] : memref<10240x128xf32, #tpu.memory_space<vmem>>, vector<1x128xf32>
      tpu.vector_store %arg14[%swap3A_1454, %swap3A_1455], %slice3A_1453 {strides = array<i32>} : memref<10240x128xf32, #tpu.memory_space<vmem>>, vector<1x128xf32>,
      %get3A_1457 = arith.constant 56 : index
      %get3A_1458 = memref.load %arg1[%get3A_1457] : memref<64xi32, #tpu.memory_space<smem>>
      %lt3A_1459 = arith.cmpi slt, %while3A_31, %get3A_1458 : i32
      %get3A_1460 = arith.constant 56 : index
      %get3A_1461 = memref.load %arg0[%get3A_1460] : memref<64xi32, #tpu.memory_space<smem>>
      %add3A_1462 = arith.addi %get3A_1461, %while3A_31 : i32
      %jit3A_1463 = arith.constant 10239 : i32
      %select_n3A_1464 = arith.select %lt3A_1459, %add3A_1462, %jit3A_1463 : i32
      %slice3A_1465 = vector.extract_strided_slice %mul3A_781 {offsets = [56, 0], sizes = [1, 128], strides = [1, 1]} : vector<64x128xf32> to vector<1x128xf32>
      %swap3A_1466 = arith.index_cast %select_n3A_1464 : i32 to index
      %swap3A_1467 = arith.constant 0 : index
      %swap3A_1468 = vector.load %arg14[%swap3A_1466, %swap3A_1467] : memref<10240x128xf32, #tpu.memory_space<vmem>>, vector<1x128xf32>
      tpu.vector_store %arg14[%swap3A_1466, %swap3A_1467], %slice3A_1465 {strides = array<i32>} : memref<10240x128xf32, #tpu.memory_space<vmem>>, vector<1x128xf32>,
      %get3A_1469 = arith.constant 57 : index
      %get3A_1470 = memref.load %arg1[%get3A_1469] : memref<64xi32, #tpu.memory_space<smem>>
      %lt3A_1471 = arith.cmpi slt, %while3A_31, %get3A_1470 : i32
      %get3A_1472 = arith.constant 57 : index
      %get3A_1473 = memref.load %arg0[%get3A_1472] : memref<64xi32, #tpu.memory_space<smem>>
      %add3A_1474 = arith.addi %get3A_1473, %while3A_31 : i32
      %jit3A_1475 = arith.constant 10239 : i32
      %select_n3A_1476 = arith.select %lt3A_1471, %add3A_1474, %jit3A_1475 : i32
      %slice3A_1477 = vector.extract_strided_slice %mul3A_781 {offsets = [57, 0], sizes = [1, 128], strides = [1, 1]} : vector<64x128xf32> to vector<1x128xf32>
      %swap3A_1478 = arith.index_cast %select_n3A_1476 : i32 to index
      %swap3A_1479 = arith.constant 0 : index
      %swap3A_1480 = vector.load %arg14[%swap3A_1478, %swap3A_1479] : memref<10240x128xf32, #tpu.memory_space<vmem>>, vector<1x128xf32>
      tpu.vector_store %arg14[%swap3A_1478, %swap3A_1479], %slice3A_1477 {strides = array<i32>} : memref<10240x128xf32, #tpu.memory_space<vmem>>, vector<1x128xf32>,
      %get3A_1481 = arith.constant 58 : index
      %get3A_1482 = memref.load %arg1[%get3A_1481] : memref<64xi32, #tpu.memory_space<smem>>
      %lt3A_1483 = arith.cmpi slt, %while3A_31, %get3A_1482 : i32
      %get3A_1484 = arith.constant 58 : index
      %get3A_1485 = memref.load %arg0[%get3A_1484] : memref<64xi32, #tpu.memory_space<smem>>
      %add3A_1486 = arith.addi %get3A_1485, %while3A_31 : i32
      %jit3A_1487 = arith.constant 10239 : i32
      %select_n3A_1488 = arith.select %lt3A_1483, %add3A_1486, %jit3A_1487 : i32
      %slice3A_1489 = vector.extract_strided_slice %mul3A_781 {offsets = [58, 0], sizes = [1, 128], strides = [1, 1]} : vector<64x128xf32> to vector<1x128xf32>
      %swap3A_1490 = arith.index_cast %select_n3A_1488 : i32 to index
      %swap3A_1491 = arith.constant 0 : index
      %swap3A_1492 = vector.load %arg14[%swap3A_1490, %swap3A_1491] : memref<10240x128xf32, #tpu.memory_space<vmem>>, vector<1x128xf32>
      tpu.vector_store %arg14[%swap3A_1490, %swap3A_1491], %slice3A_1489 {strides = array<i32>} : memref<10240x128xf32, #tpu.memory_space<vmem>>, vector<1x128xf32>,
      %get3A_1493 = arith.constant 59 : index
      %get3A_1494 = memref.load %arg1[%get3A_1493] : memref<64xi32, #tpu.memory_space<smem>>
      %lt3A_1495 = arith.cmpi slt, %while3A_31, %get3A_1494 : i32
      %get3A_1496 = arith.constant 59 : index
      %get3A_1497 = memref.load %arg0[%get3A_1496] : memref<64xi32, #tpu.memory_space<smem>>
      %add3A_1498 = arith.addi %get3A_1497, %while3A_31 : i32
      %jit3A_1499 = arith.constant 10239 : i32
      %select_n3A_1500 = arith.select %lt3A_1495, %add3A_1498, %jit3A_1499 : i32
      %slice3A_1501 = vector.extract_strided_slice %mul3A_781 {offsets = [59, 0], sizes = [1, 128], strides = [1, 1]} : vector<64x128xf32> to vector<1x128xf32>
      %swap3A_1502 = arith.index_cast %select_n3A_1500 : i32 to index
      %swap3A_1503 = arith.constant 0 : index
      %swap3A_1504 = vector.load %arg14[%swap3A_1502, %swap3A_1503] : memref<10240x128xf32, #tpu.memory_space<vmem>>, vector<1x128xf32>
      tpu.vector_store %arg14[%swap3A_1502, %swap3A_1503], %slice3A_1501 {strides = array<i32>} : memref<10240x128xf32, #tpu.memory_space<vmem>>, vector<1x128xf32>,
      %get3A_1505 = arith.constant 60 : index
      %get3A_1506 = memref.load %arg1[%get3A_1505] : memref<64xi32, #tpu.memory_space<smem>>
      %lt3A_1507 = arith.cmpi slt, %while3A_31, %get3A_1506 : i32
      %get3A_1508 = arith.constant 60 : index
      %get3A_1509 = memref.load %arg0[%get3A_1508] : memref<64xi32, #tpu.memory_space<smem>>
      %add3A_1510 = arith.addi %get3A_1509, %while3A_31 : i32
      %jit3A_1511 = arith.constant 10239 : i32
      %select_n3A_1512 = arith.select %lt3A_1507, %add3A_1510, %jit3A_1511 : i32
      %slice3A_1513 = vector.extract_strided_slice %mul3A_781 {offsets = [60, 0], sizes = [1, 128], strides = [1, 1]} : vector<64x128xf32> to vector<1x128xf32>
      %swap3A_1514 = arith.index_cast %select_n3A_1512 : i32 to index
      %swap3A_1515 = arith.constant 0 : index
      %swap3A_1516 = vector.load %arg14[%swap3A_1514, %swap3A_1515] : memref<10240x128xf32, #tpu.memory_space<vmem>>, vector<1x128xf32>
      tpu.vector_store %arg14[%swap3A_1514, %swap3A_1515], %slice3A_1513 {strides = array<i32>} : memref<10240x128xf32, #tpu.memory_space<vmem>>, vector<1x128xf32>,
      %get3A_1517 = arith.constant 61 : index
      %get3A_1518 = memref.load %arg1[%get3A_1517] : memref<64xi32, #tpu.memory_space<smem>>
      %lt3A_1519 = arith.cmpi slt, %while3A_31, %get3A_1518 : i32
      %get3A_1520 = arith.constant 61 : index
      %get3A_1521 = memref.load %arg0[%get3A_1520] : memref<64xi32, #tpu.memory_space<smem>>
      %add3A_1522 = arith.addi %get3A_1521, %while3A_31 : i32
      %jit3A_1523 = arith.constant 10239 : i32
      %select_n3A_1524 = arith.select %lt3A_1519, %add3A_1522, %jit3A_1523 : i32
      %slice3A_1525 = vector.extract_strided_slice %mul3A_781 {offsets = [61, 0], sizes = [1, 128], strides = [1, 1]} : vector<64x128xf32> to vector<1x128xf32>
      %swap3A_1526 = arith.index_cast %select_n3A_1524 : i32 to index
      %swap3A_1527 = arith.constant 0 : index
      %swap3A_1528 = vector.load %arg14[%swap3A_1526, %swap3A_1527] : memref<10240x128xf32, #tpu.memory_space<vmem>>, vector<1x128xf32>
      tpu.vector_store %arg14[%swap3A_1526, %swap3A_1527], %slice3A_1525 {strides = array<i32>} : memref<10240x128xf32, #tpu.memory_space<vmem>>, vector<1x128xf32>,
      %get3A_1529 = arith.constant 62 : index
      %get3A_1530 = memref.load %arg1[%get3A_1529] : memref<64xi32, #tpu.memory_space<smem>>
      %lt3A_1531 = arith.cmpi slt, %while3A_31, %get3A_1530 : i32
      %get3A_1532 = arith.constant 62 : index
      %get3A_1533 = memref.load %arg0[%get3A_1532] : memref<64xi32, #tpu.memory_space<smem>>
      %add3A_1534 = arith.addi %get3A_1533, %while3A_31 : i32
      %jit3A_1535 = arith.constant 10239 : i32
      %select_n3A_1536 = arith.select %lt3A_1531, %add3A_1534, %jit3A_1535 : i32
      %slice3A_1537 = vector.extract_strided_slice %mul3A_781 {offsets = [62, 0], sizes = [1, 128], strides = [1, 1]} : vector<64x128xf32> to vector<1x128xf32>
      %swap3A_1538 = arith.index_cast %select_n3A_1536 : i32 to index
      %swap3A_1539 = arith.constant 0 : index
      %swap3A_1540 = vector.load %arg14[%swap3A_1538, %swap3A_1539] : memref<10240x128xf32, #tpu.memory_space<vmem>>, vector<1x128xf32>
      tpu.vector_store %arg14[%swap3A_1538, %swap3A_1539], %slice3A_1537 {strides = array<i32>} : memref<10240x128xf32, #tpu.memory_space<vmem>>, vector<1x128xf32>,
      %get3A_1541 = arith.constant 63 : index
      %get3A_1542 = memref.load %arg1[%get3A_1541] : memref<64xi32, #tpu.memory_space<smem>>
      %lt3A_1543 = arith.cmpi slt, %while3A_31, %get3A_1542 : i32
      %get3A_1544 = arith.constant 63 : index
      %get3A_1545 = memref.load %arg0[%get3A_1544] : memref<64xi32, #tpu.memory_space<smem>>
      %add3A_1546 = arith.addi %get3A_1545, %while3A_31 : i32
      %jit3A_1547 = arith.constant 10239 : i32
      %select_n3A_1548 = arith.select %lt3A_1543, %add3A_1546, %jit3A_1547 : i32
      %slice3A_1549 = vector.extract_strided_slice %mul3A_781 {offsets = [63, 0], sizes = [1, 128], strides = [1, 1]} : vector<64x128xf32> to vector<1x128xf32>
      %swap3A_1550 = arith.index_cast %select_n3A_1548 : i32 to index
      %swap3A_1551 = arith.constant 0 : index
      %swap3A_1552 = vector.load %arg14[%swap3A_1550, %swap3A_1551] : memref<10240x128xf32, #tpu.memory_space<vmem>>, vector<1x128xf32>
      tpu.vector_store %arg14[%swap3A_1550, %swap3A_1551], %slice3A_1549 {strides = array<i32>} : memref<10240x128xf32, #tpu.memory_space<vmem>>, vector<1x128xf32>,
    }
    %scan3A = arith.constant 0 : i32
    %scan3A_18 = arith.constant 25 : i32
    %scan3A_19 = arith.addi %scan3A, %scan3A_18 : i32
    %scan3A_20 = arith.constant 1 : i32
    scf.for %scan3A_31 = %scan3A to %scan3A_19 step %scan3A_20  : i32 {
      %mul3A = arith.constant 400 : i32
      %mul3A_32 = arith.muli %scan3A_31, %mul3A : i32
      %get3A_33 = arith.index_cast %mul3A_32 : i32 to index
      %get3A_34 = arith.constant 0 : index
      %get3A_35 = vector.load %arg14[%get3A_33, %get3A_34] : memref<10240x128xf32, #tpu.memory_space<vmem>>, vector<400x128xf32>
      %get3A_36 = arith.constant 0 : index
      %get3A_37 = arith.constant 0 : index
      %get3A_38 = vector.load %arg7[%get3A_36, %get3A_37] : memref<128x128xf32, #tpu.memory_space<vmem>>, vector<128x128xf32>
      %dot_general3A = arith.constant dense<0.000000e+00> : vector<400x128xf32>
      %dot_general3A_39 = tpu.matmul %get3A_35, %get3A_38, %dot_general3A {dimension_numbers = #tpu.dot_dimension_numbers<[1], [0], [0], [1], [0, 0, 1, 1], [], []>, transpose_lhs_hint = false} : vector<400x128xf32>, vector<128x128xf32>, vector<400x128xf32> -> vector<400x128xf32>
      %tanh3A = math.tanh %dot_general3A_39 : vector<400x128xf32>
      %get3A_40 = arith.constant 0 : index
      %get3A_41 = arith.constant 0 : index
      %get3A_42 = vector.load %arg8[%get3A_40, %get3A_41] : memref<1x128xf32, #tpu.memory_space<vmem>>, vector<1x128xf32>
      %mul3A_43 = vector.broadcast %get3A_42 : vector<1x128xf32> to vector<400x128xf32>
      %mul3A_44 = arith.mulf %tanh3A, %mul3A_43 : vector<400x128xf32>
      %reduce_sum3A = arith.constant dense<0.000000e+00> : vector<400xf32>
      %reduce_sum3A_45 = vector.multi_reduction <add>, %mul3A_44, %reduce_sum3A [1] : vector<400x128xf32> to vector<400xf32>
      %broadcast_in_dim3A_46 = vector.shape_cast %reduce_sum3A_45 : vector<400xf32> to vector<400x1xf32>
      %swap3A_47 = arith.index_cast %mul3A_32 : i32 to index
      %swap3A_48 = arith.constant 0 : index
      %swap3A_49 = vector.load %arg15[%swap3A_47, %swap3A_48] : memref<10240x1xf32, #tpu.memory_space<vmem>>, vector<400x1xf32>
      tpu.vector_store %arg15[%swap3A_47, %swap3A_48], %broadcast_in_dim3A_46 {strides = array<i32>} : memref<10240x1xf32, #tpu.memory_space<vmem>>, vector<400x1xf32>,
    }
    %scan3A_21 = arith.constant 25 : i32
    %iota3A = tpu.iota {dimensions = array<i32: 0>} : vector<128x1xi32>
    %broadcast_in_dim3A_22 = arith.constant 0xFF800000 : f32
    %broadcast_in_dim3A_23 = vector.broadcast %broadcast_in_dim3A_22 : f32 to vector<1x1xf32>
    %broadcast_in_dim3A_24 = arith.constant 0xFF800000 : f32
    %broadcast_in_dim3A_25 = vector.broadcast %broadcast_in_dim3A_24 : f32 to vector<1x128xf32>
    %scan3A_26 = arith.constant 0 : i32
    %scan3A_27 = arith.constant 64 : i32
    %scan3A_28 = arith.addi %scan3A_26, %scan3A_27 : i32
    %scan3A_29 = arith.constant 1 : i32
    scf.for %scan3A_31 = %scan3A_26 to %scan3A_28 step %scan3A_29  : i32 {
      %get3A_32 = arith.index_cast %scan3A_31 : i32 to index
      %get3A_33 = memref.load %arg0[%get3A_32] : memref<64xi32, #tpu.memory_space<smem>>
      %get3A_34 = arith.index_cast %scan3A_31 : i32 to index
      %get3A_35 = memref.load %arg1[%get3A_34] : memref<64xi32, #tpu.memory_space<smem>>
      %gt3A = arith.constant 0 : i32
      %gt3A_36 = arith.cmpi sgt, %get3A_35, %gt3A : i32
      %convert_element_type3A = arith.extui %gt3A_36 : i1 to i32
      %cond3A = arith.constant 0 : i32
      %cond3A_37 = arith.cmpi ne, %convert_element_type3A, %cond3A : i32
      scf.if %cond3A_37 {
        %add3A = arith.constant 127 : i32
        %add3A_42 = arith.addi %get3A_35, %add3A : i32
        %jit3A = arith.constant 128 : i32
        %div3A = arith.divsi %add3A_42, %jit3A : i32
        %sign3A = arith.constant 0 : i32
        %sign3A_43 = arith.cmpi sgt, %add3A_42, %sign3A : i32
        %sign3A_44 = arith.extui %sign3A_43 : i1 to i32
        %sign3A_45 = arith.constant 0 : i32
        %sign3A_46 = arith.cmpi slt, %add3A_42, %sign3A_45 : i32
        %sign3A_47 = arith.extui %sign3A_46 : i1 to i32
        %sign3A_48 = arith.subi %sign3A_44, %sign3A_47 : i32
        %sign3A_49 = arith.constant 0 : i32
        %sign3A_50 = arith.cmpi sgt, %jit3A, %sign3A_49 : i32
        %sign3A_51 = arith.extui %sign3A_50 : i1 to i32
        %sign3A_52 = arith.constant 0 : i32
        %sign3A_53 = arith.cmpi slt, %jit3A, %sign3A_52 : i32
        %sign3A_54 = arith.extui %sign3A_53 : i1 to i32
        %sign3A_55 = arith.subi %sign3A_51, %sign3A_54 : i32
        %ne3A = arith.cmpi ne, %sign3A_48, %sign3A_55 : i32
        %rem3A = arith.remsi %add3A_42, %jit3A : i32
        %ne3A_56 = arith.constant 0 : i32
        %ne3A_57 = arith.cmpi ne, %rem3A, %ne3A_56 : i32
        %and3A = arith.andi %ne3A, %ne3A_57 : i1
        %sub3A = arith.constant 1 : i32
        %sub3A_58 = arith.subi %div3A, %sub3A : i32
        %select_n3A = arith.select %and3A, %sub3A_58, %div3A : i32
        %while3A_59 = arith.constant 0 : i32
        %while3A_60 = arith.subi %select_n3A, %while3A_59 : i32
        %while3A_61 = arith.addi %while3A_59, %while3A_60 : i32
        %while3A_62 = arith.constant 1 : i32
        %while3A_63 = arith.divsi %while3A_60, %while3A_62 : i32
        %while3A_64 = arith.muli %while3A_63, %while3A_62 : i32
        %while3A_65 = arith.addi %while3A_59, %while3A_64 : i32
        %while3A_66 = arith.constant 1 : i32
        %while3A_67 = scf.for %while3A_100 = %while3A_59 to %while3A_65 step %while3A_66 iter_args(%while3A_101 = %broadcast_in_dim3A_23) -> (vector<1x1xf32>)  : i32 {
          %mul3A = arith.constant 128 : i32
          %mul3A_102 = arith.muli %while3A_100, %mul3A : i32
          %add3A_103 = arith.addi %get3A_33, %mul3A_102 : i32
          %get3A_104 = arith.index_cast %add3A_103 : i32 to index
          %get3A_105 = arith.constant 0 : index
          %get3A_106 = vector.load %arg15[%get3A_104, %get3A_105] : memref<10240x1xf32, #tpu.memory_space<vmem>>, vector<128x1xf32>
          %mul3A_107 = arith.constant 128 : i32
          %mul3A_108 = arith.muli %while3A_100, %mul3A_107 : i32
          %sub3A_109 = arith.subi %get3A_35, %mul3A_108 : i32
          %lt3A = vector.broadcast %sub3A_109 : i32 to vector<128x1xi32>
          %lt3A_110 = arith.cmpi slt, %iota3A, %lt3A : vector<128x1xi32>
          %jit3A_111 = arith.constant 0xFF800000 : f32
          %broadcast_in_dim3A_112 = vector.broadcast %jit3A_111 : f32 to vector<128x1xf32>
          %select_n3A_113 = arith.select %lt3A_110, %get3A_106, %broadcast_in_dim3A_112 : vector<128x1xi1>, vector<128x1xf32>
          %reduce_max3A = arith.constant dense<0xFF800000> : vector<1xf32>
          %reduce_max3A_114 = vector.multi_reduction <maximumf>, %select_n3A_113, %reduce_max3A [0] : vector<128x1xf32> to vector<1xf32>
          %broadcast_in_dim3A_115 = vector.shape_cast %reduce_max3A_114 : vector<1xf32> to vector<1x1xf32>
          %max3A = arith.maximumf %while3A_101, %broadcast_in_dim3A_115 : vector<1x1xf32>
          scf.yield %max3A : vector<1x1xf32>
        }
        %while3A_68 = arith.constant 1 : i32
        %while3A_69 = scf.for %while3A_100 = %while3A_65 to %while3A_61 step %while3A_68 iter_args(%while3A_101 = %while3A_67) -> (vector<1x1xf32>)  : i32 {
          %mul3A = arith.constant 128 : i32
          %mul3A_102 = arith.muli %while3A_100, %mul3A : i32
          %add3A_103 = arith.addi %get3A_33, %mul3A_102 : i32
          %get3A_104 = arith.index_cast %add3A_103 : i32 to index
          %get3A_105 = arith.constant 0 : index
          %get3A_106 = vector.load %arg15[%get3A_104, %get3A_105] : memref<10240x1xf32, #tpu.memory_space<vmem>>, vector<128x1xf32>
          %mul3A_107 = arith.constant 128 : i32
          %mul3A_108 = arith.muli %while3A_100, %mul3A_107 : i32
          %sub3A_109 = arith.subi %get3A_35, %mul3A_108 : i32
          %lt3A = vector.broadcast %sub3A_109 : i32 to vector<128x1xi32>
          %lt3A_110 = arith.cmpi slt, %iota3A, %lt3A : vector<128x1xi32>
          %jit3A_111 = arith.constant 0xFF800000 : f32
          %broadcast_in_dim3A_112 = vector.broadcast %jit3A_111 : f32 to vector<128x1xf32>
          %select_n3A_113 = arith.select %lt3A_110, %get3A_106, %broadcast_in_dim3A_112 : vector<128x1xi1>, vector<128x1xf32>
          %reduce_max3A = arith.constant dense<0xFF800000> : vector<1xf32>
          %reduce_max3A_114 = vector.multi_reduction <maximumf>, %select_n3A_113, %reduce_max3A [0] : vector<128x1xf32> to vector<1xf32>
          %broadcast_in_dim3A_115 = vector.shape_cast %reduce_max3A_114 : vector<1xf32> to vector<1x1xf32>
          %max3A = arith.maximumf %while3A_101, %broadcast_in_dim3A_115 : vector<1x1xf32>
          scf.yield %max3A : vector<1x1xf32>
        }
        %broadcast_in_dim3A_70 = arith.constant 0.000000e+00 : f32
        %broadcast_in_dim3A_71 = vector.broadcast %broadcast_in_dim3A_70 : f32 to vector<1x1xf32>
        %while3A_72 = arith.constant 0 : i32
        %while3A_73 = arith.subi %select_n3A, %while3A_72 : i32
        %while3A_74 = arith.addi %while3A_72, %while3A_73 : i32
        %while3A_75 = arith.constant 1 : i32
        %while3A_76 = arith.divsi %while3A_73, %while3A_75 : i32
        %while3A_77 = arith.muli %while3A_76, %while3A_75 : i32
        %while3A_78 = arith.addi %while3A_72, %while3A_77 : i32
        %while3A_79 = arith.constant 1 : i32
        %while3A_80 = scf.for %while3A_100 = %while3A_72 to %while3A_78 step %while3A_79 iter_args(%while3A_101 = %broadcast_in_dim3A_71) -> (vector<1x1xf32>)  : i32 {
          %mul3A = arith.constant 128 : i32
          %mul3A_102 = arith.muli %while3A_100, %mul3A : i32
          %add3A_103 = arith.addi %get3A_33, %mul3A_102 : i32
          %get3A_104 = arith.index_cast %add3A_103 : i32 to index
          %get3A_105 = arith.constant 0 : index
          %get3A_106 = vector.load %arg15[%get3A_104, %get3A_105] : memref<10240x1xf32, #tpu.memory_space<vmem>>, vector<128x1xf32>
          %mul3A_107 = arith.constant 128 : i32
          %mul3A_108 = arith.muli %while3A_100, %mul3A_107 : i32
          %sub3A_109 = arith.subi %get3A_35, %mul3A_108 : i32
          %lt3A = vector.broadcast %sub3A_109 : i32 to vector<128x1xi32>
          %lt3A_110 = arith.cmpi slt, %iota3A, %lt3A : vector<128x1xi32>
          %sub3A_111 = vector.broadcast %while3A_69 : vector<1x1xf32> to vector<128x1xf32>
          %sub3A_112 = arith.subf %get3A_106, %sub3A_111 : vector<128x1xf32>
          %exp3A = math.exp %sub3A_112 : vector<128x1xf32>
          %jit3A_113 = arith.constant 0.000000e+00 : f32
          %broadcast_in_dim3A_114 = vector.broadcast %jit3A_113 : f32 to vector<128x1xf32>
          %select_n3A_115 = arith.select %lt3A_110, %exp3A, %broadcast_in_dim3A_114 : vector<128x1xi1>, vector<128x1xf32>
          %reduce_sum3A = arith.constant dense<0.000000e+00> : vector<1xf32>
          %reduce_sum3A_116 = vector.multi_reduction <add>, %select_n3A_115, %reduce_sum3A [0] : vector<128x1xf32> to vector<1xf32>
          %broadcast_in_dim3A_117 = vector.shape_cast %reduce_sum3A_116 : vector<1xf32> to vector<1x1xf32>
          %add3A_118 = arith.addf %while3A_101, %broadcast_in_dim3A_117 : vector<1x1xf32>
          scf.yield %add3A_118 : vector<1x1xf32>
        }
        %while3A_81 = arith.constant 1 : i32
        %while3A_82 = scf.for %while3A_100 = %while3A_78 to %while3A_74 step %while3A_81 iter_args(%while3A_101 = %while3A_80) -> (vector<1x1xf32>)  : i32 {
          %mul3A = arith.constant 128 : i32
          %mul3A_102 = arith.muli %while3A_100, %mul3A : i32
          %add3A_103 = arith.addi %get3A_33, %mul3A_102 : i32
          %get3A_104 = arith.index_cast %add3A_103 : i32 to index
          %get3A_105 = arith.constant 0 : index
          %get3A_106 = vector.load %arg15[%get3A_104, %get3A_105] : memref<10240x1xf32, #tpu.memory_space<vmem>>, vector<128x1xf32>
          %mul3A_107 = arith.constant 128 : i32
          %mul3A_108 = arith.muli %while3A_100, %mul3A_107 : i32
          %sub3A_109 = arith.subi %get3A_35, %mul3A_108 : i32
          %lt3A = vector.broadcast %sub3A_109 : i32 to vector<128x1xi32>
          %lt3A_110 = arith.cmpi slt, %iota3A, %lt3A : vector<128x1xi32>
          %sub3A_111 = vector.broadcast %while3A_69 : vector<1x1xf32> to vector<128x1xf32>
          %sub3A_112 = arith.subf %get3A_106, %sub3A_111 : vector<128x1xf32>
          %exp3A = math.exp %sub3A_112 : vector<128x1xf32>
          %jit3A_113 = arith.constant 0.000000e+00 : f32
          %broadcast_in_dim3A_114 = vector.broadcast %jit3A_113 : f32 to vector<128x1xf32>
          %select_n3A_115 = arith.select %lt3A_110, %exp3A, %broadcast_in_dim3A_114 : vector<128x1xi1>, vector<128x1xf32>
          %reduce_sum3A = arith.constant dense<0.000000e+00> : vector<1xf32>
          %reduce_sum3A_116 = vector.multi_reduction <add>, %select_n3A_115, %reduce_sum3A [0] : vector<128x1xf32> to vector<1xf32>
          %broadcast_in_dim3A_117 = vector.shape_cast %reduce_sum3A_116 : vector<1xf32> to vector<1x1xf32>
          %add3A_118 = arith.addf %while3A_101, %broadcast_in_dim3A_117 : vector<1x1xf32>
          scf.yield %add3A_118 : vector<1x1xf32>
        }
        %div3A_83 = arith.constant 1.000000e+00 : f32
        %div3A_84 = vector.broadcast %div3A_83 : f32 to vector<1x1xf32>
        %div3A_85 = arith.divf %div3A_84, %while3A_82 : vector<1x1xf32>
        %while3A_86 = arith.constant 0 : i32
        %while3A_87 = arith.subi %select_n3A, %while3A_86 : i32
        %while3A_88 = arith.addi %while3A_86, %while3A_87 : i32
        %while3A_89 = arith.constant 1 : i32
        %while3A_90 = arith.divsi %while3A_87, %while3A_89 : i32
        %while3A_91 = arith.muli %while3A_90, %while3A_89 : i32
        %while3A_92 = arith.addi %while3A_86, %while3A_91 : i32
        %while3A_93 = arith.constant 1 : i32
        %while3A_94 = scf.for %while3A_100 = %while3A_86 to %while3A_92 step %while3A_93 iter_args(%while3A_101 = %broadcast_in_dim3A_25) -> (vector<1x128xf32>)  : i32 {
          %mul3A = arith.constant 128 : i32
          %mul3A_102 = arith.muli %while3A_100, %mul3A : i32
          %add3A_103 = arith.addi %get3A_33, %mul3A_102 : i32
          %get3A_104 = arith.index_cast %add3A_103 : i32 to index
          %get3A_105 = arith.constant 0 : index
          %get3A_106 = vector.load %arg15[%get3A_104, %get3A_105] : memref<10240x1xf32, #tpu.memory_space<vmem>>, vector<128x1xf32>
          %sub3A_107 = vector.broadcast %while3A_69 : vector<1x1xf32> to vector<128x1xf32>
          %sub3A_108 = arith.subf %get3A_106, %sub3A_107 : vector<128x1xf32>
          %exp3A = math.exp %sub3A_108 : vector<128x1xf32>
          %mul3A_109 = vector.broadcast %div3A_85 : vector<1x1xf32> to vector<128x1xf32>
          %mul3A_110 = arith.mulf %exp3A, %mul3A_109 : vector<128x1xf32>
          %swap3A_111 = arith.index_cast %add3A_103 : i32 to index
          %swap3A_112 = arith.constant 0 : index
          %swap3A_113 = vector.load %arg10[%swap3A_111, %swap3A_112] : memref<10240x1xf32, #tpu.memory_space<vmem>>, vector<128x1xf32>
          tpu.vector_store %arg10[%swap3A_111, %swap3A_112], %mul3A_110 {strides = array<i32>} : memref<10240x1xf32, #tpu.memory_space<vmem>>, vector<128x1xf32>,
          %get3A_114 = arith.index_cast %add3A_103 : i32 to index
          %get3A_115 = arith.constant 0 : index
          %get3A_116 = vector.load %arg14[%get3A_114, %get3A_115] : memref<10240x128xf32, #tpu.memory_space<vmem>>, vector<128x128xf32>
          %mul3A_117 = vector.broadcast %mul3A_110 : vector<128x1xf32> to vector<128x128xf32>
          %mul3A_118 = arith.mulf %get3A_116, %mul3A_117 : vector<128x128xf32>
          %mul3A_119 = arith.constant 128 : i32
          %mul3A_120 = arith.muli %while3A_100, %mul3A_119 : i32
          %sub3A_121 = arith.subi %get3A_35, %mul3A_120 : i32
          %lt3A = vector.broadcast %sub3A_121 : i32 to vector<128x1xi32>
          %lt3A_122 = arith.cmpi slt, %iota3A, %lt3A : vector<128x1xi32>
          %jit3A_123 = arith.constant 0xFF800000 : f32
          %broadcast_in_dim3A_124 = vector.shape_cast %lt3A_122 : vector<128x1xi1> to vector<128x1xi1>
          %broadcast_in_dim3A_125 = vector.broadcast %broadcast_in_dim3A_124 : vector<128x1xi1> to vector<128x128xi1>
          %broadcast_in_dim3A_126 = vector.broadcast %jit3A_123 : f32 to vector<128x128xf32>
          %select_n3A_127 = arith.select %broadcast_in_dim3A_125, %mul3A_118, %broadcast_in_dim3A_126 : vector<128x128xi1>, vector<128x128xf32>
          %reduce_max3A = arith.constant dense<0xFF800000> : vector<128xf32>
          %reduce_max3A_128 = vector.multi_reduction <maximumf>, %select_n3A_127, %reduce_max3A [0] : vector<128x128xf32> to vector<128xf32>
          %broadcast_in_dim3A_129 = vector.shape_cast %reduce_max3A_128 : vector<128xf32> to vector<1x128xf32>
          %max3A = arith.maximumf %while3A_101, %broadcast_in_dim3A_129 : vector<1x128xf32>
          scf.yield %max3A : vector<1x128xf32>
        }
        %while3A_95 = arith.constant 1 : i32
        %while3A_96 = scf.for %while3A_100 = %while3A_92 to %while3A_88 step %while3A_95 iter_args(%while3A_101 = %while3A_94) -> (vector<1x128xf32>)  : i32 {
          %mul3A = arith.constant 128 : i32
          %mul3A_102 = arith.muli %while3A_100, %mul3A : i32
          %add3A_103 = arith.addi %get3A_33, %mul3A_102 : i32
          %get3A_104 = arith.index_cast %add3A_103 : i32 to index
          %get3A_105 = arith.constant 0 : index
          %get3A_106 = vector.load %arg15[%get3A_104, %get3A_105] : memref<10240x1xf32, #tpu.memory_space<vmem>>, vector<128x1xf32>
          %sub3A_107 = vector.broadcast %while3A_69 : vector<1x1xf32> to vector<128x1xf32>
          %sub3A_108 = arith.subf %get3A_106, %sub3A_107 : vector<128x1xf32>
          %exp3A = math.exp %sub3A_108 : vector<128x1xf32>
          %mul3A_109 = vector.broadcast %div3A_85 : vector<1x1xf32> to vector<128x1xf32>
          %mul3A_110 = arith.mulf %exp3A, %mul3A_109 : vector<128x1xf32>
          %swap3A_111 = arith.index_cast %add3A_103 : i32 to index
          %swap3A_112 = arith.constant 0 : index
          %swap3A_113 = vector.load %arg10[%swap3A_111, %swap3A_112] : memref<10240x1xf32, #tpu.memory_space<vmem>>, vector<128x1xf32>
          tpu.vector_store %arg10[%swap3A_111, %swap3A_112], %mul3A_110 {strides = array<i32>} : memref<10240x1xf32, #tpu.memory_space<vmem>>, vector<128x1xf32>,
          %get3A_114 = arith.index_cast %add3A_103 : i32 to index
          %get3A_115 = arith.constant 0 : index
          %get3A_116 = vector.load %arg14[%get3A_114, %get3A_115] : memref<10240x128xf32, #tpu.memory_space<vmem>>, vector<128x128xf32>
          %mul3A_117 = vector.broadcast %mul3A_110 : vector<128x1xf32> to vector<128x128xf32>
          %mul3A_118 = arith.mulf %get3A_116, %mul3A_117 : vector<128x128xf32>
          %mul3A_119 = arith.constant 128 : i32
          %mul3A_120 = arith.muli %while3A_100, %mul3A_119 : i32
          %sub3A_121 = arith.subi %get3A_35, %mul3A_120 : i32
          %lt3A = vector.broadcast %sub3A_121 : i32 to vector<128x1xi32>
          %lt3A_122 = arith.cmpi slt, %iota3A, %lt3A : vector<128x1xi32>
          %jit3A_123 = arith.constant 0xFF800000 : f32
          %broadcast_in_dim3A_124 = vector.shape_cast %lt3A_122 : vector<128x1xi1> to vector<128x1xi1>
          %broadcast_in_dim3A_125 = vector.broadcast %broadcast_in_dim3A_124 : vector<128x1xi1> to vector<128x128xi1>
          %broadcast_in_dim3A_126 = vector.broadcast %jit3A_123 : f32 to vector<128x128xf32>
          %select_n3A_127 = arith.select %broadcast_in_dim3A_125, %mul3A_118, %broadcast_in_dim3A_126 : vector<128x128xi1>, vector<128x128xf32>
          %reduce_max3A = arith.constant dense<0xFF800000> : vector<128xf32>
          %reduce_max3A_128 = vector.multi_reduction <maximumf>, %select_n3A_127, %reduce_max3A [0] : vector<128x128xf32> to vector<128xf32>
          %broadcast_in_dim3A_129 = vector.shape_cast %reduce_max3A_128 : vector<128xf32> to vector<1x128xf32>
          %max3A = arith.maximumf %while3A_101, %broadcast_in_dim3A_129 : vector<1x128xf32>
          scf.yield %max3A : vector<1x128xf32>
        }
        %swap3A_97 = arith.index_cast %scan3A_31 : i32 to index
        %swap3A_98 = arith.constant 0 : index
        %swap3A_99 = vector.load %arg9[%swap3A_97, %swap3A_98] : memref<64x128xf32, #tpu.memory_space<vmem>>, vector<1x128xf32>
        tpu.vector_store %arg9[%swap3A_97, %swap3A_98], %while3A_96 {strides = array<i32>} : memref<64x128xf32, #tpu.memory_space<vmem>>, vector<1x128xf32>,
      } else {
      }
      %eq3A = arith.constant 0 : i32
      %eq3A_38 = arith.cmpi eq, %get3A_35, %eq3A : i32
      %convert_element_type3A_39 = arith.extui %eq3A_38 : i1 to i32
      %cond3A_40 = arith.constant 0 : i32
      %cond3A_41 = arith.cmpi ne, %convert_element_type3A_39, %cond3A_40 : i32
      scf.if %cond3A_41 {
        %broadcast_in_dim3A_42 = arith.constant 0.000000e+00 : f32
        %broadcast_in_dim3A_43 = vector.broadcast %broadcast_in_dim3A_42 : f32 to vector<1x128xf32>
        %swap3A_44 = arith.index_cast %scan3A_31 : i32 to index
        %swap3A_45 = arith.constant 0 : index
        %swap3A_46 = vector.load %arg9[%swap3A_44, %swap3A_45] : memref<64x128xf32, #tpu.memory_space<vmem>>, vector<1x128xf32>
        tpu.vector_store %arg9[%swap3A_44, %swap3A_45], %broadcast_in_dim3A_43 {strides = array<i32>} : memref<64x128xf32, #tpu.memory_space<vmem>>, vector<1x128xf32>,
      } else {
      }
    }
    %scan3A_30 = arith.constant 64 : i32
    return
  }
}

</mosaic_0001>

<sc_bundles>
// kernel: kernel.5.cloned.1.call-start
scs
__scs_entry_jumppad:
0x0: {  	(pc) =	sbr.rel $0x88, $3  }
0x1: {  	(tag) =	ssettag $0x0;
	lr =	simm.s32 $0x1  }
0x2: {  	[smem:$0x3F96] =	sst lr;
	_ =	strace $0xD0000000  }
0x3: {  	_ = 	snop  }
0x4: {  	_ = 	snop  }
0x5: {  	_ = 	snop  }
0x6: {  	_ = 	snop  }
0x7: {  	_ = 	snop  }
__scs_overlays_trampoline_lowered:
0x8: {  	[smem:$0x3FA5] =	sst s0  }
0x9: {  	[smem:$0x3FA6] =	sst s1  }
0xa: {  	[smem:$0x3FA7] =	sst s2  }
0xb: {  	[smem:$0x3FA8] =	sst s3  }
0xc: {  	[smem:$0x3FA9] =	sst s4  }
0xd: {  	[smem:$0x3FAA] =	sst s5  }
0xe: {  	[smem:$0x3FAB] =	sst s6  }
0xf: {  	[smem:$0x3FAC] =	sst s7  }
0x10: {  	[smem:$0x3FAD] =	sst s8  }
0x11: {  	[smem:$0x3FAE] =	sst s9;
	s0 =	simm.s32 @!p0 $0x0  }
0x12: {  	s1 =	sld [smem:$0x3F94];
	s0 =	simm.s32 @p0 $0x1  }
0x13: {  	[smem:$0x3FAF] =	sst s0;
	s0 =	simm.s32 @!p1 $0x0  }
0x14: {  	s2 =	sld [smem:$0x3F93];
	s0 =	simm.s32 @p1 $0x1  }
0x15: {  	[smem:$0x3FB0] =	sst s0;
	s0 =	simm.s32 @!p2 $0x0  }
0x16: {  	s3 =	sld [smem:$0x3FDB];
	s0 =	simm.s32 @p2 $0x1  }
0x17: {  	s4 =	simm.s32 $0x1BF5;
	[smem:$0x3FB2] =	sst s0  }
0x18: {  	s0 =	sld [smem:$0x3F95];
	_ =	swait.ge [sflag:s4], $0x0  }
0x19: {  	s7 =	sld [smem:$0x3F96]  }
0x1a: {  	s8 =	sadd.s32 $0xFFFFE003, lr  }
0x1b: {  	s9 =	sadd.s32 $0xFFFFFEF7, lr;
	s5 =	simm.s32 $0xFFFFFFFF;
	p2 =	slt.u32 s8, $0xFFFFF086  }
0x1c: {  	p1 =	slt.u32 s9, $0xF7A;
	s5 =	simm.s32 @!p2 $0x0  }
0x1d: {  	s5 =	simm.s32 @p1 $0x1;
	p0 =	seq.s32 s7, s2  }
0x1e: {  	s7 =	smul.u32 @!p0 $0xF7A, s2;
	p2 =	seq.s32 @!p0 s5, $0x0  }
0x1f: {  	s9 =	smul.u32 $0xF7A, s1;
	s8 =	simm.s32 @!p0 $0x1BF5;
	p2 =	por !p2, p0  }
0x20: {  	[sflag:s8] =	ssyncset.s32 @!p0 $0xFFFFF086;
	s6 =	sadd.s32 @!p0 s3, s7;
	s7 =	simm.s32 @!p0 $0x108  }
0x21: {  	s3 =	sadd.s32 s3, s9;
	s6 =	sadd.s32 @!p0 $0x88, s6;
	s7 =	simm.s32 @p2 $0x1082  }
0x22: {  	[simem:s7], [sflag:s8] =	dma.local @!p0 [hbm:s6], $0xF7A  }
0x23: {  	s9 =	sor.u32 $0xD0000000, s2;
	s6 =	simm.s32 $0x108;
	_ =	swait.ge @!p0 [sflag:s8], $0x0  }
0x24: {  	s3 =	sadd.s32 $0x88, s3;
	s6 =	simm.s32 @!p1 $0x1082;
	[sflag:s4] =	ssyncset.s32 $0xFFFFF086  }
0x25: {  	[simem:s6], [sflag:s4] =	dma.local [hbm:s3], $0xF7A  }
0x26: {  	[smem:$0x3F96] =	sst s1;
	(tag) =	ssettag s2;
	_ =	strace s9  }
0x27: {  	s1 =	sld [smem:$0x3FA6]  }
0x28: {  	s2 =	sld [smem:$0x3FA7]  }
0x29: {  	s4 =	sld [smem:$0x3FA9]  }
0x2a: {  	p0 =	seq.s32 s5, $0x0;
	s5 =	sld [smem:$0x3FAA]  }
0x2b: {  	s6 =	sld [smem:$0x3FAB]  }
0x2c: {  	s7 =	sld [smem:$0x3FAC]  }
0x2d: {  	s3 =	simm.s32 $0x108;
	s8 =	sld [smem:$0x3FAD]  }
0x2e: {  	s3 =	simm.s32 @!p0 $0x1082;
	s9 =	sld [smem:$0x3FAE]  }
0x2f: {  	lr =	sadd.s32 s0, s3;
	s0 =	sld [smem:$0x3FA5]  }
0x30: {  	s3 =	sld [smem:$0x3FA8]  }
0x31: {  	[smem:$0x3FB1] =	sst s10  }
0x32: {  	s10 =	sld [smem:$0x3FAF];
	_ =	sdelay $0x3  }
0x33: {  	p0 =	seq.s32 s10, $0x1;
	s10 =	sld [smem:$0x3FB1];
	_ =	sdelay $0x3  }
0x34: {  	[smem:$0x3FB1] =	sst s10  }
0x35: {  	s10 =	sld [smem:$0x3FB0];
	_ =	sdelay $0x3  }
0x36: {  	p1 =	seq.s32 s10, $0x1;
	s10 =	sld [smem:$0x3FB1];
	_ =	sdelay $0x3  }
0x37: {  	[smem:$0x3FB1] =	sst s10  }
0x38: {  	s10 =	sld [smem:$0x3FB2]  }
0x39: {  	_ = 	snop;
	(pc) =	sbr.ind lr, $3  }
0x3a: {  	_ = 	snop  }
0x3b: {  	_ = 	snop  }
0x3c: {  	p2 =	seq.s32 s10, $0x1;
	s10 =	sld [smem:$0x3FB1]  }
0x3d: {  	_ =	shalt  }
0x3e: {  	_ =	shalt  }
0x3f: {  	_ =	shalt  }
0x40: {  	_ =	shalt  }
0x41: {  	_ =	shalt  }
0x42: {  	_ =	shalt  }
0x43: {  	_ =	shalt  }
0x44: {  	_ =	shalt  }
0x45: {  	_ =	shalt  }
0x46: {  	_ =	shalt  }
0x47: {  	_ =	shalt  }
0x48: {  	_ =	shalt  }
0x49: {  	_ =	shalt  }
0x4a: {  	_ =	shalt  }
0x4b: {  	_ =	shalt  }
0x4c: {  	_ =	shalt  }
0x4d: {  	_ =	shalt  }
0x4e: {  	_ =	shalt  }
0x4f: {  	_ =	shalt  }
0x50: {  	_ =	shalt  }
0x51: {  	_ =	shalt  }
0x52: {  	_ =	shalt  }
0x53: {  	_ =	shalt  }
0x54: {  	_ =	shalt  }
0x55: {  	_ =	shalt  }
0x56: {  	_ =	shalt  }
0x57: {  	_ =	shalt  }
0x58: {  	_ =	shalt  }
0x59: {  	_ =	shalt  }
0x5a: {  	_ =	shalt  }
0x5b: {  	_ =	shalt  }
0x5c: {  	_ =	shalt  }
0x5d: {  	_ =	shalt  }
0x5e: {  	_ =	shalt  }
0x5f: {  	_ =	shalt  }
0x60: {  	_ =	shalt  }
0x61: {  	_ =	shalt  }
0x62: {  	_ =	shalt  }
0x63: {  	_ =	shalt  }
0x64: {  	_ =	shalt  }
0x65: {  	_ =	shalt  }
0x66: {  	_ =	shalt  }
0x67: {  	_ =	shalt  }
0x68: {  	_ =	shalt  }
0x69: {  	_ =	shalt  }
0x6a: {  	_ =	shalt  }
0x6b: {  	_ =	shalt  }
0x6c: {  	_ =	shalt  }
0x6d: {  	_ =	shalt  }
0x6e: {  	_ =	shalt  }
0x6f: {  	_ =	shalt  }
0x70: {  	_ =	shalt  }
0x71: {  	_ =	shalt  }
0x72: {  	_ =	shalt  }
0x73: {  	_ =	shalt  }
0x74: {  	_ =	shalt  }
0x75: {  	_ =	shalt  }
0x76: {  	_ =	shalt  }
0x77: {  	_ =	shalt  }
0x78: {  	_ =	shalt  }
0x79: {  	_ =	shalt  }
0x7a: {  	_ =	shalt  }
0x7b: {  	_ =	shalt  }
0x7c: {  	_ =	shalt  }
0x7d: {  	_ =	shalt  }
0x7e: {  	_ =	shalt  }
0x7f: {  	_ =	shalt  }
0x80: {  	_ =	shalt  }
0x81: {  	_ =	shalt  }
0x82: {  	_ =	shalt  }
0x83: {  	_ =	shalt  }
0x84: {  	_ =	shalt  }
0x85: {  	_ =	shalt  }
0x86: {  	_ =	shalt  }
0x87: {  	_ =	shalt  }
.Lfunc_end0:
.L_simem_size_0:
called_computation_lowered:
.L_overlay_start_0:
0x88: {  	s2 =	sld [smem:$0x3FD9]  }
0x89: {  	s3 =	sld [smem:$0x3FFE];
	_ =	sdelay $0x1  }
0x8a: {  	s1 =	srdreg.scid  }
0x8b: {  	s0 =	sand.u32 $0x1, s1  }
0x8c: {  	s17 =	sshll.u32 s0, $0xA;
	s2 =	sadd.s32 s3, s2  }
0x8d: {  	s2 =	sadd.s32 s2, s17  }
0x8e: {  	[smem:$0x3FBD] =	sst s2  }
0x8f: {  	_ = 	snop  }
0x90: {  	s2 =	sld [smem:$0x3FC9];
	(tm) =	ssettm $0x1  }
0x91: {  	s18 =	sld [smem:$0x3FFB];
	_ =	sdelay $0x3  }
0x92: {  	_ =	strace s18  }
0x93: {  	s3 =	sld [smem:$0x3FFC];
	_ =	sdelay $0x3  }
0x94: {  	_ =	strace s3  }
0x95: {  	s3 =	sld [smem:$0x3FFD];
	_ =	sdelay $0x3  }
0x96: {  	_ =	strace s3  }
0x97: {  	_ =	strace $0x8FFFFFFF  }
0x98: {  	s19 =	sld [smem:$0x3FDB];
	_ =	sdelay $0x1  }
0x99: {  	s4 =	simm.s32 $_scs_section_size  }
0x9a: {  	s5 =	simm.s32 $_size__tile_overlayer_lowered;
	s6 =	simm.s32 $_tile_overlayer_lowered  }
0x9b: {  	s22 =	simm.s32 $0x1BFF;
	s21 =	sshll.u32 s6, $0x1;
	s3 =	sadd.s32 s4, s19  }
0x9c: {  	s7 =	simm.s32 $0x0;
	s20 =	sshll.u32 s5, $0x1;
	s5 =	sadd.s32 s21, s3  }
0x9d: {  	[timem:s7], [sflag:s22] =	dma.local [hbm:s5], s20  }
0x9e: {  	_ =	swait.ge [sflag:s22], s20  }
0x9f: {  	s4 =	ssub.s32 $0x0, s20;
	[sflag:s22] =	ssyncset.done $0x0  }
0xa0: {  	[sflag:s22] =	ssyncadd.s32 s4;
	_ =	sdelay $0x1  }
0xa1: {  	s23 =	simm.s32 $0x1B8B  }
0xa2: {  	_ =	swait.ge [sflag:s23], $0x1  }
0xa3: {  	[sflag:s23] =	ssyncset.done $0x0  }
0xa4: {  	s25 =	simm.s32 $0x1B8E;
	s24 =	sld [smem:$0x3FFE];
	[sflag:s23] =	ssyncadd.s32 $0xFFFFFFFF  }
0xa5: {  	s26 =	simm.s32 $execute0_lowered;
	[smem:$0x3FD2] =	sst s25  }
0xa6: {  	s5 =	sshll.u32 s26, $0x1;
	_ =	strace $0x80000046;
	[dreg:$0x1] =	wrdreg $0xFFFFFFFF  }
0xa7: {  	s28 =	simm.s32 $_size_execute0_lowered;
	s3 =	sadd.s32 s3, s5;
	[dreg:$0x0] =	wrdreg $0x0  }
0xa8: {  	s5 =	sshll.u32 s28, $0x1;
	[dreg:$0x2] =	wrdreg s3  }
0xa9: {  	[dreg:$0x3] =	wrdreg s5  }
0xaa: {  	[dreg:$0x4] =	wrdreg $0xC0  }
0xab: {  	_ =	task [dreg:s7], $0x5FFFF  }
0xac: {  	[dreg:$0x1] =	wrdreg $0xFFFFFFFF  }
0xad: {  	[dreg:$0x0] =	wrdreg $0x60  }
0xae: {  	[dreg:$0x2] =	wrdreg s2  }
0xaf: {  	[dreg:$0x3] =	wrdreg s24  }
0xb0: {  	[dreg:$0x4] =	wrdreg $0x7A000  }
0xb1: {  	[dreg:$0x5] =	wrdreg $0x9  }
0xb2: {  	_ =	task.clear_ibuf [dreg:s7], $0x6FFFF;
	_ =	strace $0x90000046  }
0xb3: {  	s29 =	simm.s32 $0x9;
	_ =	strace $0x80000048  }
0xb4: {  	_ =	swait.ge [sflag:s29], $0x1  }
0xb5: {  	[sflag:s29] =	ssyncadd.s32 $0xFFFFFFFF  }
0xb6: {  	_ =	strace $0x90000048  }
0xb7: {  	_ =	sfence  }
0xb8: {  	s30 =	sld [smem:$0x0];
	_ =	sdelay $0x2  }
0xb9: {  	s31 =	sshll.u32 s1, $0xD;
	s1 =	sshrl.u32 s1, $0x2  }
0xba: {  	s3 =	sand.u32 $0x4000, s31;
	s1 =	sadd.s32 s1, s30  }
0xbb: {  	s0 =	sor.u32 s3, s0;
	s1 =	sshll.u32 s1, $0x11  }
0xbc: {  	s0 =	sor.u32 s1, s0  }
0xbd: {  	s0 =	sadd.s32 $0x8F2B, s0  }
0xbe: {  	[sflag:s0] =	ssyncadd.remote.s32 $0x1  }
0xbf: {  	_ =	sfence.sel $0xFFFF  }
0xc0: {  	[dreg:$0x0] =	wrdreg $0xFFFFFFFF;
	(pc) =	sbr.abs _section_cstart, $3  }
0xc1: {  	[dreg:$0x1] =	wrdreg $0xFFFFFFFF  }
0xc2: {  	_ =	task.clear_ibuf [dreg:s7], $0x2FFFF;
	_ =	strace $0x9FFFFFFF  }
0xc3: {  	(tm) =	ssettm $0x7FFFFFFF  }
tec
execute0_lowered:
.L_overlay_start_1:
0x0: {  	(tag) =	ssettag $0x1  }
0x1: {  	s0 =	rddreg [dreg:$0x0]  }
0x2: {  	s1 =	rddreg [dreg:$0x1];
	s23 =	stileid.u32  }
0x3: {  	s3 =	srdreg.scid;
	s14 =	smul.u32 $0x500, s23  }
0x4: {  	s2 =	rddreg [dreg:$0x2];
	s4 =	sand.u32 $0x1, s3;
	s25 =	smul.u32 $0x4E20, s23  }
0x5: {  	s29 =	simm.s32 $0x5200;
	s9 =	sor.u32 $0x10, s23;
	s5 =	smul.u32 $0x27100, s4  }
0x6: {  	s30 =	simm.s32 $0x5;
	s7 =	sshll.u32 s23, $0x1;
	s11 =	smul.u32 $0xA000, s9  }
0x7: {  	s20 =	sor.u32 s4, s7;
	s21 =	ssub.s32 $0x2, s4;
	s4 =	smul.u32 $0x2710, s4  }
0x8: {  	s31 =	simm.s32 $0x100;
	s15 =	sor.u32 $0x30, s23;
	s17 =	smul.u32 $0x500, s9  }
0x9: {  	s6 =	sadd.s32 $0xB600, s1;
	s16 =	sor.u32 $0x40, s23;
	s18 =	smul.u32 $0x500, s15  }
0xa: {  	s8 =	sadd.s32 $0x1800, s1;
	s12 =	sor.u32 $0x20, s23;
	s19 =	smul.u32 $0x500, s16  }
0xb: {  	s10 =	sshrl.u32 s21, $0x1;
	s1 =	sadd.s32 s5, s1;
	s5 =	smul.u32 $0x2710, s20  }
0xc: {  	s3 =	simm.s32 $0x0;
	s7 =	ssub.s32 s21, s10;
	s10 =	smul.u32 $0xA000, s12  }
0xd: {  	[smem:$0x7FF] =	sst s3;
	s21 =	sor.u32 $0x50, s23;
	s12 =	smul.u32 $0x500, s12  }
0xe: {  	s4 =	sadd.s32 s4, s25;
	s11 =	sshrl.u32 s11, $0x2;
	s1 =	sadd.s32 $0x15400, s1  }
0xf: {  	s4 =	sadd.s32 $0xA0, s4;
	s5 =	sshrl.u32 s5, $0x3;
	s18 =	sadd.s32 s18, s1  }
0x10: {  	s20 =	smul.u32 $0x500, s21;
	s13 =	sadd.s32 s6, s5;
	[dreg:$0xb] =	wrdreg s18  }
0x11: {  	s22 =	sadd.s32 $0xA, s5;
	s5 =	sadd.s32 s8, s5;
	[dreg:$0x4] =	wrdreg s13  }
0x12: {  	s4 =	sshrl.u32 s4, $0x3;
	s25 =	sadd.s32 s20, s1;
	[dreg:$0x5] =	wrdreg s5  }
0x13: {  	s9 =	sadd.s32 s4, s6;
	s24 =	sadd.s32 s6, s22;
	[dreg:$0xd] =	wrdreg s25  }
0x14: {  	s13 =	sadd.s32 s8, s22;
	s5 =	sor.u32 $0x60, s23;
	[dreg:$0x6] =	wrdreg s24  }
0x15: {  	s22 =	sor.u32 $0x70, s23;
	[dreg:$0x7] =	wrdreg s13;
	s13 =	sadd.s32 s4, s8  }
0x16: {  	s26 =	smul.u32 $0x500, s5;
	p0 =	sgt.u32 s22, $0x7C;
	s8 =	sadd.s32 s14, s1  }
0x17: {  	s14 =	sadd.s32 s17, s1;
	s17 =	sadd.s32 s12, s1;
	s6 =	smul.u32 $0x500, s22  }
0x18: {  	s24 =	sadd.s32 s19, s1;
	s12 =	smul.u32 $0xA000, s21;
	[dreg:$0x8] =	wrdreg s8  }
0x19: {  	s19 =	smax.u32 s7, $0x1;
	s5 =	smul.u32 $0xA000, s5;
	[dreg:$0x9] =	wrdreg s14  }
0x1a: {  	s21 =	sadd.s32 s11, s2;
	[dreg:$0xa] =	wrdreg s17;
	s8 =	smul.u32 $0xA000, s16  }
0x1b: {  	[dreg:$0xc] =	wrdreg s24;
	s4 =	sadd.s32 s26, s1;
	s26 =	smul.u32 $0xA000, s23  }
0x1c: {  	s14 =	sshrl.u32 s10, $0x2;
	s1 =	sadd.s32 @!p0 s6, s1;
	s6 =	smul.u32 $0xA000, s15  }
0x1d: {  	s15 =	smul.u32 $0xA000, s22;
	s22 =	sadd.s32 s14, s2;
	s16 =	sshrl.u32 s12, $0x2  }
0x1e: {  	s17 =	sshrl.u32 s5, $0x2;
	s12 =	simm.s32 $0x1;
	[dreg:$0xe] =	wrdreg s4  }
0x1f: {  	s5 =	simm.s32 $0x3;
	[dreg:$0xf] =	wrdreg s1;
	s25 =	sadd.s32 s16, s2  }
0x20: {  	_ =	strace $0x80000047;
	s4 =	sshrl.u32 s26, $0x2;
	s1 =	sshrl.u32 s6, $0x2  }
0x21: {  	s6 =	sshrl.u32 s8, $0x2;
	s18 =	sshrl.u32 s15, $0x2;
	s26 =	sadd.s32 s17, s2  }
0x22: {  	s20 =	sadd.s32 s4, s2;
	s23 =	sadd.s32 s1, s2;
	s24 =	sadd.s32 s6, s2  }
0x23: {  	v0 =	vimm.f32 $0.0e+00;
	s28 =	sadd.s32 s18, s2;
	s1 =	simm.s32 $0x50;
	s4 =	simm.s32 $0x200  }
.LBB2_1:
0x24: {  	s6 =	simm.s32 $0x0;
	s7 =	simm.s32 $0x200  }
.LBB2_2:
0x25: {  	p1 =	sne.s32 s7, $0x9E00;
	[tilespmem:s6+$0x5270] =	vst v0  }
0x26: {  	[tilespmem:s6+$0x5200] =	vst v0  }
0x27: {  	[tilespmem:s6+$0x5210] =	vst v0  }
.Ltmp0:
0x28: {  	[tilespmem:s6+$0x5220] =	vst v0;
	(pc) =	sbr.rel @p1 .LBB2_2-.Ltmp0, $4  }
0x29: {  	[tilespmem:s6+$0x5230] =	vst v0  }
0x2a: {  	[tilespmem:s6+$0x5240] =	vst v0  }
0x2b: {  	[tilespmem:s6+$0x5250] =	vst v0  }
0x2c: {  	[tilespmem:s6+$0x5260] =	vst v0;
	s6 =	sshra.s32 s7, $0x2;
	s7 =	sadd.s32 $0x200, s7  }
0x2d: {  	[tilespmem:s6+$0x5270] =	vst v0  }
0x2e: {  	[tilespmem:s6+$0x5200] =	vst v0  }
0x2f: {  	[tilespmem:s6+$0x5210] =	vst v0  }
0x30: {  	[tilespmem:s6+$0x5220] =	vst v0  }
0x31: {  	[tilespmem:s6+$0x5230] =	vst v0  }
0x32: {  	[tilespmem:s6+$0x5240] =	vst v0  }
0x33: {  	[tilespmem:s6+$0x5250] =	vst v0  }
0x34: {  	[tilespmem:s6+$0x5260] =	vst v0  }
0x35: {  	[spmem:s20] =	stream.linear.scatter [tilespmem:s29], [sflag:$0x5], $0x2800, $0x38;
	[tilespmem:$0x1B280] =	vst v63  }
0x36: {  	_ =	swait.ge [sflag:s30], $0x2800  }
0x37: {  	[sflag:s30] =	ssyncset.done $0x0  }
0x38: {  	[sflag:s30] =	ssyncadd.s32 $0xFFFFD800  }
0x39: {  	[spmem:s21] =	stream.linear.scatter [tilespmem:s29], [sflag:$0x5], $0x2800, $0x38;
	[tilespmem:$0x1B280] =	vst v63  }
0x3a: {  	_ =	swait.ge [sflag:s30], $0x2800  }
0x3b: {  	[sflag:s30] =	ssyncset.done $0x0  }
0x3c: {  	[sflag:s30] =	ssyncadd.s32 $0xFFFFD800  }
0x3d: {  	[spmem:s22] =	stream.linear.scatter [tilespmem:s29], [sflag:$0x5], $0x2800, $0x38;
	[tilespmem:$0x1B280] =	vst v63  }
0x3e: {  	_ =	swait.ge [sflag:s30], $0x2800  }
0x3f: {  	[sflag:s30] =	ssyncset.done $0x0  }
0x40: {  	[sflag:s30] =	ssyncadd.s32 $0xFFFFD800  }
0x41: {  	[spmem:s23] =	stream.linear.scatter [tilespmem:s29], [sflag:$0x5], $0x2800, $0x38;
	[tilespmem:$0x1B280] =	vst v63  }
0x42: {  	_ =	swait.ge [sflag:s30], $0x2800  }
0x43: {  	[sflag:s30] =	ssyncset.done $0x0  }
0x44: {  	[sflag:s30] =	ssyncadd.s32 $0xFFFFD800  }
0x45: {  	[spmem:s24] =	stream.linear.scatter [tilespmem:s29], [sflag:$0x5], $0x2800, $0x38;
	[tilespmem:$0x1B280] =	vst v63  }
0x46: {  	_ =	swait.ge [sflag:s30], $0x2800  }
0x47: {  	[sflag:s30] =	ssyncset.done $0x0  }
0x48: {  	[sflag:s30] =	ssyncadd.s32 $0xFFFFD800  }
0x49: {  	[spmem:s25] =	stream.linear.scatter [tilespmem:s29], [sflag:$0x5], $0x2800, $0x38;
	[tilespmem:$0x1B280] =	vst v63  }
0x4a: {  	_ =	swait.ge [sflag:s30], $0x2800  }
0x4b: {  	[sflag:s30] =	ssyncset.done $0x0  }
0x4c: {  	[sflag:s30] =	ssyncadd.s32 $0xFFFFD800  }
0x4d: {  	[spmem:s26] =	stream.linear.scatter [tilespmem:s29], [sflag:$0x5], $0x2800, $0x38;
	[tilespmem:$0x1B280] =	vst v63  }
0x4e: {  	_ =	swait.ge [sflag:s30], $0x2800  }
0x4f: {  	[sflag:s30] =	ssyncset.done $0x0  }
0x50: {  	s6 =	simm.s32 @!p0 $0x5200;
	[sflag:s30] =	ssyncadd.s32 $0xFFFFD800  }
0x51: {  	[spmem:s28] =	stream.linear.scatter @!p0 [tilespmem:s6], [sflag:$0x5], $0x2800, $0x38;
	[tilespmem:$0x1B280] =	vst v63  }
0x52: {  	s6 =	simm.s32 @!p0 $0x5  }
0x53: {  	_ =	swait.ge @!p0 [sflag:s6], $0x2800  }
0x54: {  	[sflag:s6] =	ssyncset.done @!p0 $0x0  }
0x55: {  	[sflag:s6] =	ssyncadd.s32 @!p0 $0xFFFFD800  }
0x56: {  	[bflag:$0x0] =	sbarrier.arrive $0xFFFF  }
0x57: {  	s14 =	simm.s32 $0x0;
	s7 =	rddreg [dreg:$0x4]  }
0x58: {  	[tilespmem:s14], [sflag:$0x1] =	stream.linear.gather [hbm4b:s7+s14], $0x50, $0x38;
	[tilespmem:$0x1B280] =	vst v63  }
0x59: {  	s15 =	rddreg [dreg:$0x5]  }
0x5a: {  	[tilespmem:s31], [sflag:$0x1] =	stream.linear.gather [hbm4b:s15+s14], $0x50, $0x38;
	[tilespmem:$0x1B280] =	vst v63  }
0x5b: {  	_ =	swait.ge [sflag:s12], $0x50  }
0x5c: {  	[sflag:s12] =	ssyncset.done $0x0  }
0x5d: {  	[sflag:s12] =	ssyncadd.s32 $0xFFFFFFB0  }
0x5e: {  	_ =	swait.ge [sflag:s12], $0x50  }
0x5f: {  	[sflag:s12] =	ssyncset.done $0x0  }
0x60: {  	s6 =	sand.u32 $0x1, s14;
	[sflag:s12] =	ssyncadd.s32 $0xFFFFFFB0  }
0x61: {  	[tilespmem:s4], [sflag:$0x3] =	stream.indirect.gather [hbm4b:s0+s1], $0x80, s14, s1, $0xb8;
	[tilespmem:$0x1B280] =	vst v63  }
0x62: {  	s8 =	simm.s32 $0x80;
	p1 =	seq.s32 s6, $0x1;
	s16 =	rddreg [dreg:$0x6]  }
0x63: {  	[tilespmem:s8], [sflag:$0x2] =	stream.linear.gather [hbm4b:s16+s14], $0x50, $0x38;
	[tilespmem:$0x1B280] =	vst v63  }
0x64: {  	s18 =	simm.s32 $0x180;
	s6 =	simm.s32 @p1 $0x4;
	s17 =	rddreg [dreg:$0x7]  }
0x65: {  	[tilespmem:s18], [sflag:$0x2] =	stream.linear.gather [hbm4b:s17+s14], $0x50, $0x38;
	[tilespmem:$0x1B280] =	vst v63  }
0x66: {  	_ =	swait.ge @p1 [sflag:s6], $0x2800  }
0x67: {  	[sflag:s6] =	ssyncset.done @p1 $0x0  }
0x68: {  	[sflag:s6] =	ssyncadd.s32 @p1 $0xFFFFD800;
	s6 =	simm.s32 @p1 $0x1  }
0x69: {  	_ =	swait.ge @p1 [sflag:s6], $0x50  }
0x6a: {  	[sflag:s6] =	ssyncset.done @p1 $0x0  }
0x6b: {  	[sflag:s6] =	ssyncadd.s32 @p1 $0xFFFFFFB0  }
0x6c: {  	_ =	swait.ge @p1 [sflag:s6], $0x50  }
0x6d: {  	s7 =	simm.s32 @p1 $0x200;
	[sflag:s6] =	ssyncset.done @p1 $0x0  }
0x6e: {  	s8 =	simm.s32 @p1 $0x0;
	[sflag:s6] =	ssyncadd.s32 @p1 $0xFFFFFFB0;
	s6 =	simm.s32 @p1 $0x50  }
0x6f: {  	[tilespmem:s7], [sflag:$0x3] =	stream.indirect.gather @p1 [hbm4b:s0+s6], $0x80, s8, s6, $0xb8;
	[tilespmem:$0x1B280] =	vst v63  }
0x70: {  	s10 =	simm.s32 @p1 $0x5;
	s7 =	simm.s32 @p1 $0x180;
	s8 =	simm.s32 @p1 $0x2A00  }
0x71: {  	[spmem:s2] =	stream.indirect.scatter.add.f32 @p1 [tilespmem:s8], [sflag:$0x5], $0x80, s7, s6, $0xb8;
	[tilespmem:$0x1B280] =	vst v63  }
0x72: {  	p2 =	por @p1 $0x0, $0x0;
	_ =	swait.ge @p1 [sflag:s10], $0x2800  }
0x73: {  	p2 =	por p2, !p1;
	[sflag:s10] =	ssyncset.done @p1 $0x0  }
0x74: {  	s6 =	simm.s32 @!p2 $0x0;
	s7 =	simm.s32 @!p2 $0x80;
	[sflag:s10] =	ssyncadd.s32 @p1 $0xFFFFD800  }
0x75: {  	[tilespmem:s7], [sflag:$0x2] =	stream.linear.gather @!p2 [hbm4b:s9+s6], $0x50, $0x38;
	[tilespmem:$0x1B280] =	vst v63  }
0x76: {  	s8 =	simm.s32 @!p1 $0x3;
	s7 =	simm.s32 @!p2 $0x180  }
0x77: {  	[tilespmem:s7], [sflag:$0x2] =	stream.linear.gather @!p2 [hbm4b:s13+s6], $0x50, $0x38;
	[tilespmem:$0x1B280] =	vst v63  }
0x78: {  	_ =	swait.ge @!p1 [sflag:s8], $0x2800  }
0x79: {  	[sflag:s8] =	ssyncset.done @!p1 $0x0  }
0x7a: {  	s6 =	simm.s32 @!p1 $0x2;
	[sflag:s8] =	ssyncadd.s32 @!p1 $0xFFFFD800  }
0x7b: {  	_ =	swait.ge @!p1 [sflag:s6], $0x50  }
0x7c: {  	[sflag:s6] =	ssyncset.done @!p1 $0x0  }
0x7d: {  	s11 =	simm.s32 $0x2;
	[sflag:s6] =	ssyncadd.s32 @!p1 $0xFFFFFFB0  }
0x7e: {  	s10 =	simm.s32 @!p1 $0x5;
	p2 =	por @!p1 $0x0, $0x0;
	_ =	swait.ge @!p1 [sflag:s6], $0x50  }
0x7f: {  	s7 =	simm.s32 @!p1 $0x2A00;
	p5 =	por p2, p1;
	[sflag:s6] =	ssyncset.done @!p1 $0x0  }
0x80: {  	s8 =	simm.s32 @!p1 $0x80;
	[sflag:s6] =	ssyncadd.s32 @!p1 $0xFFFFFFB0;
	s6 =	simm.s32 @!p1 $0x50  }
0x81: {  	[tilespmem:s7], [sflag:$0x4] =	stream.indirect.gather @!p1 [hbm4b:s0+s6], $0x80, s8, s6, $0xb8;
	[tilespmem:$0x1B280] =	vst v63  }
0x82: {  	s15 =	simm.s32 @!p5 $0x0;
	s7 =	simm.s32 @!p1 $0x100;
	s8 =	simm.s32 @!p1 $0x200  }
0x83: {  	[spmem:s2] =	stream.indirect.scatter.add.f32 @!p1 [tilespmem:s8], [sflag:$0x5], $0x80, s7, s6, $0xb8;
	[tilespmem:$0x1B280] =	vst v63  }
0x84: {  	s16 =	simm.s32 @!p5 $0x100;
	s7 =	simm.s32 $0x1;
	_ =	swait.ge @!p1 [sflag:s10], $0x2800  }
0x85: {  	s6 =	sadd.s32 $0xA, s9;
	s8 =	smov.u32 s13;
	[sflag:s10] =	ssyncset.done @!p1 $0x0  }
0x86: {  	s17 =	sand.u32 $0x1, s7;
	[sflag:s10] =	ssyncadd.s32 @!p1 $0xFFFFD800;
	s10 =	smov.u32 s13  }
0x87: {  	[tilespmem:s15], [sflag:$0x1] =	stream.linear.gather @!p5 [hbm4b:s9+s15], $0x50, $0x38;
	[tilespmem:$0x1B280] =	vst v63  }
.LBB2_4:
0x88: {  	p1 =	seq.s32 s17, $0x1;
	s8 =	sadd.s32 $0xA, s8  }
0x89: {  	s17 =	smov.u32 s11;
	s11 =	sadd.s32 $0x1, s11;
	s14 =	smov.u32 s6  }
0x8a: {  	s18 =	simm.s32 @p1 $0x4;
	p4 =	sgt.u32 @p1 s7, $0x7A;
	p3 =	sgt.u32 @!p1 s7, $0x7A  }
0x8b: {  	[tilespmem:s16], [sflag:$0x1] =	stream.linear.gather @!p5 [hbm4b:s10+s15], $0x50, $0x38;
	[tilespmem:$0x1B280] =	vst v63  }
0x8c: {  	p2 =	sne.s32 s11, $0x7C;
	s7 =	smov.u32 s17;
	_ =	swait.ge @p1 [sflag:s18], $0x2800  }
0x8d: {  	s10 =	smov.u32 s8;
	[sflag:s18] =	ssyncset.done @p1 $0x0  }
0x8e: {  	s15 =	simm.s32 @p1 $0x1;
	[sflag:s18] =	ssyncadd.s32 @p1 $0xFFFFD800  }
0x8f: {  	_ =	swait.ge @p1 [sflag:s15], $0x50  }
0x90: {  	[sflag:s15] =	ssyncset.done @p1 $0x0  }
0x91: {  	[sflag:s15] =	ssyncadd.s32 @p1 $0xFFFFFFB0  }
0x92: {  	_ =	swait.ge @p1 [sflag:s15], $0x50  }
0x93: {  	s16 =	simm.s32 @p1 $0x200;
	[sflag:s15] =	ssyncset.done @p1 $0x0  }
0x94: {  	s17 =	simm.s32 @p1 $0x0;
	[sflag:s15] =	ssyncadd.s32 @p1 $0xFFFFFFB0;
	s15 =	simm.s32 @p1 $0x50  }
0x95: {  	[tilespmem:s16], [sflag:$0x3] =	stream.indirect.gather @p1 [hbm4b:s0+s15], $0x80, s17, s15, $0xb8;
	[tilespmem:$0x1B280] =	vst v63  }
0x96: {  	s18 =	simm.s32 @p1 $0x5;
	s16 =	simm.s32 @p1 $0x180;
	s17 =	simm.s32 @p1 $0x2A00  }
0x97: {  	[spmem:s2] =	stream.indirect.scatter.add.f32 @p1 [tilespmem:s17], [sflag:$0x5], $0x80, s16, s15, $0xb8;
	[tilespmem:$0x1B280] =	vst v63  }
0x98: {  	_ =	swait.ge @p1 [sflag:s18], $0x2800  }
0x99: {  	p4 =	por p4, !p1;
	[sflag:s18] =	ssyncset.done @p1 $0x0  }
0x9a: {  	s15 =	simm.s32 @!p4 $0x0;
	s16 =	simm.s32 @!p4 $0x80;
	[sflag:s18] =	ssyncadd.s32 @p1 $0xFFFFD800  }
0x9b: {  	[tilespmem:s16], [sflag:$0x2] =	stream.linear.gather @!p4 [hbm4b:s6+s15], $0x50, $0x38;
	[tilespmem:$0x1B280] =	vst v63  }
0x9c: {  	s17 =	simm.s32 @!p1 $0x3;
	s16 =	simm.s32 @!p4 $0x180  }
0x9d: {  	[tilespmem:s16], [sflag:$0x2] =	stream.linear.gather @!p4 [hbm4b:s8+s15], $0x50, $0x38;
	[tilespmem:$0x1B280] =	vst v63  }
0x9e: {  	_ =	swait.ge @!p1 [sflag:s17], $0x2800  }
0x9f: {  	[sflag:s17] =	ssyncset.done @!p1 $0x0  }
0xa0: {  	s15 =	simm.s32 @!p1 $0x2;
	[sflag:s17] =	ssyncadd.s32 @!p1 $0xFFFFD800  }
0xa1: {  	_ =	swait.ge @!p1 [sflag:s15], $0x50  }
0xa2: {  	[sflag:s15] =	ssyncset.done @!p1 $0x0  }
0xa3: {  	[sflag:s15] =	ssyncadd.s32 @!p1 $0xFFFFFFB0  }
0xa4: {  	_ =	swait.ge @!p1 [sflag:s15], $0x50  }
0xa5: {  	s16 =	simm.s32 @!p1 $0x2A00;
	[sflag:s15] =	ssyncset.done @!p1 $0x0  }
0xa6: {  	s17 =	simm.s32 @!p1 $0x80;
	[sflag:s15] =	ssyncadd.s32 @!p1 $0xFFFFFFB0;
	s15 =	simm.s32 @!p1 $0x50  }
0xa7: {  	[tilespmem:s16], [sflag:$0x4] =	stream.indirect.gather @!p1 [hbm4b:s0+s15], $0x80, s17, s15, $0xb8;
	[tilespmem:$0x1B280] =	vst v63  }
0xa8: {  	s18 =	simm.s32 @!p1 $0x5;
	s16 =	simm.s32 @!p1 $0x100;
	s17 =	simm.s32 @!p1 $0x200  }
0xa9: {  	[spmem:s2] =	stream.indirect.scatter.add.f32 @!p1 [tilespmem:s17], [sflag:$0x5], $0x80, s16, s15, $0xb8;
	[tilespmem:$0x1B280] =	vst v63  }
.Ltmp1:
0xaa: {  	_ = 	snop;
	(pc) =	sbr.rel @p2 .LBB2_4-.Ltmp1, $4  }
0xab: {  	s6 =	sadd.s32 $0xA, s6;
	_ =	swait.ge @!p1 [sflag:s18], $0x2800  }
0xac: {  	p5 =	por p3, p1;
	s17 =	sand.u32 $0x1, s7;
	[sflag:s18] =	ssyncset.done @!p1 $0x0  }
0xad: {  	s15 =	simm.s32 @!p5 $0x0;
	s16 =	simm.s32 @!p5 $0x100;
	[sflag:s18] =	ssyncadd.s32 @!p1 $0xFFFFD800  }
0xae: {  	[tilespmem:s15], [sflag:$0x1] =	stream.linear.gather @!p5 [hbm4b:s14+s15], $0x50, $0x38;
	[tilespmem:$0x1B280] =	vst v63  }
0xaf: {  	p1 =	seq.s32 s17, $0x1  }
0xb0: {  	[tilespmem:s16], [sflag:$0x1] =	stream.linear.gather @!p5 [hbm4b:s10+s15], $0x50, $0x38;
	[tilespmem:$0x1B280] =	vst v63  }
0xb1: {  	s10 =	simm.s32 @p1 $0x4  }
0xb2: {  	_ =	swait.ge @p1 [sflag:s10], $0x2800  }
0xb3: {  	[sflag:s10] =	ssyncset.done @p1 $0x0  }
0xb4: {  	[sflag:s10] =	ssyncadd.s32 @p1 $0xFFFFD800;
	s10 =	simm.s32 @p1 $0x1  }
0xb5: {  	_ =	swait.ge @p1 [sflag:s10], $0x50  }
0xb6: {  	[sflag:s10] =	ssyncset.done @p1 $0x0  }
0xb7: {  	[sflag:s10] =	ssyncadd.s32 @p1 $0xFFFFFFB0  }
0xb8: {  	_ =	swait.ge @p1 [sflag:s10], $0x50  }
0xb9: {  	s11 =	simm.s32 @p1 $0x200;
	[sflag:s10] =	ssyncset.done @p1 $0x0  }
0xba: {  	s14 =	simm.s32 @p1 $0x0;
	[sflag:s10] =	ssyncadd.s32 @p1 $0xFFFFFFB0;
	s10 =	simm.s32 @p1 $0x50  }
0xbb: {  	[tilespmem:s11], [sflag:$0x3] =	stream.indirect.gather @p1 [hbm4b:s0+s10], $0x80, s14, s10, $0xb8;
	[tilespmem:$0x1B280] =	vst v63  }
0xbc: {  	s11 =	simm.s32 @p1 $0x180;
	s14 =	simm.s32 @p1 $0x2A00  }
0xbd: {  	[spmem:s2] =	stream.indirect.scatter.add.f32 @p1 [tilespmem:s14], [sflag:$0x5], $0x80, s11, s10, $0xb8;
	[tilespmem:$0x1B280] =	vst v63  }
0xbe: {  	s10 =	simm.s32 @p1 $0x5  }
0xbf: {  	p2 =	sgt.u32 @p1 s7, $0x7A;
	_ =	swait.ge @p1 [sflag:s10], $0x2800  }
0xc0: {  	p2 =	por p2, !p1;
	[sflag:s10] =	ssyncset.done @p1 $0x0  }
0xc1: {  	s11 =	simm.s32 @!p2 $0x80;
	[sflag:s10] =	ssyncadd.s32 @p1 $0xFFFFD800;
	s10 =	simm.s32 @!p2 $0x0  }
0xc2: {  	[tilespmem:s11], [sflag:$0x2] =	stream.linear.gather @!p2 [hbm4b:s6+s10], $0x50, $0x38;
	[tilespmem:$0x1B280] =	vst v63  }
0xc3: {  	s8 =	sadd.s32 $0xA, s8;
	s14 =	simm.s32 @!p1 $0x3;
	s11 =	simm.s32 @!p2 $0x180  }
0xc4: {  	[tilespmem:s11], [sflag:$0x2] =	stream.linear.gather @!p2 [hbm4b:s8+s10], $0x50, $0x38;
	[tilespmem:$0x1B280] =	vst v63  }
0xc5: {  	_ =	swait.ge @!p1 [sflag:s14], $0x2800  }
0xc6: {  	[sflag:s14] =	ssyncset.done @!p1 $0x0  }
0xc7: {  	s10 =	simm.s32 @!p1 $0x2;
	[sflag:s14] =	ssyncadd.s32 @!p1 $0xFFFFD800  }
0xc8: {  	_ =	swait.ge @!p1 [sflag:s10], $0x50  }
0xc9: {  	[sflag:s10] =	ssyncset.done @!p1 $0x0  }
0xca: {  	[sflag:s10] =	ssyncadd.s32 @!p1 $0xFFFFFFB0  }
0xcb: {  	_ =	swait.ge @!p1 [sflag:s10], $0x50  }
0xcc: {  	s11 =	simm.s32 @!p1 $0x2A00;
	[sflag:s10] =	ssyncset.done @!p1 $0x0  }
0xcd: {  	s14 =	simm.s32 @!p1 $0x80;
	[sflag:s10] =	ssyncadd.s32 @!p1 $0xFFFFFFB0;
	s10 =	simm.s32 @!p1 $0x50  }
0xce: {  	[tilespmem:s11], [sflag:$0x4] =	stream.indirect.gather @!p1 [hbm4b:s0+s10], $0x80, s14, s10, $0xb8;
	[tilespmem:$0x1B280] =	vst v63  }
0xcf: {  	s11 =	simm.s32 @!p1 $0x100;
	s14 =	simm.s32 @!p1 $0x200  }
0xd0: {  	[spmem:s2] =	stream.indirect.scatter.add.f32 @!p1 [tilespmem:s14], [sflag:$0x5], $0x80, s11, s10, $0xb8;
	[tilespmem:$0x1B280] =	vst v63  }
0xd1: {  	s10 =	simm.s32 @!p1 $0x5  }
0xd2: {  	p2 =	sgt.u32 @!p1 s7, $0x7A;
	_ =	swait.ge @!p1 [sflag:s10], $0x2800  }
0xd3: {  	p2 =	por p2, p1;
	[sflag:s10] =	ssyncset.done @!p1 $0x0  }
0xd4: {  	s7 =	simm.s32 @!p2 $0x0;
	[sflag:s10] =	ssyncadd.s32 @!p1 $0xFFFFD800  }
0xd5: {  	[tilespmem:s7], [sflag:$0x1] =	stream.linear.gather @!p2 [hbm4b:s6+s7], $0x50, $0x38;
	[tilespmem:$0x1B280] =	vst v63  }
0xd6: {  	s6 =	simm.s32 @!p2 $0x100  }
0xd7: {  	[tilespmem:s6], [sflag:$0x1] =	stream.linear.gather @!p2 [hbm4b:s8+s7], $0x50, $0x38;
	[tilespmem:$0x1B280] =	vst v63  }
0xd8: {  	_ =	swait.ge [sflag:s5], $0x2800  }
0xd9: {  	[sflag:s5] =	ssyncset.done $0x0  }
0xda: {  	[sflag:s5] =	ssyncadd.s32 $0xFFFFD800  }
0xdb: {  	[spmem:s2] =	stream.indirect.scatter.add.f32 [tilespmem:s4], [sflag:$0x5], $0x80, s31, s1, $0xb8;
	[tilespmem:$0x1B280] =	vst v63  }
0xdc: {  	_ =	swait.ge [sflag:s30], $0x2800  }
0xdd: {  	[sflag:s30] =	ssyncset.done $0x0  }
0xde: {  	s10 =	stileid.u32;
	[sflag:s30] =	ssyncadd.s32 $0xFFFFD800  }
0xdf: {  	s6 =	sshll.u32 s10, $0x6;
	[bflag:$0x0] =	sbarrier.arrive $0xFFFF  }
0xe0: {  	s11 =	sshrl.u32 s20, $0x3;
	s6 =	sor.u32 $0x1C05, s6;
	s14 =	rddreg [dreg:$0x8]  }
0xe1: {  	[hbm:s14], [sflag:s6] =	dma.local [spmem:s11], $0x500  }
0xe2: {  	_ =	swait.ge [sflag:s30], $0x500  }
0xe3: {  	[sflag:s30] =	ssyncset.done $0x0  }
0xe4: {  	s15 =	sshrl.u32 s21, $0x3;
	s16 =	rddreg [dreg:$0x9];
	[sflag:s30] =	ssyncadd.s32 $0xFFFFFB00  }
0xe5: {  	[hbm:s16], [sflag:s6] =	dma.local [spmem:s15], $0x500  }
0xe6: {  	_ =	swait.ge [sflag:s30], $0x500  }
0xe7: {  	[sflag:s30] =	ssyncset.done $0x0  }
0xe8: {  	s17 =	sshrl.u32 s22, $0x3;
	s18 =	rddreg [dreg:$0xa];
	[sflag:s30] =	ssyncadd.s32 $0xFFFFFB00  }
0xe9: {  	[hbm:s18], [sflag:s6] =	dma.local [spmem:s17], $0x500  }
0xea: {  	_ =	swait.ge [sflag:s30], $0x500  }
0xeb: {  	[sflag:s30] =	ssyncset.done $0x0  }
0xec: {  	s8 =	sshrl.u32 s23, $0x3;
	s10 =	rddreg [dreg:$0xb];
	[sflag:s30] =	ssyncadd.s32 $0xFFFFFB00  }
0xed: {  	[hbm:s10], [sflag:s6] =	dma.local [spmem:s8], $0x500  }
0xee: {  	_ =	swait.ge [sflag:s30], $0x500  }
0xef: {  	[sflag:s30] =	ssyncset.done $0x0  }
0xf0: {  	s11 =	sshrl.u32 s24, $0x3;
	s14 =	rddreg [dreg:$0xc];
	[sflag:s30] =	ssyncadd.s32 $0xFFFFFB00  }
0xf1: {  	[hbm:s14], [sflag:s6] =	dma.local [spmem:s11], $0x500  }
0xf2: {  	_ =	swait.ge [sflag:s30], $0x500  }
0xf3: {  	[sflag:s30] =	ssyncset.done $0x0  }
0xf4: {  	s15 =	sshrl.u32 s25, $0x3;
	s16 =	rddreg [dreg:$0xd];
	[sflag:s30] =	ssyncadd.s32 $0xFFFFFB00  }
0xf5: {  	[hbm:s16], [sflag:s6] =	dma.local [spmem:s15], $0x500  }
0xf6: {  	_ =	swait.ge [sflag:s30], $0x500  }
0xf7: {  	[sflag:s30] =	ssyncset.done $0x0  }
0xf8: {  	s17 =	sshrl.u32 s26, $0x3;
	s18 =	rddreg [dreg:$0xe];
	[sflag:s30] =	ssyncadd.s32 $0xFFFFFB00  }
0xf9: {  	[hbm:s18], [sflag:s6] =	dma.local [spmem:s17], $0x500  }
0xfa: {  	s3 =	sadd.s32 $0x1, s3;
	_ =	swait.ge [sflag:s30], $0x500  }
0xfb: {  	p1 =	sne.s32 s3, s19;
	[sflag:s30] =	ssyncset.done $0x0  }
0xfc: {  	s7 =	sshrl.u32 @!p0 s28, $0x3;
	s8 =	rddreg [dreg:$0xf];
	[sflag:s30] =	ssyncadd.s32 $0xFFFFFB00  }
0xfd: {  	[hbm:s8], [sflag:s6] =	dma.local @!p0 [spmem:s7], $0x500  }
.Ltmp2:
0xfe: {  	_ = 	snop;
	(pc) =	sbr.rel @p1 .LBB2_1-.Ltmp2, $4  }
0xff: {  	s6 =	simm.s32 @!p0 $0x5  }
0x100: {  	_ =	swait.ge @!p0 [sflag:s6], $0x500  }
0x101: {  	[sflag:s6] =	ssyncset.done @!p0 $0x0  }
0x102: {  	[sflag:s6] =	ssyncadd.s32 @!p0 $0xFFFFFB00  }
0x103: {  	_ =	sfence.sel $0x180000  }
0x104: {  	[bflag:$0x0] =	sbarrier.arrive $0xFFFF  }
0x105: {  	_ =	strace $0x90000047  }
0x106: {  	s0 =	stileid.u32;
	[bflag:$0x2] =	sbarrier.arrive $0xFFFF  }
0x107: {  	p0 =	sne.s32 s0, $0x0;
	s0 =	rddreg [dreg:$0x3]  }
0x108: {  	s0 =	sadd.s32 @!p0 $0x100000, s0  }
0x109: {  	[sflag:s0] =	ssyncadd.tile.s32 @!p0 $0x1;
	_ =	shalt  }
.Lfunc_end2:
_tile_overlayer_lowered:
.L_overlay_start_2:
0x10a: {  	(tag) =	ssettag $0x2  }
0x10b: {  	s0 =	rddreg [dreg:$0x0];
	s2 =	stileid.u32  }
0x10c: {  	s1 =	rddreg [dreg:$0x1];
	p0 =	sne.s32 s2, $0x0  }
0x10d: {  	s3 =	rddreg [dreg:$0x2];
	[bflag:$0x3] =	sbarrier.arrive $0xFFFF;
	s2 =	simm.s32 @!p0 $0x1C05  }
0x10e: {  	[timem:s3], [sflag:s2] =	dma.local @!p0 [hbm:s0], s1  }
0x10f: {  	s0 =	simm.s32 @!p0 $0x5  }
0x110: {  	_ =	swait.ge @!p0 [sflag:s0], s1  }
0x111: {  	s1 =	ssub.s32 @!p0 $0x0, s1;
	[sflag:s0] =	ssyncset.done @!p0 $0x0  }
0x112: {  	[sflag:s0] =	ssyncadd.s32 @!p0 s1  }
0x113: {  	[bflag:$0x3] =	sbarrier.arrive $0xFFFF  }
0x114: {  	_ =	shalt  }

</sc_bundles>
